<compile_context>
chip_gen: v7x
topology: tpu7x:2x2x1
jax: 0.10.2.dev20260603
libtpu: 0.0.44.dev20260713+nightly
codegen_flags: <defaults>
</compile_context>

<pallas_src>
import jax
import jax.numpy as jnp
from jax import lax
from jax.experimental import pallas as pl
from jax.experimental.pallas import tpu as pltpu
from jax.experimental.pallas import tpu_sc as plsc

_BATCH = 4096
_N_FIELDS = 26
_NF_PAD = 32
_PER_FIELD_VOCAB = 50
_EMBED_DIM = 64
_PAD_DIM = 128

_NC = 2
_NS = 16
_NW = _NC * _NS

_COLS_W = _BATCH // _NW
_LANES = 16


def _body(cat_hbm, table_hbm, out_hbm, cat_t, idx_t, bg, bt, gsems, wsems):
    wid = lax.axis_index("s") * _NC + lax.axis_index("c")
    col0 = wid * _COLS_W

    pltpu.sync_copy(cat_hbm.at[:, pl.ds(col0, _COLS_W)], cat_t)

    for f in range(_N_FIELDS):
        for kb in range(_COLS_W // _LANES):
            s = kb * _LANES
            idx_t[f, pl.ds(s, _LANES)] = cat_t[f, pl.ds(s, _LANES)] + (
                f * _PER_FIELD_VOCAB
            )

    def gather(f, q):
        pltpu.async_copy(table_hbm.at[idx_t.at[f]], bg[q], gsems[q])

    def gather_wait(f, q):
        pltpu.make_async_copy(table_hbm.at[idx_t.at[f]], bg[q], gsems[q]).wait()

    def write(f, q):
        pltpu.async_copy(bt[q], out_hbm.at[f, :, pl.ds(col0, _COLS_W)], wsems[q])

    def write_wait(f, q):
        pltpu.make_async_copy(
            bt[q], out_hbm.at[f, :, pl.ds(col0, _COLS_W)], wsems[q]
        ).wait()

    gather(0, 0)
    gather(1, 1)

    base = [
        (lax.broadcasted_iota(jnp.int32, (_LANES,), 0) + kb * _LANES)
        for kb in range(_COLS_W // _LANES)
    ]

    @pl.loop(0, _N_FIELDS // 2)
    def _f_loop(j):
        for q in range(2):
            f = 2 * j + q
            gather_wait(f, q)
            @pl.when(f >= 2)
            def _():
                write_wait(f - 2, q)

            @plsc.parallel_loop(0, _LANES, unroll=4)
            def _d_loop(d):
                rot = lax.rem(
                    lax.broadcasted_iota(jnp.int32, (_LANES,), 0) + d, _LANES
                )
                for ke in range(_EMBED_DIM // _LANES):
                    ev = rot + ke * _LANES
                    for kb in range(_COLS_W // _LANES):
                        v = plsc.load_gather(bg[q], [base[kb], ev])
                        plsc.store_scatter(bt[q], [ev, base[kb]], v)

            write(f, q)

            @pl.when(f + 2 < _N_FIELDS)
            def _():
                gather(f + 2, q)

    write_wait(_N_FIELDS - 2, 0)
    write_wait(_N_FIELDS - 1, 1)


@jax.jit
def _lookup(cat_t_pad, table_pad):
    mesh = plsc.VectorSubcoreMesh(
        core_axis_name="c", subcore_axis_name="s", num_cores=_NC, num_subcores=_NS
    )
    k = pl.kernel(
        _body,
        out_type=jax.ShapeDtypeStruct((_N_FIELDS, _EMBED_DIM, _BATCH), jnp.float32),
        mesh=mesh,
        scratch_types=[
            pltpu.VMEM((_NF_PAD, _COLS_W), jnp.int32),
            pltpu.VMEM((_N_FIELDS, _COLS_W), jnp.int32),
            [pltpu.VMEM((_COLS_W, _PAD_DIM), jnp.float32) for _ in range(2)],
            [pltpu.VMEM((_EMBED_DIM, _COLS_W), jnp.float32) for _ in range(2)],
            [pltpu.SemaphoreType.DMA for _ in range(2)],
            [pltpu.SemaphoreType.DMA for _ in range(2)],
        ],
        compiler_params=pltpu.CompilerParams(needs_layout_passes=False),
    )
    return k(cat_t_pad, table_pad)


def kernel(cat, table):
    cat_t_pad = jnp.pad(cat.T, ((0, _NF_PAD - _N_FIELDS), (0, 0)))
    table_pad = jnp.pad(table, ((0, 0), (0, _PAD_DIM - _EMBED_DIM)))
    out_t = _lookup(cat_t_pad, table_pad)
    return jnp.transpose(out_t, (2, 0, 1))

# --- scband reference (transcript-rebuilt; emitter-appended) ---
"""Pipeline reference for scband-basic-embedding-48808008352025 (READ-ONLY COPY).

The authoritative reference and input builder live on the scoring server;
editing this copy changes nothing except your own understanding.
"""

import jax, jax.numpy as jnp
import numpy as np

BATCH = 4096
N_FIELDS = 26
PER_FIELD_VOCAB = 50
NUM_VALUES = N_FIELDS * PER_FIELD_VOCAB
EMBED_DIM = 64


def setup_inputs(seed: int = 0) -> dict:
    key = jax.random.key(seed)
    k1, k2 = jax.random.split(key)
    cat = jax.random.randint(k1, (BATCH, N_FIELDS), 0, PER_FIELD_VOCAB, dtype=jnp.int32)
    # xavier_uniform init for nn.Embedding(num_values, embedding_size)
    a = float(np.sqrt(6.0 / (NUM_VALUES + EMBED_DIM)))
    table = jax.random.uniform(k2, (NUM_VALUES, EMBED_DIM), minval=-a, maxval=a, dtype=jnp.float32)
    return {"cat": cat, "table": table}


def reference(cat, table):
    # BasicEmbedding builds lookup[(col, val)] sequentially over fields; with each
    # field's uniques being range(PER_FIELD_VOCAB) in order, the global row index is
    # col * PER_FIELD_VOCAB + val.
    offsets = (jnp.arange(N_FIELDS, dtype=cat.dtype) * PER_FIELD_VOCAB)[None, :]
    idxs = cat + offsets  # [BATCH, N_FIELDS]
    out = jnp.take(table, idxs, axis=0)  # [BATCH, N_FIELDS, EMBED_DIM]
    return out

if __name__ == "__main__":
    import jax
    _d = setup_inputs()
    print(jax.jit(kernel)(*tuple(_d.values())))

</pallas_src>

<mosaic_0001>
#map = affine_map<(d0, d1) -> (0, 0)>
#map1 = affine_map<(d0, d1) -> (0, 0, 0)>
module attributes {stable_mosaic.version = 14 : i64} {
  func.func @_body(%arg0: i32, %arg1: i32, %arg2: memref<32x4096xi32, #tpu.memory_space<hbm>>, %arg3: memref<1300x128xf32, #tpu.memory_space<hbm>>, %arg4: memref<26x64x4096xf32, #tpu.memory_space<hbm>>, %arg5: memref<32x128xi32, #tpu.memory_space<vmem>>, %arg6: memref<26x128xi32, #tpu.memory_space<vmem>>, %arg7: memref<128x128xf32, #tpu.memory_space<vmem>>, %arg8: memref<128x128xf32, #tpu.memory_space<vmem>>, %arg9: memref<64x128xf32, #tpu.memory_space<vmem>>, %arg10: memref<64x128xf32, #tpu.memory_space<vmem>>, %arg11: memref<!tpu.dma_semaphore, #tpu.memory_space<semaphore_mem>>, %arg12: memref<!tpu.dma_semaphore, #tpu.memory_space<semaphore_mem>>, %arg13: memref<!tpu.dma_semaphore, #tpu.memory_space<semaphore_mem>>, %arg14: memref<!tpu.dma_semaphore, #tpu.memory_space<semaphore_mem>>) attributes {dimension_semantics = [#tpu.dimension_semantics<core_parallel>, #tpu.dimension_semantics<subcore_parallel>], iteration_bounds = array<i64: 2, 16>, scalar_prefetch = 0 : i64, scratch_operands = 10 : i64, tpu.core_type = #tpu.core_type<sc_vector_subcore>, window_params = [{transform_indices = #map}, {transform_indices = #map}, {transform_indices = #map1}]} {
    %mul3A = arith.constant 2 : i32
    %mul3A_0 = arith.muli %arg1, %mul3A : i32
    %add3A = arith.addi %mul3A_0, %arg0 : i32
    %mul3A_1 = arith.constant 128 : i32
    %mul3A_2 = arith.muli %add3A, %mul3A_1 : i32
    "tpu.region"() ({
      %run_scoped3A = tpu.sem_alloc : memref<!tpu.dma_semaphore, #tpu.memory_space<semaphore_mem>>
      %dma_start3A_2350 = arith.constant 0 : i32
      %dma_start3A_2351 = tpu.memref_slice %arg2[%dma_start3A_2350, %mul3A_2] : memref<32x4096xi32, #tpu.memory_space<hbm>> -> memref<32x128xi32, #tpu.memory_space<hbm>>
      %dma_start3A_2352 = arith.constant 0 : i32
      %dma_start3A_2353 = tpu.memref_slice %arg2[%dma_start3A_2352, %mul3A_2] : memref<32x4096xi32, #tpu.memory_space<hbm>> -> memref<32x128xi32, #tpu.memory_space<hbm>>
      tpu.enqueue_dma source(%dma_start3A_2353 : memref<32x128xi32, #tpu.memory_space<hbm>>) target(%arg5 : memref<32x128xi32, #tpu.memory_space<vmem>>) target_semaphore(%run_scoped3A : memref<!tpu.dma_semaphore, #tpu.memory_space<semaphore_mem>>)
      %dma_wait3A_2354 = arith.constant 0 : i32
      %dma_wait3A_2355 = tpu.memref_slice %arg2[%dma_wait3A_2354, %mul3A_2] : memref<32x4096xi32, #tpu.memory_space<hbm>> -> memref<32x128xi32, #tpu.memory_space<hbm>>
      %dma_wait3A_2356 = arith.constant 0 : i32
      %dma_wait3A_2357 = tpu.memref_slice %arg2[%dma_wait3A_2356, %mul3A_2] : memref<32x4096xi32, #tpu.memory_space<hbm>> -> memref<32x128xi32, #tpu.memory_space<hbm>>
      tpu.wait_dma2 semaphore(%run_scoped3A : memref<!tpu.dma_semaphore, #tpu.memory_space<semaphore_mem>>) src(%dma_wait3A_2357 : memref<32x128xi32, #tpu.memory_space<hbm>>) dst(%arg5 : memref<32x128xi32, #tpu.memory_space<vmem>>)
      tpu.yield
    }) : () -> ()
    %get3A = arith.constant 0 : i32
    %get3A_3 = arith.index_cast %get3A : i32 to index
    %get3A_4 = arith.constant 0 : index
    %get3A_5 = tpu.vector_load %arg5[%get3A_3, %get3A_4] {strides = array<i32>} : memref<32x128xi32, #tpu.memory_space<vmem>>, vector<16xi32>,
    %add3A_6 = arith.constant 0 : i32
    %add3A_7 = vector.broadcast %add3A_6 : i32 to vector<16xi32>
    %add3A_8 = arith.addi %get3A_5, %add3A_7 : vector<16xi32>
    %swap3A = arith.constant 0 : i32
    %swap3A_9 = arith.index_cast %swap3A : i32 to index
    %swap3A_10 = arith.constant 0 : index
    %swap3A_11 = tpu.vector_load %arg6[%swap3A_9, %swap3A_10] {strides = array<i32>} : memref<26x128xi32, #tpu.memory_space<vmem>>, vector<16xi32>,
    tpu.vector_store %arg6[%swap3A_9, %swap3A_10], %add3A_8 {strides = array<i32>} : memref<26x128xi32, #tpu.memory_space<vmem>>, vector<16xi32>,
    %get3A_12 = arith.constant 0 : i32
    %get3A_13 = arith.index_cast %get3A_12 : i32 to index
    %get3A_14 = arith.constant 16 : index
    %get3A_15 = tpu.vector_load %arg5[%get3A_13, %get3A_14] {strides = array<i32>} : memref<32x128xi32, #tpu.memory_space<vmem>>, vector<16xi32>,
    %add3A_16 = arith.constant 0 : i32
    %add3A_17 = vector.broadcast %add3A_16 : i32 to vector<16xi32>
    %add3A_18 = arith.addi %get3A_15, %add3A_17 : vector<16xi32>
    %swap3A_19 = arith.constant 0 : i32
    %swap3A_20 = arith.index_cast %swap3A_19 : i32 to index
    %swap3A_21 = arith.constant 16 : index
    %swap3A_22 = tpu.vector_load %arg6[%swap3A_20, %swap3A_21] {strides = array<i32>} : memref<26x128xi32, #tpu.memory_space<vmem>>, vector<16xi32>,
    tpu.vector_store %arg6[%swap3A_20, %swap3A_21], %add3A_18 {strides = array<i32>} : memref<26x128xi32, #tpu.memory_space<vmem>>, vector<16xi32>,
    %get3A_23 = arith.constant 0 : i32
    %get3A_24 = arith.index_cast %get3A_23 : i32 to index
    %get3A_25 = arith.constant 32 : index
    %get3A_26 = tpu.vector_load %arg5[%get3A_24, %get3A_25] {strides = array<i32>} : memref<32x128xi32, #tpu.memory_space<vmem>>, vector<16xi32>,
    %add3A_27 = arith.constant 0 : i32
    %add3A_28 = vector.broadcast %add3A_27 : i32 to vector<16xi32>
    %add3A_29 = arith.addi %get3A_26, %add3A_28 : vector<16xi32>
    %swap3A_30 = arith.constant 0 : i32
    %swap3A_31 = arith.index_cast %swap3A_30 : i32 to index
    %swap3A_32 = arith.constant 32 : index
    %swap3A_33 = tpu.vector_load %arg6[%swap3A_31, %swap3A_32] {strides = array<i32>} : memref<26x128xi32, #tpu.memory_space<vmem>>, vector<16xi32>,
    tpu.vector_store %arg6[%swap3A_31, %swap3A_32], %add3A_29 {strides = array<i32>} : memref<26x128xi32, #tpu.memory_space<vmem>>, vector<16xi32>,
    %get3A_34 = arith.constant 0 : i32
    %get3A_35 = arith.index_cast %get3A_34 : i32 to index
    %get3A_36 = arith.constant 48 : index
    %get3A_37 = tpu.vector_load %arg5[%get3A_35, %get3A_36] {strides = array<i32>} : memref<32x128xi32, #tpu.memory_space<vmem>>, vector<16xi32>,
    %add3A_38 = arith.constant 0 : i32
    %add3A_39 = vector.broadcast %add3A_38 : i32 to vector<16xi32>
    %add3A_40 = arith.addi %get3A_37, %add3A_39 : vector<16xi32>
    %swap3A_41 = arith.constant 0 : i32
    %swap3A_42 = arith.index_cast %swap3A_41 : i32 to index
    %swap3A_43 = arith.constant 48 : index
    %swap3A_44 = tpu.vector_load %arg6[%swap3A_42, %swap3A_43] {strides = array<i32>} : memref<26x128xi32, #tpu.memory_space<vmem>>, vector<16xi32>,
    tpu.vector_store %arg6[%swap3A_42, %swap3A_43], %add3A_40 {strides = array<i32>} : memref<26x128xi32, #tpu.memory_space<vmem>>, vector<16xi32>,
    %get3A_45 = arith.constant 0 : i32
    %get3A_46 = arith.index_cast %get3A_45 : i32 to index
    %get3A_47 = arith.constant 64 : index
    %get3A_48 = tpu.vector_load %arg5[%get3A_46, %get3A_47] {strides = array<i32>} : memref<32x128xi32, #tpu.memory_space<vmem>>, vector<16xi32>,
    %add3A_49 = arith.constant 0 : i32
    %add3A_50 = vector.broadcast %add3A_49 : i32 to vector<16xi32>
    %add3A_51 = arith.addi %get3A_48, %add3A_50 : vector<16xi32>
    %swap3A_52 = arith.constant 0 : i32
    %swap3A_53 = arith.index_cast %swap3A_52 : i32 to index
    %swap3A_54 = arith.constant 64 : index
    %swap3A_55 = tpu.vector_load %arg6[%swap3A_53, %swap3A_54] {strides = array<i32>} : memref<26x128xi32, #tpu.memory_space<vmem>>, vector<16xi32>,
    tpu.vector_store %arg6[%swap3A_53, %swap3A_54], %add3A_51 {strides = array<i32>} : memref<26x128xi32, #tpu.memory_space<vmem>>, vector<16xi32>,
    %get3A_56 = arith.constant 0 : i32
    %get3A_57 = arith.index_cast %get3A_56 : i32 to index
    %get3A_58 = arith.constant 80 : index
    %get3A_59 = tpu.vector_load %arg5[%get3A_57, %get3A_58] {strides = array<i32>} : memref<32x128xi32, #tpu.memory_space<vmem>>, vector<16xi32>,
    %add3A_60 = arith.constant 0 : i32
    %add3A_61 = vector.broadcast %add3A_60 : i32 to vector<16xi32>
    %add3A_62 = arith.addi %get3A_59, %add3A_61 : vector<16xi32>
    %swap3A_63 = arith.constant 0 : i32
    %swap3A_64 = arith.index_cast %swap3A_63 : i32 to index
    %swap3A_65 = arith.constant 80 : index
    %swap3A_66 = tpu.vector_load %arg6[%swap3A_64, %swap3A_65] {strides = array<i32>} : memref<26x128xi32, #tpu.memory_space<vmem>>, vector<16xi32>,
    tpu.vector_store %arg6[%swap3A_64, %swap3A_65], %add3A_62 {strides = array<i32>} : memref<26x128xi32, #tpu.memory_space<vmem>>, vector<16xi32>,
    %get3A_67 = arith.constant 0 : i32
    %get3A_68 = arith.index_cast %get3A_67 : i32 to index
    %get3A_69 = arith.constant 96 : index
    %get3A_70 = tpu.vector_load %arg5[%get3A_68, %get3A_69] {strides = array<i32>} : memref<32x128xi32, #tpu.memory_space<vmem>>, vector<16xi32>,
    %add3A_71 = arith.constant 0 : i32
    %add3A_72 = vector.broadcast %add3A_71 : i32 to vector<16xi32>
    %add3A_73 = arith.addi %get3A_70, %add3A_72 : vector<16xi32>
    %swap3A_74 = arith.constant 0 : i32
    %swap3A_75 = arith.index_cast %swap3A_74 : i32 to index
    %swap3A_76 = arith.constant 96 : index
    %swap3A_77 = tpu.vector_load %arg6[%swap3A_75, %swap3A_76] {strides = array<i32>} : memref<26x128xi32, #tpu.memory_space<vmem>>, vector<16xi32>,
    tpu.vector_store %arg6[%swap3A_75, %swap3A_76], %add3A_73 {strides = array<i32>} : memref<26x128xi32, #tpu.memory_space<vmem>>, vector<16xi32>,
    %get3A_78 = arith.constant 0 : i32
    %get3A_79 = arith.index_cast %get3A_78 : i32 to index
    %get3A_80 = arith.constant 112 : index
    %get3A_81 = tpu.vector_load %arg5[%get3A_79, %get3A_80] {strides = array<i32>} : memref<32x128xi32, #tpu.memory_space<vmem>>, vector<16xi32>,
    %add3A_82 = arith.constant 0 : i32
    %add3A_83 = vector.broadcast %add3A_82 : i32 to vector<16xi32>
    %add3A_84 = arith.addi %get3A_81, %add3A_83 : vector<16xi32>
    %swap3A_85 = arith.constant 0 : i32
    %swap3A_86 = arith.index_cast %swap3A_85 : i32 to index
    %swap3A_87 = arith.constant 112 : index
    %swap3A_88 = tpu.vector_load %arg6[%swap3A_86, %swap3A_87] {strides = array<i32>} : memref<26x128xi32, #tpu.memory_space<vmem>>, vector<16xi32>,
    tpu.vector_store %arg6[%swap3A_86, %swap3A_87], %add3A_84 {strides = array<i32>} : memref<26x128xi32, #tpu.memory_space<vmem>>, vector<16xi32>,
    %get3A_89 = arith.constant 1 : i32
    %get3A_90 = arith.index_cast %get3A_89 : i32 to index
    %get3A_91 = arith.constant 0 : index
    %get3A_92 = tpu.vector_load %arg5[%get3A_90, %get3A_91] {strides = array<i32>} : memref<32x128xi32, #tpu.memory_space<vmem>>, vector<16xi32>,
    %add3A_93 = arith.constant 50 : i32
    %add3A_94 = vector.broadcast %add3A_93 : i32 to vector<16xi32>
    %add3A_95 = arith.addi %get3A_92, %add3A_94 : vector<16xi32>
    %swap3A_96 = arith.constant 1 : i32
    %swap3A_97 = arith.index_cast %swap3A_96 : i32 to index
    %swap3A_98 = arith.constant 0 : index
    %swap3A_99 = tpu.vector_load %arg6[%swap3A_97, %swap3A_98] {strides = array<i32>} : memref<26x128xi32, #tpu.memory_space<vmem>>, vector<16xi32>,
    tpu.vector_store %arg6[%swap3A_97, %swap3A_98], %add3A_95 {strides = array<i32>} : memref<26x128xi32, #tpu.memory_space<vmem>>, vector<16xi32>,
    %get3A_100 = arith.constant 1 : i32
    %get3A_101 = arith.index_cast %get3A_100 : i32 to index
    %get3A_102 = arith.constant 16 : index
    %get3A_103 = tpu.vector_load %arg5[%get3A_101, %get3A_102] {strides = array<i32>} : memref<32x128xi32, #tpu.memory_space<vmem>>, vector<16xi32>,
    %add3A_104 = arith.constant 50 : i32
    %add3A_105 = vector.broadcast %add3A_104 : i32 to vector<16xi32>
    %add3A_106 = arith.addi %get3A_103, %add3A_105 : vector<16xi32>
    %swap3A_107 = arith.constant 1 : i32
    %swap3A_108 = arith.index_cast %swap3A_107 : i32 to index
    %swap3A_109 = arith.constant 16 : index
    %swap3A_110 = tpu.vector_load %arg6[%swap3A_108, %swap3A_109] {strides = array<i32>} : memref<26x128xi32, #tpu.memory_space<vmem>>, vector<16xi32>,
    tpu.vector_store %arg6[%swap3A_108, %swap3A_109], %add3A_106 {strides = array<i32>} : memref<26x128xi32, #tpu.memory_space<vmem>>, vector<16xi32>,
    %get3A_111 = arith.constant 1 : i32
    %get3A_112 = arith.index_cast %get3A_111 : i32 to index
    %get3A_113 = arith.constant 32 : index
    %get3A_114 = tpu.vector_load %arg5[%get3A_112, %get3A_113] {strides = array<i32>} : memref<32x128xi32, #tpu.memory_space<vmem>>, vector<16xi32>,
    %add3A_115 = arith.constant 50 : i32
    %add3A_116 = vector.broadcast %add3A_115 : i32 to vector<16xi32>
    %add3A_117 = arith.addi %get3A_114, %add3A_116 : vector<16xi32>
    %swap3A_118 = arith.constant 1 : i32
    %swap3A_119 = arith.index_cast %swap3A_118 : i32 to index
    %swap3A_120 = arith.constant 32 : index
    %swap3A_121 = tpu.vector_load %arg6[%swap3A_119, %swap3A_120] {strides = array<i32>} : memref<26x128xi32, #tpu.memory_space<vmem>>, vector<16xi32>,
    tpu.vector_store %arg6[%swap3A_119, %swap3A_120], %add3A_117 {strides = array<i32>} : memref<26x128xi32, #tpu.memory_space<vmem>>, vector<16xi32>,
    %get3A_122 = arith.constant 1 : i32
    %get3A_123 = arith.index_cast %get3A_122 : i32 to index
    %get3A_124 = arith.constant 48 : index
    %get3A_125 = tpu.vector_load %arg5[%get3A_123, %get3A_124] {strides = array<i32>} : memref<32x128xi32, #tpu.memory_space<vmem>>, vector<16xi32>,
    %add3A_126 = arith.constant 50 : i32
    %add3A_127 = vector.broadcast %add3A_126 : i32 to vector<16xi32>
    %add3A_128 = arith.addi %get3A_125, %add3A_127 : vector<16xi32>
    %swap3A_129 = arith.constant 1 : i32
    %swap3A_130 = arith.index_cast %swap3A_129 : i32 to index
    %swap3A_131 = arith.constant 48 : index
    %swap3A_132 = tpu.vector_load %arg6[%swap3A_130, %swap3A_131] {strides = array<i32>} : memref<26x128xi32, #tpu.memory_space<vmem>>, vector<16xi32>,
    tpu.vector_store %arg6[%swap3A_130, %swap3A_131], %add3A_128 {strides = array<i32>} : memref<26x128xi32, #tpu.memory_space<vmem>>, vector<16xi32>,
    %get3A_133 = arith.constant 1 : i32
    %get3A_134 = arith.index_cast %get3A_133 : i32 to index
    %get3A_135 = arith.constant 64 : index
    %get3A_136 = tpu.vector_load %arg5[%get3A_134, %get3A_135] {strides = array<i32>} : memref<32x128xi32, #tpu.memory_space<vmem>>, vector<16xi32>,
    %add3A_137 = arith.constant 50 : i32
    %add3A_138 = vector.broadcast %add3A_137 : i32 to vector<16xi32>
    %add3A_139 = arith.addi %get3A_136, %add3A_138 : vector<16xi32>
    %swap3A_140 = arith.constant 1 : i32
    %swap3A_141 = arith.index_cast %swap3A_140 : i32 to index
    %swap3A_142 = arith.constant 64 : index
    %swap3A_143 = tpu.vector_load %arg6[%swap3A_141, %swap3A_142] {strides = array<i32>} : memref<26x128xi32, #tpu.memory_space<vmem>>, vector<16xi32>,
    tpu.vector_store %arg6[%swap3A_141, %swap3A_142], %add3A_139 {strides = array<i32>} : memref<26x128xi32, #tpu.memory_space<vmem>>, vector<16xi32>,
    %get3A_144 = arith.constant 1 : i32
    %get3A_145 = arith.index_cast %get3A_144 : i32 to index
    %get3A_146 = arith.constant 80 : index
    %get3A_147 = tpu.vector_load %arg5[%get3A_145, %get3A_146] {strides = array<i32>} : memref<32x128xi32, #tpu.memory_space<vmem>>, vector<16xi32>,
    %add3A_148 = arith.constant 50 : i32
    %add3A_149 = vector.broadcast %add3A_148 : i32 to vector<16xi32>
    %add3A_150 = arith.addi %get3A_147, %add3A_149 : vector<16xi32>
    %swap3A_151 = arith.constant 1 : i32
    %swap3A_152 = arith.index_cast %swap3A_151 : i32 to index
    %swap3A_153 = arith.constant 80 : index
    %swap3A_154 = tpu.vector_load %arg6[%swap3A_152, %swap3A_153] {strides = array<i32>} : memref<26x128xi32, #tpu.memory_space<vmem>>, vector<16xi32>,
    tpu.vector_store %arg6[%swap3A_152, %swap3A_153], %add3A_150 {strides = array<i32>} : memref<26x128xi32, #tpu.memory_space<vmem>>, vector<16xi32>,
    %get3A_155 = arith.constant 1 : i32
    %get3A_156 = arith.index_cast %get3A_155 : i32 to index
    %get3A_157 = arith.constant 96 : index
    %get3A_158 = tpu.vector_load %arg5[%get3A_156, %get3A_157] {strides = array<i32>} : memref<32x128xi32, #tpu.memory_space<vmem>>, vector<16xi32>,
    %add3A_159 = arith.constant 50 : i32
    %add3A_160 = vector.broadcast %add3A_159 : i32 to vector<16xi32>
    %add3A_161 = arith.addi %get3A_158, %add3A_160 : vector<16xi32>
    %swap3A_162 = arith.constant 1 : i32
    %swap3A_163 = arith.index_cast %swap3A_162 : i32 to index
    %swap3A_164 = arith.constant 96 : index
    %swap3A_165 = tpu.vector_load %arg6[%swap3A_163, %swap3A_164] {strides = array<i32>} : memref<26x128xi32, #tpu.memory_space<vmem>>, vector<16xi32>,
    tpu.vector_store %arg6[%swap3A_163, %swap3A_164], %add3A_161 {strides = array<i32>} : memref<26x128xi32, #tpu.memory_space<vmem>>, vector<16xi32>,
    %get3A_166 = arith.constant 1 : i32
    %get3A_167 = arith.index_cast %get3A_166 : i32 to index
    %get3A_168 = arith.constant 112 : index
    %get3A_169 = tpu.vector_load %arg5[%get3A_167, %get3A_168] {strides = array<i32>} : memref<32x128xi32, #tpu.memory_space<vmem>>, vector<16xi32>,
    %add3A_170 = arith.constant 50 : i32
    %add3A_171 = vector.broadcast %add3A_170 : i32 to vector<16xi32>
    %add3A_172 = arith.addi %get3A_169, %add3A_171 : vector<16xi32>
    %swap3A_173 = arith.constant 1 : i32
    %swap3A_174 = arith.index_cast %swap3A_173 : i32 to index
    %swap3A_175 = arith.constant 112 : index
    %swap3A_176 = tpu.vector_load %arg6[%swap3A_174, %swap3A_175] {strides = array<i32>} : memref<26x128xi32, #tpu.memory_space<vmem>>, vector<16xi32>,
    tpu.vector_store %arg6[%swap3A_174, %swap3A_175], %add3A_172 {strides = array<i32>} : memref<26x128xi32, #tpu.memory_space<vmem>>, vector<16xi32>,
    %get3A_177 = arith.constant 2 : i32
    %get3A_178 = arith.index_cast %get3A_177 : i32 to index
    %get3A_179 = arith.constant 0 : index
    %get3A_180 = tpu.vector_load %arg5[%get3A_178, %get3A_179] {strides = array<i32>} : memref<32x128xi32, #tpu.memory_space<vmem>>, vector<16xi32>,
    %add3A_181 = arith.constant 100 : i32
    %add3A_182 = vector.broadcast %add3A_181 : i32 to vector<16xi32>
    %add3A_183 = arith.addi %get3A_180, %add3A_182 : vector<16xi32>
    %swap3A_184 = arith.constant 2 : i32
    %swap3A_185 = arith.index_cast %swap3A_184 : i32 to index
    %swap3A_186 = arith.constant 0 : index
    %swap3A_187 = tpu.vector_load %arg6[%swap3A_185, %swap3A_186] {strides = array<i32>} : memref<26x128xi32, #tpu.memory_space<vmem>>, vector<16xi32>,
    tpu.vector_store %arg6[%swap3A_185, %swap3A_186], %add3A_183 {strides = array<i32>} : memref<26x128xi32, #tpu.memory_space<vmem>>, vector<16xi32>,
    %get3A_188 = arith.constant 2 : i32
    %get3A_189 = arith.index_cast %get3A_188 : i32 to index
    %get3A_190 = arith.constant 16 : index
    %get3A_191 = tpu.vector_load %arg5[%get3A_189, %get3A_190] {strides = array<i32>} : memref<32x128xi32, #tpu.memory_space<vmem>>, vector<16xi32>,
    %add3A_192 = arith.constant 100 : i32
    %add3A_193 = vector.broadcast %add3A_192 : i32 to vector<16xi32>
    %add3A_194 = arith.addi %get3A_191, %add3A_193 : vector<16xi32>
    %swap3A_195 = arith.constant 2 : i32
    %swap3A_196 = arith.index_cast %swap3A_195 : i32 to index
    %swap3A_197 = arith.constant 16 : index
    %swap3A_198 = tpu.vector_load %arg6[%swap3A_196, %swap3A_197] {strides = array<i32>} : memref<26x128xi32, #tpu.memory_space<vmem>>, vector<16xi32>,
    tpu.vector_store %arg6[%swap3A_196, %swap3A_197], %add3A_194 {strides = array<i32>} : memref<26x128xi32, #tpu.memory_space<vmem>>, vector<16xi32>,
    %get3A_199 = arith.constant 2 : i32
    %get3A_200 = arith.index_cast %get3A_199 : i32 to index
    %get3A_201 = arith.constant 32 : index
    %get3A_202 = tpu.vector_load %arg5[%get3A_200, %get3A_201] {strides = array<i32>} : memref<32x128xi32, #tpu.memory_space<vmem>>, vector<16xi32>,
    %add3A_203 = arith.constant 100 : i32
    %add3A_204 = vector.broadcast %add3A_203 : i32 to vector<16xi32>
    %add3A_205 = arith.addi %get3A_202, %add3A_204 : vector<16xi32>
    %swap3A_206 = arith.constant 2 : i32
    %swap3A_207 = arith.index_cast %swap3A_206 : i32 to index
    %swap3A_208 = arith.constant 32 : index
    %swap3A_209 = tpu.vector_load %arg6[%swap3A_207, %swap3A_208] {strides = array<i32>} : memref<26x128xi32, #tpu.memory_space<vmem>>, vector<16xi32>,
    tpu.vector_store %arg6[%swap3A_207, %swap3A_208], %add3A_205 {strides = array<i32>} : memref<26x128xi32, #tpu.memory_space<vmem>>, vector<16xi32>,
    %get3A_210 = arith.constant 2 : i32
    %get3A_211 = arith.index_cast %get3A_210 : i32 to index
    %get3A_212 = arith.constant 48 : index
    %get3A_213 = tpu.vector_load %arg5[%get3A_211, %get3A_212] {strides = array<i32>} : memref<32x128xi32, #tpu.memory_space<vmem>>, vector<16xi32>,
    %add3A_214 = arith.constant 100 : i32
    %add3A_215 = vector.broadcast %add3A_214 : i32 to vector<16xi32>
    %add3A_216 = arith.addi %get3A_213, %add3A_215 : vector<16xi32>
    %swap3A_217 = arith.constant 2 : i32
    %swap3A_218 = arith.index_cast %swap3A_217 : i32 to index
    %swap3A_219 = arith.constant 48 : index
    %swap3A_220 = tpu.vector_load %arg6[%swap3A_218, %swap3A_219] {strides = array<i32>} : memref<26x128xi32, #tpu.memory_space<vmem>>, vector<16xi32>,
    tpu.vector_store %arg6[%swap3A_218, %swap3A_219], %add3A_216 {strides = array<i32>} : memref<26x128xi32, #tpu.memory_space<vmem>>, vector<16xi32>,
    %get3A_221 = arith.constant 2 : i32
    %get3A_222 = arith.index_cast %get3A_221 : i32 to index
    %get3A_223 = arith.constant 64 : index
    %get3A_224 = tpu.vector_load %arg5[%get3A_222, %get3A_223] {strides = array<i32>} : memref<32x128xi32, #tpu.memory_space<vmem>>, vector<16xi32>,
    %add3A_225 = arith.constant 100 : i32
    %add3A_226 = vector.broadcast %add3A_225 : i32 to vector<16xi32>
    %add3A_227 = arith.addi %get3A_224, %add3A_226 : vector<16xi32>
    %swap3A_228 = arith.constant 2 : i32
    %swap3A_229 = arith.index_cast %swap3A_228 : i32 to index
    %swap3A_230 = arith.constant 64 : index
    %swap3A_231 = tpu.vector_load %arg6[%swap3A_229, %swap3A_230] {strides = array<i32>} : memref<26x128xi32, #tpu.memory_space<vmem>>, vector<16xi32>,
    tpu.vector_store %arg6[%swap3A_229, %swap3A_230], %add3A_227 {strides = array<i32>} : memref<26x128xi32, #tpu.memory_space<vmem>>, vector<16xi32>,
    %get3A_232 = arith.constant 2 : i32
    %get3A_233 = arith.index_cast %get3A_232 : i32 to index
    %get3A_234 = arith.constant 80 : index
    %get3A_235 = tpu.vector_load %arg5[%get3A_233, %get3A_234] {strides = array<i32>} : memref<32x128xi32, #tpu.memory_space<vmem>>, vector<16xi32>,
    %add3A_236 = arith.constant 100 : i32
    %add3A_237 = vector.broadcast %add3A_236 : i32 to vector<16xi32>
    %add3A_238 = arith.addi %get3A_235, %add3A_237 : vector<16xi32>
    %swap3A_239 = arith.constant 2 : i32
    %swap3A_240 = arith.index_cast %swap3A_239 : i32 to index
    %swap3A_241 = arith.constant 80 : index
    %swap3A_242 = tpu.vector_load %arg6[%swap3A_240, %swap3A_241] {strides = array<i32>} : memref<26x128xi32, #tpu.memory_space<vmem>>, vector<16xi32>,
    tpu.vector_store %arg6[%swap3A_240, %swap3A_241], %add3A_238 {strides = array<i32>} : memref<26x128xi32, #tpu.memory_space<vmem>>, vector<16xi32>,
    %get3A_243 = arith.constant 2 : i32
    %get3A_244 = arith.index_cast %get3A_243 : i32 to index
    %get3A_245 = arith.constant 96 : index
    %get3A_246 = tpu.vector_load %arg5[%get3A_244, %get3A_245] {strides = array<i32>} : memref<32x128xi32, #tpu.memory_space<vmem>>, vector<16xi32>,
    %add3A_247 = arith.constant 100 : i32
    %add3A_248 = vector.broadcast %add3A_247 : i32 to vector<16xi32>
    %add3A_249 = arith.addi %get3A_246, %add3A_248 : vector<16xi32>
    %swap3A_250 = arith.constant 2 : i32
    %swap3A_251 = arith.index_cast %swap3A_250 : i32 to index
    %swap3A_252 = arith.constant 96 : index
    %swap3A_253 = tpu.vector_load %arg6[%swap3A_251, %swap3A_252] {strides = array<i32>} : memref<26x128xi32, #tpu.memory_space<vmem>>, vector<16xi32>,
    tpu.vector_store %arg6[%swap3A_251, %swap3A_252], %add3A_249 {strides = array<i32>} : memref<26x128xi32, #tpu.memory_space<vmem>>, vector<16xi32>,
    %get3A_254 = arith.constant 2 : i32
    %get3A_255 = arith.index_cast %get3A_254 : i32 to index
    %get3A_256 = arith.constant 112 : index
    %get3A_257 = tpu.vector_load %arg5[%get3A_255, %get3A_256] {strides = array<i32>} : memref<32x128xi32, #tpu.memory_space<vmem>>, vector<16xi32>,
    %add3A_258 = arith.constant 100 : i32
    %add3A_259 = vector.broadcast %add3A_258 : i32 to vector<16xi32>
    %add3A_260 = arith.addi %get3A_257, %add3A_259 : vector<16xi32>
    %swap3A_261 = arith.constant 2 : i32
    %swap3A_262 = arith.index_cast %swap3A_261 : i32 to index
    %swap3A_263 = arith.constant 112 : index
    %swap3A_264 = tpu.vector_load %arg6[%swap3A_262, %swap3A_263] {strides = array<i32>} : memref<26x128xi32, #tpu.memory_space<vmem>>, vector<16xi32>,
    tpu.vector_store %arg6[%swap3A_262, %swap3A_263], %add3A_260 {strides = array<i32>} : memref<26x128xi32, #tpu.memory_space<vmem>>, vector<16xi32>,
    %get3A_265 = arith.constant 3 : i32
    %get3A_266 = arith.index_cast %get3A_265 : i32 to index
    %get3A_267 = arith.constant 0 : index
    %get3A_268 = tpu.vector_load %arg5[%get3A_266, %get3A_267] {strides = array<i32>} : memref<32x128xi32, #tpu.memory_space<vmem>>, vector<16xi32>,
    %add3A_269 = arith.constant 150 : i32
    %add3A_270 = vector.broadcast %add3A_269 : i32 to vector<16xi32>
    %add3A_271 = arith.addi %get3A_268, %add3A_270 : vector<16xi32>
    %swap3A_272 = arith.constant 3 : i32
    %swap3A_273 = arith.index_cast %swap3A_272 : i32 to index
    %swap3A_274 = arith.constant 0 : index
    %swap3A_275 = tpu.vector_load %arg6[%swap3A_273, %swap3A_274] {strides = array<i32>} : memref<26x128xi32, #tpu.memory_space<vmem>>, vector<16xi32>,
    tpu.vector_store %arg6[%swap3A_273, %swap3A_274], %add3A_271 {strides = array<i32>} : memref<26x128xi32, #tpu.memory_space<vmem>>, vector<16xi32>,
    %get3A_276 = arith.constant 3 : i32
    %get3A_277 = arith.index_cast %get3A_276 : i32 to index
    %get3A_278 = arith.constant 16 : index
    %get3A_279 = tpu.vector_load %arg5[%get3A_277, %get3A_278] {strides = array<i32>} : memref<32x128xi32, #tpu.memory_space<vmem>>, vector<16xi32>,
    %add3A_280 = arith.constant 150 : i32
    %add3A_281 = vector.broadcast %add3A_280 : i32 to vector<16xi32>
    %add3A_282 = arith.addi %get3A_279, %add3A_281 : vector<16xi32>
    %swap3A_283 = arith.constant 3 : i32
    %swap3A_284 = arith.index_cast %swap3A_283 : i32 to index
    %swap3A_285 = arith.constant 16 : index
    %swap3A_286 = tpu.vector_load %arg6[%swap3A_284, %swap3A_285] {strides = array<i32>} : memref<26x128xi32, #tpu.memory_space<vmem>>, vector<16xi32>,
    tpu.vector_store %arg6[%swap3A_284, %swap3A_285], %add3A_282 {strides = array<i32>} : memref<26x128xi32, #tpu.memory_space<vmem>>, vector<16xi32>,
    %get3A_287 = arith.constant 3 : i32
    %get3A_288 = arith.index_cast %get3A_287 : i32 to index
    %get3A_289 = arith.constant 32 : index
    %get3A_290 = tpu.vector_load %arg5[%get3A_288, %get3A_289] {strides = array<i32>} : memref<32x128xi32, #tpu.memory_space<vmem>>, vector<16xi32>,
    %add3A_291 = arith.constant 150 : i32
    %add3A_292 = vector.broadcast %add3A_291 : i32 to vector<16xi32>
    %add3A_293 = arith.addi %get3A_290, %add3A_292 : vector<16xi32>
    %swap3A_294 = arith.constant 3 : i32
    %swap3A_295 = arith.index_cast %swap3A_294 : i32 to index
    %swap3A_296 = arith.constant 32 : index
    %swap3A_297 = tpu.vector_load %arg6[%swap3A_295, %swap3A_296] {strides = array<i32>} : memref<26x128xi32, #tpu.memory_space<vmem>>, vector<16xi32>,
    tpu.vector_store %arg6[%swap3A_295, %swap3A_296], %add3A_293 {strides = array<i32>} : memref<26x128xi32, #tpu.memory_space<vmem>>, vector<16xi32>,
    %get3A_298 = arith.constant 3 : i32
    %get3A_299 = arith.index_cast %get3A_298 : i32 to index
    %get3A_300 = arith.constant 48 : index
    %get3A_301 = tpu.vector_load %arg5[%get3A_299, %get3A_300] {strides = array<i32>} : memref<32x128xi32, #tpu.memory_space<vmem>>, vector<16xi32>,
    %add3A_302 = arith.constant 150 : i32
    %add3A_303 = vector.broadcast %add3A_302 : i32 to vector<16xi32>
    %add3A_304 = arith.addi %get3A_301, %add3A_303 : vector<16xi32>
    %swap3A_305 = arith.constant 3 : i32
    %swap3A_306 = arith.index_cast %swap3A_305 : i32 to index
    %swap3A_307 = arith.constant 48 : index
    %swap3A_308 = tpu.vector_load %arg6[%swap3A_306, %swap3A_307] {strides = array<i32>} : memref<26x128xi32, #tpu.memory_space<vmem>>, vector<16xi32>,
    tpu.vector_store %arg6[%swap3A_306, %swap3A_307], %add3A_304 {strides = array<i32>} : memref<26x128xi32, #tpu.memory_space<vmem>>, vector<16xi32>,
    %get3A_309 = arith.constant 3 : i32
    %get3A_310 = arith.index_cast %get3A_309 : i32 to index
    %get3A_311 = arith.constant 64 : index
    %get3A_312 = tpu.vector_load %arg5[%get3A_310, %get3A_311] {strides = array<i32>} : memref<32x128xi32, #tpu.memory_space<vmem>>, vector<16xi32>,
    %add3A_313 = arith.constant 150 : i32
    %add3A_314 = vector.broadcast %add3A_313 : i32 to vector<16xi32>
    %add3A_315 = arith.addi %get3A_312, %add3A_314 : vector<16xi32>
    %swap3A_316 = arith.constant 3 : i32
    %swap3A_317 = arith.index_cast %swap3A_316 : i32 to index
    %swap3A_318 = arith.constant 64 : index
    %swap3A_319 = tpu.vector_load %arg6[%swap3A_317, %swap3A_318] {strides = array<i32>} : memref<26x128xi32, #tpu.memory_space<vmem>>, vector<16xi32>,
    tpu.vector_store %arg6[%swap3A_317, %swap3A_318], %add3A_315 {strides = array<i32>} : memref<26x128xi32, #tpu.memory_space<vmem>>, vector<16xi32>,
    %get3A_320 = arith.constant 3 : i32
    %get3A_321 = arith.index_cast %get3A_320 : i32 to index
    %get3A_322 = arith.constant 80 : index
    %get3A_323 = tpu.vector_load %arg5[%get3A_321, %get3A_322] {strides = array<i32>} : memref<32x128xi32, #tpu.memory_space<vmem>>, vector<16xi32>,
    %add3A_324 = arith.constant 150 : i32
    %add3A_325 = vector.broadcast %add3A_324 : i32 to vector<16xi32>
    %add3A_326 = arith.addi %get3A_323, %add3A_325 : vector<16xi32>
    %swap3A_327 = arith.constant 3 : i32
    %swap3A_328 = arith.index_cast %swap3A_327 : i32 to index
    %swap3A_329 = arith.constant 80 : index
    %swap3A_330 = tpu.vector_load %arg6[%swap3A_328, %swap3A_329] {strides = array<i32>} : memref<26x128xi32, #tpu.memory_space<vmem>>, vector<16xi32>,
    tpu.vector_store %arg6[%swap3A_328, %swap3A_329], %add3A_326 {strides = array<i32>} : memref<26x128xi32, #tpu.memory_space<vmem>>, vector<16xi32>,
    %get3A_331 = arith.constant 3 : i32
    %get3A_332 = arith.index_cast %get3A_331 : i32 to index
    %get3A_333 = arith.constant 96 : index
    %get3A_334 = tpu.vector_load %arg5[%get3A_332, %get3A_333] {strides = array<i32>} : memref<32x128xi32, #tpu.memory_space<vmem>>, vector<16xi32>,
    %add3A_335 = arith.constant 150 : i32
    %add3A_336 = vector.broadcast %add3A_335 : i32 to vector<16xi32>
    %add3A_337 = arith.addi %get3A_334, %add3A_336 : vector<16xi32>
    %swap3A_338 = arith.constant 3 : i32
    %swap3A_339 = arith.index_cast %swap3A_338 : i32 to index
    %swap3A_340 = arith.constant 96 : index
    %swap3A_341 = tpu.vector_load %arg6[%swap3A_339, %swap3A_340] {strides = array<i32>} : memref<26x128xi32, #tpu.memory_space<vmem>>, vector<16xi32>,
    tpu.vector_store %arg6[%swap3A_339, %swap3A_340], %add3A_337 {strides = array<i32>} : memref<26x128xi32, #tpu.memory_space<vmem>>, vector<16xi32>,
    %get3A_342 = arith.constant 3 : i32
    %get3A_343 = arith.index_cast %get3A_342 : i32 to index
    %get3A_344 = arith.constant 112 : index
    %get3A_345 = tpu.vector_load %arg5[%get3A_343, %get3A_344] {strides = array<i32>} : memref<32x128xi32, #tpu.memory_space<vmem>>, vector<16xi32>,
    %add3A_346 = arith.constant 150 : i32
    %add3A_347 = vector.broadcast %add3A_346 : i32 to vector<16xi32>
    %add3A_348 = arith.addi %get3A_345, %add3A_347 : vector<16xi32>
    %swap3A_349 = arith.constant 3 : i32
    %swap3A_350 = arith.index_cast %swap3A_349 : i32 to index
    %swap3A_351 = arith.constant 112 : index
    %swap3A_352 = tpu.vector_load %arg6[%swap3A_350, %swap3A_351] {strides = array<i32>} : memref<26x128xi32, #tpu.memory_space<vmem>>, vector<16xi32>,
    tpu.vector_store %arg6[%swap3A_350, %swap3A_351], %add3A_348 {strides = array<i32>} : memref<26x128xi32, #tpu.memory_space<vmem>>, vector<16xi32>,
    %get3A_353 = arith.constant 4 : i32
    %get3A_354 = arith.index_cast %get3A_353 : i32 to index
    %get3A_355 = arith.constant 0 : index
    %get3A_356 = tpu.vector_load %arg5[%get3A_354, %get3A_355] {strides = array<i32>} : memref<32x128xi32, #tpu.memory_space<vmem>>, vector<16xi32>,
    %add3A_357 = arith.constant 200 : i32
    %add3A_358 = vector.broadcast %add3A_357 : i32 to vector<16xi32>
    %add3A_359 = arith.addi %get3A_356, %add3A_358 : vector<16xi32>
    %swap3A_360 = arith.constant 4 : i32
    %swap3A_361 = arith.index_cast %swap3A_360 : i32 to index
    %swap3A_362 = arith.constant 0 : index
    %swap3A_363 = tpu.vector_load %arg6[%swap3A_361, %swap3A_362] {strides = array<i32>} : memref<26x128xi32, #tpu.memory_space<vmem>>, vector<16xi32>,
    tpu.vector_store %arg6[%swap3A_361, %swap3A_362], %add3A_359 {strides = array<i32>} : memref<26x128xi32, #tpu.memory_space<vmem>>, vector<16xi32>,
    %get3A_364 = arith.constant 4 : i32
    %get3A_365 = arith.index_cast %get3A_364 : i32 to index
    %get3A_366 = arith.constant 16 : index
    %get3A_367 = tpu.vector_load %arg5[%get3A_365, %get3A_366] {strides = array<i32>} : memref<32x128xi32, #tpu.memory_space<vmem>>, vector<16xi32>,
    %add3A_368 = arith.constant 200 : i32
    %add3A_369 = vector.broadcast %add3A_368 : i32 to vector<16xi32>
    %add3A_370 = arith.addi %get3A_367, %add3A_369 : vector<16xi32>
    %swap3A_371 = arith.constant 4 : i32
    %swap3A_372 = arith.index_cast %swap3A_371 : i32 to index
    %swap3A_373 = arith.constant 16 : index
    %swap3A_374 = tpu.vector_load %arg6[%swap3A_372, %swap3A_373] {strides = array<i32>} : memref<26x128xi32, #tpu.memory_space<vmem>>, vector<16xi32>,
    tpu.vector_store %arg6[%swap3A_372, %swap3A_373], %add3A_370 {strides = array<i32>} : memref<26x128xi32, #tpu.memory_space<vmem>>, vector<16xi32>,
    %get3A_375 = arith.constant 4 : i32
    %get3A_376 = arith.index_cast %get3A_375 : i32 to index
    %get3A_377 = arith.constant 32 : index
    %get3A_378 = tpu.vector_load %arg5[%get3A_376, %get3A_377] {strides = array<i32>} : memref<32x128xi32, #tpu.memory_space<vmem>>, vector<16xi32>,
    %add3A_379 = arith.constant 200 : i32
    %add3A_380 = vector.broadcast %add3A_379 : i32 to vector<16xi32>
    %add3A_381 = arith.addi %get3A_378, %add3A_380 : vector<16xi32>
    %swap3A_382 = arith.constant 4 : i32
    %swap3A_383 = arith.index_cast %swap3A_382 : i32 to index
    %swap3A_384 = arith.constant 32 : index
    %swap3A_385 = tpu.vector_load %arg6[%swap3A_383, %swap3A_384] {strides = array<i32>} : memref<26x128xi32, #tpu.memory_space<vmem>>, vector<16xi32>,
    tpu.vector_store %arg6[%swap3A_383, %swap3A_384], %add3A_381 {strides = array<i32>} : memref<26x128xi32, #tpu.memory_space<vmem>>, vector<16xi32>,
    %get3A_386 = arith.constant 4 : i32
    %get3A_387 = arith.index_cast %get3A_386 : i32 to index
    %get3A_388 = arith.constant 48 : index
    %get3A_389 = tpu.vector_load %arg5[%get3A_387, %get3A_388] {strides = array<i32>} : memref<32x128xi32, #tpu.memory_space<vmem>>, vector<16xi32>,
    %add3A_390 = arith.constant 200 : i32
    %add3A_391 = vector.broadcast %add3A_390 : i32 to vector<16xi32>
    %add3A_392 = arith.addi %get3A_389, %add3A_391 : vector<16xi32>
    %swap3A_393 = arith.constant 4 : i32
    %swap3A_394 = arith.index_cast %swap3A_393 : i32 to index
    %swap3A_395 = arith.constant 48 : index
    %swap3A_396 = tpu.vector_load %arg6[%swap3A_394, %swap3A_395] {strides = array<i32>} : memref<26x128xi32, #tpu.memory_space<vmem>>, vector<16xi32>,
    tpu.vector_store %arg6[%swap3A_394, %swap3A_395], %add3A_392 {strides = array<i32>} : memref<26x128xi32, #tpu.memory_space<vmem>>, vector<16xi32>,
    %get3A_397 = arith.constant 4 : i32
    %get3A_398 = arith.index_cast %get3A_397 : i32 to index
    %get3A_399 = arith.constant 64 : index
    %get3A_400 = tpu.vector_load %arg5[%get3A_398, %get3A_399] {strides = array<i32>} : memref<32x128xi32, #tpu.memory_space<vmem>>, vector<16xi32>,
    %add3A_401 = arith.constant 200 : i32
    %add3A_402 = vector.broadcast %add3A_401 : i32 to vector<16xi32>
    %add3A_403 = arith.addi %get3A_400, %add3A_402 : vector<16xi32>
    %swap3A_404 = arith.constant 4 : i32
    %swap3A_405 = arith.index_cast %swap3A_404 : i32 to index
    %swap3A_406 = arith.constant 64 : index
    %swap3A_407 = tpu.vector_load %arg6[%swap3A_405, %swap3A_406] {strides = array<i32>} : memref<26x128xi32, #tpu.memory_space<vmem>>, vector<16xi32>,
    tpu.vector_store %arg6[%swap3A_405, %swap3A_406], %add3A_403 {strides = array<i32>} : memref<26x128xi32, #tpu.memory_space<vmem>>, vector<16xi32>,
    %get3A_408 = arith.constant 4 : i32
    %get3A_409 = arith.index_cast %get3A_408 : i32 to index
    %get3A_410 = arith.constant 80 : index
    %get3A_411 = tpu.vector_load %arg5[%get3A_409, %get3A_410] {strides = array<i32>} : memref<32x128xi32, #tpu.memory_space<vmem>>, vector<16xi32>,
    %add3A_412 = arith.constant 200 : i32
    %add3A_413 = vector.broadcast %add3A_412 : i32 to vector<16xi32>
    %add3A_414 = arith.addi %get3A_411, %add3A_413 : vector<16xi32>
    %swap3A_415 = arith.constant 4 : i32
    %swap3A_416 = arith.index_cast %swap3A_415 : i32 to index
    %swap3A_417 = arith.constant 80 : index
    %swap3A_418 = tpu.vector_load %arg6[%swap3A_416, %swap3A_417] {strides = array<i32>} : memref<26x128xi32, #tpu.memory_space<vmem>>, vector<16xi32>,
    tpu.vector_store %arg6[%swap3A_416, %swap3A_417], %add3A_414 {strides = array<i32>} : memref<26x128xi32, #tpu.memory_space<vmem>>, vector<16xi32>,
    %get3A_419 = arith.constant 4 : i32
    %get3A_420 = arith.index_cast %get3A_419 : i32 to index
    %get3A_421 = arith.constant 96 : index
    %get3A_422 = tpu.vector_load %arg5[%get3A_420, %get3A_421] {strides = array<i32>} : memref<32x128xi32, #tpu.memory_space<vmem>>, vector<16xi32>,
    %add3A_423 = arith.constant 200 : i32
    %add3A_424 = vector.broadcast %add3A_423 : i32 to vector<16xi32>
    %add3A_425 = arith.addi %get3A_422, %add3A_424 : vector<16xi32>
    %swap3A_426 = arith.constant 4 : i32
    %swap3A_427 = arith.index_cast %swap3A_426 : i32 to index
    %swap3A_428 = arith.constant 96 : index
    %swap3A_429 = tpu.vector_load %arg6[%swap3A_427, %swap3A_428] {strides = array<i32>} : memref<26x128xi32, #tpu.memory_space<vmem>>, vector<16xi32>,
    tpu.vector_store %arg6[%swap3A_427, %swap3A_428], %add3A_425 {strides = array<i32>} : memref<26x128xi32, #tpu.memory_space<vmem>>, vector<16xi32>,
    %get3A_430 = arith.constant 4 : i32
    %get3A_431 = arith.index_cast %get3A_430 : i32 to index
    %get3A_432 = arith.constant 112 : index
    %get3A_433 = tpu.vector_load %arg5[%get3A_431, %get3A_432] {strides = array<i32>} : memref<32x128xi32, #tpu.memory_space<vmem>>, vector<16xi32>,
    %add3A_434 = arith.constant 200 : i32
    %add3A_435 = vector.broadcast %add3A_434 : i32 to vector<16xi32>
    %add3A_436 = arith.addi %get3A_433, %add3A_435 : vector<16xi32>
    %swap3A_437 = arith.constant 4 : i32
    %swap3A_438 = arith.index_cast %swap3A_437 : i32 to index
    %swap3A_439 = arith.constant 112 : index
    %swap3A_440 = tpu.vector_load %arg6[%swap3A_438, %swap3A_439] {strides = array<i32>} : memref<26x128xi32, #tpu.memory_space<vmem>>, vector<16xi32>,
    tpu.vector_store %arg6[%swap3A_438, %swap3A_439], %add3A_436 {strides = array<i32>} : memref<26x128xi32, #tpu.memory_space<vmem>>, vector<16xi32>,
    %get3A_441 = arith.constant 5 : i32
    %get3A_442 = arith.index_cast %get3A_441 : i32 to index
    %get3A_443 = arith.constant 0 : index
    %get3A_444 = tpu.vector_load %arg5[%get3A_442, %get3A_443] {strides = array<i32>} : memref<32x128xi32, #tpu.memory_space<vmem>>, vector<16xi32>,
    %add3A_445 = arith.constant 250 : i32
    %add3A_446 = vector.broadcast %add3A_445 : i32 to vector<16xi32>
    %add3A_447 = arith.addi %get3A_444, %add3A_446 : vector<16xi32>
    %swap3A_448 = arith.constant 5 : i32
    %swap3A_449 = arith.index_cast %swap3A_448 : i32 to index
    %swap3A_450 = arith.constant 0 : index
    %swap3A_451 = tpu.vector_load %arg6[%swap3A_449, %swap3A_450] {strides = array<i32>} : memref<26x128xi32, #tpu.memory_space<vmem>>, vector<16xi32>,
    tpu.vector_store %arg6[%swap3A_449, %swap3A_450], %add3A_447 {strides = array<i32>} : memref<26x128xi32, #tpu.memory_space<vmem>>, vector<16xi32>,
    %get3A_452 = arith.constant 5 : i32
    %get3A_453 = arith.index_cast %get3A_452 : i32 to index
    %get3A_454 = arith.constant 16 : index
    %get3A_455 = tpu.vector_load %arg5[%get3A_453, %get3A_454] {strides = array<i32>} : memref<32x128xi32, #tpu.memory_space<vmem>>, vector<16xi32>,
    %add3A_456 = arith.constant 250 : i32
    %add3A_457 = vector.broadcast %add3A_456 : i32 to vector<16xi32>
    %add3A_458 = arith.addi %get3A_455, %add3A_457 : vector<16xi32>
    %swap3A_459 = arith.constant 5 : i32
    %swap3A_460 = arith.index_cast %swap3A_459 : i32 to index
    %swap3A_461 = arith.constant 16 : index
    %swap3A_462 = tpu.vector_load %arg6[%swap3A_460, %swap3A_461] {strides = array<i32>} : memref<26x128xi32, #tpu.memory_space<vmem>>, vector<16xi32>,
    tpu.vector_store %arg6[%swap3A_460, %swap3A_461], %add3A_458 {strides = array<i32>} : memref<26x128xi32, #tpu.memory_space<vmem>>, vector<16xi32>,
    %get3A_463 = arith.constant 5 : i32
    %get3A_464 = arith.index_cast %get3A_463 : i32 to index
    %get3A_465 = arith.constant 32 : index
    %get3A_466 = tpu.vector_load %arg5[%get3A_464, %get3A_465] {strides = array<i32>} : memref<32x128xi32, #tpu.memory_space<vmem>>, vector<16xi32>,
    %add3A_467 = arith.constant 250 : i32
    %add3A_468 = vector.broadcast %add3A_467 : i32 to vector<16xi32>
    %add3A_469 = arith.addi %get3A_466, %add3A_468 : vector<16xi32>
    %swap3A_470 = arith.constant 5 : i32
    %swap3A_471 = arith.index_cast %swap3A_470 : i32 to index
    %swap3A_472 = arith.constant 32 : index
    %swap3A_473 = tpu.vector_load %arg6[%swap3A_471, %swap3A_472] {strides = array<i32>} : memref<26x128xi32, #tpu.memory_space<vmem>>, vector<16xi32>,
    tpu.vector_store %arg6[%swap3A_471, %swap3A_472], %add3A_469 {strides = array<i32>} : memref<26x128xi32, #tpu.memory_space<vmem>>, vector<16xi32>,
    %get3A_474 = arith.constant 5 : i32
    %get3A_475 = arith.index_cast %get3A_474 : i32 to index
    %get3A_476 = arith.constant 48 : index
    %get3A_477 = tpu.vector_load %arg5[%get3A_475, %get3A_476] {strides = array<i32>} : memref<32x128xi32, #tpu.memory_space<vmem>>, vector<16xi32>,
    %add3A_478 = arith.constant 250 : i32
    %add3A_479 = vector.broadcast %add3A_478 : i32 to vector<16xi32>
    %add3A_480 = arith.addi %get3A_477, %add3A_479 : vector<16xi32>
    %swap3A_481 = arith.constant 5 : i32
    %swap3A_482 = arith.index_cast %swap3A_481 : i32 to index
    %swap3A_483 = arith.constant 48 : index
    %swap3A_484 = tpu.vector_load %arg6[%swap3A_482, %swap3A_483] {strides = array<i32>} : memref<26x128xi32, #tpu.memory_space<vmem>>, vector<16xi32>,
    tpu.vector_store %arg6[%swap3A_482, %swap3A_483], %add3A_480 {strides = array<i32>} : memref<26x128xi32, #tpu.memory_space<vmem>>, vector<16xi32>,
    %get3A_485 = arith.constant 5 : i32
    %get3A_486 = arith.index_cast %get3A_485 : i32 to index
    %get3A_487 = arith.constant 64 : index
    %get3A_488 = tpu.vector_load %arg5[%get3A_486, %get3A_487] {strides = array<i32>} : memref<32x128xi32, #tpu.memory_space<vmem>>, vector<16xi32>,
    %add3A_489 = arith.constant 250 : i32
    %add3A_490 = vector.broadcast %add3A_489 : i32 to vector<16xi32>
    %add3A_491 = arith.addi %get3A_488, %add3A_490 : vector<16xi32>
    %swap3A_492 = arith.constant 5 : i32
    %swap3A_493 = arith.index_cast %swap3A_492 : i32 to index
    %swap3A_494 = arith.constant 64 : index
    %swap3A_495 = tpu.vector_load %arg6[%swap3A_493, %swap3A_494] {strides = array<i32>} : memref<26x128xi32, #tpu.memory_space<vmem>>, vector<16xi32>,
    tpu.vector_store %arg6[%swap3A_493, %swap3A_494], %add3A_491 {strides = array<i32>} : memref<26x128xi32, #tpu.memory_space<vmem>>, vector<16xi32>,
    %get3A_496 = arith.constant 5 : i32
    %get3A_497 = arith.index_cast %get3A_496 : i32 to index
    %get3A_498 = arith.constant 80 : index
    %get3A_499 = tpu.vector_load %arg5[%get3A_497, %get3A_498] {strides = array<i32>} : memref<32x128xi32, #tpu.memory_space<vmem>>, vector<16xi32>,
    %add3A_500 = arith.constant 250 : i32
    %add3A_501 = vector.broadcast %add3A_500 : i32 to vector<16xi32>
    %add3A_502 = arith.addi %get3A_499, %add3A_501 : vector<16xi32>
    %swap3A_503 = arith.constant 5 : i32
    %swap3A_504 = arith.index_cast %swap3A_503 : i32 to index
    %swap3A_505 = arith.constant 80 : index
    %swap3A_506 = tpu.vector_load %arg6[%swap3A_504, %swap3A_505] {strides = array<i32>} : memref<26x128xi32, #tpu.memory_space<vmem>>, vector<16xi32>,
    tpu.vector_store %arg6[%swap3A_504, %swap3A_505], %add3A_502 {strides = array<i32>} : memref<26x128xi32, #tpu.memory_space<vmem>>, vector<16xi32>,
    %get3A_507 = arith.constant 5 : i32
    %get3A_508 = arith.index_cast %get3A_507 : i32 to index
    %get3A_509 = arith.constant 96 : index
    %get3A_510 = tpu.vector_load %arg5[%get3A_508, %get3A_509] {strides = array<i32>} : memref<32x128xi32, #tpu.memory_space<vmem>>, vector<16xi32>,
    %add3A_511 = arith.constant 250 : i32
    %add3A_512 = vector.broadcast %add3A_511 : i32 to vector<16xi32>
    %add3A_513 = arith.addi %get3A_510, %add3A_512 : vector<16xi32>
    %swap3A_514 = arith.constant 5 : i32
    %swap3A_515 = arith.index_cast %swap3A_514 : i32 to index
    %swap3A_516 = arith.constant 96 : index
    %swap3A_517 = tpu.vector_load %arg6[%swap3A_515, %swap3A_516] {strides = array<i32>} : memref<26x128xi32, #tpu.memory_space<vmem>>, vector<16xi32>,
    tpu.vector_store %arg6[%swap3A_515, %swap3A_516], %add3A_513 {strides = array<i32>} : memref<26x128xi32, #tpu.memory_space<vmem>>, vector<16xi32>,
    %get3A_518 = arith.constant 5 : i32
    %get3A_519 = arith.index_cast %get3A_518 : i32 to index
    %get3A_520 = arith.constant 112 : index
    %get3A_521 = tpu.vector_load %arg5[%get3A_519, %get3A_520] {strides = array<i32>} : memref<32x128xi32, #tpu.memory_space<vmem>>, vector<16xi32>,
    %add3A_522 = arith.constant 250 : i32
    %add3A_523 = vector.broadcast %add3A_522 : i32 to vector<16xi32>
    %add3A_524 = arith.addi %get3A_521, %add3A_523 : vector<16xi32>
    %swap3A_525 = arith.constant 5 : i32
    %swap3A_526 = arith.index_cast %swap3A_525 : i32 to index
    %swap3A_527 = arith.constant 112 : index
    %swap3A_528 = tpu.vector_load %arg6[%swap3A_526, %swap3A_527] {strides = array<i32>} : memref<26x128xi32, #tpu.memory_space<vmem>>, vector<16xi32>,
    tpu.vector_store %arg6[%swap3A_526, %swap3A_527], %add3A_524 {strides = array<i32>} : memref<26x128xi32, #tpu.memory_space<vmem>>, vector<16xi32>,
    %get3A_529 = arith.constant 6 : i32
    %get3A_530 = arith.index_cast %get3A_529 : i32 to index
    %get3A_531 = arith.constant 0 : index
    %get3A_532 = tpu.vector_load %arg5[%get3A_530, %get3A_531] {strides = array<i32>} : memref<32x128xi32, #tpu.memory_space<vmem>>, vector<16xi32>,
    %add3A_533 = arith.constant 300 : i32
    %add3A_534 = vector.broadcast %add3A_533 : i32 to vector<16xi32>
    %add3A_535 = arith.addi %get3A_532, %add3A_534 : vector<16xi32>
    %swap3A_536 = arith.constant 6 : i32
    %swap3A_537 = arith.index_cast %swap3A_536 : i32 to index
    %swap3A_538 = arith.constant 0 : index
    %swap3A_539 = tpu.vector_load %arg6[%swap3A_537, %swap3A_538] {strides = array<i32>} : memref<26x128xi32, #tpu.memory_space<vmem>>, vector<16xi32>,
    tpu.vector_store %arg6[%swap3A_537, %swap3A_538], %add3A_535 {strides = array<i32>} : memref<26x128xi32, #tpu.memory_space<vmem>>, vector<16xi32>,
    %get3A_540 = arith.constant 6 : i32
    %get3A_541 = arith.index_cast %get3A_540 : i32 to index
    %get3A_542 = arith.constant 16 : index
    %get3A_543 = tpu.vector_load %arg5[%get3A_541, %get3A_542] {strides = array<i32>} : memref<32x128xi32, #tpu.memory_space<vmem>>, vector<16xi32>,
    %add3A_544 = arith.constant 300 : i32
    %add3A_545 = vector.broadcast %add3A_544 : i32 to vector<16xi32>
    %add3A_546 = arith.addi %get3A_543, %add3A_545 : vector<16xi32>
    %swap3A_547 = arith.constant 6 : i32
    %swap3A_548 = arith.index_cast %swap3A_547 : i32 to index
    %swap3A_549 = arith.constant 16 : index
    %swap3A_550 = tpu.vector_load %arg6[%swap3A_548, %swap3A_549] {strides = array<i32>} : memref<26x128xi32, #tpu.memory_space<vmem>>, vector<16xi32>,
    tpu.vector_store %arg6[%swap3A_548, %swap3A_549], %add3A_546 {strides = array<i32>} : memref<26x128xi32, #tpu.memory_space<vmem>>, vector<16xi32>,
    %get3A_551 = arith.constant 6 : i32
    %get3A_552 = arith.index_cast %get3A_551 : i32 to index
    %get3A_553 = arith.constant 32 : index
    %get3A_554 = tpu.vector_load %arg5[%get3A_552, %get3A_553] {strides = array<i32>} : memref<32x128xi32, #tpu.memory_space<vmem>>, vector<16xi32>,
    %add3A_555 = arith.constant 300 : i32
    %add3A_556 = vector.broadcast %add3A_555 : i32 to vector<16xi32>
    %add3A_557 = arith.addi %get3A_554, %add3A_556 : vector<16xi32>
    %swap3A_558 = arith.constant 6 : i32
    %swap3A_559 = arith.index_cast %swap3A_558 : i32 to index
    %swap3A_560 = arith.constant 32 : index
    %swap3A_561 = tpu.vector_load %arg6[%swap3A_559, %swap3A_560] {strides = array<i32>} : memref<26x128xi32, #tpu.memory_space<vmem>>, vector<16xi32>,
    tpu.vector_store %arg6[%swap3A_559, %swap3A_560], %add3A_557 {strides = array<i32>} : memref<26x128xi32, #tpu.memory_space<vmem>>, vector<16xi32>,
    %get3A_562 = arith.constant 6 : i32
    %get3A_563 = arith.index_cast %get3A_562 : i32 to index
    %get3A_564 = arith.constant 48 : index
    %get3A_565 = tpu.vector_load %arg5[%get3A_563, %get3A_564] {strides = array<i32>} : memref<32x128xi32, #tpu.memory_space<vmem>>, vector<16xi32>,
    %add3A_566 = arith.constant 300 : i32
    %add3A_567 = vector.broadcast %add3A_566 : i32 to vector<16xi32>
    %add3A_568 = arith.addi %get3A_565, %add3A_567 : vector<16xi32>
    %swap3A_569 = arith.constant 6 : i32
    %swap3A_570 = arith.index_cast %swap3A_569 : i32 to index
    %swap3A_571 = arith.constant 48 : index
    %swap3A_572 = tpu.vector_load %arg6[%swap3A_570, %swap3A_571] {strides = array<i32>} : memref<26x128xi32, #tpu.memory_space<vmem>>, vector<16xi32>,
    tpu.vector_store %arg6[%swap3A_570, %swap3A_571], %add3A_568 {strides = array<i32>} : memref<26x128xi32, #tpu.memory_space<vmem>>, vector<16xi32>,
    %get3A_573 = arith.constant 6 : i32
    %get3A_574 = arith.index_cast %get3A_573 : i32 to index
    %get3A_575 = arith.constant 64 : index
    %get3A_576 = tpu.vector_load %arg5[%get3A_574, %get3A_575] {strides = array<i32>} : memref<32x128xi32, #tpu.memory_space<vmem>>, vector<16xi32>,
    %add3A_577 = arith.constant 300 : i32
    %add3A_578 = vector.broadcast %add3A_577 : i32 to vector<16xi32>
    %add3A_579 = arith.addi %get3A_576, %add3A_578 : vector<16xi32>
    %swap3A_580 = arith.constant 6 : i32
    %swap3A_581 = arith.index_cast %swap3A_580 : i32 to index
    %swap3A_582 = arith.constant 64 : index
    %swap3A_583 = tpu.vector_load %arg6[%swap3A_581, %swap3A_582] {strides = array<i32>} : memref<26x128xi32, #tpu.memory_space<vmem>>, vector<16xi32>,
    tpu.vector_store %arg6[%swap3A_581, %swap3A_582], %add3A_579 {strides = array<i32>} : memref<26x128xi32, #tpu.memory_space<vmem>>, vector<16xi32>,
    %get3A_584 = arith.constant 6 : i32
    %get3A_585 = arith.index_cast %get3A_584 : i32 to index
    %get3A_586 = arith.constant 80 : index
    %get3A_587 = tpu.vector_load %arg5[%get3A_585, %get3A_586] {strides = array<i32>} : memref<32x128xi32, #tpu.memory_space<vmem>>, vector<16xi32>,
    %add3A_588 = arith.constant 300 : i32
    %add3A_589 = vector.broadcast %add3A_588 : i32 to vector<16xi32>
    %add3A_590 = arith.addi %get3A_587, %add3A_589 : vector<16xi32>
    %swap3A_591 = arith.constant 6 : i32
    %swap3A_592 = arith.index_cast %swap3A_591 : i32 to index
    %swap3A_593 = arith.constant 80 : index
    %swap3A_594 = tpu.vector_load %arg6[%swap3A_592, %swap3A_593] {strides = array<i32>} : memref<26x128xi32, #tpu.memory_space<vmem>>, vector<16xi32>,
    tpu.vector_store %arg6[%swap3A_592, %swap3A_593], %add3A_590 {strides = array<i32>} : memref<26x128xi32, #tpu.memory_space<vmem>>, vector<16xi32>,
    %get3A_595 = arith.constant 6 : i32
    %get3A_596 = arith.index_cast %get3A_595 : i32 to index
    %get3A_597 = arith.constant 96 : index
    %get3A_598 = tpu.vector_load %arg5[%get3A_596, %get3A_597] {strides = array<i32>} : memref<32x128xi32, #tpu.memory_space<vmem>>, vector<16xi32>,
    %add3A_599 = arith.constant 300 : i32
    %add3A_600 = vector.broadcast %add3A_599 : i32 to vector<16xi32>
    %add3A_601 = arith.addi %get3A_598, %add3A_600 : vector<16xi32>
    %swap3A_602 = arith.constant 6 : i32
    %swap3A_603 = arith.index_cast %swap3A_602 : i32 to index
    %swap3A_604 = arith.constant 96 : index
    %swap3A_605 = tpu.vector_load %arg6[%swap3A_603, %swap3A_604] {strides = array<i32>} : memref<26x128xi32, #tpu.memory_space<vmem>>, vector<16xi32>,
    tpu.vector_store %arg6[%swap3A_603, %swap3A_604], %add3A_601 {strides = array<i32>} : memref<26x128xi32, #tpu.memory_space<vmem>>, vector<16xi32>,
    %get3A_606 = arith.constant 6 : i32
    %get3A_607 = arith.index_cast %get3A_606 : i32 to index
    %get3A_608 = arith.constant 112 : index
    %get3A_609 = tpu.vector_load %arg5[%get3A_607, %get3A_608] {strides = array<i32>} : memref<32x128xi32, #tpu.memory_space<vmem>>, vector<16xi32>,
    %add3A_610 = arith.constant 300 : i32
    %add3A_611 = vector.broadcast %add3A_610 : i32 to vector<16xi32>
    %add3A_612 = arith.addi %get3A_609, %add3A_611 : vector<16xi32>
    %swap3A_613 = arith.constant 6 : i32
    %swap3A_614 = arith.index_cast %swap3A_613 : i32 to index
    %swap3A_615 = arith.constant 112 : index
    %swap3A_616 = tpu.vector_load %arg6[%swap3A_614, %swap3A_615] {strides = array<i32>} : memref<26x128xi32, #tpu.memory_space<vmem>>, vector<16xi32>,
    tpu.vector_store %arg6[%swap3A_614, %swap3A_615], %add3A_612 {strides = array<i32>} : memref<26x128xi32, #tpu.memory_space<vmem>>, vector<16xi32>,
    %get3A_617 = arith.constant 7 : i32
    %get3A_618 = arith.index_cast %get3A_617 : i32 to index
    %get3A_619 = arith.constant 0 : index
    %get3A_620 = tpu.vector_load %arg5[%get3A_618, %get3A_619] {strides = array<i32>} : memref<32x128xi32, #tpu.memory_space<vmem>>, vector<16xi32>,
    %add3A_621 = arith.constant 350 : i32
    %add3A_622 = vector.broadcast %add3A_621 : i32 to vector<16xi32>
    %add3A_623 = arith.addi %get3A_620, %add3A_622 : vector<16xi32>
    %swap3A_624 = arith.constant 7 : i32
    %swap3A_625 = arith.index_cast %swap3A_624 : i32 to index
    %swap3A_626 = arith.constant 0 : index
    %swap3A_627 = tpu.vector_load %arg6[%swap3A_625, %swap3A_626] {strides = array<i32>} : memref<26x128xi32, #tpu.memory_space<vmem>>, vector<16xi32>,
    tpu.vector_store %arg6[%swap3A_625, %swap3A_626], %add3A_623 {strides = array<i32>} : memref<26x128xi32, #tpu.memory_space<vmem>>, vector<16xi32>,
    %get3A_628 = arith.constant 7 : i32
    %get3A_629 = arith.index_cast %get3A_628 : i32 to index
    %get3A_630 = arith.constant 16 : index
    %get3A_631 = tpu.vector_load %arg5[%get3A_629, %get3A_630] {strides = array<i32>} : memref<32x128xi32, #tpu.memory_space<vmem>>, vector<16xi32>,
    %add3A_632 = arith.constant 350 : i32
    %add3A_633 = vector.broadcast %add3A_632 : i32 to vector<16xi32>
    %add3A_634 = arith.addi %get3A_631, %add3A_633 : vector<16xi32>
    %swap3A_635 = arith.constant 7 : i32
    %swap3A_636 = arith.index_cast %swap3A_635 : i32 to index
    %swap3A_637 = arith.constant 16 : index
    %swap3A_638 = tpu.vector_load %arg6[%swap3A_636, %swap3A_637] {strides = array<i32>} : memref<26x128xi32, #tpu.memory_space<vmem>>, vector<16xi32>,
    tpu.vector_store %arg6[%swap3A_636, %swap3A_637], %add3A_634 {strides = array<i32>} : memref<26x128xi32, #tpu.memory_space<vmem>>, vector<16xi32>,
    %get3A_639 = arith.constant 7 : i32
    %get3A_640 = arith.index_cast %get3A_639 : i32 to index
    %get3A_641 = arith.constant 32 : index
    %get3A_642 = tpu.vector_load %arg5[%get3A_640, %get3A_641] {strides = array<i32>} : memref<32x128xi32, #tpu.memory_space<vmem>>, vector<16xi32>,
    %add3A_643 = arith.constant 350 : i32
    %add3A_644 = vector.broadcast %add3A_643 : i32 to vector<16xi32>
    %add3A_645 = arith.addi %get3A_642, %add3A_644 : vector<16xi32>
    %swap3A_646 = arith.constant 7 : i32
    %swap3A_647 = arith.index_cast %swap3A_646 : i32 to index
    %swap3A_648 = arith.constant 32 : index
    %swap3A_649 = tpu.vector_load %arg6[%swap3A_647, %swap3A_648] {strides = array<i32>} : memref<26x128xi32, #tpu.memory_space<vmem>>, vector<16xi32>,
    tpu.vector_store %arg6[%swap3A_647, %swap3A_648], %add3A_645 {strides = array<i32>} : memref<26x128xi32, #tpu.memory_space<vmem>>, vector<16xi32>,
    %get3A_650 = arith.constant 7 : i32
    %get3A_651 = arith.index_cast %get3A_650 : i32 to index
    %get3A_652 = arith.constant 48 : index
    %get3A_653 = tpu.vector_load %arg5[%get3A_651, %get3A_652] {strides = array<i32>} : memref<32x128xi32, #tpu.memory_space<vmem>>, vector<16xi32>,
    %add3A_654 = arith.constant 350 : i32
    %add3A_655 = vector.broadcast %add3A_654 : i32 to vector<16xi32>
    %add3A_656 = arith.addi %get3A_653, %add3A_655 : vector<16xi32>
    %swap3A_657 = arith.constant 7 : i32
    %swap3A_658 = arith.index_cast %swap3A_657 : i32 to index
    %swap3A_659 = arith.constant 48 : index
    %swap3A_660 = tpu.vector_load %arg6[%swap3A_658, %swap3A_659] {strides = array<i32>} : memref<26x128xi32, #tpu.memory_space<vmem>>, vector<16xi32>,
    tpu.vector_store %arg6[%swap3A_658, %swap3A_659], %add3A_656 {strides = array<i32>} : memref<26x128xi32, #tpu.memory_space<vmem>>, vector<16xi32>,
    %get3A_661 = arith.constant 7 : i32
    %get3A_662 = arith.index_cast %get3A_661 : i32 to index
    %get3A_663 = arith.constant 64 : index
    %get3A_664 = tpu.vector_load %arg5[%get3A_662, %get3A_663] {strides = array<i32>} : memref<32x128xi32, #tpu.memory_space<vmem>>, vector<16xi32>,
    %add3A_665 = arith.constant 350 : i32
    %add3A_666 = vector.broadcast %add3A_665 : i32 to vector<16xi32>
    %add3A_667 = arith.addi %get3A_664, %add3A_666 : vector<16xi32>
    %swap3A_668 = arith.constant 7 : i32
    %swap3A_669 = arith.index_cast %swap3A_668 : i32 to index
    %swap3A_670 = arith.constant 64 : index
    %swap3A_671 = tpu.vector_load %arg6[%swap3A_669, %swap3A_670] {strides = array<i32>} : memref<26x128xi32, #tpu.memory_space<vmem>>, vector<16xi32>,
    tpu.vector_store %arg6[%swap3A_669, %swap3A_670], %add3A_667 {strides = array<i32>} : memref<26x128xi32, #tpu.memory_space<vmem>>, vector<16xi32>,
    %get3A_672 = arith.constant 7 : i32
    %get3A_673 = arith.index_cast %get3A_672 : i32 to index
    %get3A_674 = arith.constant 80 : index
    %get3A_675 = tpu.vector_load %arg5[%get3A_673, %get3A_674] {strides = array<i32>} : memref<32x128xi32, #tpu.memory_space<vmem>>, vector<16xi32>,
    %add3A_676 = arith.constant 350 : i32
    %add3A_677 = vector.broadcast %add3A_676 : i32 to vector<16xi32>
    %add3A_678 = arith.addi %get3A_675, %add3A_677 : vector<16xi32>
    %swap3A_679 = arith.constant 7 : i32
    %swap3A_680 = arith.index_cast %swap3A_679 : i32 to index
    %swap3A_681 = arith.constant 80 : index
    %swap3A_682 = tpu.vector_load %arg6[%swap3A_680, %swap3A_681] {strides = array<i32>} : memref<26x128xi32, #tpu.memory_space<vmem>>, vector<16xi32>,
    tpu.vector_store %arg6[%swap3A_680, %swap3A_681], %add3A_678 {strides = array<i32>} : memref<26x128xi32, #tpu.memory_space<vmem>>, vector<16xi32>,
    %get3A_683 = arith.constant 7 : i32
    %get3A_684 = arith.index_cast %get3A_683 : i32 to index
    %get3A_685 = arith.constant 96 : index
    %get3A_686 = tpu.vector_load %arg5[%get3A_684, %get3A_685] {strides = array<i32>} : memref<32x128xi32, #tpu.memory_space<vmem>>, vector<16xi32>,
    %add3A_687 = arith.constant 350 : i32
    %add3A_688 = vector.broadcast %add3A_687 : i32 to vector<16xi32>
    %add3A_689 = arith.addi %get3A_686, %add3A_688 : vector<16xi32>
    %swap3A_690 = arith.constant 7 : i32
    %swap3A_691 = arith.index_cast %swap3A_690 : i32 to index
    %swap3A_692 = arith.constant 96 : index
    %swap3A_693 = tpu.vector_load %arg6[%swap3A_691, %swap3A_692] {strides = array<i32>} : memref<26x128xi32, #tpu.memory_space<vmem>>, vector<16xi32>,
    tpu.vector_store %arg6[%swap3A_691, %swap3A_692], %add3A_689 {strides = array<i32>} : memref<26x128xi32, #tpu.memory_space<vmem>>, vector<16xi32>,
    %get3A_694 = arith.constant 7 : i32
    %get3A_695 = arith.index_cast %get3A_694 : i32 to index
    %get3A_696 = arith.constant 112 : index
    %get3A_697 = tpu.vector_load %arg5[%get3A_695, %get3A_696] {strides = array<i32>} : memref<32x128xi32, #tpu.memory_space<vmem>>, vector<16xi32>,
    %add3A_698 = arith.constant 350 : i32
    %add3A_699 = vector.broadcast %add3A_698 : i32 to vector<16xi32>
    %add3A_700 = arith.addi %get3A_697, %add3A_699 : vector<16xi32>
    %swap3A_701 = arith.constant 7 : i32
    %swap3A_702 = arith.index_cast %swap3A_701 : i32 to index
    %swap3A_703 = arith.constant 112 : index
    %swap3A_704 = tpu.vector_load %arg6[%swap3A_702, %swap3A_703] {strides = array<i32>} : memref<26x128xi32, #tpu.memory_space<vmem>>, vector<16xi32>,
    tpu.vector_store %arg6[%swap3A_702, %swap3A_703], %add3A_700 {strides = array<i32>} : memref<26x128xi32, #tpu.memory_space<vmem>>, vector<16xi32>,
    %get3A_705 = arith.constant 8 : i32
    %get3A_706 = arith.index_cast %get3A_705 : i32 to index
    %get3A_707 = arith.constant 0 : index
    %get3A_708 = tpu.vector_load %arg5[%get3A_706, %get3A_707] {strides = array<i32>} : memref<32x128xi32, #tpu.memory_space<vmem>>, vector<16xi32>,
    %add3A_709 = arith.constant 400 : i32
    %add3A_710 = vector.broadcast %add3A_709 : i32 to vector<16xi32>
    %add3A_711 = arith.addi %get3A_708, %add3A_710 : vector<16xi32>
    %swap3A_712 = arith.constant 8 : i32
    %swap3A_713 = arith.index_cast %swap3A_712 : i32 to index
    %swap3A_714 = arith.constant 0 : index
    %swap3A_715 = tpu.vector_load %arg6[%swap3A_713, %swap3A_714] {strides = array<i32>} : memref<26x128xi32, #tpu.memory_space<vmem>>, vector<16xi32>,
    tpu.vector_store %arg6[%swap3A_713, %swap3A_714], %add3A_711 {strides = array<i32>} : memref<26x128xi32, #tpu.memory_space<vmem>>, vector<16xi32>,
    %get3A_716 = arith.constant 8 : i32
    %get3A_717 = arith.index_cast %get3A_716 : i32 to index
    %get3A_718 = arith.constant 16 : index
    %get3A_719 = tpu.vector_load %arg5[%get3A_717, %get3A_718] {strides = array<i32>} : memref<32x128xi32, #tpu.memory_space<vmem>>, vector<16xi32>,
    %add3A_720 = arith.constant 400 : i32
    %add3A_721 = vector.broadcast %add3A_720 : i32 to vector<16xi32>
    %add3A_722 = arith.addi %get3A_719, %add3A_721 : vector<16xi32>
    %swap3A_723 = arith.constant 8 : i32
    %swap3A_724 = arith.index_cast %swap3A_723 : i32 to index
    %swap3A_725 = arith.constant 16 : index
    %swap3A_726 = tpu.vector_load %arg6[%swap3A_724, %swap3A_725] {strides = array<i32>} : memref<26x128xi32, #tpu.memory_space<vmem>>, vector<16xi32>,
    tpu.vector_store %arg6[%swap3A_724, %swap3A_725], %add3A_722 {strides = array<i32>} : memref<26x128xi32, #tpu.memory_space<vmem>>, vector<16xi32>,
    %get3A_727 = arith.constant 8 : i32
    %get3A_728 = arith.index_cast %get3A_727 : i32 to index
    %get3A_729 = arith.constant 32 : index
    %get3A_730 = tpu.vector_load %arg5[%get3A_728, %get3A_729] {strides = array<i32>} : memref<32x128xi32, #tpu.memory_space<vmem>>, vector<16xi32>,
    %add3A_731 = arith.constant 400 : i32
    %add3A_732 = vector.broadcast %add3A_731 : i32 to vector<16xi32>
    %add3A_733 = arith.addi %get3A_730, %add3A_732 : vector<16xi32>
    %swap3A_734 = arith.constant 8 : i32
    %swap3A_735 = arith.index_cast %swap3A_734 : i32 to index
    %swap3A_736 = arith.constant 32 : index
    %swap3A_737 = tpu.vector_load %arg6[%swap3A_735, %swap3A_736] {strides = array<i32>} : memref<26x128xi32, #tpu.memory_space<vmem>>, vector<16xi32>,
    tpu.vector_store %arg6[%swap3A_735, %swap3A_736], %add3A_733 {strides = array<i32>} : memref<26x128xi32, #tpu.memory_space<vmem>>, vector<16xi32>,
    %get3A_738 = arith.constant 8 : i32
    %get3A_739 = arith.index_cast %get3A_738 : i32 to index
    %get3A_740 = arith.constant 48 : index
    %get3A_741 = tpu.vector_load %arg5[%get3A_739, %get3A_740] {strides = array<i32>} : memref<32x128xi32, #tpu.memory_space<vmem>>, vector<16xi32>,
    %add3A_742 = arith.constant 400 : i32
    %add3A_743 = vector.broadcast %add3A_742 : i32 to vector<16xi32>
    %add3A_744 = arith.addi %get3A_741, %add3A_743 : vector<16xi32>
    %swap3A_745 = arith.constant 8 : i32
    %swap3A_746 = arith.index_cast %swap3A_745 : i32 to index
    %swap3A_747 = arith.constant 48 : index
    %swap3A_748 = tpu.vector_load %arg6[%swap3A_746, %swap3A_747] {strides = array<i32>} : memref<26x128xi32, #tpu.memory_space<vmem>>, vector<16xi32>,
    tpu.vector_store %arg6[%swap3A_746, %swap3A_747], %add3A_744 {strides = array<i32>} : memref<26x128xi32, #tpu.memory_space<vmem>>, vector<16xi32>,
    %get3A_749 = arith.constant 8 : i32
    %get3A_750 = arith.index_cast %get3A_749 : i32 to index
    %get3A_751 = arith.constant 64 : index
    %get3A_752 = tpu.vector_load %arg5[%get3A_750, %get3A_751] {strides = array<i32>} : memref<32x128xi32, #tpu.memory_space<vmem>>, vector<16xi32>,
    %add3A_753 = arith.constant 400 : i32
    %add3A_754 = vector.broadcast %add3A_753 : i32 to vector<16xi32>
    %add3A_755 = arith.addi %get3A_752, %add3A_754 : vector<16xi32>
    %swap3A_756 = arith.constant 8 : i32
    %swap3A_757 = arith.index_cast %swap3A_756 : i32 to index
    %swap3A_758 = arith.constant 64 : index
    %swap3A_759 = tpu.vector_load %arg6[%swap3A_757, %swap3A_758] {strides = array<i32>} : memref<26x128xi32, #tpu.memory_space<vmem>>, vector<16xi32>,
    tpu.vector_store %arg6[%swap3A_757, %swap3A_758], %add3A_755 {strides = array<i32>} : memref<26x128xi32, #tpu.memory_space<vmem>>, vector<16xi32>,
    %get3A_760 = arith.constant 8 : i32
    %get3A_761 = arith.index_cast %get3A_760 : i32 to index
    %get3A_762 = arith.constant 80 : index
    %get3A_763 = tpu.vector_load %arg5[%get3A_761, %get3A_762] {strides = array<i32>} : memref<32x128xi32, #tpu.memory_space<vmem>>, vector<16xi32>,
    %add3A_764 = arith.constant 400 : i32
    %add3A_765 = vector.broadcast %add3A_764 : i32 to vector<16xi32>
    %add3A_766 = arith.addi %get3A_763, %add3A_765 : vector<16xi32>
    %swap3A_767 = arith.constant 8 : i32
    %swap3A_768 = arith.index_cast %swap3A_767 : i32 to index
    %swap3A_769 = arith.constant 80 : index
    %swap3A_770 = tpu.vector_load %arg6[%swap3A_768, %swap3A_769] {strides = array<i32>} : memref<26x128xi32, #tpu.memory_space<vmem>>, vector<16xi32>,
    tpu.vector_store %arg6[%swap3A_768, %swap3A_769], %add3A_766 {strides = array<i32>} : memref<26x128xi32, #tpu.memory_space<vmem>>, vector<16xi32>,
    %get3A_771 = arith.constant 8 : i32
    %get3A_772 = arith.index_cast %get3A_771 : i32 to index
    %get3A_773 = arith.constant 96 : index
    %get3A_774 = tpu.vector_load %arg5[%get3A_772, %get3A_773] {strides = array<i32>} : memref<32x128xi32, #tpu.memory_space<vmem>>, vector<16xi32>,
    %add3A_775 = arith.constant 400 : i32
    %add3A_776 = vector.broadcast %add3A_775 : i32 to vector<16xi32>
    %add3A_777 = arith.addi %get3A_774, %add3A_776 : vector<16xi32>
    %swap3A_778 = arith.constant 8 : i32
    %swap3A_779 = arith.index_cast %swap3A_778 : i32 to index
    %swap3A_780 = arith.constant 96 : index
    %swap3A_781 = tpu.vector_load %arg6[%swap3A_779, %swap3A_780] {strides = array<i32>} : memref<26x128xi32, #tpu.memory_space<vmem>>, vector<16xi32>,
    tpu.vector_store %arg6[%swap3A_779, %swap3A_780], %add3A_777 {strides = array<i32>} : memref<26x128xi32, #tpu.memory_space<vmem>>, vector<16xi32>,
    %get3A_782 = arith.constant 8 : i32
    %get3A_783 = arith.index_cast %get3A_782 : i32 to index
    %get3A_784 = arith.constant 112 : index
    %get3A_785 = tpu.vector_load %arg5[%get3A_783, %get3A_784] {strides = array<i32>} : memref<32x128xi32, #tpu.memory_space<vmem>>, vector<16xi32>,
    %add3A_786 = arith.constant 400 : i32
    %add3A_787 = vector.broadcast %add3A_786 : i32 to vector<16xi32>
    %add3A_788 = arith.addi %get3A_785, %add3A_787 : vector<16xi32>
    %swap3A_789 = arith.constant 8 : i32
    %swap3A_790 = arith.index_cast %swap3A_789 : i32 to index
    %swap3A_791 = arith.constant 112 : index
    %swap3A_792 = tpu.vector_load %arg6[%swap3A_790, %swap3A_791] {strides = array<i32>} : memref<26x128xi32, #tpu.memory_space<vmem>>, vector<16xi32>,
    tpu.vector_store %arg6[%swap3A_790, %swap3A_791], %add3A_788 {strides = array<i32>} : memref<26x128xi32, #tpu.memory_space<vmem>>, vector<16xi32>,
    %get3A_793 = arith.constant 9 : i32
    %get3A_794 = arith.index_cast %get3A_793 : i32 to index
    %get3A_795 = arith.constant 0 : index
    %get3A_796 = tpu.vector_load %arg5[%get3A_794, %get3A_795] {strides = array<i32>} : memref<32x128xi32, #tpu.memory_space<vmem>>, vector<16xi32>,
    %add3A_797 = arith.constant 450 : i32
    %add3A_798 = vector.broadcast %add3A_797 : i32 to vector<16xi32>
    %add3A_799 = arith.addi %get3A_796, %add3A_798 : vector<16xi32>
    %swap3A_800 = arith.constant 9 : i32
    %swap3A_801 = arith.index_cast %swap3A_800 : i32 to index
    %swap3A_802 = arith.constant 0 : index
    %swap3A_803 = tpu.vector_load %arg6[%swap3A_801, %swap3A_802] {strides = array<i32>} : memref<26x128xi32, #tpu.memory_space<vmem>>, vector<16xi32>,
    tpu.vector_store %arg6[%swap3A_801, %swap3A_802], %add3A_799 {strides = array<i32>} : memref<26x128xi32, #tpu.memory_space<vmem>>, vector<16xi32>,
    %get3A_804 = arith.constant 9 : i32
    %get3A_805 = arith.index_cast %get3A_804 : i32 to index
    %get3A_806 = arith.constant 16 : index
    %get3A_807 = tpu.vector_load %arg5[%get3A_805, %get3A_806] {strides = array<i32>} : memref<32x128xi32, #tpu.memory_space<vmem>>, vector<16xi32>,
    %add3A_808 = arith.constant 450 : i32
    %add3A_809 = vector.broadcast %add3A_808 : i32 to vector<16xi32>
    %add3A_810 = arith.addi %get3A_807, %add3A_809 : vector<16xi32>
    %swap3A_811 = arith.constant 9 : i32
    %swap3A_812 = arith.index_cast %swap3A_811 : i32 to index
    %swap3A_813 = arith.constant 16 : index
    %swap3A_814 = tpu.vector_load %arg6[%swap3A_812, %swap3A_813] {strides = array<i32>} : memref<26x128xi32, #tpu.memory_space<vmem>>, vector<16xi32>,
    tpu.vector_store %arg6[%swap3A_812, %swap3A_813], %add3A_810 {strides = array<i32>} : memref<26x128xi32, #tpu.memory_space<vmem>>, vector<16xi32>,
    %get3A_815 = arith.constant 9 : i32
    %get3A_816 = arith.index_cast %get3A_815 : i32 to index
    %get3A_817 = arith.constant 32 : index
    %get3A_818 = tpu.vector_load %arg5[%get3A_816, %get3A_817] {strides = array<i32>} : memref<32x128xi32, #tpu.memory_space<vmem>>, vector<16xi32>,
    %add3A_819 = arith.constant 450 : i32
    %add3A_820 = vector.broadcast %add3A_819 : i32 to vector<16xi32>
    %add3A_821 = arith.addi %get3A_818, %add3A_820 : vector<16xi32>
    %swap3A_822 = arith.constant 9 : i32
    %swap3A_823 = arith.index_cast %swap3A_822 : i32 to index
    %swap3A_824 = arith.constant 32 : index
    %swap3A_825 = tpu.vector_load %arg6[%swap3A_823, %swap3A_824] {strides = array<i32>} : memref<26x128xi32, #tpu.memory_space<vmem>>, vector<16xi32>,
    tpu.vector_store %arg6[%swap3A_823, %swap3A_824], %add3A_821 {strides = array<i32>} : memref<26x128xi32, #tpu.memory_space<vmem>>, vector<16xi32>,
    %get3A_826 = arith.constant 9 : i32
    %get3A_827 = arith.index_cast %get3A_826 : i32 to index
    %get3A_828 = arith.constant 48 : index
    %get3A_829 = tpu.vector_load %arg5[%get3A_827, %get3A_828] {strides = array<i32>} : memref<32x128xi32, #tpu.memory_space<vmem>>, vector<16xi32>,
    %add3A_830 = arith.constant 450 : i32
    %add3A_831 = vector.broadcast %add3A_830 : i32 to vector<16xi32>
    %add3A_832 = arith.addi %get3A_829, %add3A_831 : vector<16xi32>
    %swap3A_833 = arith.constant 9 : i32
    %swap3A_834 = arith.index_cast %swap3A_833 : i32 to index
    %swap3A_835 = arith.constant 48 : index
    %swap3A_836 = tpu.vector_load %arg6[%swap3A_834, %swap3A_835] {strides = array<i32>} : memref<26x128xi32, #tpu.memory_space<vmem>>, vector<16xi32>,
    tpu.vector_store %arg6[%swap3A_834, %swap3A_835], %add3A_832 {strides = array<i32>} : memref<26x128xi32, #tpu.memory_space<vmem>>, vector<16xi32>,
    %get3A_837 = arith.constant 9 : i32
    %get3A_838 = arith.index_cast %get3A_837 : i32 to index
    %get3A_839 = arith.constant 64 : index
    %get3A_840 = tpu.vector_load %arg5[%get3A_838, %get3A_839] {strides = array<i32>} : memref<32x128xi32, #tpu.memory_space<vmem>>, vector<16xi32>,
    %add3A_841 = arith.constant 450 : i32
    %add3A_842 = vector.broadcast %add3A_841 : i32 to vector<16xi32>
    %add3A_843 = arith.addi %get3A_840, %add3A_842 : vector<16xi32>
    %swap3A_844 = arith.constant 9 : i32
    %swap3A_845 = arith.index_cast %swap3A_844 : i32 to index
    %swap3A_846 = arith.constant 64 : index
    %swap3A_847 = tpu.vector_load %arg6[%swap3A_845, %swap3A_846] {strides = array<i32>} : memref<26x128xi32, #tpu.memory_space<vmem>>, vector<16xi32>,
    tpu.vector_store %arg6[%swap3A_845, %swap3A_846], %add3A_843 {strides = array<i32>} : memref<26x128xi32, #tpu.memory_space<vmem>>, vector<16xi32>,
    %get3A_848 = arith.constant 9 : i32
    %get3A_849 = arith.index_cast %get3A_848 : i32 to index
    %get3A_850 = arith.constant 80 : index
    %get3A_851 = tpu.vector_load %arg5[%get3A_849, %get3A_850] {strides = array<i32>} : memref<32x128xi32, #tpu.memory_space<vmem>>, vector<16xi32>,
    %add3A_852 = arith.constant 450 : i32
    %add3A_853 = vector.broadcast %add3A_852 : i32 to vector<16xi32>
    %add3A_854 = arith.addi %get3A_851, %add3A_853 : vector<16xi32>
    %swap3A_855 = arith.constant 9 : i32
    %swap3A_856 = arith.index_cast %swap3A_855 : i32 to index
    %swap3A_857 = arith.constant 80 : index
    %swap3A_858 = tpu.vector_load %arg6[%swap3A_856, %swap3A_857] {strides = array<i32>} : memref<26x128xi32, #tpu.memory_space<vmem>>, vector<16xi32>,
    tpu.vector_store %arg6[%swap3A_856, %swap3A_857], %add3A_854 {strides = array<i32>} : memref<26x128xi32, #tpu.memory_space<vmem>>, vector<16xi32>,
    %get3A_859 = arith.constant 9 : i32
    %get3A_860 = arith.index_cast %get3A_859 : i32 to index
    %get3A_861 = arith.constant 96 : index
    %get3A_862 = tpu.vector_load %arg5[%get3A_860, %get3A_861] {strides = array<i32>} : memref<32x128xi32, #tpu.memory_space<vmem>>, vector<16xi32>,
    %add3A_863 = arith.constant 450 : i32
    %add3A_864 = vector.broadcast %add3A_863 : i32 to vector<16xi32>
    %add3A_865 = arith.addi %get3A_862, %add3A_864 : vector<16xi32>
    %swap3A_866 = arith.constant 9 : i32
    %swap3A_867 = arith.index_cast %swap3A_866 : i32 to index
    %swap3A_868 = arith.constant 96 : index
    %swap3A_869 = tpu.vector_load %arg6[%swap3A_867, %swap3A_868] {strides = array<i32>} : memref<26x128xi32, #tpu.memory_space<vmem>>, vector<16xi32>,
    tpu.vector_store %arg6[%swap3A_867, %swap3A_868], %add3A_865 {strides = array<i32>} : memref<26x128xi32, #tpu.memory_space<vmem>>, vector<16xi32>,
    %get3A_870 = arith.constant 9 : i32
    %get3A_871 = arith.index_cast %get3A_870 : i32 to index
    %get3A_872 = arith.constant 112 : index
    %get3A_873 = tpu.vector_load %arg5[%get3A_871, %get3A_872] {strides = array<i32>} : memref<32x128xi32, #tpu.memory_space<vmem>>, vector<16xi32>,
    %add3A_874 = arith.constant 450 : i32
    %add3A_875 = vector.broadcast %add3A_874 : i32 to vector<16xi32>
    %add3A_876 = arith.addi %get3A_873, %add3A_875 : vector<16xi32>
    %swap3A_877 = arith.constant 9 : i32
    %swap3A_878 = arith.index_cast %swap3A_877 : i32 to index
    %swap3A_879 = arith.constant 112 : index
    %swap3A_880 = tpu.vector_load %arg6[%swap3A_878, %swap3A_879] {strides = array<i32>} : memref<26x128xi32, #tpu.memory_space<vmem>>, vector<16xi32>,
    tpu.vector_store %arg6[%swap3A_878, %swap3A_879], %add3A_876 {strides = array<i32>} : memref<26x128xi32, #tpu.memory_space<vmem>>, vector<16xi32>,
    %get3A_881 = arith.constant 10 : i32
    %get3A_882 = arith.index_cast %get3A_881 : i32 to index
    %get3A_883 = arith.constant 0 : index
    %get3A_884 = tpu.vector_load %arg5[%get3A_882, %get3A_883] {strides = array<i32>} : memref<32x128xi32, #tpu.memory_space<vmem>>, vector<16xi32>,
    %add3A_885 = arith.constant 500 : i32
    %add3A_886 = vector.broadcast %add3A_885 : i32 to vector<16xi32>
    %add3A_887 = arith.addi %get3A_884, %add3A_886 : vector<16xi32>
    %swap3A_888 = arith.constant 10 : i32
    %swap3A_889 = arith.index_cast %swap3A_888 : i32 to index
    %swap3A_890 = arith.constant 0 : index
    %swap3A_891 = tpu.vector_load %arg6[%swap3A_889, %swap3A_890] {strides = array<i32>} : memref<26x128xi32, #tpu.memory_space<vmem>>, vector<16xi32>,
    tpu.vector_store %arg6[%swap3A_889, %swap3A_890], %add3A_887 {strides = array<i32>} : memref<26x128xi32, #tpu.memory_space<vmem>>, vector<16xi32>,
    %get3A_892 = arith.constant 10 : i32
    %get3A_893 = arith.index_cast %get3A_892 : i32 to index
    %get3A_894 = arith.constant 16 : index
    %get3A_895 = tpu.vector_load %arg5[%get3A_893, %get3A_894] {strides = array<i32>} : memref<32x128xi32, #tpu.memory_space<vmem>>, vector<16xi32>,
    %add3A_896 = arith.constant 500 : i32
    %add3A_897 = vector.broadcast %add3A_896 : i32 to vector<16xi32>
    %add3A_898 = arith.addi %get3A_895, %add3A_897 : vector<16xi32>
    %swap3A_899 = arith.constant 10 : i32
    %swap3A_900 = arith.index_cast %swap3A_899 : i32 to index
    %swap3A_901 = arith.constant 16 : index
    %swap3A_902 = tpu.vector_load %arg6[%swap3A_900, %swap3A_901] {strides = array<i32>} : memref<26x128xi32, #tpu.memory_space<vmem>>, vector<16xi32>,
    tpu.vector_store %arg6[%swap3A_900, %swap3A_901], %add3A_898 {strides = array<i32>} : memref<26x128xi32, #tpu.memory_space<vmem>>, vector<16xi32>,
    %get3A_903 = arith.constant 10 : i32
    %get3A_904 = arith.index_cast %get3A_903 : i32 to index
    %get3A_905 = arith.constant 32 : index
    %get3A_906 = tpu.vector_load %arg5[%get3A_904, %get3A_905] {strides = array<i32>} : memref<32x128xi32, #tpu.memory_space<vmem>>, vector<16xi32>,
    %add3A_907 = arith.constant 500 : i32
    %add3A_908 = vector.broadcast %add3A_907 : i32 to vector<16xi32>
    %add3A_909 = arith.addi %get3A_906, %add3A_908 : vector<16xi32>
    %swap3A_910 = arith.constant 10 : i32
    %swap3A_911 = arith.index_cast %swap3A_910 : i32 to index
    %swap3A_912 = arith.constant 32 : index
    %swap3A_913 = tpu.vector_load %arg6[%swap3A_911, %swap3A_912] {strides = array<i32>} : memref<26x128xi32, #tpu.memory_space<vmem>>, vector<16xi32>,
    tpu.vector_store %arg6[%swap3A_911, %swap3A_912], %add3A_909 {strides = array<i32>} : memref<26x128xi32, #tpu.memory_space<vmem>>, vector<16xi32>,
    %get3A_914 = arith.constant 10 : i32
    %get3A_915 = arith.index_cast %get3A_914 : i32 to index
    %get3A_916 = arith.constant 48 : index
    %get3A_917 = tpu.vector_load %arg5[%get3A_915, %get3A_916] {strides = array<i32>} : memref<32x128xi32, #tpu.memory_space<vmem>>, vector<16xi32>,
    %add3A_918 = arith.constant 500 : i32
    %add3A_919 = vector.broadcast %add3A_918 : i32 to vector<16xi32>
    %add3A_920 = arith.addi %get3A_917, %add3A_919 : vector<16xi32>
    %swap3A_921 = arith.constant 10 : i32
    %swap3A_922 = arith.index_cast %swap3A_921 : i32 to index
    %swap3A_923 = arith.constant 48 : index
    %swap3A_924 = tpu.vector_load %arg6[%swap3A_922, %swap3A_923] {strides = array<i32>} : memref<26x128xi32, #tpu.memory_space<vmem>>, vector<16xi32>,
    tpu.vector_store %arg6[%swap3A_922, %swap3A_923], %add3A_920 {strides = array<i32>} : memref<26x128xi32, #tpu.memory_space<vmem>>, vector<16xi32>,
    %get3A_925 = arith.constant 10 : i32
    %get3A_926 = arith.index_cast %get3A_925 : i32 to index
    %get3A_927 = arith.constant 64 : index
    %get3A_928 = tpu.vector_load %arg5[%get3A_926, %get3A_927] {strides = array<i32>} : memref<32x128xi32, #tpu.memory_space<vmem>>, vector<16xi32>,
    %add3A_929 = arith.constant 500 : i32
    %add3A_930 = vector.broadcast %add3A_929 : i32 to vector<16xi32>
    %add3A_931 = arith.addi %get3A_928, %add3A_930 : vector<16xi32>
    %swap3A_932 = arith.constant 10 : i32
    %swap3A_933 = arith.index_cast %swap3A_932 : i32 to index
    %swap3A_934 = arith.constant 64 : index
    %swap3A_935 = tpu.vector_load %arg6[%swap3A_933, %swap3A_934] {strides = array<i32>} : memref<26x128xi32, #tpu.memory_space<vmem>>, vector<16xi32>,
    tpu.vector_store %arg6[%swap3A_933, %swap3A_934], %add3A_931 {strides = array<i32>} : memref<26x128xi32, #tpu.memory_space<vmem>>, vector<16xi32>,
    %get3A_936 = arith.constant 10 : i32
    %get3A_937 = arith.index_cast %get3A_936 : i32 to index
    %get3A_938 = arith.constant 80 : index
    %get3A_939 = tpu.vector_load %arg5[%get3A_937, %get3A_938] {strides = array<i32>} : memref<32x128xi32, #tpu.memory_space<vmem>>, vector<16xi32>,
    %add3A_940 = arith.constant 500 : i32
    %add3A_941 = vector.broadcast %add3A_940 : i32 to vector<16xi32>
    %add3A_942 = arith.addi %get3A_939, %add3A_941 : vector<16xi32>
    %swap3A_943 = arith.constant 10 : i32
    %swap3A_944 = arith.index_cast %swap3A_943 : i32 to index
    %swap3A_945 = arith.constant 80 : index
    %swap3A_946 = tpu.vector_load %arg6[%swap3A_944, %swap3A_945] {strides = array<i32>} : memref<26x128xi32, #tpu.memory_space<vmem>>, vector<16xi32>,
    tpu.vector_store %arg6[%swap3A_944, %swap3A_945], %add3A_942 {strides = array<i32>} : memref<26x128xi32, #tpu.memory_space<vmem>>, vector<16xi32>,
    %get3A_947 = arith.constant 10 : i32
    %get3A_948 = arith.index_cast %get3A_947 : i32 to index
    %get3A_949 = arith.constant 96 : index
    %get3A_950 = tpu.vector_load %arg5[%get3A_948, %get3A_949] {strides = array<i32>} : memref<32x128xi32, #tpu.memory_space<vmem>>, vector<16xi32>,
    %add3A_951 = arith.constant 500 : i32
    %add3A_952 = vector.broadcast %add3A_951 : i32 to vector<16xi32>
    %add3A_953 = arith.addi %get3A_950, %add3A_952 : vector<16xi32>
    %swap3A_954 = arith.constant 10 : i32
    %swap3A_955 = arith.index_cast %swap3A_954 : i32 to index
    %swap3A_956 = arith.constant 96 : index
    %swap3A_957 = tpu.vector_load %arg6[%swap3A_955, %swap3A_956] {strides = array<i32>} : memref<26x128xi32, #tpu.memory_space<vmem>>, vector<16xi32>,
    tpu.vector_store %arg6[%swap3A_955, %swap3A_956], %add3A_953 {strides = array<i32>} : memref<26x128xi32, #tpu.memory_space<vmem>>, vector<16xi32>,
    %get3A_958 = arith.constant 10 : i32
    %get3A_959 = arith.index_cast %get3A_958 : i32 to index
    %get3A_960 = arith.constant 112 : index
    %get3A_961 = tpu.vector_load %arg5[%get3A_959, %get3A_960] {strides = array<i32>} : memref<32x128xi32, #tpu.memory_space<vmem>>, vector<16xi32>,
    %add3A_962 = arith.constant 500 : i32
    %add3A_963 = vector.broadcast %add3A_962 : i32 to vector<16xi32>
    %add3A_964 = arith.addi %get3A_961, %add3A_963 : vector<16xi32>
    %swap3A_965 = arith.constant 10 : i32
    %swap3A_966 = arith.index_cast %swap3A_965 : i32 to index
    %swap3A_967 = arith.constant 112 : index
    %swap3A_968 = tpu.vector_load %arg6[%swap3A_966, %swap3A_967] {strides = array<i32>} : memref<26x128xi32, #tpu.memory_space<vmem>>, vector<16xi32>,
    tpu.vector_store %arg6[%swap3A_966, %swap3A_967], %add3A_964 {strides = array<i32>} : memref<26x128xi32, #tpu.memory_space<vmem>>, vector<16xi32>,
    %get3A_969 = arith.constant 11 : i32
    %get3A_970 = arith.index_cast %get3A_969 : i32 to index
    %get3A_971 = arith.constant 0 : index
    %get3A_972 = tpu.vector_load %arg5[%get3A_970, %get3A_971] {strides = array<i32>} : memref<32x128xi32, #tpu.memory_space<vmem>>, vector<16xi32>,
    %add3A_973 = arith.constant 550 : i32
    %add3A_974 = vector.broadcast %add3A_973 : i32 to vector<16xi32>
    %add3A_975 = arith.addi %get3A_972, %add3A_974 : vector<16xi32>
    %swap3A_976 = arith.constant 11 : i32
    %swap3A_977 = arith.index_cast %swap3A_976 : i32 to index
    %swap3A_978 = arith.constant 0 : index
    %swap3A_979 = tpu.vector_load %arg6[%swap3A_977, %swap3A_978] {strides = array<i32>} : memref<26x128xi32, #tpu.memory_space<vmem>>, vector<16xi32>,
    tpu.vector_store %arg6[%swap3A_977, %swap3A_978], %add3A_975 {strides = array<i32>} : memref<26x128xi32, #tpu.memory_space<vmem>>, vector<16xi32>,
    %get3A_980 = arith.constant 11 : i32
    %get3A_981 = arith.index_cast %get3A_980 : i32 to index
    %get3A_982 = arith.constant 16 : index
    %get3A_983 = tpu.vector_load %arg5[%get3A_981, %get3A_982] {strides = array<i32>} : memref<32x128xi32, #tpu.memory_space<vmem>>, vector<16xi32>,
    %add3A_984 = arith.constant 550 : i32
    %add3A_985 = vector.broadcast %add3A_984 : i32 to vector<16xi32>
    %add3A_986 = arith.addi %get3A_983, %add3A_985 : vector<16xi32>
    %swap3A_987 = arith.constant 11 : i32
    %swap3A_988 = arith.index_cast %swap3A_987 : i32 to index
    %swap3A_989 = arith.constant 16 : index
    %swap3A_990 = tpu.vector_load %arg6[%swap3A_988, %swap3A_989] {strides = array<i32>} : memref<26x128xi32, #tpu.memory_space<vmem>>, vector<16xi32>,
    tpu.vector_store %arg6[%swap3A_988, %swap3A_989], %add3A_986 {strides = array<i32>} : memref<26x128xi32, #tpu.memory_space<vmem>>, vector<16xi32>,
    %get3A_991 = arith.constant 11 : i32
    %get3A_992 = arith.index_cast %get3A_991 : i32 to index
    %get3A_993 = arith.constant 32 : index
    %get3A_994 = tpu.vector_load %arg5[%get3A_992, %get3A_993] {strides = array<i32>} : memref<32x128xi32, #tpu.memory_space<vmem>>, vector<16xi32>,
    %add3A_995 = arith.constant 550 : i32
    %add3A_996 = vector.broadcast %add3A_995 : i32 to vector<16xi32>
    %add3A_997 = arith.addi %get3A_994, %add3A_996 : vector<16xi32>
    %swap3A_998 = arith.constant 11 : i32
    %swap3A_999 = arith.index_cast %swap3A_998 : i32 to index
    %swap3A_1000 = arith.constant 32 : index
    %swap3A_1001 = tpu.vector_load %arg6[%swap3A_999, %swap3A_1000] {strides = array<i32>} : memref<26x128xi32, #tpu.memory_space<vmem>>, vector<16xi32>,
    tpu.vector_store %arg6[%swap3A_999, %swap3A_1000], %add3A_997 {strides = array<i32>} : memref<26x128xi32, #tpu.memory_space<vmem>>, vector<16xi32>,
    %get3A_1002 = arith.constant 11 : i32
    %get3A_1003 = arith.index_cast %get3A_1002 : i32 to index
    %get3A_1004 = arith.constant 48 : index
    %get3A_1005 = tpu.vector_load %arg5[%get3A_1003, %get3A_1004] {strides = array<i32>} : memref<32x128xi32, #tpu.memory_space<vmem>>, vector<16xi32>,
    %add3A_1006 = arith.constant 550 : i32
    %add3A_1007 = vector.broadcast %add3A_1006 : i32 to vector<16xi32>
    %add3A_1008 = arith.addi %get3A_1005, %add3A_1007 : vector<16xi32>
    %swap3A_1009 = arith.constant 11 : i32
    %swap3A_1010 = arith.index_cast %swap3A_1009 : i32 to index
    %swap3A_1011 = arith.constant 48 : index
    %swap3A_1012 = tpu.vector_load %arg6[%swap3A_1010, %swap3A_1011] {strides = array<i32>} : memref<26x128xi32, #tpu.memory_space<vmem>>, vector<16xi32>,
    tpu.vector_store %arg6[%swap3A_1010, %swap3A_1011], %add3A_1008 {strides = array<i32>} : memref<26x128xi32, #tpu.memory_space<vmem>>, vector<16xi32>,
    %get3A_1013 = arith.constant 11 : i32
    %get3A_1014 = arith.index_cast %get3A_1013 : i32 to index
    %get3A_1015 = arith.constant 64 : index
    %get3A_1016 = tpu.vector_load %arg5[%get3A_1014, %get3A_1015] {strides = array<i32>} : memref<32x128xi32, #tpu.memory_space<vmem>>, vector<16xi32>,
    %add3A_1017 = arith.constant 550 : i32
    %add3A_1018 = vector.broadcast %add3A_1017 : i32 to vector<16xi32>
    %add3A_1019 = arith.addi %get3A_1016, %add3A_1018 : vector<16xi32>
    %swap3A_1020 = arith.constant 11 : i32
    %swap3A_1021 = arith.index_cast %swap3A_1020 : i32 to index
    %swap3A_1022 = arith.constant 64 : index
    %swap3A_1023 = tpu.vector_load %arg6[%swap3A_1021, %swap3A_1022] {strides = array<i32>} : memref<26x128xi32, #tpu.memory_space<vmem>>, vector<16xi32>,
    tpu.vector_store %arg6[%swap3A_1021, %swap3A_1022], %add3A_1019 {strides = array<i32>} : memref<26x128xi32, #tpu.memory_space<vmem>>, vector<16xi32>,
    %get3A_1024 = arith.constant 11 : i32
    %get3A_1025 = arith.index_cast %get3A_1024 : i32 to index
    %get3A_1026 = arith.constant 80 : index
    %get3A_1027 = tpu.vector_load %arg5[%get3A_1025, %get3A_1026] {strides = array<i32>} : memref<32x128xi32, #tpu.memory_space<vmem>>, vector<16xi32>,
    %add3A_1028 = arith.constant 550 : i32
    %add3A_1029 = vector.broadcast %add3A_1028 : i32 to vector<16xi32>
    %add3A_1030 = arith.addi %get3A_1027, %add3A_1029 : vector<16xi32>
    %swap3A_1031 = arith.constant 11 : i32
    %swap3A_1032 = arith.index_cast %swap3A_1031 : i32 to index
    %swap3A_1033 = arith.constant 80 : index
    %swap3A_1034 = tpu.vector_load %arg6[%swap3A_1032, %swap3A_1033] {strides = array<i32>} : memref<26x128xi32, #tpu.memory_space<vmem>>, vector<16xi32>,
    tpu.vector_store %arg6[%swap3A_1032, %swap3A_1033], %add3A_1030 {strides = array<i32>} : memref<26x128xi32, #tpu.memory_space<vmem>>, vector<16xi32>,
    %get3A_1035 = arith.constant 11 : i32
    %get3A_1036 = arith.index_cast %get3A_1035 : i32 to index
    %get3A_1037 = arith.constant 96 : index
    %get3A_1038 = tpu.vector_load %arg5[%get3A_1036, %get3A_1037] {strides = array<i32>} : memref<32x128xi32, #tpu.memory_space<vmem>>, vector<16xi32>,
    %add3A_1039 = arith.constant 550 : i32
    %add3A_1040 = vector.broadcast %add3A_1039 : i32 to vector<16xi32>
    %add3A_1041 = arith.addi %get3A_1038, %add3A_1040 : vector<16xi32>
    %swap3A_1042 = arith.constant 11 : i32
    %swap3A_1043 = arith.index_cast %swap3A_1042 : i32 to index
    %swap3A_1044 = arith.constant 96 : index
    %swap3A_1045 = tpu.vector_load %arg6[%swap3A_1043, %swap3A_1044] {strides = array<i32>} : memref<26x128xi32, #tpu.memory_space<vmem>>, vector<16xi32>,
    tpu.vector_store %arg6[%swap3A_1043, %swap3A_1044], %add3A_1041 {strides = array<i32>} : memref<26x128xi32, #tpu.memory_space<vmem>>, vector<16xi32>,
    %get3A_1046 = arith.constant 11 : i32
    %get3A_1047 = arith.index_cast %get3A_1046 : i32 to index
    %get3A_1048 = arith.constant 112 : index
    %get3A_1049 = tpu.vector_load %arg5[%get3A_1047, %get3A_1048] {strides = array<i32>} : memref<32x128xi32, #tpu.memory_space<vmem>>, vector<16xi32>,
    %add3A_1050 = arith.constant 550 : i32
    %add3A_1051 = vector.broadcast %add3A_1050 : i32 to vector<16xi32>
    %add3A_1052 = arith.addi %get3A_1049, %add3A_1051 : vector<16xi32>
    %swap3A_1053 = arith.constant 11 : i32
    %swap3A_1054 = arith.index_cast %swap3A_1053 : i32 to index
    %swap3A_1055 = arith.constant 112 : index
    %swap3A_1056 = tpu.vector_load %arg6[%swap3A_1054, %swap3A_1055] {strides = array<i32>} : memref<26x128xi32, #tpu.memory_space<vmem>>, vector<16xi32>,
    tpu.vector_store %arg6[%swap3A_1054, %swap3A_1055], %add3A_1052 {strides = array<i32>} : memref<26x128xi32, #tpu.memory_space<vmem>>, vector<16xi32>,
    %get3A_1057 = arith.constant 12 : i32
    %get3A_1058 = arith.index_cast %get3A_1057 : i32 to index
    %get3A_1059 = arith.constant 0 : index
    %get3A_1060 = tpu.vector_load %arg5[%get3A_1058, %get3A_1059] {strides = array<i32>} : memref<32x128xi32, #tpu.memory_space<vmem>>, vector<16xi32>,
    %add3A_1061 = arith.constant 600 : i32
    %add3A_1062 = vector.broadcast %add3A_1061 : i32 to vector<16xi32>
    %add3A_1063 = arith.addi %get3A_1060, %add3A_1062 : vector<16xi32>
    %swap3A_1064 = arith.constant 12 : i32
    %swap3A_1065 = arith.index_cast %swap3A_1064 : i32 to index
    %swap3A_1066 = arith.constant 0 : index
    %swap3A_1067 = tpu.vector_load %arg6[%swap3A_1065, %swap3A_1066] {strides = array<i32>} : memref<26x128xi32, #tpu.memory_space<vmem>>, vector<16xi32>,
    tpu.vector_store %arg6[%swap3A_1065, %swap3A_1066], %add3A_1063 {strides = array<i32>} : memref<26x128xi32, #tpu.memory_space<vmem>>, vector<16xi32>,
    %get3A_1068 = arith.constant 12 : i32
    %get3A_1069 = arith.index_cast %get3A_1068 : i32 to index
    %get3A_1070 = arith.constant 16 : index
    %get3A_1071 = tpu.vector_load %arg5[%get3A_1069, %get3A_1070] {strides = array<i32>} : memref<32x128xi32, #tpu.memory_space<vmem>>, vector<16xi32>,
    %add3A_1072 = arith.constant 600 : i32
    %add3A_1073 = vector.broadcast %add3A_1072 : i32 to vector<16xi32>
    %add3A_1074 = arith.addi %get3A_1071, %add3A_1073 : vector<16xi32>
    %swap3A_1075 = arith.constant 12 : i32
    %swap3A_1076 = arith.index_cast %swap3A_1075 : i32 to index
    %swap3A_1077 = arith.constant 16 : index
    %swap3A_1078 = tpu.vector_load %arg6[%swap3A_1076, %swap3A_1077] {strides = array<i32>} : memref<26x128xi32, #tpu.memory_space<vmem>>, vector<16xi32>,
    tpu.vector_store %arg6[%swap3A_1076, %swap3A_1077], %add3A_1074 {strides = array<i32>} : memref<26x128xi32, #tpu.memory_space<vmem>>, vector<16xi32>,
    %get3A_1079 = arith.constant 12 : i32
    %get3A_1080 = arith.index_cast %get3A_1079 : i32 to index
    %get3A_1081 = arith.constant 32 : index
    %get3A_1082 = tpu.vector_load %arg5[%get3A_1080, %get3A_1081] {strides = array<i32>} : memref<32x128xi32, #tpu.memory_space<vmem>>, vector<16xi32>,
    %add3A_1083 = arith.constant 600 : i32
    %add3A_1084 = vector.broadcast %add3A_1083 : i32 to vector<16xi32>
    %add3A_1085 = arith.addi %get3A_1082, %add3A_1084 : vector<16xi32>
    %swap3A_1086 = arith.constant 12 : i32
    %swap3A_1087 = arith.index_cast %swap3A_1086 : i32 to index
    %swap3A_1088 = arith.constant 32 : index
    %swap3A_1089 = tpu.vector_load %arg6[%swap3A_1087, %swap3A_1088] {strides = array<i32>} : memref<26x128xi32, #tpu.memory_space<vmem>>, vector<16xi32>,
    tpu.vector_store %arg6[%swap3A_1087, %swap3A_1088], %add3A_1085 {strides = array<i32>} : memref<26x128xi32, #tpu.memory_space<vmem>>, vector<16xi32>,
    %get3A_1090 = arith.constant 12 : i32
    %get3A_1091 = arith.index_cast %get3A_1090 : i32 to index
    %get3A_1092 = arith.constant 48 : index
    %get3A_1093 = tpu.vector_load %arg5[%get3A_1091, %get3A_1092] {strides = array<i32>} : memref<32x128xi32, #tpu.memory_space<vmem>>, vector<16xi32>,
    %add3A_1094 = arith.constant 600 : i32
    %add3A_1095 = vector.broadcast %add3A_1094 : i32 to vector<16xi32>
    %add3A_1096 = arith.addi %get3A_1093, %add3A_1095 : vector<16xi32>
    %swap3A_1097 = arith.constant 12 : i32
    %swap3A_1098 = arith.index_cast %swap3A_1097 : i32 to index
    %swap3A_1099 = arith.constant 48 : index
    %swap3A_1100 = tpu.vector_load %arg6[%swap3A_1098, %swap3A_1099] {strides = array<i32>} : memref<26x128xi32, #tpu.memory_space<vmem>>, vector<16xi32>,
    tpu.vector_store %arg6[%swap3A_1098, %swap3A_1099], %add3A_1096 {strides = array<i32>} : memref<26x128xi32, #tpu.memory_space<vmem>>, vector<16xi32>,
    %get3A_1101 = arith.constant 12 : i32
    %get3A_1102 = arith.index_cast %get3A_1101 : i32 to index
    %get3A_1103 = arith.constant 64 : index
    %get3A_1104 = tpu.vector_load %arg5[%get3A_1102, %get3A_1103] {strides = array<i32>} : memref<32x128xi32, #tpu.memory_space<vmem>>, vector<16xi32>,
    %add3A_1105 = arith.constant 600 : i32
    %add3A_1106 = vector.broadcast %add3A_1105 : i32 to vector<16xi32>
    %add3A_1107 = arith.addi %get3A_1104, %add3A_1106 : vector<16xi32>
    %swap3A_1108 = arith.constant 12 : i32
    %swap3A_1109 = arith.index_cast %swap3A_1108 : i32 to index
    %swap3A_1110 = arith.constant 64 : index
    %swap3A_1111 = tpu.vector_load %arg6[%swap3A_1109, %swap3A_1110] {strides = array<i32>} : memref<26x128xi32, #tpu.memory_space<vmem>>, vector<16xi32>,
    tpu.vector_store %arg6[%swap3A_1109, %swap3A_1110], %add3A_1107 {strides = array<i32>} : memref<26x128xi32, #tpu.memory_space<vmem>>, vector<16xi32>,
    %get3A_1112 = arith.constant 12 : i32
    %get3A_1113 = arith.index_cast %get3A_1112 : i32 to index
    %get3A_1114 = arith.constant 80 : index
    %get3A_1115 = tpu.vector_load %arg5[%get3A_1113, %get3A_1114] {strides = array<i32>} : memref<32x128xi32, #tpu.memory_space<vmem>>, vector<16xi32>,
    %add3A_1116 = arith.constant 600 : i32
    %add3A_1117 = vector.broadcast %add3A_1116 : i32 to vector<16xi32>
    %add3A_1118 = arith.addi %get3A_1115, %add3A_1117 : vector<16xi32>
    %swap3A_1119 = arith.constant 12 : i32
    %swap3A_1120 = arith.index_cast %swap3A_1119 : i32 to index
    %swap3A_1121 = arith.constant 80 : index
    %swap3A_1122 = tpu.vector_load %arg6[%swap3A_1120, %swap3A_1121] {strides = array<i32>} : memref<26x128xi32, #tpu.memory_space<vmem>>, vector<16xi32>,
    tpu.vector_store %arg6[%swap3A_1120, %swap3A_1121], %add3A_1118 {strides = array<i32>} : memref<26x128xi32, #tpu.memory_space<vmem>>, vector<16xi32>,
    %get3A_1123 = arith.constant 12 : i32
    %get3A_1124 = arith.index_cast %get3A_1123 : i32 to index
    %get3A_1125 = arith.constant 96 : index
    %get3A_1126 = tpu.vector_load %arg5[%get3A_1124, %get3A_1125] {strides = array<i32>} : memref<32x128xi32, #tpu.memory_space<vmem>>, vector<16xi32>,
    %add3A_1127 = arith.constant 600 : i32
    %add3A_1128 = vector.broadcast %add3A_1127 : i32 to vector<16xi32>
    %add3A_1129 = arith.addi %get3A_1126, %add3A_1128 : vector<16xi32>
    %swap3A_1130 = arith.constant 12 : i32
    %swap3A_1131 = arith.index_cast %swap3A_1130 : i32 to index
    %swap3A_1132 = arith.constant 96 : index
    %swap3A_1133 = tpu.vector_load %arg6[%swap3A_1131, %swap3A_1132] {strides = array<i32>} : memref<26x128xi32, #tpu.memory_space<vmem>>, vector<16xi32>,
    tpu.vector_store %arg6[%swap3A_1131, %swap3A_1132], %add3A_1129 {strides = array<i32>} : memref<26x128xi32, #tpu.memory_space<vmem>>, vector<16xi32>,
    %get3A_1134 = arith.constant 12 : i32
    %get3A_1135 = arith.index_cast %get3A_1134 : i32 to index
    %get3A_1136 = arith.constant 112 : index
    %get3A_1137 = tpu.vector_load %arg5[%get3A_1135, %get3A_1136] {strides = array<i32>} : memref<32x128xi32, #tpu.memory_space<vmem>>, vector<16xi32>,
    %add3A_1138 = arith.constant 600 : i32
    %add3A_1139 = vector.broadcast %add3A_1138 : i32 to vector<16xi32>
    %add3A_1140 = arith.addi %get3A_1137, %add3A_1139 : vector<16xi32>
    %swap3A_1141 = arith.constant 12 : i32
    %swap3A_1142 = arith.index_cast %swap3A_1141 : i32 to index
    %swap3A_1143 = arith.constant 112 : index
    %swap3A_1144 = tpu.vector_load %arg6[%swap3A_1142, %swap3A_1143] {strides = array<i32>} : memref<26x128xi32, #tpu.memory_space<vmem>>, vector<16xi32>,
    tpu.vector_store %arg6[%swap3A_1142, %swap3A_1143], %add3A_1140 {strides = array<i32>} : memref<26x128xi32, #tpu.memory_space<vmem>>, vector<16xi32>,
    %get3A_1145 = arith.constant 13 : i32
    %get3A_1146 = arith.index_cast %get3A_1145 : i32 to index
    %get3A_1147 = arith.constant 0 : index
    %get3A_1148 = tpu.vector_load %arg5[%get3A_1146, %get3A_1147] {strides = array<i32>} : memref<32x128xi32, #tpu.memory_space<vmem>>, vector<16xi32>,
    %add3A_1149 = arith.constant 650 : i32
    %add3A_1150 = vector.broadcast %add3A_1149 : i32 to vector<16xi32>
    %add3A_1151 = arith.addi %get3A_1148, %add3A_1150 : vector<16xi32>
    %swap3A_1152 = arith.constant 13 : i32
    %swap3A_1153 = arith.index_cast %swap3A_1152 : i32 to index
    %swap3A_1154 = arith.constant 0 : index
    %swap3A_1155 = tpu.vector_load %arg6[%swap3A_1153, %swap3A_1154] {strides = array<i32>} : memref<26x128xi32, #tpu.memory_space<vmem>>, vector<16xi32>,
    tpu.vector_store %arg6[%swap3A_1153, %swap3A_1154], %add3A_1151 {strides = array<i32>} : memref<26x128xi32, #tpu.memory_space<vmem>>, vector<16xi32>,
    %get3A_1156 = arith.constant 13 : i32
    %get3A_1157 = arith.index_cast %get3A_1156 : i32 to index
    %get3A_1158 = arith.constant 16 : index
    %get3A_1159 = tpu.vector_load %arg5[%get3A_1157, %get3A_1158] {strides = array<i32>} : memref<32x128xi32, #tpu.memory_space<vmem>>, vector<16xi32>,
    %add3A_1160 = arith.constant 650 : i32
    %add3A_1161 = vector.broadcast %add3A_1160 : i32 to vector<16xi32>
    %add3A_1162 = arith.addi %get3A_1159, %add3A_1161 : vector<16xi32>
    %swap3A_1163 = arith.constant 13 : i32
    %swap3A_1164 = arith.index_cast %swap3A_1163 : i32 to index
    %swap3A_1165 = arith.constant 16 : index
    %swap3A_1166 = tpu.vector_load %arg6[%swap3A_1164, %swap3A_1165] {strides = array<i32>} : memref<26x128xi32, #tpu.memory_space<vmem>>, vector<16xi32>,
    tpu.vector_store %arg6[%swap3A_1164, %swap3A_1165], %add3A_1162 {strides = array<i32>} : memref<26x128xi32, #tpu.memory_space<vmem>>, vector<16xi32>,
    %get3A_1167 = arith.constant 13 : i32
    %get3A_1168 = arith.index_cast %get3A_1167 : i32 to index
    %get3A_1169 = arith.constant 32 : index
    %get3A_1170 = tpu.vector_load %arg5[%get3A_1168, %get3A_1169] {strides = array<i32>} : memref<32x128xi32, #tpu.memory_space<vmem>>, vector<16xi32>,
    %add3A_1171 = arith.constant 650 : i32
    %add3A_1172 = vector.broadcast %add3A_1171 : i32 to vector<16xi32>
    %add3A_1173 = arith.addi %get3A_1170, %add3A_1172 : vector<16xi32>
    %swap3A_1174 = arith.constant 13 : i32
    %swap3A_1175 = arith.index_cast %swap3A_1174 : i32 to index
    %swap3A_1176 = arith.constant 32 : index
    %swap3A_1177 = tpu.vector_load %arg6[%swap3A_1175, %swap3A_1176] {strides = array<i32>} : memref<26x128xi32, #tpu.memory_space<vmem>>, vector<16xi32>,
    tpu.vector_store %arg6[%swap3A_1175, %swap3A_1176], %add3A_1173 {strides = array<i32>} : memref<26x128xi32, #tpu.memory_space<vmem>>, vector<16xi32>,
    %get3A_1178 = arith.constant 13 : i32
    %get3A_1179 = arith.index_cast %get3A_1178 : i32 to index
    %get3A_1180 = arith.constant 48 : index
    %get3A_1181 = tpu.vector_load %arg5[%get3A_1179, %get3A_1180] {strides = array<i32>} : memref<32x128xi32, #tpu.memory_space<vmem>>, vector<16xi32>,
    %add3A_1182 = arith.constant 650 : i32
    %add3A_1183 = vector.broadcast %add3A_1182 : i32 to vector<16xi32>
    %add3A_1184 = arith.addi %get3A_1181, %add3A_1183 : vector<16xi32>
    %swap3A_1185 = arith.constant 13 : i32
    %swap3A_1186 = arith.index_cast %swap3A_1185 : i32 to index
    %swap3A_1187 = arith.constant 48 : index
    %swap3A_1188 = tpu.vector_load %arg6[%swap3A_1186, %swap3A_1187] {strides = array<i32>} : memref<26x128xi32, #tpu.memory_space<vmem>>, vector<16xi32>,
    tpu.vector_store %arg6[%swap3A_1186, %swap3A_1187], %add3A_1184 {strides = array<i32>} : memref<26x128xi32, #tpu.memory_space<vmem>>, vector<16xi32>,
    %get3A_1189 = arith.constant 13 : i32
    %get3A_1190 = arith.index_cast %get3A_1189 : i32 to index
    %get3A_1191 = arith.constant 64 : index
    %get3A_1192 = tpu.vector_load %arg5[%get3A_1190, %get3A_1191] {strides = array<i32>} : memref<32x128xi32, #tpu.memory_space<vmem>>, vector<16xi32>,
    %add3A_1193 = arith.constant 650 : i32
    %add3A_1194 = vector.broadcast %add3A_1193 : i32 to vector<16xi32>
    %add3A_1195 = arith.addi %get3A_1192, %add3A_1194 : vector<16xi32>
    %swap3A_1196 = arith.constant 13 : i32
    %swap3A_1197 = arith.index_cast %swap3A_1196 : i32 to index
    %swap3A_1198 = arith.constant 64 : index
    %swap3A_1199 = tpu.vector_load %arg6[%swap3A_1197, %swap3A_1198] {strides = array<i32>} : memref<26x128xi32, #tpu.memory_space<vmem>>, vector<16xi32>,
    tpu.vector_store %arg6[%swap3A_1197, %swap3A_1198], %add3A_1195 {strides = array<i32>} : memref<26x128xi32, #tpu.memory_space<vmem>>, vector<16xi32>,
    %get3A_1200 = arith.constant 13 : i32
    %get3A_1201 = arith.index_cast %get3A_1200 : i32 to index
    %get3A_1202 = arith.constant 80 : index
    %get3A_1203 = tpu.vector_load %arg5[%get3A_1201, %get3A_1202] {strides = array<i32>} : memref<32x128xi32, #tpu.memory_space<vmem>>, vector<16xi32>,
    %add3A_1204 = arith.constant 650 : i32
    %add3A_1205 = vector.broadcast %add3A_1204 : i32 to vector<16xi32>
    %add3A_1206 = arith.addi %get3A_1203, %add3A_1205 : vector<16xi32>
    %swap3A_1207 = arith.constant 13 : i32
    %swap3A_1208 = arith.index_cast %swap3A_1207 : i32 to index
    %swap3A_1209 = arith.constant 80 : index
    %swap3A_1210 = tpu.vector_load %arg6[%swap3A_1208, %swap3A_1209] {strides = array<i32>} : memref<26x128xi32, #tpu.memory_space<vmem>>, vector<16xi32>,
    tpu.vector_store %arg6[%swap3A_1208, %swap3A_1209], %add3A_1206 {strides = array<i32>} : memref<26x128xi32, #tpu.memory_space<vmem>>, vector<16xi32>,
    %get3A_1211 = arith.constant 13 : i32
    %get3A_1212 = arith.index_cast %get3A_1211 : i32 to index
    %get3A_1213 = arith.constant 96 : index
    %get3A_1214 = tpu.vector_load %arg5[%get3A_1212, %get3A_1213] {strides = array<i32>} : memref<32x128xi32, #tpu.memory_space<vmem>>, vector<16xi32>,
    %add3A_1215 = arith.constant 650 : i32
    %add3A_1216 = vector.broadcast %add3A_1215 : i32 to vector<16xi32>
    %add3A_1217 = arith.addi %get3A_1214, %add3A_1216 : vector<16xi32>
    %swap3A_1218 = arith.constant 13 : i32
    %swap3A_1219 = arith.index_cast %swap3A_1218 : i32 to index
    %swap3A_1220 = arith.constant 96 : index
    %swap3A_1221 = tpu.vector_load %arg6[%swap3A_1219, %swap3A_1220] {strides = array<i32>} : memref<26x128xi32, #tpu.memory_space<vmem>>, vector<16xi32>,
    tpu.vector_store %arg6[%swap3A_1219, %swap3A_1220], %add3A_1217 {strides = array<i32>} : memref<26x128xi32, #tpu.memory_space<vmem>>, vector<16xi32>,
    %get3A_1222 = arith.constant 13 : i32
    %get3A_1223 = arith.index_cast %get3A_1222 : i32 to index
    %get3A_1224 = arith.constant 112 : index
    %get3A_1225 = tpu.vector_load %arg5[%get3A_1223, %get3A_1224] {strides = array<i32>} : memref<32x128xi32, #tpu.memory_space<vmem>>, vector<16xi32>,
    %add3A_1226 = arith.constant 650 : i32
    %add3A_1227 = vector.broadcast %add3A_1226 : i32 to vector<16xi32>
    %add3A_1228 = arith.addi %get3A_1225, %add3A_1227 : vector<16xi32>
    %swap3A_1229 = arith.constant 13 : i32
    %swap3A_1230 = arith.index_cast %swap3A_1229 : i32 to index
    %swap3A_1231 = arith.constant 112 : index
    %swap3A_1232 = tpu.vector_load %arg6[%swap3A_1230, %swap3A_1231] {strides = array<i32>} : memref<26x128xi32, #tpu.memory_space<vmem>>, vector<16xi32>,
    tpu.vector_store %arg6[%swap3A_1230, %swap3A_1231], %add3A_1228 {strides = array<i32>} : memref<26x128xi32, #tpu.memory_space<vmem>>, vector<16xi32>,
    %get3A_1233 = arith.constant 14 : i32
    %get3A_1234 = arith.index_cast %get3A_1233 : i32 to index
    %get3A_1235 = arith.constant 0 : index
    %get3A_1236 = tpu.vector_load %arg5[%get3A_1234, %get3A_1235] {strides = array<i32>} : memref<32x128xi32, #tpu.memory_space<vmem>>, vector<16xi32>,
    %add3A_1237 = arith.constant 700 : i32
    %add3A_1238 = vector.broadcast %add3A_1237 : i32 to vector<16xi32>
    %add3A_1239 = arith.addi %get3A_1236, %add3A_1238 : vector<16xi32>
    %swap3A_1240 = arith.constant 14 : i32
    %swap3A_1241 = arith.index_cast %swap3A_1240 : i32 to index
    %swap3A_1242 = arith.constant 0 : index
    %swap3A_1243 = tpu.vector_load %arg6[%swap3A_1241, %swap3A_1242] {strides = array<i32>} : memref<26x128xi32, #tpu.memory_space<vmem>>, vector<16xi32>,
    tpu.vector_store %arg6[%swap3A_1241, %swap3A_1242], %add3A_1239 {strides = array<i32>} : memref<26x128xi32, #tpu.memory_space<vmem>>, vector<16xi32>,
    %get3A_1244 = arith.constant 14 : i32
    %get3A_1245 = arith.index_cast %get3A_1244 : i32 to index
    %get3A_1246 = arith.constant 16 : index
    %get3A_1247 = tpu.vector_load %arg5[%get3A_1245, %get3A_1246] {strides = array<i32>} : memref<32x128xi32, #tpu.memory_space<vmem>>, vector<16xi32>,
    %add3A_1248 = arith.constant 700 : i32
    %add3A_1249 = vector.broadcast %add3A_1248 : i32 to vector<16xi32>
    %add3A_1250 = arith.addi %get3A_1247, %add3A_1249 : vector<16xi32>
    %swap3A_1251 = arith.constant 14 : i32
    %swap3A_1252 = arith.index_cast %swap3A_1251 : i32 to index
    %swap3A_1253 = arith.constant 16 : index
    %swap3A_1254 = tpu.vector_load %arg6[%swap3A_1252, %swap3A_1253] {strides = array<i32>} : memref<26x128xi32, #tpu.memory_space<vmem>>, vector<16xi32>,
    tpu.vector_store %arg6[%swap3A_1252, %swap3A_1253], %add3A_1250 {strides = array<i32>} : memref<26x128xi32, #tpu.memory_space<vmem>>, vector<16xi32>,
    %get3A_1255 = arith.constant 14 : i32
    %get3A_1256 = arith.index_cast %get3A_1255 : i32 to index
    %get3A_1257 = arith.constant 32 : index
    %get3A_1258 = tpu.vector_load %arg5[%get3A_1256, %get3A_1257] {strides = array<i32>} : memref<32x128xi32, #tpu.memory_space<vmem>>, vector<16xi32>,
    %add3A_1259 = arith.constant 700 : i32
    %add3A_1260 = vector.broadcast %add3A_1259 : i32 to vector<16xi32>
    %add3A_1261 = arith.addi %get3A_1258, %add3A_1260 : vector<16xi32>
    %swap3A_1262 = arith.constant 14 : i32
    %swap3A_1263 = arith.index_cast %swap3A_1262 : i32 to index
    %swap3A_1264 = arith.constant 32 : index
    %swap3A_1265 = tpu.vector_load %arg6[%swap3A_1263, %swap3A_1264] {strides = array<i32>} : memref<26x128xi32, #tpu.memory_space<vmem>>, vector<16xi32>,
    tpu.vector_store %arg6[%swap3A_1263, %swap3A_1264], %add3A_1261 {strides = array<i32>} : memref<26x128xi32, #tpu.memory_space<vmem>>, vector<16xi32>,
    %get3A_1266 = arith.constant 14 : i32
    %get3A_1267 = arith.index_cast %get3A_1266 : i32 to index
    %get3A_1268 = arith.constant 48 : index
    %get3A_1269 = tpu.vector_load %arg5[%get3A_1267, %get3A_1268] {strides = array<i32>} : memref<32x128xi32, #tpu.memory_space<vmem>>, vector<16xi32>,
    %add3A_1270 = arith.constant 700 : i32
    %add3A_1271 = vector.broadcast %add3A_1270 : i32 to vector<16xi32>
    %add3A_1272 = arith.addi %get3A_1269, %add3A_1271 : vector<16xi32>
    %swap3A_1273 = arith.constant 14 : i32
    %swap3A_1274 = arith.index_cast %swap3A_1273 : i32 to index
    %swap3A_1275 = arith.constant 48 : index
    %swap3A_1276 = tpu.vector_load %arg6[%swap3A_1274, %swap3A_1275] {strides = array<i32>} : memref<26x128xi32, #tpu.memory_space<vmem>>, vector<16xi32>,
    tpu.vector_store %arg6[%swap3A_1274, %swap3A_1275], %add3A_1272 {strides = array<i32>} : memref<26x128xi32, #tpu.memory_space<vmem>>, vector<16xi32>,
    %get3A_1277 = arith.constant 14 : i32
    %get3A_1278 = arith.index_cast %get3A_1277 : i32 to index
    %get3A_1279 = arith.constant 64 : index
    %get3A_1280 = tpu.vector_load %arg5[%get3A_1278, %get3A_1279] {strides = array<i32>} : memref<32x128xi32, #tpu.memory_space<vmem>>, vector<16xi32>,
    %add3A_1281 = arith.constant 700 : i32
    %add3A_1282 = vector.broadcast %add3A_1281 : i32 to vector<16xi32>
    %add3A_1283 = arith.addi %get3A_1280, %add3A_1282 : vector<16xi32>
    %swap3A_1284 = arith.constant 14 : i32
    %swap3A_1285 = arith.index_cast %swap3A_1284 : i32 to index
    %swap3A_1286 = arith.constant 64 : index
    %swap3A_1287 = tpu.vector_load %arg6[%swap3A_1285, %swap3A_1286] {strides = array<i32>} : memref<26x128xi32, #tpu.memory_space<vmem>>, vector<16xi32>,
    tpu.vector_store %arg6[%swap3A_1285, %swap3A_1286], %add3A_1283 {strides = array<i32>} : memref<26x128xi32, #tpu.memory_space<vmem>>, vector<16xi32>,
    %get3A_1288 = arith.constant 14 : i32
    %get3A_1289 = arith.index_cast %get3A_1288 : i32 to index
    %get3A_1290 = arith.constant 80 : index
    %get3A_1291 = tpu.vector_load %arg5[%get3A_1289, %get3A_1290] {strides = array<i32>} : memref<32x128xi32, #tpu.memory_space<vmem>>, vector<16xi32>,
    %add3A_1292 = arith.constant 700 : i32
    %add3A_1293 = vector.broadcast %add3A_1292 : i32 to vector<16xi32>
    %add3A_1294 = arith.addi %get3A_1291, %add3A_1293 : vector<16xi32>
    %swap3A_1295 = arith.constant 14 : i32
    %swap3A_1296 = arith.index_cast %swap3A_1295 : i32 to index
    %swap3A_1297 = arith.constant 80 : index
    %swap3A_1298 = tpu.vector_load %arg6[%swap3A_1296, %swap3A_1297] {strides = array<i32>} : memref<26x128xi32, #tpu.memory_space<vmem>>, vector<16xi32>,
    tpu.vector_store %arg6[%swap3A_1296, %swap3A_1297], %add3A_1294 {strides = array<i32>} : memref<26x128xi32, #tpu.memory_space<vmem>>, vector<16xi32>,
    %get3A_1299 = arith.constant 14 : i32
    %get3A_1300 = arith.index_cast %get3A_1299 : i32 to index
    %get3A_1301 = arith.constant 96 : index
    %get3A_1302 = tpu.vector_load %arg5[%get3A_1300, %get3A_1301] {strides = array<i32>} : memref<32x128xi32, #tpu.memory_space<vmem>>, vector<16xi32>,
    %add3A_1303 = arith.constant 700 : i32
    %add3A_1304 = vector.broadcast %add3A_1303 : i32 to vector<16xi32>
    %add3A_1305 = arith.addi %get3A_1302, %add3A_1304 : vector<16xi32>
    %swap3A_1306 = arith.constant 14 : i32
    %swap3A_1307 = arith.index_cast %swap3A_1306 : i32 to index
    %swap3A_1308 = arith.constant 96 : index
    %swap3A_1309 = tpu.vector_load %arg6[%swap3A_1307, %swap3A_1308] {strides = array<i32>} : memref<26x128xi32, #tpu.memory_space<vmem>>, vector<16xi32>,
    tpu.vector_store %arg6[%swap3A_1307, %swap3A_1308], %add3A_1305 {strides = array<i32>} : memref<26x128xi32, #tpu.memory_space<vmem>>, vector<16xi32>,
    %get3A_1310 = arith.constant 14 : i32
    %get3A_1311 = arith.index_cast %get3A_1310 : i32 to index
    %get3A_1312 = arith.constant 112 : index
    %get3A_1313 = tpu.vector_load %arg5[%get3A_1311, %get3A_1312] {strides = array<i32>} : memref<32x128xi32, #tpu.memory_space<vmem>>, vector<16xi32>,
    %add3A_1314 = arith.constant 700 : i32
    %add3A_1315 = vector.broadcast %add3A_1314 : i32 to vector<16xi32>
    %add3A_1316 = arith.addi %get3A_1313, %add3A_1315 : vector<16xi32>
    %swap3A_1317 = arith.constant 14 : i32
    %swap3A_1318 = arith.index_cast %swap3A_1317 : i32 to index
    %swap3A_1319 = arith.constant 112 : index
    %swap3A_1320 = tpu.vector_load %arg6[%swap3A_1318, %swap3A_1319] {strides = array<i32>} : memref<26x128xi32, #tpu.memory_space<vmem>>, vector<16xi32>,
    tpu.vector_store %arg6[%swap3A_1318, %swap3A_1319], %add3A_1316 {strides = array<i32>} : memref<26x128xi32, #tpu.memory_space<vmem>>, vector<16xi32>,
    %get3A_1321 = arith.constant 15 : i32
    %get3A_1322 = arith.index_cast %get3A_1321 : i32 to index
    %get3A_1323 = arith.constant 0 : index
    %get3A_1324 = tpu.vector_load %arg5[%get3A_1322, %get3A_1323] {strides = array<i32>} : memref<32x128xi32, #tpu.memory_space<vmem>>, vector<16xi32>,
    %add3A_1325 = arith.constant 750 : i32
    %add3A_1326 = vector.broadcast %add3A_1325 : i32 to vector<16xi32>
    %add3A_1327 = arith.addi %get3A_1324, %add3A_1326 : vector<16xi32>
    %swap3A_1328 = arith.constant 15 : i32
    %swap3A_1329 = arith.index_cast %swap3A_1328 : i32 to index
    %swap3A_1330 = arith.constant 0 : index
    %swap3A_1331 = tpu.vector_load %arg6[%swap3A_1329, %swap3A_1330] {strides = array<i32>} : memref<26x128xi32, #tpu.memory_space<vmem>>, vector<16xi32>,
    tpu.vector_store %arg6[%swap3A_1329, %swap3A_1330], %add3A_1327 {strides = array<i32>} : memref<26x128xi32, #tpu.memory_space<vmem>>, vector<16xi32>,
    %get3A_1332 = arith.constant 15 : i32
    %get3A_1333 = arith.index_cast %get3A_1332 : i32 to index
    %get3A_1334 = arith.constant 16 : index
    %get3A_1335 = tpu.vector_load %arg5[%get3A_1333, %get3A_1334] {strides = array<i32>} : memref<32x128xi32, #tpu.memory_space<vmem>>, vector<16xi32>,
    %add3A_1336 = arith.constant 750 : i32
    %add3A_1337 = vector.broadcast %add3A_1336 : i32 to vector<16xi32>
    %add3A_1338 = arith.addi %get3A_1335, %add3A_1337 : vector<16xi32>
    %swap3A_1339 = arith.constant 15 : i32
    %swap3A_1340 = arith.index_cast %swap3A_1339 : i32 to index
    %swap3A_1341 = arith.constant 16 : index
    %swap3A_1342 = tpu.vector_load %arg6[%swap3A_1340, %swap3A_1341] {strides = array<i32>} : memref<26x128xi32, #tpu.memory_space<vmem>>, vector<16xi32>,
    tpu.vector_store %arg6[%swap3A_1340, %swap3A_1341], %add3A_1338 {strides = array<i32>} : memref<26x128xi32, #tpu.memory_space<vmem>>, vector<16xi32>,
    %get3A_1343 = arith.constant 15 : i32
    %get3A_1344 = arith.index_cast %get3A_1343 : i32 to index
    %get3A_1345 = arith.constant 32 : index
    %get3A_1346 = tpu.vector_load %arg5[%get3A_1344, %get3A_1345] {strides = array<i32>} : memref<32x128xi32, #tpu.memory_space<vmem>>, vector<16xi32>,
    %add3A_1347 = arith.constant 750 : i32
    %add3A_1348 = vector.broadcast %add3A_1347 : i32 to vector<16xi32>
    %add3A_1349 = arith.addi %get3A_1346, %add3A_1348 : vector<16xi32>
    %swap3A_1350 = arith.constant 15 : i32
    %swap3A_1351 = arith.index_cast %swap3A_1350 : i32 to index
    %swap3A_1352 = arith.constant 32 : index
    %swap3A_1353 = tpu.vector_load %arg6[%swap3A_1351, %swap3A_1352] {strides = array<i32>} : memref<26x128xi32, #tpu.memory_space<vmem>>, vector<16xi32>,
    tpu.vector_store %arg6[%swap3A_1351, %swap3A_1352], %add3A_1349 {strides = array<i32>} : memref<26x128xi32, #tpu.memory_space<vmem>>, vector<16xi32>,
    %get3A_1354 = arith.constant 15 : i32
    %get3A_1355 = arith.index_cast %get3A_1354 : i32 to index
    %get3A_1356 = arith.constant 48 : index
    %get3A_1357 = tpu.vector_load %arg5[%get3A_1355, %get3A_1356] {strides = array<i32>} : memref<32x128xi32, #tpu.memory_space<vmem>>, vector<16xi32>,
    %add3A_1358 = arith.constant 750 : i32
    %add3A_1359 = vector.broadcast %add3A_1358 : i32 to vector<16xi32>
    %add3A_1360 = arith.addi %get3A_1357, %add3A_1359 : vector<16xi32>
    %swap3A_1361 = arith.constant 15 : i32
    %swap3A_1362 = arith.index_cast %swap3A_1361 : i32 to index
    %swap3A_1363 = arith.constant 48 : index
    %swap3A_1364 = tpu.vector_load %arg6[%swap3A_1362, %swap3A_1363] {strides = array<i32>} : memref<26x128xi32, #tpu.memory_space<vmem>>, vector<16xi32>,
    tpu.vector_store %arg6[%swap3A_1362, %swap3A_1363], %add3A_1360 {strides = array<i32>} : memref<26x128xi32, #tpu.memory_space<vmem>>, vector<16xi32>,
    %get3A_1365 = arith.constant 15 : i32
    %get3A_1366 = arith.index_cast %get3A_1365 : i32 to index
    %get3A_1367 = arith.constant 64 : index
    %get3A_1368 = tpu.vector_load %arg5[%get3A_1366, %get3A_1367] {strides = array<i32>} : memref<32x128xi32, #tpu.memory_space<vmem>>, vector<16xi32>,
    %add3A_1369 = arith.constant 750 : i32
    %add3A_1370 = vector.broadcast %add3A_1369 : i32 to vector<16xi32>
    %add3A_1371 = arith.addi %get3A_1368, %add3A_1370 : vector<16xi32>
    %swap3A_1372 = arith.constant 15 : i32
    %swap3A_1373 = arith.index_cast %swap3A_1372 : i32 to index
    %swap3A_1374 = arith.constant 64 : index
    %swap3A_1375 = tpu.vector_load %arg6[%swap3A_1373, %swap3A_1374] {strides = array<i32>} : memref<26x128xi32, #tpu.memory_space<vmem>>, vector<16xi32>,
    tpu.vector_store %arg6[%swap3A_1373, %swap3A_1374], %add3A_1371 {strides = array<i32>} : memref<26x128xi32, #tpu.memory_space<vmem>>, vector<16xi32>,
    %get3A_1376 = arith.constant 15 : i32
    %get3A_1377 = arith.index_cast %get3A_1376 : i32 to index
    %get3A_1378 = arith.constant 80 : index
    %get3A_1379 = tpu.vector_load %arg5[%get3A_1377, %get3A_1378] {strides = array<i32>} : memref<32x128xi32, #tpu.memory_space<vmem>>, vector<16xi32>,
    %add3A_1380 = arith.constant 750 : i32
    %add3A_1381 = vector.broadcast %add3A_1380 : i32 to vector<16xi32>
    %add3A_1382 = arith.addi %get3A_1379, %add3A_1381 : vector<16xi32>
    %swap3A_1383 = arith.constant 15 : i32
    %swap3A_1384 = arith.index_cast %swap3A_1383 : i32 to index
    %swap3A_1385 = arith.constant 80 : index
    %swap3A_1386 = tpu.vector_load %arg6[%swap3A_1384, %swap3A_1385] {strides = array<i32>} : memref<26x128xi32, #tpu.memory_space<vmem>>, vector<16xi32>,
    tpu.vector_store %arg6[%swap3A_1384, %swap3A_1385], %add3A_1382 {strides = array<i32>} : memref<26x128xi32, #tpu.memory_space<vmem>>, vector<16xi32>,
    %get3A_1387 = arith.constant 15 : i32
    %get3A_1388 = arith.index_cast %get3A_1387 : i32 to index
    %get3A_1389 = arith.constant 96 : index
    %get3A_1390 = tpu.vector_load %arg5[%get3A_1388, %get3A_1389] {strides = array<i32>} : memref<32x128xi32, #tpu.memory_space<vmem>>, vector<16xi32>,
    %add3A_1391 = arith.constant 750 : i32
    %add3A_1392 = vector.broadcast %add3A_1391 : i32 to vector<16xi32>
    %add3A_1393 = arith.addi %get3A_1390, %add3A_1392 : vector<16xi32>
    %swap3A_1394 = arith.constant 15 : i32
    %swap3A_1395 = arith.index_cast %swap3A_1394 : i32 to index
    %swap3A_1396 = arith.constant 96 : index
    %swap3A_1397 = tpu.vector_load %arg6[%swap3A_1395, %swap3A_1396] {strides = array<i32>} : memref<26x128xi32, #tpu.memory_space<vmem>>, vector<16xi32>,
    tpu.vector_store %arg6[%swap3A_1395, %swap3A_1396], %add3A_1393 {strides = array<i32>} : memref<26x128xi32, #tpu.memory_space<vmem>>, vector<16xi32>,
    %get3A_1398 = arith.constant 15 : i32
    %get3A_1399 = arith.index_cast %get3A_1398 : i32 to index
    %get3A_1400 = arith.constant 112 : index
    %get3A_1401 = tpu.vector_load %arg5[%get3A_1399, %get3A_1400] {strides = array<i32>} : memref<32x128xi32, #tpu.memory_space<vmem>>, vector<16xi32>,
    %add3A_1402 = arith.constant 750 : i32
    %add3A_1403 = vector.broadcast %add3A_1402 : i32 to vector<16xi32>
    %add3A_1404 = arith.addi %get3A_1401, %add3A_1403 : vector<16xi32>
    %swap3A_1405 = arith.constant 15 : i32
    %swap3A_1406 = arith.index_cast %swap3A_1405 : i32 to index
    %swap3A_1407 = arith.constant 112 : index
    %swap3A_1408 = tpu.vector_load %arg6[%swap3A_1406, %swap3A_1407] {strides = array<i32>} : memref<26x128xi32, #tpu.memory_space<vmem>>, vector<16xi32>,
    tpu.vector_store %arg6[%swap3A_1406, %swap3A_1407], %add3A_1404 {strides = array<i32>} : memref<26x128xi32, #tpu.memory_space<vmem>>, vector<16xi32>,
    %get3A_1409 = arith.constant 16 : i32
    %get3A_1410 = arith.index_cast %get3A_1409 : i32 to index
    %get3A_1411 = arith.constant 0 : index
    %get3A_1412 = tpu.vector_load %arg5[%get3A_1410, %get3A_1411] {strides = array<i32>} : memref<32x128xi32, #tpu.memory_space<vmem>>, vector<16xi32>,
    %add3A_1413 = arith.constant 800 : i32
    %add3A_1414 = vector.broadcast %add3A_1413 : i32 to vector<16xi32>
    %add3A_1415 = arith.addi %get3A_1412, %add3A_1414 : vector<16xi32>
    %swap3A_1416 = arith.constant 16 : i32
    %swap3A_1417 = arith.index_cast %swap3A_1416 : i32 to index
    %swap3A_1418 = arith.constant 0 : index
    %swap3A_1419 = tpu.vector_load %arg6[%swap3A_1417, %swap3A_1418] {strides = array<i32>} : memref<26x128xi32, #tpu.memory_space<vmem>>, vector<16xi32>,
    tpu.vector_store %arg6[%swap3A_1417, %swap3A_1418], %add3A_1415 {strides = array<i32>} : memref<26x128xi32, #tpu.memory_space<vmem>>, vector<16xi32>,
    %get3A_1420 = arith.constant 16 : i32
    %get3A_1421 = arith.index_cast %get3A_1420 : i32 to index
    %get3A_1422 = arith.constant 16 : index
    %get3A_1423 = tpu.vector_load %arg5[%get3A_1421, %get3A_1422] {strides = array<i32>} : memref<32x128xi32, #tpu.memory_space<vmem>>, vector<16xi32>,
    %add3A_1424 = arith.constant 800 : i32
    %add3A_1425 = vector.broadcast %add3A_1424 : i32 to vector<16xi32>
    %add3A_1426 = arith.addi %get3A_1423, %add3A_1425 : vector<16xi32>
    %swap3A_1427 = arith.constant 16 : i32
    %swap3A_1428 = arith.index_cast %swap3A_1427 : i32 to index
    %swap3A_1429 = arith.constant 16 : index
    %swap3A_1430 = tpu.vector_load %arg6[%swap3A_1428, %swap3A_1429] {strides = array<i32>} : memref<26x128xi32, #tpu.memory_space<vmem>>, vector<16xi32>,
    tpu.vector_store %arg6[%swap3A_1428, %swap3A_1429], %add3A_1426 {strides = array<i32>} : memref<26x128xi32, #tpu.memory_space<vmem>>, vector<16xi32>,
    %get3A_1431 = arith.constant 16 : i32
    %get3A_1432 = arith.index_cast %get3A_1431 : i32 to index
    %get3A_1433 = arith.constant 32 : index
    %get3A_1434 = tpu.vector_load %arg5[%get3A_1432, %get3A_1433] {strides = array<i32>} : memref<32x128xi32, #tpu.memory_space<vmem>>, vector<16xi32>,
    %add3A_1435 = arith.constant 800 : i32
    %add3A_1436 = vector.broadcast %add3A_1435 : i32 to vector<16xi32>
    %add3A_1437 = arith.addi %get3A_1434, %add3A_1436 : vector<16xi32>
    %swap3A_1438 = arith.constant 16 : i32
    %swap3A_1439 = arith.index_cast %swap3A_1438 : i32 to index
    %swap3A_1440 = arith.constant 32 : index
    %swap3A_1441 = tpu.vector_load %arg6[%swap3A_1439, %swap3A_1440] {strides = array<i32>} : memref<26x128xi32, #tpu.memory_space<vmem>>, vector<16xi32>,
    tpu.vector_store %arg6[%swap3A_1439, %swap3A_1440], %add3A_1437 {strides = array<i32>} : memref<26x128xi32, #tpu.memory_space<vmem>>, vector<16xi32>,
    %get3A_1442 = arith.constant 16 : i32
    %get3A_1443 = arith.index_cast %get3A_1442 : i32 to index
    %get3A_1444 = arith.constant 48 : index
    %get3A_1445 = tpu.vector_load %arg5[%get3A_1443, %get3A_1444] {strides = array<i32>} : memref<32x128xi32, #tpu.memory_space<vmem>>, vector<16xi32>,
    %add3A_1446 = arith.constant 800 : i32
    %add3A_1447 = vector.broadcast %add3A_1446 : i32 to vector<16xi32>
    %add3A_1448 = arith.addi %get3A_1445, %add3A_1447 : vector<16xi32>
    %swap3A_1449 = arith.constant 16 : i32
    %swap3A_1450 = arith.index_cast %swap3A_1449 : i32 to index
    %swap3A_1451 = arith.constant 48 : index
    %swap3A_1452 = tpu.vector_load %arg6[%swap3A_1450, %swap3A_1451] {strides = array<i32>} : memref<26x128xi32, #tpu.memory_space<vmem>>, vector<16xi32>,
    tpu.vector_store %arg6[%swap3A_1450, %swap3A_1451], %add3A_1448 {strides = array<i32>} : memref<26x128xi32, #tpu.memory_space<vmem>>, vector<16xi32>,
    %get3A_1453 = arith.constant 16 : i32
    %get3A_1454 = arith.index_cast %get3A_1453 : i32 to index
    %get3A_1455 = arith.constant 64 : index
    %get3A_1456 = tpu.vector_load %arg5[%get3A_1454, %get3A_1455] {strides = array<i32>} : memref<32x128xi32, #tpu.memory_space<vmem>>, vector<16xi32>,
    %add3A_1457 = arith.constant 800 : i32
    %add3A_1458 = vector.broadcast %add3A_1457 : i32 to vector<16xi32>
    %add3A_1459 = arith.addi %get3A_1456, %add3A_1458 : vector<16xi32>
    %swap3A_1460 = arith.constant 16 : i32
    %swap3A_1461 = arith.index_cast %swap3A_1460 : i32 to index
    %swap3A_1462 = arith.constant 64 : index
    %swap3A_1463 = tpu.vector_load %arg6[%swap3A_1461, %swap3A_1462] {strides = array<i32>} : memref<26x128xi32, #tpu.memory_space<vmem>>, vector<16xi32>,
    tpu.vector_store %arg6[%swap3A_1461, %swap3A_1462], %add3A_1459 {strides = array<i32>} : memref<26x128xi32, #tpu.memory_space<vmem>>, vector<16xi32>,
    %get3A_1464 = arith.constant 16 : i32
    %get3A_1465 = arith.index_cast %get3A_1464 : i32 to index
    %get3A_1466 = arith.constant 80 : index
    %get3A_1467 = tpu.vector_load %arg5[%get3A_1465, %get3A_1466] {strides = array<i32>} : memref<32x128xi32, #tpu.memory_space<vmem>>, vector<16xi32>,
    %add3A_1468 = arith.constant 800 : i32
    %add3A_1469 = vector.broadcast %add3A_1468 : i32 to vector<16xi32>
    %add3A_1470 = arith.addi %get3A_1467, %add3A_1469 : vector<16xi32>
    %swap3A_1471 = arith.constant 16 : i32
    %swap3A_1472 = arith.index_cast %swap3A_1471 : i32 to index
    %swap3A_1473 = arith.constant 80 : index
    %swap3A_1474 = tpu.vector_load %arg6[%swap3A_1472, %swap3A_1473] {strides = array<i32>} : memref<26x128xi32, #tpu.memory_space<vmem>>, vector<16xi32>,
    tpu.vector_store %arg6[%swap3A_1472, %swap3A_1473], %add3A_1470 {strides = array<i32>} : memref<26x128xi32, #tpu.memory_space<vmem>>, vector<16xi32>,
    %get3A_1475 = arith.constant 16 : i32
    %get3A_1476 = arith.index_cast %get3A_1475 : i32 to index
    %get3A_1477 = arith.constant 96 : index
    %get3A_1478 = tpu.vector_load %arg5[%get3A_1476, %get3A_1477] {strides = array<i32>} : memref<32x128xi32, #tpu.memory_space<vmem>>, vector<16xi32>,
    %add3A_1479 = arith.constant 800 : i32
    %add3A_1480 = vector.broadcast %add3A_1479 : i32 to vector<16xi32>
    %add3A_1481 = arith.addi %get3A_1478, %add3A_1480 : vector<16xi32>
    %swap3A_1482 = arith.constant 16 : i32
    %swap3A_1483 = arith.index_cast %swap3A_1482 : i32 to index
    %swap3A_1484 = arith.constant 96 : index
    %swap3A_1485 = tpu.vector_load %arg6[%swap3A_1483, %swap3A_1484] {strides = array<i32>} : memref<26x128xi32, #tpu.memory_space<vmem>>, vector<16xi32>,
    tpu.vector_store %arg6[%swap3A_1483, %swap3A_1484], %add3A_1481 {strides = array<i32>} : memref<26x128xi32, #tpu.memory_space<vmem>>, vector<16xi32>,
    %get3A_1486 = arith.constant 16 : i32
    %get3A_1487 = arith.index_cast %get3A_1486 : i32 to index
    %get3A_1488 = arith.constant 112 : index
    %get3A_1489 = tpu.vector_load %arg5[%get3A_1487, %get3A_1488] {strides = array<i32>} : memref<32x128xi32, #tpu.memory_space<vmem>>, vector<16xi32>,
    %add3A_1490 = arith.constant 800 : i32
    %add3A_1491 = vector.broadcast %add3A_1490 : i32 to vector<16xi32>
    %add3A_1492 = arith.addi %get3A_1489, %add3A_1491 : vector<16xi32>
    %swap3A_1493 = arith.constant 16 : i32
    %swap3A_1494 = arith.index_cast %swap3A_1493 : i32 to index
    %swap3A_1495 = arith.constant 112 : index
    %swap3A_1496 = tpu.vector_load %arg6[%swap3A_1494, %swap3A_1495] {strides = array<i32>} : memref<26x128xi32, #tpu.memory_space<vmem>>, vector<16xi32>,
    tpu.vector_store %arg6[%swap3A_1494, %swap3A_1495], %add3A_1492 {strides = array<i32>} : memref<26x128xi32, #tpu.memory_space<vmem>>, vector<16xi32>,
    %get3A_1497 = arith.constant 17 : i32
    %get3A_1498 = arith.index_cast %get3A_1497 : i32 to index
    %get3A_1499 = arith.constant 0 : index
    %get3A_1500 = tpu.vector_load %arg5[%get3A_1498, %get3A_1499] {strides = array<i32>} : memref<32x128xi32, #tpu.memory_space<vmem>>, vector<16xi32>,
    %add3A_1501 = arith.constant 850 : i32
    %add3A_1502 = vector.broadcast %add3A_1501 : i32 to vector<16xi32>
    %add3A_1503 = arith.addi %get3A_1500, %add3A_1502 : vector<16xi32>
    %swap3A_1504 = arith.constant 17 : i32
    %swap3A_1505 = arith.index_cast %swap3A_1504 : i32 to index
    %swap3A_1506 = arith.constant 0 : index
    %swap3A_1507 = tpu.vector_load %arg6[%swap3A_1505, %swap3A_1506] {strides = array<i32>} : memref<26x128xi32, #tpu.memory_space<vmem>>, vector<16xi32>,
    tpu.vector_store %arg6[%swap3A_1505, %swap3A_1506], %add3A_1503 {strides = array<i32>} : memref<26x128xi32, #tpu.memory_space<vmem>>, vector<16xi32>,
    %get3A_1508 = arith.constant 17 : i32
    %get3A_1509 = arith.index_cast %get3A_1508 : i32 to index
    %get3A_1510 = arith.constant 16 : index
    %get3A_1511 = tpu.vector_load %arg5[%get3A_1509, %get3A_1510] {strides = array<i32>} : memref<32x128xi32, #tpu.memory_space<vmem>>, vector<16xi32>,
    %add3A_1512 = arith.constant 850 : i32
    %add3A_1513 = vector.broadcast %add3A_1512 : i32 to vector<16xi32>
    %add3A_1514 = arith.addi %get3A_1511, %add3A_1513 : vector<16xi32>
    %swap3A_1515 = arith.constant 17 : i32
    %swap3A_1516 = arith.index_cast %swap3A_1515 : i32 to index
    %swap3A_1517 = arith.constant 16 : index
    %swap3A_1518 = tpu.vector_load %arg6[%swap3A_1516, %swap3A_1517] {strides = array<i32>} : memref<26x128xi32, #tpu.memory_space<vmem>>, vector<16xi32>,
    tpu.vector_store %arg6[%swap3A_1516, %swap3A_1517], %add3A_1514 {strides = array<i32>} : memref<26x128xi32, #tpu.memory_space<vmem>>, vector<16xi32>,
    %get3A_1519 = arith.constant 17 : i32
    %get3A_1520 = arith.index_cast %get3A_1519 : i32 to index
    %get3A_1521 = arith.constant 32 : index
    %get3A_1522 = tpu.vector_load %arg5[%get3A_1520, %get3A_1521] {strides = array<i32>} : memref<32x128xi32, #tpu.memory_space<vmem>>, vector<16xi32>,
    %add3A_1523 = arith.constant 850 : i32
    %add3A_1524 = vector.broadcast %add3A_1523 : i32 to vector<16xi32>
    %add3A_1525 = arith.addi %get3A_1522, %add3A_1524 : vector<16xi32>
    %swap3A_1526 = arith.constant 17 : i32
    %swap3A_1527 = arith.index_cast %swap3A_1526 : i32 to index
    %swap3A_1528 = arith.constant 32 : index
    %swap3A_1529 = tpu.vector_load %arg6[%swap3A_1527, %swap3A_1528] {strides = array<i32>} : memref<26x128xi32, #tpu.memory_space<vmem>>, vector<16xi32>,
    tpu.vector_store %arg6[%swap3A_1527, %swap3A_1528], %add3A_1525 {strides = array<i32>} : memref<26x128xi32, #tpu.memory_space<vmem>>, vector<16xi32>,
    %get3A_1530 = arith.constant 17 : i32
    %get3A_1531 = arith.index_cast %get3A_1530 : i32 to index
    %get3A_1532 = arith.constant 48 : index
    %get3A_1533 = tpu.vector_load %arg5[%get3A_1531, %get3A_1532] {strides = array<i32>} : memref<32x128xi32, #tpu.memory_space<vmem>>, vector<16xi32>,
    %add3A_1534 = arith.constant 850 : i32
    %add3A_1535 = vector.broadcast %add3A_1534 : i32 to vector<16xi32>
    %add3A_1536 = arith.addi %get3A_1533, %add3A_1535 : vector<16xi32>
    %swap3A_1537 = arith.constant 17 : i32
    %swap3A_1538 = arith.index_cast %swap3A_1537 : i32 to index
    %swap3A_1539 = arith.constant 48 : index
    %swap3A_1540 = tpu.vector_load %arg6[%swap3A_1538, %swap3A_1539] {strides = array<i32>} : memref<26x128xi32, #tpu.memory_space<vmem>>, vector<16xi32>,
    tpu.vector_store %arg6[%swap3A_1538, %swap3A_1539], %add3A_1536 {strides = array<i32>} : memref<26x128xi32, #tpu.memory_space<vmem>>, vector<16xi32>,
    %get3A_1541 = arith.constant 17 : i32
    %get3A_1542 = arith.index_cast %get3A_1541 : i32 to index
    %get3A_1543 = arith.constant 64 : index
    %get3A_1544 = tpu.vector_load %arg5[%get3A_1542, %get3A_1543] {strides = array<i32>} : memref<32x128xi32, #tpu.memory_space<vmem>>, vector<16xi32>,
    %add3A_1545 = arith.constant 850 : i32
    %add3A_1546 = vector.broadcast %add3A_1545 : i32 to vector<16xi32>
    %add3A_1547 = arith.addi %get3A_1544, %add3A_1546 : vector<16xi32>
    %swap3A_1548 = arith.constant 17 : i32
    %swap3A_1549 = arith.index_cast %swap3A_1548 : i32 to index
    %swap3A_1550 = arith.constant 64 : index
    %swap3A_1551 = tpu.vector_load %arg6[%swap3A_1549, %swap3A_1550] {strides = array<i32>} : memref<26x128xi32, #tpu.memory_space<vmem>>, vector<16xi32>,
    tpu.vector_store %arg6[%swap3A_1549, %swap3A_1550], %add3A_1547 {strides = array<i32>} : memref<26x128xi32, #tpu.memory_space<vmem>>, vector<16xi32>,
    %get3A_1552 = arith.constant 17 : i32
    %get3A_1553 = arith.index_cast %get3A_1552 : i32 to index
    %get3A_1554 = arith.constant 80 : index
    %get3A_1555 = tpu.vector_load %arg5[%get3A_1553, %get3A_1554] {strides = array<i32>} : memref<32x128xi32, #tpu.memory_space<vmem>>, vector<16xi32>,
    %add3A_1556 = arith.constant 850 : i32
    %add3A_1557 = vector.broadcast %add3A_1556 : i32 to vector<16xi32>
    %add3A_1558 = arith.addi %get3A_1555, %add3A_1557 : vector<16xi32>
    %swap3A_1559 = arith.constant 17 : i32
    %swap3A_1560 = arith.index_cast %swap3A_1559 : i32 to index
    %swap3A_1561 = arith.constant 80 : index
    %swap3A_1562 = tpu.vector_load %arg6[%swap3A_1560, %swap3A_1561] {strides = array<i32>} : memref<26x128xi32, #tpu.memory_space<vmem>>, vector<16xi32>,
    tpu.vector_store %arg6[%swap3A_1560, %swap3A_1561], %add3A_1558 {strides = array<i32>} : memref<26x128xi32, #tpu.memory_space<vmem>>, vector<16xi32>,
    %get3A_1563 = arith.constant 17 : i32
    %get3A_1564 = arith.index_cast %get3A_1563 : i32 to index
    %get3A_1565 = arith.constant 96 : index
    %get3A_1566 = tpu.vector_load %arg5[%get3A_1564, %get3A_1565] {strides = array<i32>} : memref<32x128xi32, #tpu.memory_space<vmem>>, vector<16xi32>,
    %add3A_1567 = arith.constant 850 : i32
    %add3A_1568 = vector.broadcast %add3A_1567 : i32 to vector<16xi32>
    %add3A_1569 = arith.addi %get3A_1566, %add3A_1568 : vector<16xi32>
    %swap3A_1570 = arith.constant 17 : i32
    %swap3A_1571 = arith.index_cast %swap3A_1570 : i32 to index
    %swap3A_1572 = arith.constant 96 : index
    %swap3A_1573 = tpu.vector_load %arg6[%swap3A_1571, %swap3A_1572] {strides = array<i32>} : memref<26x128xi32, #tpu.memory_space<vmem>>, vector<16xi32>,
    tpu.vector_store %arg6[%swap3A_1571, %swap3A_1572], %add3A_1569 {strides = array<i32>} : memref<26x128xi32, #tpu.memory_space<vmem>>, vector<16xi32>,
    %get3A_1574 = arith.constant 17 : i32
    %get3A_1575 = arith.index_cast %get3A_1574 : i32 to index
    %get3A_1576 = arith.constant 112 : index
    %get3A_1577 = tpu.vector_load %arg5[%get3A_1575, %get3A_1576] {strides = array<i32>} : memref<32x128xi32, #tpu.memory_space<vmem>>, vector<16xi32>,
    %add3A_1578 = arith.constant 850 : i32
    %add3A_1579 = vector.broadcast %add3A_1578 : i32 to vector<16xi32>
    %add3A_1580 = arith.addi %get3A_1577, %add3A_1579 : vector<16xi32>
    %swap3A_1581 = arith.constant 17 : i32
    %swap3A_1582 = arith.index_cast %swap3A_1581 : i32 to index
    %swap3A_1583 = arith.constant 112 : index
    %swap3A_1584 = tpu.vector_load %arg6[%swap3A_1582, %swap3A_1583] {strides = array<i32>} : memref<26x128xi32, #tpu.memory_space<vmem>>, vector<16xi32>,
    tpu.vector_store %arg6[%swap3A_1582, %swap3A_1583], %add3A_1580 {strides = array<i32>} : memref<26x128xi32, #tpu.memory_space<vmem>>, vector<16xi32>,
    %get3A_1585 = arith.constant 18 : i32
    %get3A_1586 = arith.index_cast %get3A_1585 : i32 to index
    %get3A_1587 = arith.constant 0 : index
    %get3A_1588 = tpu.vector_load %arg5[%get3A_1586, %get3A_1587] {strides = array<i32>} : memref<32x128xi32, #tpu.memory_space<vmem>>, vector<16xi32>,
    %add3A_1589 = arith.constant 900 : i32
    %add3A_1590 = vector.broadcast %add3A_1589 : i32 to vector<16xi32>
    %add3A_1591 = arith.addi %get3A_1588, %add3A_1590 : vector<16xi32>
    %swap3A_1592 = arith.constant 18 : i32
    %swap3A_1593 = arith.index_cast %swap3A_1592 : i32 to index
    %swap3A_1594 = arith.constant 0 : index
    %swap3A_1595 = tpu.vector_load %arg6[%swap3A_1593, %swap3A_1594] {strides = array<i32>} : memref<26x128xi32, #tpu.memory_space<vmem>>, vector<16xi32>,
    tpu.vector_store %arg6[%swap3A_1593, %swap3A_1594], %add3A_1591 {strides = array<i32>} : memref<26x128xi32, #tpu.memory_space<vmem>>, vector<16xi32>,
    %get3A_1596 = arith.constant 18 : i32
    %get3A_1597 = arith.index_cast %get3A_1596 : i32 to index
    %get3A_1598 = arith.constant 16 : index
    %get3A_1599 = tpu.vector_load %arg5[%get3A_1597, %get3A_1598] {strides = array<i32>} : memref<32x128xi32, #tpu.memory_space<vmem>>, vector<16xi32>,
    %add3A_1600 = arith.constant 900 : i32
    %add3A_1601 = vector.broadcast %add3A_1600 : i32 to vector<16xi32>
    %add3A_1602 = arith.addi %get3A_1599, %add3A_1601 : vector<16xi32>
    %swap3A_1603 = arith.constant 18 : i32
    %swap3A_1604 = arith.index_cast %swap3A_1603 : i32 to index
    %swap3A_1605 = arith.constant 16 : index
    %swap3A_1606 = tpu.vector_load %arg6[%swap3A_1604, %swap3A_1605] {strides = array<i32>} : memref<26x128xi32, #tpu.memory_space<vmem>>, vector<16xi32>,
    tpu.vector_store %arg6[%swap3A_1604, %swap3A_1605], %add3A_1602 {strides = array<i32>} : memref<26x128xi32, #tpu.memory_space<vmem>>, vector<16xi32>,
    %get3A_1607 = arith.constant 18 : i32
    %get3A_1608 = arith.index_cast %get3A_1607 : i32 to index
    %get3A_1609 = arith.constant 32 : index
    %get3A_1610 = tpu.vector_load %arg5[%get3A_1608, %get3A_1609] {strides = array<i32>} : memref<32x128xi32, #tpu.memory_space<vmem>>, vector<16xi32>,
    %add3A_1611 = arith.constant 900 : i32
    %add3A_1612 = vector.broadcast %add3A_1611 : i32 to vector<16xi32>
    %add3A_1613 = arith.addi %get3A_1610, %add3A_1612 : vector<16xi32>
    %swap3A_1614 = arith.constant 18 : i32
    %swap3A_1615 = arith.index_cast %swap3A_1614 : i32 to index
    %swap3A_1616 = arith.constant 32 : index
    %swap3A_1617 = tpu.vector_load %arg6[%swap3A_1615, %swap3A_1616] {strides = array<i32>} : memref<26x128xi32, #tpu.memory_space<vmem>>, vector<16xi32>,
    tpu.vector_store %arg6[%swap3A_1615, %swap3A_1616], %add3A_1613 {strides = array<i32>} : memref<26x128xi32, #tpu.memory_space<vmem>>, vector<16xi32>,
    %get3A_1618 = arith.constant 18 : i32
    %get3A_1619 = arith.index_cast %get3A_1618 : i32 to index
    %get3A_1620 = arith.constant 48 : index
    %get3A_1621 = tpu.vector_load %arg5[%get3A_1619, %get3A_1620] {strides = array<i32>} : memref<32x128xi32, #tpu.memory_space<vmem>>, vector<16xi32>,
    %add3A_1622 = arith.constant 900 : i32
    %add3A_1623 = vector.broadcast %add3A_1622 : i32 to vector<16xi32>
    %add3A_1624 = arith.addi %get3A_1621, %add3A_1623 : vector<16xi32>
    %swap3A_1625 = arith.constant 18 : i32
    %swap3A_1626 = arith.index_cast %swap3A_1625 : i32 to index
    %swap3A_1627 = arith.constant 48 : index
    %swap3A_1628 = tpu.vector_load %arg6[%swap3A_1626, %swap3A_1627] {strides = array<i32>} : memref<26x128xi32, #tpu.memory_space<vmem>>, vector<16xi32>,
    tpu.vector_store %arg6[%swap3A_1626, %swap3A_1627], %add3A_1624 {strides = array<i32>} : memref<26x128xi32, #tpu.memory_space<vmem>>, vector<16xi32>,
    %get3A_1629 = arith.constant 18 : i32
    %get3A_1630 = arith.index_cast %get3A_1629 : i32 to index
    %get3A_1631 = arith.constant 64 : index
    %get3A_1632 = tpu.vector_load %arg5[%get3A_1630, %get3A_1631] {strides = array<i32>} : memref<32x128xi32, #tpu.memory_space<vmem>>, vector<16xi32>,
    %add3A_1633 = arith.constant 900 : i32
    %add3A_1634 = vector.broadcast %add3A_1633 : i32 to vector<16xi32>
    %add3A_1635 = arith.addi %get3A_1632, %add3A_1634 : vector<16xi32>
    %swap3A_1636 = arith.constant 18 : i32
    %swap3A_1637 = arith.index_cast %swap3A_1636 : i32 to index
    %swap3A_1638 = arith.constant 64 : index
    %swap3A_1639 = tpu.vector_load %arg6[%swap3A_1637, %swap3A_1638] {strides = array<i32>} : memref<26x128xi32, #tpu.memory_space<vmem>>, vector<16xi32>,
    tpu.vector_store %arg6[%swap3A_1637, %swap3A_1638], %add3A_1635 {strides = array<i32>} : memref<26x128xi32, #tpu.memory_space<vmem>>, vector<16xi32>,
    %get3A_1640 = arith.constant 18 : i32
    %get3A_1641 = arith.index_cast %get3A_1640 : i32 to index
    %get3A_1642 = arith.constant 80 : index
    %get3A_1643 = tpu.vector_load %arg5[%get3A_1641, %get3A_1642] {strides = array<i32>} : memref<32x128xi32, #tpu.memory_space<vmem>>, vector<16xi32>,
    %add3A_1644 = arith.constant 900 : i32
    %add3A_1645 = vector.broadcast %add3A_1644 : i32 to vector<16xi32>
    %add3A_1646 = arith.addi %get3A_1643, %add3A_1645 : vector<16xi32>
    %swap3A_1647 = arith.constant 18 : i32
    %swap3A_1648 = arith.index_cast %swap3A_1647 : i32 to index
    %swap3A_1649 = arith.constant 80 : index
    %swap3A_1650 = tpu.vector_load %arg6[%swap3A_1648, %swap3A_1649] {strides = array<i32>} : memref<26x128xi32, #tpu.memory_space<vmem>>, vector<16xi32>,
    tpu.vector_store %arg6[%swap3A_1648, %swap3A_1649], %add3A_1646 {strides = array<i32>} : memref<26x128xi32, #tpu.memory_space<vmem>>, vector<16xi32>,
    %get3A_1651 = arith.constant 18 : i32
    %get3A_1652 = arith.index_cast %get3A_1651 : i32 to index
    %get3A_1653 = arith.constant 96 : index
    %get3A_1654 = tpu.vector_load %arg5[%get3A_1652, %get3A_1653] {strides = array<i32>} : memref<32x128xi32, #tpu.memory_space<vmem>>, vector<16xi32>,
    %add3A_1655 = arith.constant 900 : i32
    %add3A_1656 = vector.broadcast %add3A_1655 : i32 to vector<16xi32>
    %add3A_1657 = arith.addi %get3A_1654, %add3A_1656 : vector<16xi32>
    %swap3A_1658 = arith.constant 18 : i32
    %swap3A_1659 = arith.index_cast %swap3A_1658 : i32 to index
    %swap3A_1660 = arith.constant 96 : index
    %swap3A_1661 = tpu.vector_load %arg6[%swap3A_1659, %swap3A_1660] {strides = array<i32>} : memref<26x128xi32, #tpu.memory_space<vmem>>, vector<16xi32>,
    tpu.vector_store %arg6[%swap3A_1659, %swap3A_1660], %add3A_1657 {strides = array<i32>} : memref<26x128xi32, #tpu.memory_space<vmem>>, vector<16xi32>,
    %get3A_1662 = arith.constant 18 : i32
    %get3A_1663 = arith.index_cast %get3A_1662 : i32 to index
    %get3A_1664 = arith.constant 112 : index
    %get3A_1665 = tpu.vector_load %arg5[%get3A_1663, %get3A_1664] {strides = array<i32>} : memref<32x128xi32, #tpu.memory_space<vmem>>, vector<16xi32>,
    %add3A_1666 = arith.constant 900 : i32
    %add3A_1667 = vector.broadcast %add3A_1666 : i32 to vector<16xi32>
    %add3A_1668 = arith.addi %get3A_1665, %add3A_1667 : vector<16xi32>
    %swap3A_1669 = arith.constant 18 : i32
    %swap3A_1670 = arith.index_cast %swap3A_1669 : i32 to index
    %swap3A_1671 = arith.constant 112 : index
    %swap3A_1672 = tpu.vector_load %arg6[%swap3A_1670, %swap3A_1671] {strides = array<i32>} : memref<26x128xi32, #tpu.memory_space<vmem>>, vector<16xi32>,
    tpu.vector_store %arg6[%swap3A_1670, %swap3A_1671], %add3A_1668 {strides = array<i32>} : memref<26x128xi32, #tpu.memory_space<vmem>>, vector<16xi32>,
    %get3A_1673 = arith.constant 19 : i32
    %get3A_1674 = arith.index_cast %get3A_1673 : i32 to index
    %get3A_1675 = arith.constant 0 : index
    %get3A_1676 = tpu.vector_load %arg5[%get3A_1674, %get3A_1675] {strides = array<i32>} : memref<32x128xi32, #tpu.memory_space<vmem>>, vector<16xi32>,
    %add3A_1677 = arith.constant 950 : i32
    %add3A_1678 = vector.broadcast %add3A_1677 : i32 to vector<16xi32>
    %add3A_1679 = arith.addi %get3A_1676, %add3A_1678 : vector<16xi32>
    %swap3A_1680 = arith.constant 19 : i32
    %swap3A_1681 = arith.index_cast %swap3A_1680 : i32 to index
    %swap3A_1682 = arith.constant 0 : index
    %swap3A_1683 = tpu.vector_load %arg6[%swap3A_1681, %swap3A_1682] {strides = array<i32>} : memref<26x128xi32, #tpu.memory_space<vmem>>, vector<16xi32>,
    tpu.vector_store %arg6[%swap3A_1681, %swap3A_1682], %add3A_1679 {strides = array<i32>} : memref<26x128xi32, #tpu.memory_space<vmem>>, vector<16xi32>,
    %get3A_1684 = arith.constant 19 : i32
    %get3A_1685 = arith.index_cast %get3A_1684 : i32 to index
    %get3A_1686 = arith.constant 16 : index
    %get3A_1687 = tpu.vector_load %arg5[%get3A_1685, %get3A_1686] {strides = array<i32>} : memref<32x128xi32, #tpu.memory_space<vmem>>, vector<16xi32>,
    %add3A_1688 = arith.constant 950 : i32
    %add3A_1689 = vector.broadcast %add3A_1688 : i32 to vector<16xi32>
    %add3A_1690 = arith.addi %get3A_1687, %add3A_1689 : vector<16xi32>
    %swap3A_1691 = arith.constant 19 : i32
    %swap3A_1692 = arith.index_cast %swap3A_1691 : i32 to index
    %swap3A_1693 = arith.constant 16 : index
    %swap3A_1694 = tpu.vector_load %arg6[%swap3A_1692, %swap3A_1693] {strides = array<i32>} : memref<26x128xi32, #tpu.memory_space<vmem>>, vector<16xi32>,
    tpu.vector_store %arg6[%swap3A_1692, %swap3A_1693], %add3A_1690 {strides = array<i32>} : memref<26x128xi32, #tpu.memory_space<vmem>>, vector<16xi32>,
    %get3A_1695 = arith.constant 19 : i32
    %get3A_1696 = arith.index_cast %get3A_1695 : i32 to index
    %get3A_1697 = arith.constant 32 : index
    %get3A_1698 = tpu.vector_load %arg5[%get3A_1696, %get3A_1697] {strides = array<i32>} : memref<32x128xi32, #tpu.memory_space<vmem>>, vector<16xi32>,
    %add3A_1699 = arith.constant 950 : i32
    %add3A_1700 = vector.broadcast %add3A_1699 : i32 to vector<16xi32>
    %add3A_1701 = arith.addi %get3A_1698, %add3A_1700 : vector<16xi32>
    %swap3A_1702 = arith.constant 19 : i32
    %swap3A_1703 = arith.index_cast %swap3A_1702 : i32 to index
    %swap3A_1704 = arith.constant 32 : index
    %swap3A_1705 = tpu.vector_load %arg6[%swap3A_1703, %swap3A_1704] {strides = array<i32>} : memref<26x128xi32, #tpu.memory_space<vmem>>, vector<16xi32>,
    tpu.vector_store %arg6[%swap3A_1703, %swap3A_1704], %add3A_1701 {strides = array<i32>} : memref<26x128xi32, #tpu.memory_space<vmem>>, vector<16xi32>,
    %get3A_1706 = arith.constant 19 : i32
    %get3A_1707 = arith.index_cast %get3A_1706 : i32 to index
    %get3A_1708 = arith.constant 48 : index
    %get3A_1709 = tpu.vector_load %arg5[%get3A_1707, %get3A_1708] {strides = array<i32>} : memref<32x128xi32, #tpu.memory_space<vmem>>, vector<16xi32>,
    %add3A_1710 = arith.constant 950 : i32
    %add3A_1711 = vector.broadcast %add3A_1710 : i32 to vector<16xi32>
    %add3A_1712 = arith.addi %get3A_1709, %add3A_1711 : vector<16xi32>
    %swap3A_1713 = arith.constant 19 : i32
    %swap3A_1714 = arith.index_cast %swap3A_1713 : i32 to index
    %swap3A_1715 = arith.constant 48 : index
    %swap3A_1716 = tpu.vector_load %arg6[%swap3A_1714, %swap3A_1715] {strides = array<i32>} : memref<26x128xi32, #tpu.memory_space<vmem>>, vector<16xi32>,
    tpu.vector_store %arg6[%swap3A_1714, %swap3A_1715], %add3A_1712 {strides = array<i32>} : memref<26x128xi32, #tpu.memory_space<vmem>>, vector<16xi32>,
    %get3A_1717 = arith.constant 19 : i32
    %get3A_1718 = arith.index_cast %get3A_1717 : i32 to index
    %get3A_1719 = arith.constant 64 : index
    %get3A_1720 = tpu.vector_load %arg5[%get3A_1718, %get3A_1719] {strides = array<i32>} : memref<32x128xi32, #tpu.memory_space<vmem>>, vector<16xi32>,
    %add3A_1721 = arith.constant 950 : i32
    %add3A_1722 = vector.broadcast %add3A_1721 : i32 to vector<16xi32>
    %add3A_1723 = arith.addi %get3A_1720, %add3A_1722 : vector<16xi32>
    %swap3A_1724 = arith.constant 19 : i32
    %swap3A_1725 = arith.index_cast %swap3A_1724 : i32 to index
    %swap3A_1726 = arith.constant 64 : index
    %swap3A_1727 = tpu.vector_load %arg6[%swap3A_1725, %swap3A_1726] {strides = array<i32>} : memref<26x128xi32, #tpu.memory_space<vmem>>, vector<16xi32>,
    tpu.vector_store %arg6[%swap3A_1725, %swap3A_1726], %add3A_1723 {strides = array<i32>} : memref<26x128xi32, #tpu.memory_space<vmem>>, vector<16xi32>,
    %get3A_1728 = arith.constant 19 : i32
    %get3A_1729 = arith.index_cast %get3A_1728 : i32 to index
    %get3A_1730 = arith.constant 80 : index
    %get3A_1731 = tpu.vector_load %arg5[%get3A_1729, %get3A_1730] {strides = array<i32>} : memref<32x128xi32, #tpu.memory_space<vmem>>, vector<16xi32>,
    %add3A_1732 = arith.constant 950 : i32
    %add3A_1733 = vector.broadcast %add3A_1732 : i32 to vector<16xi32>
    %add3A_1734 = arith.addi %get3A_1731, %add3A_1733 : vector<16xi32>
    %swap3A_1735 = arith.constant 19 : i32
    %swap3A_1736 = arith.index_cast %swap3A_1735 : i32 to index
    %swap3A_1737 = arith.constant 80 : index
    %swap3A_1738 = tpu.vector_load %arg6[%swap3A_1736, %swap3A_1737] {strides = array<i32>} : memref<26x128xi32, #tpu.memory_space<vmem>>, vector<16xi32>,
    tpu.vector_store %arg6[%swap3A_1736, %swap3A_1737], %add3A_1734 {strides = array<i32>} : memref<26x128xi32, #tpu.memory_space<vmem>>, vector<16xi32>,
    %get3A_1739 = arith.constant 19 : i32
    %get3A_1740 = arith.index_cast %get3A_1739 : i32 to index
    %get3A_1741 = arith.constant 96 : index
    %get3A_1742 = tpu.vector_load %arg5[%get3A_1740, %get3A_1741] {strides = array<i32>} : memref<32x128xi32, #tpu.memory_space<vmem>>, vector<16xi32>,
    %add3A_1743 = arith.constant 950 : i32
    %add3A_1744 = vector.broadcast %add3A_1743 : i32 to vector<16xi32>
    %add3A_1745 = arith.addi %get3A_1742, %add3A_1744 : vector<16xi32>
    %swap3A_1746 = arith.constant 19 : i32
    %swap3A_1747 = arith.index_cast %swap3A_1746 : i32 to index
    %swap3A_1748 = arith.constant 96 : index
    %swap3A_1749 = tpu.vector_load %arg6[%swap3A_1747, %swap3A_1748] {strides = array<i32>} : memref<26x128xi32, #tpu.memory_space<vmem>>, vector<16xi32>,
    tpu.vector_store %arg6[%swap3A_1747, %swap3A_1748], %add3A_1745 {strides = array<i32>} : memref<26x128xi32, #tpu.memory_space<vmem>>, vector<16xi32>,
    %get3A_1750 = arith.constant 19 : i32
    %get3A_1751 = arith.index_cast %get3A_1750 : i32 to index
    %get3A_1752 = arith.constant 112 : index
    %get3A_1753 = tpu.vector_load %arg5[%get3A_1751, %get3A_1752] {strides = array<i32>} : memref<32x128xi32, #tpu.memory_space<vmem>>, vector<16xi32>,
    %add3A_1754 = arith.constant 950 : i32
    %add3A_1755 = vector.broadcast %add3A_1754 : i32 to vector<16xi32>
    %add3A_1756 = arith.addi %get3A_1753, %add3A_1755 : vector<16xi32>
    %swap3A_1757 = arith.constant 19 : i32
    %swap3A_1758 = arith.index_cast %swap3A_1757 : i32 to index
    %swap3A_1759 = arith.constant 112 : index
    %swap3A_1760 = tpu.vector_load %arg6[%swap3A_1758, %swap3A_1759] {strides = array<i32>} : memref<26x128xi32, #tpu.memory_space<vmem>>, vector<16xi32>,
    tpu.vector_store %arg6[%swap3A_1758, %swap3A_1759], %add3A_1756 {strides = array<i32>} : memref<26x128xi32, #tpu.memory_space<vmem>>, vector<16xi32>,
    %get3A_1761 = arith.constant 20 : i32
    %get3A_1762 = arith.index_cast %get3A_1761 : i32 to index
    %get3A_1763 = arith.constant 0 : index
    %get3A_1764 = tpu.vector_load %arg5[%get3A_1762, %get3A_1763] {strides = array<i32>} : memref<32x128xi32, #tpu.memory_space<vmem>>, vector<16xi32>,
    %add3A_1765 = arith.constant 1000 : i32
    %add3A_1766 = vector.broadcast %add3A_1765 : i32 to vector<16xi32>
    %add3A_1767 = arith.addi %get3A_1764, %add3A_1766 : vector<16xi32>
    %swap3A_1768 = arith.constant 20 : i32
    %swap3A_1769 = arith.index_cast %swap3A_1768 : i32 to index
    %swap3A_1770 = arith.constant 0 : index
    %swap3A_1771 = tpu.vector_load %arg6[%swap3A_1769, %swap3A_1770] {strides = array<i32>} : memref<26x128xi32, #tpu.memory_space<vmem>>, vector<16xi32>,
    tpu.vector_store %arg6[%swap3A_1769, %swap3A_1770], %add3A_1767 {strides = array<i32>} : memref<26x128xi32, #tpu.memory_space<vmem>>, vector<16xi32>,
    %get3A_1772 = arith.constant 20 : i32
    %get3A_1773 = arith.index_cast %get3A_1772 : i32 to index
    %get3A_1774 = arith.constant 16 : index
    %get3A_1775 = tpu.vector_load %arg5[%get3A_1773, %get3A_1774] {strides = array<i32>} : memref<32x128xi32, #tpu.memory_space<vmem>>, vector<16xi32>,
    %add3A_1776 = arith.constant 1000 : i32
    %add3A_1777 = vector.broadcast %add3A_1776 : i32 to vector<16xi32>
    %add3A_1778 = arith.addi %get3A_1775, %add3A_1777 : vector<16xi32>
    %swap3A_1779 = arith.constant 20 : i32
    %swap3A_1780 = arith.index_cast %swap3A_1779 : i32 to index
    %swap3A_1781 = arith.constant 16 : index
    %swap3A_1782 = tpu.vector_load %arg6[%swap3A_1780, %swap3A_1781] {strides = array<i32>} : memref<26x128xi32, #tpu.memory_space<vmem>>, vector<16xi32>,
    tpu.vector_store %arg6[%swap3A_1780, %swap3A_1781], %add3A_1778 {strides = array<i32>} : memref<26x128xi32, #tpu.memory_space<vmem>>, vector<16xi32>,
    %get3A_1783 = arith.constant 20 : i32
    %get3A_1784 = arith.index_cast %get3A_1783 : i32 to index
    %get3A_1785 = arith.constant 32 : index
    %get3A_1786 = tpu.vector_load %arg5[%get3A_1784, %get3A_1785] {strides = array<i32>} : memref<32x128xi32, #tpu.memory_space<vmem>>, vector<16xi32>,
    %add3A_1787 = arith.constant 1000 : i32
    %add3A_1788 = vector.broadcast %add3A_1787 : i32 to vector<16xi32>
    %add3A_1789 = arith.addi %get3A_1786, %add3A_1788 : vector<16xi32>
    %swap3A_1790 = arith.constant 20 : i32
    %swap3A_1791 = arith.index_cast %swap3A_1790 : i32 to index
    %swap3A_1792 = arith.constant 32 : index
    %swap3A_1793 = tpu.vector_load %arg6[%swap3A_1791, %swap3A_1792] {strides = array<i32>} : memref<26x128xi32, #tpu.memory_space<vmem>>, vector<16xi32>,
    tpu.vector_store %arg6[%swap3A_1791, %swap3A_1792], %add3A_1789 {strides = array<i32>} : memref<26x128xi32, #tpu.memory_space<vmem>>, vector<16xi32>,
    %get3A_1794 = arith.constant 20 : i32
    %get3A_1795 = arith.index_cast %get3A_1794 : i32 to index
    %get3A_1796 = arith.constant 48 : index
    %get3A_1797 = tpu.vector_load %arg5[%get3A_1795, %get3A_1796] {strides = array<i32>} : memref<32x128xi32, #tpu.memory_space<vmem>>, vector<16xi32>,
    %add3A_1798 = arith.constant 1000 : i32
    %add3A_1799 = vector.broadcast %add3A_1798 : i32 to vector<16xi32>
    %add3A_1800 = arith.addi %get3A_1797, %add3A_1799 : vector<16xi32>
    %swap3A_1801 = arith.constant 20 : i32
    %swap3A_1802 = arith.index_cast %swap3A_1801 : i32 to index
    %swap3A_1803 = arith.constant 48 : index
    %swap3A_1804 = tpu.vector_load %arg6[%swap3A_1802, %swap3A_1803] {strides = array<i32>} : memref<26x128xi32, #tpu.memory_space<vmem>>, vector<16xi32>,
    tpu.vector_store %arg6[%swap3A_1802, %swap3A_1803], %add3A_1800 {strides = array<i32>} : memref<26x128xi32, #tpu.memory_space<vmem>>, vector<16xi32>,
    %get3A_1805 = arith.constant 20 : i32
    %get3A_1806 = arith.index_cast %get3A_1805 : i32 to index
    %get3A_1807 = arith.constant 64 : index
    %get3A_1808 = tpu.vector_load %arg5[%get3A_1806, %get3A_1807] {strides = array<i32>} : memref<32x128xi32, #tpu.memory_space<vmem>>, vector<16xi32>,
    %add3A_1809 = arith.constant 1000 : i32
    %add3A_1810 = vector.broadcast %add3A_1809 : i32 to vector<16xi32>
    %add3A_1811 = arith.addi %get3A_1808, %add3A_1810 : vector<16xi32>
    %swap3A_1812 = arith.constant 20 : i32
    %swap3A_1813 = arith.index_cast %swap3A_1812 : i32 to index
    %swap3A_1814 = arith.constant 64 : index
    %swap3A_1815 = tpu.vector_load %arg6[%swap3A_1813, %swap3A_1814] {strides = array<i32>} : memref<26x128xi32, #tpu.memory_space<vmem>>, vector<16xi32>,
    tpu.vector_store %arg6[%swap3A_1813, %swap3A_1814], %add3A_1811 {strides = array<i32>} : memref<26x128xi32, #tpu.memory_space<vmem>>, vector<16xi32>,
    %get3A_1816 = arith.constant 20 : i32
    %get3A_1817 = arith.index_cast %get3A_1816 : i32 to index
    %get3A_1818 = arith.constant 80 : index
    %get3A_1819 = tpu.vector_load %arg5[%get3A_1817, %get3A_1818] {strides = array<i32>} : memref<32x128xi32, #tpu.memory_space<vmem>>, vector<16xi32>,
    %add3A_1820 = arith.constant 1000 : i32
    %add3A_1821 = vector.broadcast %add3A_1820 : i32 to vector<16xi32>
    %add3A_1822 = arith.addi %get3A_1819, %add3A_1821 : vector<16xi32>
    %swap3A_1823 = arith.constant 20 : i32
    %swap3A_1824 = arith.index_cast %swap3A_1823 : i32 to index
    %swap3A_1825 = arith.constant 80 : index
    %swap3A_1826 = tpu.vector_load %arg6[%swap3A_1824, %swap3A_1825] {strides = array<i32>} : memref<26x128xi32, #tpu.memory_space<vmem>>, vector<16xi32>,
    tpu.vector_store %arg6[%swap3A_1824, %swap3A_1825], %add3A_1822 {strides = array<i32>} : memref<26x128xi32, #tpu.memory_space<vmem>>, vector<16xi32>,
    %get3A_1827 = arith.constant 20 : i32
    %get3A_1828 = arith.index_cast %get3A_1827 : i32 to index
    %get3A_1829 = arith.constant 96 : index
    %get3A_1830 = tpu.vector_load %arg5[%get3A_1828, %get3A_1829] {strides = array<i32>} : memref<32x128xi32, #tpu.memory_space<vmem>>, vector<16xi32>,
    %add3A_1831 = arith.constant 1000 : i32
    %add3A_1832 = vector.broadcast %add3A_1831 : i32 to vector<16xi32>
    %add3A_1833 = arith.addi %get3A_1830, %add3A_1832 : vector<16xi32>
    %swap3A_1834 = arith.constant 20 : i32
    %swap3A_1835 = arith.index_cast %swap3A_1834 : i32 to index
    %swap3A_1836 = arith.constant 96 : index
    %swap3A_1837 = tpu.vector_load %arg6[%swap3A_1835, %swap3A_1836] {strides = array<i32>} : memref<26x128xi32, #tpu.memory_space<vmem>>, vector<16xi32>,
    tpu.vector_store %arg6[%swap3A_1835, %swap3A_1836], %add3A_1833 {strides = array<i32>} : memref<26x128xi32, #tpu.memory_space<vmem>>, vector<16xi32>,
    %get3A_1838 = arith.constant 20 : i32
    %get3A_1839 = arith.index_cast %get3A_1838 : i32 to index
    %get3A_1840 = arith.constant 112 : index
    %get3A_1841 = tpu.vector_load %arg5[%get3A_1839, %get3A_1840] {strides = array<i32>} : memref<32x128xi32, #tpu.memory_space<vmem>>, vector<16xi32>,
    %add3A_1842 = arith.constant 1000 : i32
    %add3A_1843 = vector.broadcast %add3A_1842 : i32 to vector<16xi32>
    %add3A_1844 = arith.addi %get3A_1841, %add3A_1843 : vector<16xi32>
    %swap3A_1845 = arith.constant 20 : i32
    %swap3A_1846 = arith.index_cast %swap3A_1845 : i32 to index
    %swap3A_1847 = arith.constant 112 : index
    %swap3A_1848 = tpu.vector_load %arg6[%swap3A_1846, %swap3A_1847] {strides = array<i32>} : memref<26x128xi32, #tpu.memory_space<vmem>>, vector<16xi32>,
    tpu.vector_store %arg6[%swap3A_1846, %swap3A_1847], %add3A_1844 {strides = array<i32>} : memref<26x128xi32, #tpu.memory_space<vmem>>, vector<16xi32>,
    %get3A_1849 = arith.constant 21 : i32
    %get3A_1850 = arith.index_cast %get3A_1849 : i32 to index
    %get3A_1851 = arith.constant 0 : index
    %get3A_1852 = tpu.vector_load %arg5[%get3A_1850, %get3A_1851] {strides = array<i32>} : memref<32x128xi32, #tpu.memory_space<vmem>>, vector<16xi32>,
    %add3A_1853 = arith.constant 1050 : i32
    %add3A_1854 = vector.broadcast %add3A_1853 : i32 to vector<16xi32>
    %add3A_1855 = arith.addi %get3A_1852, %add3A_1854 : vector<16xi32>
    %swap3A_1856 = arith.constant 21 : i32
    %swap3A_1857 = arith.index_cast %swap3A_1856 : i32 to index
    %swap3A_1858 = arith.constant 0 : index
    %swap3A_1859 = tpu.vector_load %arg6[%swap3A_1857, %swap3A_1858] {strides = array<i32>} : memref<26x128xi32, #tpu.memory_space<vmem>>, vector<16xi32>,
    tpu.vector_store %arg6[%swap3A_1857, %swap3A_1858], %add3A_1855 {strides = array<i32>} : memref<26x128xi32, #tpu.memory_space<vmem>>, vector<16xi32>,
    %get3A_1860 = arith.constant 21 : i32
    %get3A_1861 = arith.index_cast %get3A_1860 : i32 to index
    %get3A_1862 = arith.constant 16 : index
    %get3A_1863 = tpu.vector_load %arg5[%get3A_1861, %get3A_1862] {strides = array<i32>} : memref<32x128xi32, #tpu.memory_space<vmem>>, vector<16xi32>,
    %add3A_1864 = arith.constant 1050 : i32
    %add3A_1865 = vector.broadcast %add3A_1864 : i32 to vector<16xi32>
    %add3A_1866 = arith.addi %get3A_1863, %add3A_1865 : vector<16xi32>
    %swap3A_1867 = arith.constant 21 : i32
    %swap3A_1868 = arith.index_cast %swap3A_1867 : i32 to index
    %swap3A_1869 = arith.constant 16 : index
    %swap3A_1870 = tpu.vector_load %arg6[%swap3A_1868, %swap3A_1869] {strides = array<i32>} : memref<26x128xi32, #tpu.memory_space<vmem>>, vector<16xi32>,
    tpu.vector_store %arg6[%swap3A_1868, %swap3A_1869], %add3A_1866 {strides = array<i32>} : memref<26x128xi32, #tpu.memory_space<vmem>>, vector<16xi32>,
    %get3A_1871 = arith.constant 21 : i32
    %get3A_1872 = arith.index_cast %get3A_1871 : i32 to index
    %get3A_1873 = arith.constant 32 : index
    %get3A_1874 = tpu.vector_load %arg5[%get3A_1872, %get3A_1873] {strides = array<i32>} : memref<32x128xi32, #tpu.memory_space<vmem>>, vector<16xi32>,
    %add3A_1875 = arith.constant 1050 : i32
    %add3A_1876 = vector.broadcast %add3A_1875 : i32 to vector<16xi32>
    %add3A_1877 = arith.addi %get3A_1874, %add3A_1876 : vector<16xi32>
    %swap3A_1878 = arith.constant 21 : i32
    %swap3A_1879 = arith.index_cast %swap3A_1878 : i32 to index
    %swap3A_1880 = arith.constant 32 : index
    %swap3A_1881 = tpu.vector_load %arg6[%swap3A_1879, %swap3A_1880] {strides = array<i32>} : memref<26x128xi32, #tpu.memory_space<vmem>>, vector<16xi32>,
    tpu.vector_store %arg6[%swap3A_1879, %swap3A_1880], %add3A_1877 {strides = array<i32>} : memref<26x128xi32, #tpu.memory_space<vmem>>, vector<16xi32>,
    %get3A_1882 = arith.constant 21 : i32
    %get3A_1883 = arith.index_cast %get3A_1882 : i32 to index
    %get3A_1884 = arith.constant 48 : index
    %get3A_1885 = tpu.vector_load %arg5[%get3A_1883, %get3A_1884] {strides = array<i32>} : memref<32x128xi32, #tpu.memory_space<vmem>>, vector<16xi32>,
    %add3A_1886 = arith.constant 1050 : i32
    %add3A_1887 = vector.broadcast %add3A_1886 : i32 to vector<16xi32>
    %add3A_1888 = arith.addi %get3A_1885, %add3A_1887 : vector<16xi32>
    %swap3A_1889 = arith.constant 21 : i32
    %swap3A_1890 = arith.index_cast %swap3A_1889 : i32 to index
    %swap3A_1891 = arith.constant 48 : index
    %swap3A_1892 = tpu.vector_load %arg6[%swap3A_1890, %swap3A_1891] {strides = array<i32>} : memref<26x128xi32, #tpu.memory_space<vmem>>, vector<16xi32>,
    tpu.vector_store %arg6[%swap3A_1890, %swap3A_1891], %add3A_1888 {strides = array<i32>} : memref<26x128xi32, #tpu.memory_space<vmem>>, vector<16xi32>,
    %get3A_1893 = arith.constant 21 : i32
    %get3A_1894 = arith.index_cast %get3A_1893 : i32 to index
    %get3A_1895 = arith.constant 64 : index
    %get3A_1896 = tpu.vector_load %arg5[%get3A_1894, %get3A_1895] {strides = array<i32>} : memref<32x128xi32, #tpu.memory_space<vmem>>, vector<16xi32>,
    %add3A_1897 = arith.constant 1050 : i32
    %add3A_1898 = vector.broadcast %add3A_1897 : i32 to vector<16xi32>
    %add3A_1899 = arith.addi %get3A_1896, %add3A_1898 : vector<16xi32>
    %swap3A_1900 = arith.constant 21 : i32
    %swap3A_1901 = arith.index_cast %swap3A_1900 : i32 to index
    %swap3A_1902 = arith.constant 64 : index
    %swap3A_1903 = tpu.vector_load %arg6[%swap3A_1901, %swap3A_1902] {strides = array<i32>} : memref<26x128xi32, #tpu.memory_space<vmem>>, vector<16xi32>,
    tpu.vector_store %arg6[%swap3A_1901, %swap3A_1902], %add3A_1899 {strides = array<i32>} : memref<26x128xi32, #tpu.memory_space<vmem>>, vector<16xi32>,
    %get3A_1904 = arith.constant 21 : i32
    %get3A_1905 = arith.index_cast %get3A_1904 : i32 to index
    %get3A_1906 = arith.constant 80 : index
    %get3A_1907 = tpu.vector_load %arg5[%get3A_1905, %get3A_1906] {strides = array<i32>} : memref<32x128xi32, #tpu.memory_space<vmem>>, vector<16xi32>,
    %add3A_1908 = arith.constant 1050 : i32
    %add3A_1909 = vector.broadcast %add3A_1908 : i32 to vector<16xi32>
    %add3A_1910 = arith.addi %get3A_1907, %add3A_1909 : vector<16xi32>
    %swap3A_1911 = arith.constant 21 : i32
    %swap3A_1912 = arith.index_cast %swap3A_1911 : i32 to index
    %swap3A_1913 = arith.constant 80 : index
    %swap3A_1914 = tpu.vector_load %arg6[%swap3A_1912, %swap3A_1913] {strides = array<i32>} : memref<26x128xi32, #tpu.memory_space<vmem>>, vector<16xi32>,
    tpu.vector_store %arg6[%swap3A_1912, %swap3A_1913], %add3A_1910 {strides = array<i32>} : memref<26x128xi32, #tpu.memory_space<vmem>>, vector<16xi32>,
    %get3A_1915 = arith.constant 21 : i32
    %get3A_1916 = arith.index_cast %get3A_1915 : i32 to index
    %get3A_1917 = arith.constant 96 : index
    %get3A_1918 = tpu.vector_load %arg5[%get3A_1916, %get3A_1917] {strides = array<i32>} : memref<32x128xi32, #tpu.memory_space<vmem>>, vector<16xi32>,
    %add3A_1919 = arith.constant 1050 : i32
    %add3A_1920 = vector.broadcast %add3A_1919 : i32 to vector<16xi32>
    %add3A_1921 = arith.addi %get3A_1918, %add3A_1920 : vector<16xi32>
    %swap3A_1922 = arith.constant 21 : i32
    %swap3A_1923 = arith.index_cast %swap3A_1922 : i32 to index
    %swap3A_1924 = arith.constant 96 : index
    %swap3A_1925 = tpu.vector_load %arg6[%swap3A_1923, %swap3A_1924] {strides = array<i32>} : memref<26x128xi32, #tpu.memory_space<vmem>>, vector<16xi32>,
    tpu.vector_store %arg6[%swap3A_1923, %swap3A_1924], %add3A_1921 {strides = array<i32>} : memref<26x128xi32, #tpu.memory_space<vmem>>, vector<16xi32>,
    %get3A_1926 = arith.constant 21 : i32
    %get3A_1927 = arith.index_cast %get3A_1926 : i32 to index
    %get3A_1928 = arith.constant 112 : index
    %get3A_1929 = tpu.vector_load %arg5[%get3A_1927, %get3A_1928] {strides = array<i32>} : memref<32x128xi32, #tpu.memory_space<vmem>>, vector<16xi32>,
    %add3A_1930 = arith.constant 1050 : i32
    %add3A_1931 = vector.broadcast %add3A_1930 : i32 to vector<16xi32>
    %add3A_1932 = arith.addi %get3A_1929, %add3A_1931 : vector<16xi32>
    %swap3A_1933 = arith.constant 21 : i32
    %swap3A_1934 = arith.index_cast %swap3A_1933 : i32 to index
    %swap3A_1935 = arith.constant 112 : index
    %swap3A_1936 = tpu.vector_load %arg6[%swap3A_1934, %swap3A_1935] {strides = array<i32>} : memref<26x128xi32, #tpu.memory_space<vmem>>, vector<16xi32>,
    tpu.vector_store %arg6[%swap3A_1934, %swap3A_1935], %add3A_1932 {strides = array<i32>} : memref<26x128xi32, #tpu.memory_space<vmem>>, vector<16xi32>,
    %get3A_1937 = arith.constant 22 : i32
    %get3A_1938 = arith.index_cast %get3A_1937 : i32 to index
    %get3A_1939 = arith.constant 0 : index
    %get3A_1940 = tpu.vector_load %arg5[%get3A_1938, %get3A_1939] {strides = array<i32>} : memref<32x128xi32, #tpu.memory_space<vmem>>, vector<16xi32>,
    %add3A_1941 = arith.constant 1100 : i32
    %add3A_1942 = vector.broadcast %add3A_1941 : i32 to vector<16xi32>
    %add3A_1943 = arith.addi %get3A_1940, %add3A_1942 : vector<16xi32>
    %swap3A_1944 = arith.constant 22 : i32
    %swap3A_1945 = arith.index_cast %swap3A_1944 : i32 to index
    %swap3A_1946 = arith.constant 0 : index
    %swap3A_1947 = tpu.vector_load %arg6[%swap3A_1945, %swap3A_1946] {strides = array<i32>} : memref<26x128xi32, #tpu.memory_space<vmem>>, vector<16xi32>,
    tpu.vector_store %arg6[%swap3A_1945, %swap3A_1946], %add3A_1943 {strides = array<i32>} : memref<26x128xi32, #tpu.memory_space<vmem>>, vector<16xi32>,
    %get3A_1948 = arith.constant 22 : i32
    %get3A_1949 = arith.index_cast %get3A_1948 : i32 to index
    %get3A_1950 = arith.constant 16 : index
    %get3A_1951 = tpu.vector_load %arg5[%get3A_1949, %get3A_1950] {strides = array<i32>} : memref<32x128xi32, #tpu.memory_space<vmem>>, vector<16xi32>,
    %add3A_1952 = arith.constant 1100 : i32
    %add3A_1953 = vector.broadcast %add3A_1952 : i32 to vector<16xi32>
    %add3A_1954 = arith.addi %get3A_1951, %add3A_1953 : vector<16xi32>
    %swap3A_1955 = arith.constant 22 : i32
    %swap3A_1956 = arith.index_cast %swap3A_1955 : i32 to index
    %swap3A_1957 = arith.constant 16 : index
    %swap3A_1958 = tpu.vector_load %arg6[%swap3A_1956, %swap3A_1957] {strides = array<i32>} : memref<26x128xi32, #tpu.memory_space<vmem>>, vector<16xi32>,
    tpu.vector_store %arg6[%swap3A_1956, %swap3A_1957], %add3A_1954 {strides = array<i32>} : memref<26x128xi32, #tpu.memory_space<vmem>>, vector<16xi32>,
    %get3A_1959 = arith.constant 22 : i32
    %get3A_1960 = arith.index_cast %get3A_1959 : i32 to index
    %get3A_1961 = arith.constant 32 : index
    %get3A_1962 = tpu.vector_load %arg5[%get3A_1960, %get3A_1961] {strides = array<i32>} : memref<32x128xi32, #tpu.memory_space<vmem>>, vector<16xi32>,
    %add3A_1963 = arith.constant 1100 : i32
    %add3A_1964 = vector.broadcast %add3A_1963 : i32 to vector<16xi32>
    %add3A_1965 = arith.addi %get3A_1962, %add3A_1964 : vector<16xi32>
    %swap3A_1966 = arith.constant 22 : i32
    %swap3A_1967 = arith.index_cast %swap3A_1966 : i32 to index
    %swap3A_1968 = arith.constant 32 : index
    %swap3A_1969 = tpu.vector_load %arg6[%swap3A_1967, %swap3A_1968] {strides = array<i32>} : memref<26x128xi32, #tpu.memory_space<vmem>>, vector<16xi32>,
    tpu.vector_store %arg6[%swap3A_1967, %swap3A_1968], %add3A_1965 {strides = array<i32>} : memref<26x128xi32, #tpu.memory_space<vmem>>, vector<16xi32>,
    %get3A_1970 = arith.constant 22 : i32
    %get3A_1971 = arith.index_cast %get3A_1970 : i32 to index
    %get3A_1972 = arith.constant 48 : index
    %get3A_1973 = tpu.vector_load %arg5[%get3A_1971, %get3A_1972] {strides = array<i32>} : memref<32x128xi32, #tpu.memory_space<vmem>>, vector<16xi32>,
    %add3A_1974 = arith.constant 1100 : i32
    %add3A_1975 = vector.broadcast %add3A_1974 : i32 to vector<16xi32>
    %add3A_1976 = arith.addi %get3A_1973, %add3A_1975 : vector<16xi32>
    %swap3A_1977 = arith.constant 22 : i32
    %swap3A_1978 = arith.index_cast %swap3A_1977 : i32 to index
    %swap3A_1979 = arith.constant 48 : index
    %swap3A_1980 = tpu.vector_load %arg6[%swap3A_1978, %swap3A_1979] {strides = array<i32>} : memref<26x128xi32, #tpu.memory_space<vmem>>, vector<16xi32>,
    tpu.vector_store %arg6[%swap3A_1978, %swap3A_1979], %add3A_1976 {strides = array<i32>} : memref<26x128xi32, #tpu.memory_space<vmem>>, vector<16xi32>,
    %get3A_1981 = arith.constant 22 : i32
    %get3A_1982 = arith.index_cast %get3A_1981 : i32 to index
    %get3A_1983 = arith.constant 64 : index
    %get3A_1984 = tpu.vector_load %arg5[%get3A_1982, %get3A_1983] {strides = array<i32>} : memref<32x128xi32, #tpu.memory_space<vmem>>, vector<16xi32>,
    %add3A_1985 = arith.constant 1100 : i32
    %add3A_1986 = vector.broadcast %add3A_1985 : i32 to vector<16xi32>
    %add3A_1987 = arith.addi %get3A_1984, %add3A_1986 : vector<16xi32>
    %swap3A_1988 = arith.constant 22 : i32
    %swap3A_1989 = arith.index_cast %swap3A_1988 : i32 to index
    %swap3A_1990 = arith.constant 64 : index
    %swap3A_1991 = tpu.vector_load %arg6[%swap3A_1989, %swap3A_1990] {strides = array<i32>} : memref<26x128xi32, #tpu.memory_space<vmem>>, vector<16xi32>,
    tpu.vector_store %arg6[%swap3A_1989, %swap3A_1990], %add3A_1987 {strides = array<i32>} : memref<26x128xi32, #tpu.memory_space<vmem>>, vector<16xi32>,
    %get3A_1992 = arith.constant 22 : i32
    %get3A_1993 = arith.index_cast %get3A_1992 : i32 to index
    %get3A_1994 = arith.constant 80 : index
    %get3A_1995 = tpu.vector_load %arg5[%get3A_1993, %get3A_1994] {strides = array<i32>} : memref<32x128xi32, #tpu.memory_space<vmem>>, vector<16xi32>,
    %add3A_1996 = arith.constant 1100 : i32
    %add3A_1997 = vector.broadcast %add3A_1996 : i32 to vector<16xi32>
    %add3A_1998 = arith.addi %get3A_1995, %add3A_1997 : vector<16xi32>
    %swap3A_1999 = arith.constant 22 : i32
    %swap3A_2000 = arith.index_cast %swap3A_1999 : i32 to index
    %swap3A_2001 = arith.constant 80 : index
    %swap3A_2002 = tpu.vector_load %arg6[%swap3A_2000, %swap3A_2001] {strides = array<i32>} : memref<26x128xi32, #tpu.memory_space<vmem>>, vector<16xi32>,
    tpu.vector_store %arg6[%swap3A_2000, %swap3A_2001], %add3A_1998 {strides = array<i32>} : memref<26x128xi32, #tpu.memory_space<vmem>>, vector<16xi32>,
    %get3A_2003 = arith.constant 22 : i32
    %get3A_2004 = arith.index_cast %get3A_2003 : i32 to index
    %get3A_2005 = arith.constant 96 : index
    %get3A_2006 = tpu.vector_load %arg5[%get3A_2004, %get3A_2005] {strides = array<i32>} : memref<32x128xi32, #tpu.memory_space<vmem>>, vector<16xi32>,
    %add3A_2007 = arith.constant 1100 : i32
    %add3A_2008 = vector.broadcast %add3A_2007 : i32 to vector<16xi32>
    %add3A_2009 = arith.addi %get3A_2006, %add3A_2008 : vector<16xi32>
    %swap3A_2010 = arith.constant 22 : i32
    %swap3A_2011 = arith.index_cast %swap3A_2010 : i32 to index
    %swap3A_2012 = arith.constant 96 : index
    %swap3A_2013 = tpu.vector_load %arg6[%swap3A_2011, %swap3A_2012] {strides = array<i32>} : memref<26x128xi32, #tpu.memory_space<vmem>>, vector<16xi32>,
    tpu.vector_store %arg6[%swap3A_2011, %swap3A_2012], %add3A_2009 {strides = array<i32>} : memref<26x128xi32, #tpu.memory_space<vmem>>, vector<16xi32>,
    %get3A_2014 = arith.constant 22 : i32
    %get3A_2015 = arith.index_cast %get3A_2014 : i32 to index
    %get3A_2016 = arith.constant 112 : index
    %get3A_2017 = tpu.vector_load %arg5[%get3A_2015, %get3A_2016] {strides = array<i32>} : memref<32x128xi32, #tpu.memory_space<vmem>>, vector<16xi32>,
    %add3A_2018 = arith.constant 1100 : i32
    %add3A_2019 = vector.broadcast %add3A_2018 : i32 to vector<16xi32>
    %add3A_2020 = arith.addi %get3A_2017, %add3A_2019 : vector<16xi32>
    %swap3A_2021 = arith.constant 22 : i32
    %swap3A_2022 = arith.index_cast %swap3A_2021 : i32 to index
    %swap3A_2023 = arith.constant 112 : index
    %swap3A_2024 = tpu.vector_load %arg6[%swap3A_2022, %swap3A_2023] {strides = array<i32>} : memref<26x128xi32, #tpu.memory_space<vmem>>, vector<16xi32>,
    tpu.vector_store %arg6[%swap3A_2022, %swap3A_2023], %add3A_2020 {strides = array<i32>} : memref<26x128xi32, #tpu.memory_space<vmem>>, vector<16xi32>,
    %get3A_2025 = arith.constant 23 : i32
    %get3A_2026 = arith.index_cast %get3A_2025 : i32 to index
    %get3A_2027 = arith.constant 0 : index
    %get3A_2028 = tpu.vector_load %arg5[%get3A_2026, %get3A_2027] {strides = array<i32>} : memref<32x128xi32, #tpu.memory_space<vmem>>, vector<16xi32>,
    %add3A_2029 = arith.constant 1150 : i32
    %add3A_2030 = vector.broadcast %add3A_2029 : i32 to vector<16xi32>
    %add3A_2031 = arith.addi %get3A_2028, %add3A_2030 : vector<16xi32>
    %swap3A_2032 = arith.constant 23 : i32
    %swap3A_2033 = arith.index_cast %swap3A_2032 : i32 to index
    %swap3A_2034 = arith.constant 0 : index
    %swap3A_2035 = tpu.vector_load %arg6[%swap3A_2033, %swap3A_2034] {strides = array<i32>} : memref<26x128xi32, #tpu.memory_space<vmem>>, vector<16xi32>,
    tpu.vector_store %arg6[%swap3A_2033, %swap3A_2034], %add3A_2031 {strides = array<i32>} : memref<26x128xi32, #tpu.memory_space<vmem>>, vector<16xi32>,
    %get3A_2036 = arith.constant 23 : i32
    %get3A_2037 = arith.index_cast %get3A_2036 : i32 to index
    %get3A_2038 = arith.constant 16 : index
    %get3A_2039 = tpu.vector_load %arg5[%get3A_2037, %get3A_2038] {strides = array<i32>} : memref<32x128xi32, #tpu.memory_space<vmem>>, vector<16xi32>,
    %add3A_2040 = arith.constant 1150 : i32
    %add3A_2041 = vector.broadcast %add3A_2040 : i32 to vector<16xi32>
    %add3A_2042 = arith.addi %get3A_2039, %add3A_2041 : vector<16xi32>
    %swap3A_2043 = arith.constant 23 : i32
    %swap3A_2044 = arith.index_cast %swap3A_2043 : i32 to index
    %swap3A_2045 = arith.constant 16 : index
    %swap3A_2046 = tpu.vector_load %arg6[%swap3A_2044, %swap3A_2045] {strides = array<i32>} : memref<26x128xi32, #tpu.memory_space<vmem>>, vector<16xi32>,
    tpu.vector_store %arg6[%swap3A_2044, %swap3A_2045], %add3A_2042 {strides = array<i32>} : memref<26x128xi32, #tpu.memory_space<vmem>>, vector<16xi32>,
    %get3A_2047 = arith.constant 23 : i32
    %get3A_2048 = arith.index_cast %get3A_2047 : i32 to index
    %get3A_2049 = arith.constant 32 : index
    %get3A_2050 = tpu.vector_load %arg5[%get3A_2048, %get3A_2049] {strides = array<i32>} : memref<32x128xi32, #tpu.memory_space<vmem>>, vector<16xi32>,
    %add3A_2051 = arith.constant 1150 : i32
    %add3A_2052 = vector.broadcast %add3A_2051 : i32 to vector<16xi32>
    %add3A_2053 = arith.addi %get3A_2050, %add3A_2052 : vector<16xi32>
    %swap3A_2054 = arith.constant 23 : i32
    %swap3A_2055 = arith.index_cast %swap3A_2054 : i32 to index
    %swap3A_2056 = arith.constant 32 : index
    %swap3A_2057 = tpu.vector_load %arg6[%swap3A_2055, %swap3A_2056] {strides = array<i32>} : memref<26x128xi32, #tpu.memory_space<vmem>>, vector<16xi32>,
    tpu.vector_store %arg6[%swap3A_2055, %swap3A_2056], %add3A_2053 {strides = array<i32>} : memref<26x128xi32, #tpu.memory_space<vmem>>, vector<16xi32>,
    %get3A_2058 = arith.constant 23 : i32
    %get3A_2059 = arith.index_cast %get3A_2058 : i32 to index
    %get3A_2060 = arith.constant 48 : index
    %get3A_2061 = tpu.vector_load %arg5[%get3A_2059, %get3A_2060] {strides = array<i32>} : memref<32x128xi32, #tpu.memory_space<vmem>>, vector<16xi32>,
    %add3A_2062 = arith.constant 1150 : i32
    %add3A_2063 = vector.broadcast %add3A_2062 : i32 to vector<16xi32>
    %add3A_2064 = arith.addi %get3A_2061, %add3A_2063 : vector<16xi32>
    %swap3A_2065 = arith.constant 23 : i32
    %swap3A_2066 = arith.index_cast %swap3A_2065 : i32 to index
    %swap3A_2067 = arith.constant 48 : index
    %swap3A_2068 = tpu.vector_load %arg6[%swap3A_2066, %swap3A_2067] {strides = array<i32>} : memref<26x128xi32, #tpu.memory_space<vmem>>, vector<16xi32>,
    tpu.vector_store %arg6[%swap3A_2066, %swap3A_2067], %add3A_2064 {strides = array<i32>} : memref<26x128xi32, #tpu.memory_space<vmem>>, vector<16xi32>,
    %get3A_2069 = arith.constant 23 : i32
    %get3A_2070 = arith.index_cast %get3A_2069 : i32 to index
    %get3A_2071 = arith.constant 64 : index
    %get3A_2072 = tpu.vector_load %arg5[%get3A_2070, %get3A_2071] {strides = array<i32>} : memref<32x128xi32, #tpu.memory_space<vmem>>, vector<16xi32>,
    %add3A_2073 = arith.constant 1150 : i32
    %add3A_2074 = vector.broadcast %add3A_2073 : i32 to vector<16xi32>
    %add3A_2075 = arith.addi %get3A_2072, %add3A_2074 : vector<16xi32>
    %swap3A_2076 = arith.constant 23 : i32
    %swap3A_2077 = arith.index_cast %swap3A_2076 : i32 to index
    %swap3A_2078 = arith.constant 64 : index
    %swap3A_2079 = tpu.vector_load %arg6[%swap3A_2077, %swap3A_2078] {strides = array<i32>} : memref<26x128xi32, #tpu.memory_space<vmem>>, vector<16xi32>,
    tpu.vector_store %arg6[%swap3A_2077, %swap3A_2078], %add3A_2075 {strides = array<i32>} : memref<26x128xi32, #tpu.memory_space<vmem>>, vector<16xi32>,
    %get3A_2080 = arith.constant 23 : i32
    %get3A_2081 = arith.index_cast %get3A_2080 : i32 to index
    %get3A_2082 = arith.constant 80 : index
    %get3A_2083 = tpu.vector_load %arg5[%get3A_2081, %get3A_2082] {strides = array<i32>} : memref<32x128xi32, #tpu.memory_space<vmem>>, vector<16xi32>,
    %add3A_2084 = arith.constant 1150 : i32
    %add3A_2085 = vector.broadcast %add3A_2084 : i32 to vector<16xi32>
    %add3A_2086 = arith.addi %get3A_2083, %add3A_2085 : vector<16xi32>
    %swap3A_2087 = arith.constant 23 : i32
    %swap3A_2088 = arith.index_cast %swap3A_2087 : i32 to index
    %swap3A_2089 = arith.constant 80 : index
    %swap3A_2090 = tpu.vector_load %arg6[%swap3A_2088, %swap3A_2089] {strides = array<i32>} : memref<26x128xi32, #tpu.memory_space<vmem>>, vector<16xi32>,
    tpu.vector_store %arg6[%swap3A_2088, %swap3A_2089], %add3A_2086 {strides = array<i32>} : memref<26x128xi32, #tpu.memory_space<vmem>>, vector<16xi32>,
    %get3A_2091 = arith.constant 23 : i32
    %get3A_2092 = arith.index_cast %get3A_2091 : i32 to index
    %get3A_2093 = arith.constant 96 : index
    %get3A_2094 = tpu.vector_load %arg5[%get3A_2092, %get3A_2093] {strides = array<i32>} : memref<32x128xi32, #tpu.memory_space<vmem>>, vector<16xi32>,
    %add3A_2095 = arith.constant 1150 : i32
    %add3A_2096 = vector.broadcast %add3A_2095 : i32 to vector<16xi32>
    %add3A_2097 = arith.addi %get3A_2094, %add3A_2096 : vector<16xi32>
    %swap3A_2098 = arith.constant 23 : i32
    %swap3A_2099 = arith.index_cast %swap3A_2098 : i32 to index
    %swap3A_2100 = arith.constant 96 : index
    %swap3A_2101 = tpu.vector_load %arg6[%swap3A_2099, %swap3A_2100] {strides = array<i32>} : memref<26x128xi32, #tpu.memory_space<vmem>>, vector<16xi32>,
    tpu.vector_store %arg6[%swap3A_2099, %swap3A_2100], %add3A_2097 {strides = array<i32>} : memref<26x128xi32, #tpu.memory_space<vmem>>, vector<16xi32>,
    %get3A_2102 = arith.constant 23 : i32
    %get3A_2103 = arith.index_cast %get3A_2102 : i32 to index
    %get3A_2104 = arith.constant 112 : index
    %get3A_2105 = tpu.vector_load %arg5[%get3A_2103, %get3A_2104] {strides = array<i32>} : memref<32x128xi32, #tpu.memory_space<vmem>>, vector<16xi32>,
    %add3A_2106 = arith.constant 1150 : i32
    %add3A_2107 = vector.broadcast %add3A_2106 : i32 to vector<16xi32>
    %add3A_2108 = arith.addi %get3A_2105, %add3A_2107 : vector<16xi32>
    %swap3A_2109 = arith.constant 23 : i32
    %swap3A_2110 = arith.index_cast %swap3A_2109 : i32 to index
    %swap3A_2111 = arith.constant 112 : index
    %swap3A_2112 = tpu.vector_load %arg6[%swap3A_2110, %swap3A_2111] {strides = array<i32>} : memref<26x128xi32, #tpu.memory_space<vmem>>, vector<16xi32>,
    tpu.vector_store %arg6[%swap3A_2110, %swap3A_2111], %add3A_2108 {strides = array<i32>} : memref<26x128xi32, #tpu.memory_space<vmem>>, vector<16xi32>,
    %get3A_2113 = arith.constant 24 : i32
    %get3A_2114 = arith.index_cast %get3A_2113 : i32 to index
    %get3A_2115 = arith.constant 0 : index
    %get3A_2116 = tpu.vector_load %arg5[%get3A_2114, %get3A_2115] {strides = array<i32>} : memref<32x128xi32, #tpu.memory_space<vmem>>, vector<16xi32>,
    %add3A_2117 = arith.constant 1200 : i32
    %add3A_2118 = vector.broadcast %add3A_2117 : i32 to vector<16xi32>
    %add3A_2119 = arith.addi %get3A_2116, %add3A_2118 : vector<16xi32>
    %swap3A_2120 = arith.constant 24 : i32
    %swap3A_2121 = arith.index_cast %swap3A_2120 : i32 to index
    %swap3A_2122 = arith.constant 0 : index
    %swap3A_2123 = tpu.vector_load %arg6[%swap3A_2121, %swap3A_2122] {strides = array<i32>} : memref<26x128xi32, #tpu.memory_space<vmem>>, vector<16xi32>,
    tpu.vector_store %arg6[%swap3A_2121, %swap3A_2122], %add3A_2119 {strides = array<i32>} : memref<26x128xi32, #tpu.memory_space<vmem>>, vector<16xi32>,
    %get3A_2124 = arith.constant 24 : i32
    %get3A_2125 = arith.index_cast %get3A_2124 : i32 to index
    %get3A_2126 = arith.constant 16 : index
    %get3A_2127 = tpu.vector_load %arg5[%get3A_2125, %get3A_2126] {strides = array<i32>} : memref<32x128xi32, #tpu.memory_space<vmem>>, vector<16xi32>,
    %add3A_2128 = arith.constant 1200 : i32
    %add3A_2129 = vector.broadcast %add3A_2128 : i32 to vector<16xi32>
    %add3A_2130 = arith.addi %get3A_2127, %add3A_2129 : vector<16xi32>
    %swap3A_2131 = arith.constant 24 : i32
    %swap3A_2132 = arith.index_cast %swap3A_2131 : i32 to index
    %swap3A_2133 = arith.constant 16 : index
    %swap3A_2134 = tpu.vector_load %arg6[%swap3A_2132, %swap3A_2133] {strides = array<i32>} : memref<26x128xi32, #tpu.memory_space<vmem>>, vector<16xi32>,
    tpu.vector_store %arg6[%swap3A_2132, %swap3A_2133], %add3A_2130 {strides = array<i32>} : memref<26x128xi32, #tpu.memory_space<vmem>>, vector<16xi32>,
    %get3A_2135 = arith.constant 24 : i32
    %get3A_2136 = arith.index_cast %get3A_2135 : i32 to index
    %get3A_2137 = arith.constant 32 : index
    %get3A_2138 = tpu.vector_load %arg5[%get3A_2136, %get3A_2137] {strides = array<i32>} : memref<32x128xi32, #tpu.memory_space<vmem>>, vector<16xi32>,
    %add3A_2139 = arith.constant 1200 : i32
    %add3A_2140 = vector.broadcast %add3A_2139 : i32 to vector<16xi32>
    %add3A_2141 = arith.addi %get3A_2138, %add3A_2140 : vector<16xi32>
    %swap3A_2142 = arith.constant 24 : i32
    %swap3A_2143 = arith.index_cast %swap3A_2142 : i32 to index
    %swap3A_2144 = arith.constant 32 : index
    %swap3A_2145 = tpu.vector_load %arg6[%swap3A_2143, %swap3A_2144] {strides = array<i32>} : memref<26x128xi32, #tpu.memory_space<vmem>>, vector<16xi32>,
    tpu.vector_store %arg6[%swap3A_2143, %swap3A_2144], %add3A_2141 {strides = array<i32>} : memref<26x128xi32, #tpu.memory_space<vmem>>, vector<16xi32>,
    %get3A_2146 = arith.constant 24 : i32
    %get3A_2147 = arith.index_cast %get3A_2146 : i32 to index
    %get3A_2148 = arith.constant 48 : index
    %get3A_2149 = tpu.vector_load %arg5[%get3A_2147, %get3A_2148] {strides = array<i32>} : memref<32x128xi32, #tpu.memory_space<vmem>>, vector<16xi32>,
    %add3A_2150 = arith.constant 1200 : i32
    %add3A_2151 = vector.broadcast %add3A_2150 : i32 to vector<16xi32>
    %add3A_2152 = arith.addi %get3A_2149, %add3A_2151 : vector<16xi32>
    %swap3A_2153 = arith.constant 24 : i32
    %swap3A_2154 = arith.index_cast %swap3A_2153 : i32 to index
    %swap3A_2155 = arith.constant 48 : index
    %swap3A_2156 = tpu.vector_load %arg6[%swap3A_2154, %swap3A_2155] {strides = array<i32>} : memref<26x128xi32, #tpu.memory_space<vmem>>, vector<16xi32>,
    tpu.vector_store %arg6[%swap3A_2154, %swap3A_2155], %add3A_2152 {strides = array<i32>} : memref<26x128xi32, #tpu.memory_space<vmem>>, vector<16xi32>,
    %get3A_2157 = arith.constant 24 : i32
    %get3A_2158 = arith.index_cast %get3A_2157 : i32 to index
    %get3A_2159 = arith.constant 64 : index
    %get3A_2160 = tpu.vector_load %arg5[%get3A_2158, %get3A_2159] {strides = array<i32>} : memref<32x128xi32, #tpu.memory_space<vmem>>, vector<16xi32>,
    %add3A_2161 = arith.constant 1200 : i32
    %add3A_2162 = vector.broadcast %add3A_2161 : i32 to vector<16xi32>
    %add3A_2163 = arith.addi %get3A_2160, %add3A_2162 : vector<16xi32>
    %swap3A_2164 = arith.constant 24 : i32
    %swap3A_2165 = arith.index_cast %swap3A_2164 : i32 to index
    %swap3A_2166 = arith.constant 64 : index
    %swap3A_2167 = tpu.vector_load %arg6[%swap3A_2165, %swap3A_2166] {strides = array<i32>} : memref<26x128xi32, #tpu.memory_space<vmem>>, vector<16xi32>,
    tpu.vector_store %arg6[%swap3A_2165, %swap3A_2166], %add3A_2163 {strides = array<i32>} : memref<26x128xi32, #tpu.memory_space<vmem>>, vector<16xi32>,
    %get3A_2168 = arith.constant 24 : i32
    %get3A_2169 = arith.index_cast %get3A_2168 : i32 to index
    %get3A_2170 = arith.constant 80 : index
    %get3A_2171 = tpu.vector_load %arg5[%get3A_2169, %get3A_2170] {strides = array<i32>} : memref<32x128xi32, #tpu.memory_space<vmem>>, vector<16xi32>,
    %add3A_2172 = arith.constant 1200 : i32
    %add3A_2173 = vector.broadcast %add3A_2172 : i32 to vector<16xi32>
    %add3A_2174 = arith.addi %get3A_2171, %add3A_2173 : vector<16xi32>
    %swap3A_2175 = arith.constant 24 : i32
    %swap3A_2176 = arith.index_cast %swap3A_2175 : i32 to index
    %swap3A_2177 = arith.constant 80 : index
    %swap3A_2178 = tpu.vector_load %arg6[%swap3A_2176, %swap3A_2177] {strides = array<i32>} : memref<26x128xi32, #tpu.memory_space<vmem>>, vector<16xi32>,
    tpu.vector_store %arg6[%swap3A_2176, %swap3A_2177], %add3A_2174 {strides = array<i32>} : memref<26x128xi32, #tpu.memory_space<vmem>>, vector<16xi32>,
    %get3A_2179 = arith.constant 24 : i32
    %get3A_2180 = arith.index_cast %get3A_2179 : i32 to index
    %get3A_2181 = arith.constant 96 : index
    %get3A_2182 = tpu.vector_load %arg5[%get3A_2180, %get3A_2181] {strides = array<i32>} : memref<32x128xi32, #tpu.memory_space<vmem>>, vector<16xi32>,
    %add3A_2183 = arith.constant 1200 : i32
    %add3A_2184 = vector.broadcast %add3A_2183 : i32 to vector<16xi32>
    %add3A_2185 = arith.addi %get3A_2182, %add3A_2184 : vector<16xi32>
    %swap3A_2186 = arith.constant 24 : i32
    %swap3A_2187 = arith.index_cast %swap3A_2186 : i32 to index
    %swap3A_2188 = arith.constant 96 : index
    %swap3A_2189 = tpu.vector_load %arg6[%swap3A_2187, %swap3A_2188] {strides = array<i32>} : memref<26x128xi32, #tpu.memory_space<vmem>>, vector<16xi32>,
    tpu.vector_store %arg6[%swap3A_2187, %swap3A_2188], %add3A_2185 {strides = array<i32>} : memref<26x128xi32, #tpu.memory_space<vmem>>, vector<16xi32>,
    %get3A_2190 = arith.constant 24 : i32
    %get3A_2191 = arith.index_cast %get3A_2190 : i32 to index
    %get3A_2192 = arith.constant 112 : index
    %get3A_2193 = tpu.vector_load %arg5[%get3A_2191, %get3A_2192] {strides = array<i32>} : memref<32x128xi32, #tpu.memory_space<vmem>>, vector<16xi32>,
    %add3A_2194 = arith.constant 1200 : i32
    %add3A_2195 = vector.broadcast %add3A_2194 : i32 to vector<16xi32>
    %add3A_2196 = arith.addi %get3A_2193, %add3A_2195 : vector<16xi32>
    %swap3A_2197 = arith.constant 24 : i32
    %swap3A_2198 = arith.index_cast %swap3A_2197 : i32 to index
    %swap3A_2199 = arith.constant 112 : index
    %swap3A_2200 = tpu.vector_load %arg6[%swap3A_2198, %swap3A_2199] {strides = array<i32>} : memref<26x128xi32, #tpu.memory_space<vmem>>, vector<16xi32>,
    tpu.vector_store %arg6[%swap3A_2198, %swap3A_2199], %add3A_2196 {strides = array<i32>} : memref<26x128xi32, #tpu.memory_space<vmem>>, vector<16xi32>,
    %get3A_2201 = arith.constant 25 : i32
    %get3A_2202 = arith.index_cast %get3A_2201 : i32 to index
    %get3A_2203 = arith.constant 0 : index
    %get3A_2204 = tpu.vector_load %arg5[%get3A_2202, %get3A_2203] {strides = array<i32>} : memref<32x128xi32, #tpu.memory_space<vmem>>, vector<16xi32>,
    %add3A_2205 = arith.constant 1250 : i32
    %add3A_2206 = vector.broadcast %add3A_2205 : i32 to vector<16xi32>
    %add3A_2207 = arith.addi %get3A_2204, %add3A_2206 : vector<16xi32>
    %swap3A_2208 = arith.constant 25 : i32
    %swap3A_2209 = arith.index_cast %swap3A_2208 : i32 to index
    %swap3A_2210 = arith.constant 0 : index
    %swap3A_2211 = tpu.vector_load %arg6[%swap3A_2209, %swap3A_2210] {strides = array<i32>} : memref<26x128xi32, #tpu.memory_space<vmem>>, vector<16xi32>,
    tpu.vector_store %arg6[%swap3A_2209, %swap3A_2210], %add3A_2207 {strides = array<i32>} : memref<26x128xi32, #tpu.memory_space<vmem>>, vector<16xi32>,
    %get3A_2212 = arith.constant 25 : i32
    %get3A_2213 = arith.index_cast %get3A_2212 : i32 to index
    %get3A_2214 = arith.constant 16 : index
    %get3A_2215 = tpu.vector_load %arg5[%get3A_2213, %get3A_2214] {strides = array<i32>} : memref<32x128xi32, #tpu.memory_space<vmem>>, vector<16xi32>,
    %add3A_2216 = arith.constant 1250 : i32
    %add3A_2217 = vector.broadcast %add3A_2216 : i32 to vector<16xi32>
    %add3A_2218 = arith.addi %get3A_2215, %add3A_2217 : vector<16xi32>
    %swap3A_2219 = arith.constant 25 : i32
    %swap3A_2220 = arith.index_cast %swap3A_2219 : i32 to index
    %swap3A_2221 = arith.constant 16 : index
    %swap3A_2222 = tpu.vector_load %arg6[%swap3A_2220, %swap3A_2221] {strides = array<i32>} : memref<26x128xi32, #tpu.memory_space<vmem>>, vector<16xi32>,
    tpu.vector_store %arg6[%swap3A_2220, %swap3A_2221], %add3A_2218 {strides = array<i32>} : memref<26x128xi32, #tpu.memory_space<vmem>>, vector<16xi32>,
    %get3A_2223 = arith.constant 25 : i32
    %get3A_2224 = arith.index_cast %get3A_2223 : i32 to index
    %get3A_2225 = arith.constant 32 : index
    %get3A_2226 = tpu.vector_load %arg5[%get3A_2224, %get3A_2225] {strides = array<i32>} : memref<32x128xi32, #tpu.memory_space<vmem>>, vector<16xi32>,
    %add3A_2227 = arith.constant 1250 : i32
    %add3A_2228 = vector.broadcast %add3A_2227 : i32 to vector<16xi32>
    %add3A_2229 = arith.addi %get3A_2226, %add3A_2228 : vector<16xi32>
    %swap3A_2230 = arith.constant 25 : i32
    %swap3A_2231 = arith.index_cast %swap3A_2230 : i32 to index
    %swap3A_2232 = arith.constant 32 : index
    %swap3A_2233 = tpu.vector_load %arg6[%swap3A_2231, %swap3A_2232] {strides = array<i32>} : memref<26x128xi32, #tpu.memory_space<vmem>>, vector<16xi32>,
    tpu.vector_store %arg6[%swap3A_2231, %swap3A_2232], %add3A_2229 {strides = array<i32>} : memref<26x128xi32, #tpu.memory_space<vmem>>, vector<16xi32>,
    %get3A_2234 = arith.constant 25 : i32
    %get3A_2235 = arith.index_cast %get3A_2234 : i32 to index
    %get3A_2236 = arith.constant 48 : index
    %get3A_2237 = tpu.vector_load %arg5[%get3A_2235, %get3A_2236] {strides = array<i32>} : memref<32x128xi32, #tpu.memory_space<vmem>>, vector<16xi32>,
    %add3A_2238 = arith.constant 1250 : i32
    %add3A_2239 = vector.broadcast %add3A_2238 : i32 to vector<16xi32>
    %add3A_2240 = arith.addi %get3A_2237, %add3A_2239 : vector<16xi32>
    %swap3A_2241 = arith.constant 25 : i32
    %swap3A_2242 = arith.index_cast %swap3A_2241 : i32 to index
    %swap3A_2243 = arith.constant 48 : index
    %swap3A_2244 = tpu.vector_load %arg6[%swap3A_2242, %swap3A_2243] {strides = array<i32>} : memref<26x128xi32, #tpu.memory_space<vmem>>, vector<16xi32>,
    tpu.vector_store %arg6[%swap3A_2242, %swap3A_2243], %add3A_2240 {strides = array<i32>} : memref<26x128xi32, #tpu.memory_space<vmem>>, vector<16xi32>,
    %get3A_2245 = arith.constant 25 : i32
    %get3A_2246 = arith.index_cast %get3A_2245 : i32 to index
    %get3A_2247 = arith.constant 64 : index
    %get3A_2248 = tpu.vector_load %arg5[%get3A_2246, %get3A_2247] {strides = array<i32>} : memref<32x128xi32, #tpu.memory_space<vmem>>, vector<16xi32>,
    %add3A_2249 = arith.constant 1250 : i32
    %add3A_2250 = vector.broadcast %add3A_2249 : i32 to vector<16xi32>
    %add3A_2251 = arith.addi %get3A_2248, %add3A_2250 : vector<16xi32>
    %swap3A_2252 = arith.constant 25 : i32
    %swap3A_2253 = arith.index_cast %swap3A_2252 : i32 to index
    %swap3A_2254 = arith.constant 64 : index
    %swap3A_2255 = tpu.vector_load %arg6[%swap3A_2253, %swap3A_2254] {strides = array<i32>} : memref<26x128xi32, #tpu.memory_space<vmem>>, vector<16xi32>,
    tpu.vector_store %arg6[%swap3A_2253, %swap3A_2254], %add3A_2251 {strides = array<i32>} : memref<26x128xi32, #tpu.memory_space<vmem>>, vector<16xi32>,
    %get3A_2256 = arith.constant 25 : i32
    %get3A_2257 = arith.index_cast %get3A_2256 : i32 to index
    %get3A_2258 = arith.constant 80 : index
    %get3A_2259 = tpu.vector_load %arg5[%get3A_2257, %get3A_2258] {strides = array<i32>} : memref<32x128xi32, #tpu.memory_space<vmem>>, vector<16xi32>,
    %add3A_2260 = arith.constant 1250 : i32
    %add3A_2261 = vector.broadcast %add3A_2260 : i32 to vector<16xi32>
    %add3A_2262 = arith.addi %get3A_2259, %add3A_2261 : vector<16xi32>
    %swap3A_2263 = arith.constant 25 : i32
    %swap3A_2264 = arith.index_cast %swap3A_2263 : i32 to index
    %swap3A_2265 = arith.constant 80 : index
    %swap3A_2266 = tpu.vector_load %arg6[%swap3A_2264, %swap3A_2265] {strides = array<i32>} : memref<26x128xi32, #tpu.memory_space<vmem>>, vector<16xi32>,
    tpu.vector_store %arg6[%swap3A_2264, %swap3A_2265], %add3A_2262 {strides = array<i32>} : memref<26x128xi32, #tpu.memory_space<vmem>>, vector<16xi32>,
    %get3A_2267 = arith.constant 25 : i32
    %get3A_2268 = arith.index_cast %get3A_2267 : i32 to index
    %get3A_2269 = arith.constant 96 : index
    %get3A_2270 = tpu.vector_load %arg5[%get3A_2268, %get3A_2269] {strides = array<i32>} : memref<32x128xi32, #tpu.memory_space<vmem>>, vector<16xi32>,
    %add3A_2271 = arith.constant 1250 : i32
    %add3A_2272 = vector.broadcast %add3A_2271 : i32 to vector<16xi32>
    %add3A_2273 = arith.addi %get3A_2270, %add3A_2272 : vector<16xi32>
    %swap3A_2274 = arith.constant 25 : i32
    %swap3A_2275 = arith.index_cast %swap3A_2274 : i32 to index
    %swap3A_2276 = arith.constant 96 : index
    %swap3A_2277 = tpu.vector_load %arg6[%swap3A_2275, %swap3A_2276] {strides = array<i32>} : memref<26x128xi32, #tpu.memory_space<vmem>>, vector<16xi32>,
    tpu.vector_store %arg6[%swap3A_2275, %swap3A_2276], %add3A_2273 {strides = array<i32>} : memref<26x128xi32, #tpu.memory_space<vmem>>, vector<16xi32>,
    %get3A_2278 = arith.constant 25 : i32
    %get3A_2279 = arith.index_cast %get3A_2278 : i32 to index
    %get3A_2280 = arith.constant 112 : index
    %get3A_2281 = tpu.vector_load %arg5[%get3A_2279, %get3A_2280] {strides = array<i32>} : memref<32x128xi32, #tpu.memory_space<vmem>>, vector<16xi32>,
    %add3A_2282 = arith.constant 1250 : i32
    %add3A_2283 = vector.broadcast %add3A_2282 : i32 to vector<16xi32>
    %add3A_2284 = arith.addi %get3A_2281, %add3A_2283 : vector<16xi32>
    %swap3A_2285 = arith.constant 25 : i32
    %swap3A_2286 = arith.index_cast %swap3A_2285 : i32 to index
    %swap3A_2287 = arith.constant 112 : index
    %swap3A_2288 = tpu.vector_load %arg6[%swap3A_2286, %swap3A_2287] {strides = array<i32>} : memref<26x128xi32, #tpu.memory_space<vmem>>, vector<16xi32>,
    tpu.vector_store %arg6[%swap3A_2286, %swap3A_2287], %add3A_2284 {strides = array<i32>} : memref<26x128xi32, #tpu.memory_space<vmem>>, vector<16xi32>,
    %dma_start3A = arith.constant 0 : i32
    %dma_start3A_2289 = arith.constant 0 : i32
    %dma_start3A_2290 = tpu.memref_slice %arg6[%dma_start3A, %dma_start3A_2289] : memref<26x128xi32, #tpu.memory_space<vmem>> -> memref<1x128xi32, #tpu.memory_space<vmem>>
    %dma_start3A_2291 = tpu.memref_squeeze %dma_start3A_2290 : memref<1x128xi32, #tpu.memory_space<vmem>> -> memref<128xi32, #tpu.memory_space<vmem>>
    %dma_start3A_2292 = arith.constant 0 : i32
    %dma_start3A_2293 = arith.constant 0 : i32
    %dma_start3A_2294 = tpu.memref_slice %arg3[%dma_start3A_2292, %dma_start3A_2293] : memref<1300x128xf32, #tpu.memory_space<hbm>> -> memref<1300x128xf32, #tpu.memory_space<hbm>>
    tpu.enqueue_indirect_dma source(%dma_start3A_2294 : memref<1300x128xf32, #tpu.memory_space<hbm>>) target(%arg7 : memref<128x128xf32, #tpu.memory_space<vmem>>) offsets(%dma_start3A_2291 : memref<128xi32, #tpu.memory_space<vmem>>) semaphore(%arg11 : memref<!tpu.dma_semaphore, #tpu.memory_space<semaphore_mem>>)
    %dma_start3A_2295 = arith.constant 1 : i32
    %dma_start3A_2296 = arith.constant 0 : i32
    %dma_start3A_2297 = tpu.memref_slice %arg6[%dma_start3A_2295, %dma_start3A_2296] : memref<26x128xi32, #tpu.memory_space<vmem>> -> memref<1x128xi32, #tpu.memory_space<vmem>>
    %dma_start3A_2298 = tpu.memref_squeeze %dma_start3A_2297 : memref<1x128xi32, #tpu.memory_space<vmem>> -> memref<128xi32, #tpu.memory_space<vmem>>
    %dma_start3A_2299 = arith.constant 0 : i32
    %dma_start3A_2300 = arith.constant 0 : i32
    %dma_start3A_2301 = tpu.memref_slice %arg3[%dma_start3A_2299, %dma_start3A_2300] : memref<1300x128xf32, #tpu.memory_space<hbm>> -> memref<1300x128xf32, #tpu.memory_space<hbm>>
    tpu.enqueue_indirect_dma source(%dma_start3A_2301 : memref<1300x128xf32, #tpu.memory_space<hbm>>) target(%arg8 : memref<128x128xf32, #tpu.memory_space<vmem>>) offsets(%dma_start3A_2298 : memref<128xi32, #tpu.memory_space<vmem>>) semaphore(%arg12 : memref<!tpu.dma_semaphore, #tpu.memory_space<semaphore_mem>>)
    %iota3A = tpu.iota {dimensions = array<i32: 0>} : vector<16xi32>
    %add3A_2302 = arith.constant 0 : i32
    %add3A_2303 = vector.broadcast %add3A_2302 : i32 to vector<16xi32>
    %add3A_2304 = arith.addi %iota3A, %add3A_2303 : vector<16xi32>
    %iota3A_2305 = tpu.iota {dimensions = array<i32: 0>} : vector<16xi32>
    %add3A_2306 = arith.constant 16 : i32
    %add3A_2307 = vector.broadcast %add3A_2306 : i32 to vector<16xi32>
    %add3A_2308 = arith.addi %iota3A_2305, %add3A_2307 : vector<16xi32>
    %iota3A_2309 = tpu.iota {dimensions = array<i32: 0>} : vector<16xi32>
    %add3A_2310 = arith.constant 32 : i32
    %add3A_2311 = vector.broadcast %add3A_2310 : i32 to vector<16xi32>
    %add3A_2312 = arith.addi %iota3A_2309, %add3A_2311 : vector<16xi32>
    %iota3A_2313 = tpu.iota {dimensions = array<i32: 0>} : vector<16xi32>
    %add3A_2314 = arith.constant 48 : i32
    %add3A_2315 = vector.broadcast %add3A_2314 : i32 to vector<16xi32>
    %add3A_2316 = arith.addi %iota3A_2313, %add3A_2315 : vector<16xi32>
    %iota3A_2317 = tpu.iota {dimensions = array<i32: 0>} : vector<16xi32>
    %add3A_2318 = arith.constant 64 : i32
    %add3A_2319 = vector.broadcast %add3A_2318 : i32 to vector<16xi32>
    %add3A_2320 = arith.addi %iota3A_2317, %add3A_2319 : vector<16xi32>
    %iota3A_2321 = tpu.iota {dimensions = array<i32: 0>} : vector<16xi32>
    %add3A_2322 = arith.constant 80 : i32
    %add3A_2323 = vector.broadcast %add3A_2322 : i32 to vector<16xi32>
    %add3A_2324 = arith.addi %iota3A_2321, %add3A_2323 : vector<16xi32>
    %iota3A_2325 = tpu.iota {dimensions = array<i32: 0>} : vector<16xi32>
    %add3A_2326 = arith.constant 96 : i32
    %add3A_2327 = vector.broadcast %add3A_2326 : i32 to vector<16xi32>
    %add3A_2328 = arith.addi %iota3A_2325, %add3A_2327 : vector<16xi32>
    %iota3A_2329 = tpu.iota {dimensions = array<i32: 0>} : vector<16xi32>
    %add3A_2330 = arith.constant 112 : i32
    %add3A_2331 = vector.broadcast %add3A_2330 : i32 to vector<16xi32>
    %add3A_2332 = arith.addi %iota3A_2329, %add3A_2331 : vector<16xi32>
    %scan3A = arith.constant 0 : i32
    %scan3A_2333 = arith.constant 13 : i32
    %scan3A_2334 = arith.addi %scan3A, %scan3A_2333 : i32
    %scan3A_2335 = arith.constant 1 : i32
    scf.for %scan3A_2350 = %scan3A to %scan3A_2334 step %scan3A_2335  : i32 {
      %mul3A_2351 = arith.constant 1 : i32
      %mul3A_2352 = arith.muli %scan3A_2350, %mul3A_2351 : i32
      %add3A_2353 = arith.constant 0 : i32
      %add3A_2354 = arith.addi %add3A_2353, %mul3A_2352 : i32
      %mul3A_2355 = arith.constant 2 : i32
      %mul3A_2356 = arith.muli %mul3A_2355, %add3A_2354 : i32
      %add3A_2357 = arith.constant 0 : i32
      %add3A_2358 = arith.addi %mul3A_2356, %add3A_2357 : i32
      %dma_wait3A_2359 = arith.constant 0 : i32
      %dma_wait3A_2360 = tpu.memref_slice %arg6[%add3A_2358, %dma_wait3A_2359] : memref<26x128xi32, #tpu.memory_space<vmem>> -> memref<1x128xi32, #tpu.memory_space<vmem>>
      %dma_wait3A_2361 = tpu.memref_squeeze %dma_wait3A_2360 : memref<1x128xi32, #tpu.memory_space<vmem>> -> memref<128xi32, #tpu.memory_space<vmem>>
      %dma_wait3A_2362 = arith.constant 0 : i32
      %dma_wait3A_2363 = arith.constant 0 : i32
      %dma_wait3A_2364 = tpu.memref_slice %arg3[%dma_wait3A_2362, %dma_wait3A_2363] : memref<1300x128xf32, #tpu.memory_space<hbm>> -> memref<1300x128xf32, #tpu.memory_space<hbm>>
      tpu.wait_indirect_dma semaphore(%arg11 : memref<!tpu.dma_semaphore, #tpu.memory_space<semaphore_mem>>) src(%dma_wait3A_2364 : memref<1300x128xf32, #tpu.memory_space<hbm>>) dst(%arg7 : memref<128x128xf32, #tpu.memory_space<vmem>>)
      %ge3A = arith.constant 2 : i32
      %ge3A_2365 = arith.cmpi sge, %add3A_2358, %ge3A : i32
      %convert_element_type3A = arith.extui %ge3A_2365 : i1 to i32
      %cond3A = arith.constant 0 : i32
      %cond3A_2366 = arith.cmpi ne, %convert_element_type3A, %cond3A : i32
      scf.if %cond3A_2366 {
        %sub3A = arith.constant 2 : i32
        %sub3A_2412 = arith.subi %add3A_2358, %sub3A : i32
        %dma_wait3A_2413 = arith.constant 0 : i32
        %dma_wait3A_2414 = tpu.memref_slice %arg4[%sub3A_2412, %dma_wait3A_2413, %mul3A_2] : memref<26x64x4096xf32, #tpu.memory_space<hbm>> -> memref<1x64x128xf32, #tpu.memory_space<hbm>>
        %dma_wait3A_2415 = tpu.memref_squeeze %dma_wait3A_2414 : memref<1x64x128xf32, #tpu.memory_space<hbm>> -> memref<64x128xf32, #tpu.memory_space<hbm>>
        %dma_wait3A_2416 = arith.constant 0 : i32
        %dma_wait3A_2417 = tpu.memref_slice %arg4[%sub3A_2412, %dma_wait3A_2416, %mul3A_2] : memref<26x64x4096xf32, #tpu.memory_space<hbm>> -> memref<1x64x128xf32, #tpu.memory_space<hbm>>
        %dma_wait3A_2418 = tpu.memref_squeeze %dma_wait3A_2417 : memref<1x64x128xf32, #tpu.memory_space<hbm>> -> memref<64x128xf32, #tpu.memory_space<hbm>>
        tpu.wait_dma2 semaphore(%arg13 : memref<!tpu.dma_semaphore, #tpu.memory_space<semaphore_mem>>) src(%arg9 : memref<64x128xf32, #tpu.memory_space<vmem>>) dst(%dma_wait3A_2418 : memref<64x128xf32, #tpu.memory_space<hbm>>)
      } else {
      }
      %parallel_loop3A = arith.constant 0 : i32
      %parallel_loop3A_2367 = arith.constant 16 : i32
      %parallel_loop3A_2368 = arith.constant 1 : i32
      scf.for %parallel_loop3A_2412 = %parallel_loop3A to %parallel_loop3A_2367 step %parallel_loop3A_2368  : i32 {
        %parallel_loop3A_2413 = tpu.iota {dimensions = array<i32: 0>} : vector<16xi32>
        %parallel_loop3A_2414 = vector.broadcast %parallel_loop3A_2412 : i32 to vector<16xi32>
        %parallel_loop3A_2415 = arith.addi %parallel_loop3A_2413, %parallel_loop3A_2414 : vector<16xi32>
        %parallel_loop3A_2416 = arith.constant 16 : i32
        %parallel_loop3A_2417 = vector.broadcast %parallel_loop3A_2416 : i32 to vector<16xi32>
        %parallel_loop3A_2418 = arith.remsi %parallel_loop3A_2415, %parallel_loop3A_2417 : vector<16xi32>
        %parallel_loop3A_2419 = arith.constant 0 : i32
        %parallel_loop3A_2420 = vector.broadcast %parallel_loop3A_2419 : i32 to vector<16xi32>
        %parallel_loop3A_2421 = arith.addi %parallel_loop3A_2418, %parallel_loop3A_2420 : vector<16xi32>
        %parallel_loop3A_2422 = tpu.vector_load_idx %arg7[%add3A_2304, %parallel_loop3A_2421] : memref<128x128xf32, #tpu.memory_space<vmem>>[vector<16xi32>, vector<16xi32>], vector<16xf32>,
        tpu.vector_store_idx %arg9[%parallel_loop3A_2421, %add3A_2304], %parallel_loop3A_2422 : memref<64x128xf32, #tpu.memory_space<vmem>>[vector<16xi32>, vector<16xi32>], vector<16xf32>,
        %parallel_loop3A_2423 = tpu.vector_load_idx %arg7[%add3A_2308, %parallel_loop3A_2421] : memref<128x128xf32, #tpu.memory_space<vmem>>[vector<16xi32>, vector<16xi32>], vector<16xf32>,
        tpu.vector_store_idx %arg9[%parallel_loop3A_2421, %add3A_2308], %parallel_loop3A_2423 : memref<64x128xf32, #tpu.memory_space<vmem>>[vector<16xi32>, vector<16xi32>], vector<16xf32>,
        %parallel_loop3A_2424 = tpu.vector_load_idx %arg7[%add3A_2312, %parallel_loop3A_2421] : memref<128x128xf32, #tpu.memory_space<vmem>>[vector<16xi32>, vector<16xi32>], vector<16xf32>,
        tpu.vector_store_idx %arg9[%parallel_loop3A_2421, %add3A_2312], %parallel_loop3A_2424 : memref<64x128xf32, #tpu.memory_space<vmem>>[vector<16xi32>, vector<16xi32>], vector<16xf32>,
        %parallel_loop3A_2425 = tpu.vector_load_idx %arg7[%add3A_2316, %parallel_loop3A_2421] : memref<128x128xf32, #tpu.memory_space<vmem>>[vector<16xi32>, vector<16xi32>], vector<16xf32>,
        tpu.vector_store_idx %arg9[%parallel_loop3A_2421, %add3A_2316], %parallel_loop3A_2425 : memref<64x128xf32, #tpu.memory_space<vmem>>[vector<16xi32>, vector<16xi32>], vector<16xf32>,
        %parallel_loop3A_2426 = tpu.vector_load_idx %arg7[%add3A_2320, %parallel_loop3A_2421] : memref<128x128xf32, #tpu.memory_space<vmem>>[vector<16xi32>, vector<16xi32>], vector<16xf32>,
        tpu.vector_store_idx %arg9[%parallel_loop3A_2421, %add3A_2320], %parallel_loop3A_2426 : memref<64x128xf32, #tpu.memory_space<vmem>>[vector<16xi32>, vector<16xi32>], vector<16xf32>,
        %parallel_loop3A_2427 = tpu.vector_load_idx %arg7[%add3A_2324, %parallel_loop3A_2421] : memref<128x128xf32, #tpu.memory_space<vmem>>[vector<16xi32>, vector<16xi32>], vector<16xf32>,
        tpu.vector_store_idx %arg9[%parallel_loop3A_2421, %add3A_2324], %parallel_loop3A_2427 : memref<64x128xf32, #tpu.memory_space<vmem>>[vector<16xi32>, vector<16xi32>], vector<16xf32>,
        %parallel_loop3A_2428 = tpu.vector_load_idx %arg7[%add3A_2328, %parallel_loop3A_2421] : memref<128x128xf32, #tpu.memory_space<vmem>>[vector<16xi32>, vector<16xi32>], vector<16xf32>,
        tpu.vector_store_idx %arg9[%parallel_loop3A_2421, %add3A_2328], %parallel_loop3A_2428 : memref<64x128xf32, #tpu.memory_space<vmem>>[vector<16xi32>, vector<16xi32>], vector<16xf32>,
        %parallel_loop3A_2429 = tpu.vector_load_idx %arg7[%add3A_2332, %parallel_loop3A_2421] : memref<128x128xf32, #tpu.memory_space<vmem>>[vector<16xi32>, vector<16xi32>], vector<16xf32>,
        tpu.vector_store_idx %arg9[%parallel_loop3A_2421, %add3A_2332], %parallel_loop3A_2429 : memref<64x128xf32, #tpu.memory_space<vmem>>[vector<16xi32>, vector<16xi32>], vector<16xf32>,
        %parallel_loop3A_2430 = arith.constant 16 : i32
        %parallel_loop3A_2431 = vector.broadcast %parallel_loop3A_2430 : i32 to vector<16xi32>
        %parallel_loop3A_2432 = arith.addi %parallel_loop3A_2418, %parallel_loop3A_2431 : vector<16xi32>
        %parallel_loop3A_2433 = tpu.vector_load_idx %arg7[%add3A_2304, %parallel_loop3A_2432] : memref<128x128xf32, #tpu.memory_space<vmem>>[vector<16xi32>, vector<16xi32>], vector<16xf32>,
        tpu.vector_store_idx %arg9[%parallel_loop3A_2432, %add3A_2304], %parallel_loop3A_2433 : memref<64x128xf32, #tpu.memory_space<vmem>>[vector<16xi32>, vector<16xi32>], vector<16xf32>,
        %parallel_loop3A_2434 = tpu.vector_load_idx %arg7[%add3A_2308, %parallel_loop3A_2432] : memref<128x128xf32, #tpu.memory_space<vmem>>[vector<16xi32>, vector<16xi32>], vector<16xf32>,
        tpu.vector_store_idx %arg9[%parallel_loop3A_2432, %add3A_2308], %parallel_loop3A_2434 : memref<64x128xf32, #tpu.memory_space<vmem>>[vector<16xi32>, vector<16xi32>], vector<16xf32>,
        %parallel_loop3A_2435 = tpu.vector_load_idx %arg7[%add3A_2312, %parallel_loop3A_2432] : memref<128x128xf32, #tpu.memory_space<vmem>>[vector<16xi32>, vector<16xi32>], vector<16xf32>,
        tpu.vector_store_idx %arg9[%parallel_loop3A_2432, %add3A_2312], %parallel_loop3A_2435 : memref<64x128xf32, #tpu.memory_space<vmem>>[vector<16xi32>, vector<16xi32>], vector<16xf32>,
        %parallel_loop3A_2436 = tpu.vector_load_idx %arg7[%add3A_2316, %parallel_loop3A_2432] : memref<128x128xf32, #tpu.memory_space<vmem>>[vector<16xi32>, vector<16xi32>], vector<16xf32>,
        tpu.vector_store_idx %arg9[%parallel_loop3A_2432, %add3A_2316], %parallel_loop3A_2436 : memref<64x128xf32, #tpu.memory_space<vmem>>[vector<16xi32>, vector<16xi32>], vector<16xf32>,
        %parallel_loop3A_2437 = tpu.vector_load_idx %arg7[%add3A_2320, %parallel_loop3A_2432] : memref<128x128xf32, #tpu.memory_space<vmem>>[vector<16xi32>, vector<16xi32>], vector<16xf32>,
        tpu.vector_store_idx %arg9[%parallel_loop3A_2432, %add3A_2320], %parallel_loop3A_2437 : memref<64x128xf32, #tpu.memory_space<vmem>>[vector<16xi32>, vector<16xi32>], vector<16xf32>,
        %parallel_loop3A_2438 = tpu.vector_load_idx %arg7[%add3A_2324, %parallel_loop3A_2432] : memref<128x128xf32, #tpu.memory_space<vmem>>[vector<16xi32>, vector<16xi32>], vector<16xf32>,
        tpu.vector_store_idx %arg9[%parallel_loop3A_2432, %add3A_2324], %parallel_loop3A_2438 : memref<64x128xf32, #tpu.memory_space<vmem>>[vector<16xi32>, vector<16xi32>], vector<16xf32>,
        %parallel_loop3A_2439 = tpu.vector_load_idx %arg7[%add3A_2328, %parallel_loop3A_2432] : memref<128x128xf32, #tpu.memory_space<vmem>>[vector<16xi32>, vector<16xi32>], vector<16xf32>,
        tpu.vector_store_idx %arg9[%parallel_loop3A_2432, %add3A_2328], %parallel_loop3A_2439 : memref<64x128xf32, #tpu.memory_space<vmem>>[vector<16xi32>, vector<16xi32>], vector<16xf32>,
        %parallel_loop3A_2440 = tpu.vector_load_idx %arg7[%add3A_2332, %parallel_loop3A_2432] : memref<128x128xf32, #tpu.memory_space<vmem>>[vector<16xi32>, vector<16xi32>], vector<16xf32>,
        tpu.vector_store_idx %arg9[%parallel_loop3A_2432, %add3A_2332], %parallel_loop3A_2440 : memref<64x128xf32, #tpu.memory_space<vmem>>[vector<16xi32>, vector<16xi32>], vector<16xf32>,
        %parallel_loop3A_2441 = arith.constant 32 : i32
        %parallel_loop3A_2442 = vector.broadcast %parallel_loop3A_2441 : i32 to vector<16xi32>
        %parallel_loop3A_2443 = arith.addi %parallel_loop3A_2418, %parallel_loop3A_2442 : vector<16xi32>
        %parallel_loop3A_2444 = tpu.vector_load_idx %arg7[%add3A_2304, %parallel_loop3A_2443] : memref<128x128xf32, #tpu.memory_space<vmem>>[vector<16xi32>, vector<16xi32>], vector<16xf32>,
        tpu.vector_store_idx %arg9[%parallel_loop3A_2443, %add3A_2304], %parallel_loop3A_2444 : memref<64x128xf32, #tpu.memory_space<vmem>>[vector<16xi32>, vector<16xi32>], vector<16xf32>,
        %parallel_loop3A_2445 = tpu.vector_load_idx %arg7[%add3A_2308, %parallel_loop3A_2443] : memref<128x128xf32, #tpu.memory_space<vmem>>[vector<16xi32>, vector<16xi32>], vector<16xf32>,
        tpu.vector_store_idx %arg9[%parallel_loop3A_2443, %add3A_2308], %parallel_loop3A_2445 : memref<64x128xf32, #tpu.memory_space<vmem>>[vector<16xi32>, vector<16xi32>], vector<16xf32>,
        %parallel_loop3A_2446 = tpu.vector_load_idx %arg7[%add3A_2312, %parallel_loop3A_2443] : memref<128x128xf32, #tpu.memory_space<vmem>>[vector<16xi32>, vector<16xi32>], vector<16xf32>,
        tpu.vector_store_idx %arg9[%parallel_loop3A_2443, %add3A_2312], %parallel_loop3A_2446 : memref<64x128xf32, #tpu.memory_space<vmem>>[vector<16xi32>, vector<16xi32>], vector<16xf32>,
        %parallel_loop3A_2447 = tpu.vector_load_idx %arg7[%add3A_2316, %parallel_loop3A_2443] : memref<128x128xf32, #tpu.memory_space<vmem>>[vector<16xi32>, vector<16xi32>], vector<16xf32>,
        tpu.vector_store_idx %arg9[%parallel_loop3A_2443, %add3A_2316], %parallel_loop3A_2447 : memref<64x128xf32, #tpu.memory_space<vmem>>[vector<16xi32>, vector<16xi32>], vector<16xf32>,
        %parallel_loop3A_2448 = tpu.vector_load_idx %arg7[%add3A_2320, %parallel_loop3A_2443] : memref<128x128xf32, #tpu.memory_space<vmem>>[vector<16xi32>, vector<16xi32>], vector<16xf32>,
        tpu.vector_store_idx %arg9[%parallel_loop3A_2443, %add3A_2320], %parallel_loop3A_2448 : memref<64x128xf32, #tpu.memory_space<vmem>>[vector<16xi32>, vector<16xi32>], vector<16xf32>,
        %parallel_loop3A_2449 = tpu.vector_load_idx %arg7[%add3A_2324, %parallel_loop3A_2443] : memref<128x128xf32, #tpu.memory_space<vmem>>[vector<16xi32>, vector<16xi32>], vector<16xf32>,
        tpu.vector_store_idx %arg9[%parallel_loop3A_2443, %add3A_2324], %parallel_loop3A_2449 : memref<64x128xf32, #tpu.memory_space<vmem>>[vector<16xi32>, vector<16xi32>], vector<16xf32>,
        %parallel_loop3A_2450 = tpu.vector_load_idx %arg7[%add3A_2328, %parallel_loop3A_2443] : memref<128x128xf32, #tpu.memory_space<vmem>>[vector<16xi32>, vector<16xi32>], vector<16xf32>,
        tpu.vector_store_idx %arg9[%parallel_loop3A_2443, %add3A_2328], %parallel_loop3A_2450 : memref<64x128xf32, #tpu.memory_space<vmem>>[vector<16xi32>, vector<16xi32>], vector<16xf32>,
        %parallel_loop3A_2451 = tpu.vector_load_idx %arg7[%add3A_2332, %parallel_loop3A_2443] : memref<128x128xf32, #tpu.memory_space<vmem>>[vector<16xi32>, vector<16xi32>], vector<16xf32>,
        tpu.vector_store_idx %arg9[%parallel_loop3A_2443, %add3A_2332], %parallel_loop3A_2451 : memref<64x128xf32, #tpu.memory_space<vmem>>[vector<16xi32>, vector<16xi32>], vector<16xf32>,
        %parallel_loop3A_2452 = arith.constant 48 : i32
        %parallel_loop3A_2453 = vector.broadcast %parallel_loop3A_2452 : i32 to vector<16xi32>
        %parallel_loop3A_2454 = arith.addi %parallel_loop3A_2418, %parallel_loop3A_2453 : vector<16xi32>
        %parallel_loop3A_2455 = tpu.vector_load_idx %arg7[%add3A_2304, %parallel_loop3A_2454] : memref<128x128xf32, #tpu.memory_space<vmem>>[vector<16xi32>, vector<16xi32>], vector<16xf32>,
        tpu.vector_store_idx %arg9[%parallel_loop3A_2454, %add3A_2304], %parallel_loop3A_2455 : memref<64x128xf32, #tpu.memory_space<vmem>>[vector<16xi32>, vector<16xi32>], vector<16xf32>,
        %parallel_loop3A_2456 = tpu.vector_load_idx %arg7[%add3A_2308, %parallel_loop3A_2454] : memref<128x128xf32, #tpu.memory_space<vmem>>[vector<16xi32>, vector<16xi32>], vector<16xf32>,
        tpu.vector_store_idx %arg9[%parallel_loop3A_2454, %add3A_2308], %parallel_loop3A_2456 : memref<64x128xf32, #tpu.memory_space<vmem>>[vector<16xi32>, vector<16xi32>], vector<16xf32>,
        %parallel_loop3A_2457 = tpu.vector_load_idx %arg7[%add3A_2312, %parallel_loop3A_2454] : memref<128x128xf32, #tpu.memory_space<vmem>>[vector<16xi32>, vector<16xi32>], vector<16xf32>,
        tpu.vector_store_idx %arg9[%parallel_loop3A_2454, %add3A_2312], %parallel_loop3A_2457 : memref<64x128xf32, #tpu.memory_space<vmem>>[vector<16xi32>, vector<16xi32>], vector<16xf32>,
        %parallel_loop3A_2458 = tpu.vector_load_idx %arg7[%add3A_2316, %parallel_loop3A_2454] : memref<128x128xf32, #tpu.memory_space<vmem>>[vector<16xi32>, vector<16xi32>], vector<16xf32>,
        tpu.vector_store_idx %arg9[%parallel_loop3A_2454, %add3A_2316], %parallel_loop3A_2458 : memref<64x128xf32, #tpu.memory_space<vmem>>[vector<16xi32>, vector<16xi32>], vector<16xf32>,
        %parallel_loop3A_2459 = tpu.vector_load_idx %arg7[%add3A_2320, %parallel_loop3A_2454] : memref<128x128xf32, #tpu.memory_space<vmem>>[vector<16xi32>, vector<16xi32>], vector<16xf32>,
        tpu.vector_store_idx %arg9[%parallel_loop3A_2454, %add3A_2320], %parallel_loop3A_2459 : memref<64x128xf32, #tpu.memory_space<vmem>>[vector<16xi32>, vector<16xi32>], vector<16xf32>,
        %parallel_loop3A_2460 = tpu.vector_load_idx %arg7[%add3A_2324, %parallel_loop3A_2454] : memref<128x128xf32, #tpu.memory_space<vmem>>[vector<16xi32>, vector<16xi32>], vector<16xf32>,
        tpu.vector_store_idx %arg9[%parallel_loop3A_2454, %add3A_2324], %parallel_loop3A_2460 : memref<64x128xf32, #tpu.memory_space<vmem>>[vector<16xi32>, vector<16xi32>], vector<16xf32>,
        %parallel_loop3A_2461 = tpu.vector_load_idx %arg7[%add3A_2328, %parallel_loop3A_2454] : memref<128x128xf32, #tpu.memory_space<vmem>>[vector<16xi32>, vector<16xi32>], vector<16xf32>,
        tpu.vector_store_idx %arg9[%parallel_loop3A_2454, %add3A_2328], %parallel_loop3A_2461 : memref<64x128xf32, #tpu.memory_space<vmem>>[vector<16xi32>, vector<16xi32>], vector<16xf32>,
        %parallel_loop3A_2462 = tpu.vector_load_idx %arg7[%add3A_2332, %parallel_loop3A_2454] : memref<128x128xf32, #tpu.memory_space<vmem>>[vector<16xi32>, vector<16xi32>], vector<16xf32>,
        tpu.vector_store_idx %arg9[%parallel_loop3A_2454, %add3A_2332], %parallel_loop3A_2462 : memref<64x128xf32, #tpu.memory_space<vmem>>[vector<16xi32>, vector<16xi32>], vector<16xf32>,
      } {sc.loop_unroll_factor = 4 : i64, sc.parallel_access}
      %dma_start3A_2369 = arith.constant 0 : i32
      %dma_start3A_2370 = tpu.memref_slice %arg4[%add3A_2358, %dma_start3A_2369, %mul3A_2] : memref<26x64x4096xf32, #tpu.memory_space<hbm>> -> memref<1x64x128xf32, #tpu.memory_space<hbm>>
      %dma_start3A_2371 = tpu.memref_squeeze %dma_start3A_2370 : memref<1x64x128xf32, #tpu.memory_space<hbm>> -> memref<64x128xf32, #tpu.memory_space<hbm>>
      %dma_start3A_2372 = arith.constant 0 : i32
      %dma_start3A_2373 = tpu.memref_slice %arg4[%add3A_2358, %dma_start3A_2372, %mul3A_2] : memref<26x64x4096xf32, #tpu.memory_space<hbm>> -> memref<1x64x128xf32, #tpu.memory_space<hbm>>
      %dma_start3A_2374 = tpu.memref_squeeze %dma_start3A_2373 : memref<1x64x128xf32, #tpu.memory_space<hbm>> -> memref<64x128xf32, #tpu.memory_space<hbm>>
      tpu.enqueue_dma source(%arg9 : memref<64x128xf32, #tpu.memory_space<vmem>>) target(%dma_start3A_2374 : memref<64x128xf32, #tpu.memory_space<hbm>>) target_semaphore(%arg13 : memref<!tpu.dma_semaphore, #tpu.memory_space<semaphore_mem>>)
      %add3A_2375 = arith.constant 2 : i32
      %add3A_2376 = arith.addi %add3A_2358, %add3A_2375 : i32
      %lt3A = arith.constant 26 : i32
      %lt3A_2377 = arith.cmpi slt, %add3A_2376, %lt3A : i32
      %convert_element_type3A_2378 = arith.extui %lt3A_2377 : i1 to i32
      %cond3A_2379 = arith.constant 0 : i32
      %cond3A_2380 = arith.cmpi ne, %convert_element_type3A_2378, %cond3A_2379 : i32
      scf.if %cond3A_2380 {
        %add3A_2412 = arith.constant 2 : i32
        %add3A_2413 = arith.addi %add3A_2358, %add3A_2412 : i32
        %dma_start3A_2414 = arith.constant 0 : i32
        %dma_start3A_2415 = tpu.memref_slice %arg6[%add3A_2413, %dma_start3A_2414] : memref<26x128xi32, #tpu.memory_space<vmem>> -> memref<1x128xi32, #tpu.memory_space<vmem>>
        %dma_start3A_2416 = tpu.memref_squeeze %dma_start3A_2415 : memref<1x128xi32, #tpu.memory_space<vmem>> -> memref<128xi32, #tpu.memory_space<vmem>>
        %dma_start3A_2417 = arith.constant 0 : i32
        %dma_start3A_2418 = arith.constant 0 : i32
        %dma_start3A_2419 = tpu.memref_slice %arg3[%dma_start3A_2417, %dma_start3A_2418] : memref<1300x128xf32, #tpu.memory_space<hbm>> -> memref<1300x128xf32, #tpu.memory_space<hbm>>
        tpu.enqueue_indirect_dma source(%dma_start3A_2419 : memref<1300x128xf32, #tpu.memory_space<hbm>>) target(%arg7 : memref<128x128xf32, #tpu.memory_space<vmem>>) offsets(%dma_start3A_2416 : memref<128xi32, #tpu.memory_space<vmem>>) semaphore(%arg11 : memref<!tpu.dma_semaphore, #tpu.memory_space<semaphore_mem>>)
      } else {
      }
      %mul3A_2381 = arith.constant 2 : i32
      %mul3A_2382 = arith.muli %mul3A_2381, %add3A_2354 : i32
      %add3A_2383 = arith.constant 1 : i32
      %add3A_2384 = arith.addi %mul3A_2382, %add3A_2383 : i32
      %dma_wait3A_2385 = arith.constant 0 : i32
      %dma_wait3A_2386 = tpu.memref_slice %arg6[%add3A_2384, %dma_wait3A_2385] : memref<26x128xi32, #tpu.memory_space<vmem>> -> memref<1x128xi32, #tpu.memory_space<vmem>>
      %dma_wait3A_2387 = tpu.memref_squeeze %dma_wait3A_2386 : memref<1x128xi32, #tpu.memory_space<vmem>> -> memref<128xi32, #tpu.memory_space<vmem>>
      %dma_wait3A_2388 = arith.constant 0 : i32
      %dma_wait3A_2389 = arith.constant 0 : i32
      %dma_wait3A_2390 = tpu.memref_slice %arg3[%dma_wait3A_2388, %dma_wait3A_2389] : memref<1300x128xf32, #tpu.memory_space<hbm>> -> memref<1300x128xf32, #tpu.memory_space<hbm>>
      tpu.wait_indirect_dma semaphore(%arg12 : memref<!tpu.dma_semaphore, #tpu.memory_space<semaphore_mem>>) src(%dma_wait3A_2390 : memref<1300x128xf32, #tpu.memory_space<hbm>>) dst(%arg8 : memref<128x128xf32, #tpu.memory_space<vmem>>)
      %ge3A_2391 = arith.constant 2 : i32
      %ge3A_2392 = arith.cmpi sge, %add3A_2384, %ge3A_2391 : i32
      %convert_element_type3A_2393 = arith.extui %ge3A_2392 : i1 to i32
      %cond3A_2394 = arith.constant 0 : i32
      %cond3A_2395 = arith.cmpi ne, %convert_element_type3A_2393, %cond3A_2394 : i32
      scf.if %cond3A_2395 {
        %sub3A = arith.constant 2 : i32
        %sub3A_2412 = arith.subi %add3A_2384, %sub3A : i32
        %dma_wait3A_2413 = arith.constant 0 : i32
        %dma_wait3A_2414 = tpu.memref_slice %arg4[%sub3A_2412, %dma_wait3A_2413, %mul3A_2] : memref<26x64x4096xf32, #tpu.memory_space<hbm>> -> memref<1x64x128xf32, #tpu.memory_space<hbm>>
        %dma_wait3A_2415 = tpu.memref_squeeze %dma_wait3A_2414 : memref<1x64x128xf32, #tpu.memory_space<hbm>> -> memref<64x128xf32, #tpu.memory_space<hbm>>
        %dma_wait3A_2416 = arith.constant 0 : i32
        %dma_wait3A_2417 = tpu.memref_slice %arg4[%sub3A_2412, %dma_wait3A_2416, %mul3A_2] : memref<26x64x4096xf32, #tpu.memory_space<hbm>> -> memref<1x64x128xf32, #tpu.memory_space<hbm>>
        %dma_wait3A_2418 = tpu.memref_squeeze %dma_wait3A_2417 : memref<1x64x128xf32, #tpu.memory_space<hbm>> -> memref<64x128xf32, #tpu.memory_space<hbm>>
        tpu.wait_dma2 semaphore(%arg14 : memref<!tpu.dma_semaphore, #tpu.memory_space<semaphore_mem>>) src(%arg10 : memref<64x128xf32, #tpu.memory_space<vmem>>) dst(%dma_wait3A_2418 : memref<64x128xf32, #tpu.memory_space<hbm>>)
      } else {
      }
      %parallel_loop3A_2396 = arith.constant 0 : i32
      %parallel_loop3A_2397 = arith.constant 16 : i32
      %parallel_loop3A_2398 = arith.constant 1 : i32
      scf.for %parallel_loop3A_2412 = %parallel_loop3A_2396 to %parallel_loop3A_2397 step %parallel_loop3A_2398  : i32 {
        %parallel_loop3A_2413 = tpu.iota {dimensions = array<i32: 0>} : vector<16xi32>
        %parallel_loop3A_2414 = vector.broadcast %parallel_loop3A_2412 : i32 to vector<16xi32>
        %parallel_loop3A_2415 = arith.addi %parallel_loop3A_2413, %parallel_loop3A_2414 : vector<16xi32>
        %parallel_loop3A_2416 = arith.constant 16 : i32
        %parallel_loop3A_2417 = vector.broadcast %parallel_loop3A_2416 : i32 to vector<16xi32>
        %parallel_loop3A_2418 = arith.remsi %parallel_loop3A_2415, %parallel_loop3A_2417 : vector<16xi32>
        %parallel_loop3A_2419 = arith.constant 0 : i32
        %parallel_loop3A_2420 = vector.broadcast %parallel_loop3A_2419 : i32 to vector<16xi32>
        %parallel_loop3A_2421 = arith.addi %parallel_loop3A_2418, %parallel_loop3A_2420 : vector<16xi32>
        %parallel_loop3A_2422 = tpu.vector_load_idx %arg8[%add3A_2304, %parallel_loop3A_2421] : memref<128x128xf32, #tpu.memory_space<vmem>>[vector<16xi32>, vector<16xi32>], vector<16xf32>,
        tpu.vector_store_idx %arg10[%parallel_loop3A_2421, %add3A_2304], %parallel_loop3A_2422 : memref<64x128xf32, #tpu.memory_space<vmem>>[vector<16xi32>, vector<16xi32>], vector<16xf32>,
        %parallel_loop3A_2423 = tpu.vector_load_idx %arg8[%add3A_2308, %parallel_loop3A_2421] : memref<128x128xf32, #tpu.memory_space<vmem>>[vector<16xi32>, vector<16xi32>], vector<16xf32>,
        tpu.vector_store_idx %arg10[%parallel_loop3A_2421, %add3A_2308], %parallel_loop3A_2423 : memref<64x128xf32, #tpu.memory_space<vmem>>[vector<16xi32>, vector<16xi32>], vector<16xf32>,
        %parallel_loop3A_2424 = tpu.vector_load_idx %arg8[%add3A_2312, %parallel_loop3A_2421] : memref<128x128xf32, #tpu.memory_space<vmem>>[vector<16xi32>, vector<16xi32>], vector<16xf32>,
        tpu.vector_store_idx %arg10[%parallel_loop3A_2421, %add3A_2312], %parallel_loop3A_2424 : memref<64x128xf32, #tpu.memory_space<vmem>>[vector<16xi32>, vector<16xi32>], vector<16xf32>,
        %parallel_loop3A_2425 = tpu.vector_load_idx %arg8[%add3A_2316, %parallel_loop3A_2421] : memref<128x128xf32, #tpu.memory_space<vmem>>[vector<16xi32>, vector<16xi32>], vector<16xf32>,
        tpu.vector_store_idx %arg10[%parallel_loop3A_2421, %add3A_2316], %parallel_loop3A_2425 : memref<64x128xf32, #tpu.memory_space<vmem>>[vector<16xi32>, vector<16xi32>], vector<16xf32>,
        %parallel_loop3A_2426 = tpu.vector_load_idx %arg8[%add3A_2320, %parallel_loop3A_2421] : memref<128x128xf32, #tpu.memory_space<vmem>>[vector<16xi32>, vector<16xi32>], vector<16xf32>,
        tpu.vector_store_idx %arg10[%parallel_loop3A_2421, %add3A_2320], %parallel_loop3A_2426 : memref<64x128xf32, #tpu.memory_space<vmem>>[vector<16xi32>, vector<16xi32>], vector<16xf32>,
        %parallel_loop3A_2427 = tpu.vector_load_idx %arg8[%add3A_2324, %parallel_loop3A_2421] : memref<128x128xf32, #tpu.memory_space<vmem>>[vector<16xi32>, vector<16xi32>], vector<16xf32>,
        tpu.vector_store_idx %arg10[%parallel_loop3A_2421, %add3A_2324], %parallel_loop3A_2427 : memref<64x128xf32, #tpu.memory_space<vmem>>[vector<16xi32>, vector<16xi32>], vector<16xf32>,
        %parallel_loop3A_2428 = tpu.vector_load_idx %arg8[%add3A_2328, %parallel_loop3A_2421] : memref<128x128xf32, #tpu.memory_space<vmem>>[vector<16xi32>, vector<16xi32>], vector<16xf32>,
        tpu.vector_store_idx %arg10[%parallel_loop3A_2421, %add3A_2328], %parallel_loop3A_2428 : memref<64x128xf32, #tpu.memory_space<vmem>>[vector<16xi32>, vector<16xi32>], vector<16xf32>,
        %parallel_loop3A_2429 = tpu.vector_load_idx %arg8[%add3A_2332, %parallel_loop3A_2421] : memref<128x128xf32, #tpu.memory_space<vmem>>[vector<16xi32>, vector<16xi32>], vector<16xf32>,
        tpu.vector_store_idx %arg10[%parallel_loop3A_2421, %add3A_2332], %parallel_loop3A_2429 : memref<64x128xf32, #tpu.memory_space<vmem>>[vector<16xi32>, vector<16xi32>], vector<16xf32>,
        %parallel_loop3A_2430 = arith.constant 16 : i32
        %parallel_loop3A_2431 = vector.broadcast %parallel_loop3A_2430 : i32 to vector<16xi32>
        %parallel_loop3A_2432 = arith.addi %parallel_loop3A_2418, %parallel_loop3A_2431 : vector<16xi32>
        %parallel_loop3A_2433 = tpu.vector_load_idx %arg8[%add3A_2304, %parallel_loop3A_2432] : memref<128x128xf32, #tpu.memory_space<vmem>>[vector<16xi32>, vector<16xi32>], vector<16xf32>,
        tpu.vector_store_idx %arg10[%parallel_loop3A_2432, %add3A_2304], %parallel_loop3A_2433 : memref<64x128xf32, #tpu.memory_space<vmem>>[vector<16xi32>, vector<16xi32>], vector<16xf32>,
        %parallel_loop3A_2434 = tpu.vector_load_idx %arg8[%add3A_2308, %parallel_loop3A_2432] : memref<128x128xf32, #tpu.memory_space<vmem>>[vector<16xi32>, vector<16xi32>], vector<16xf32>,
        tpu.vector_store_idx %arg10[%parallel_loop3A_2432, %add3A_2308], %parallel_loop3A_2434 : memref<64x128xf32, #tpu.memory_space<vmem>>[vector<16xi32>, vector<16xi32>], vector<16xf32>,
        %parallel_loop3A_2435 = tpu.vector_load_idx %arg8[%add3A_2312, %parallel_loop3A_2432] : memref<128x128xf32, #tpu.memory_space<vmem>>[vector<16xi32>, vector<16xi32>], vector<16xf32>,
        tpu.vector_store_idx %arg10[%parallel_loop3A_2432, %add3A_2312], %parallel_loop3A_2435 : memref<64x128xf32, #tpu.memory_space<vmem>>[vector<16xi32>, vector<16xi32>], vector<16xf32>,
        %parallel_loop3A_2436 = tpu.vector_load_idx %arg8[%add3A_2316, %parallel_loop3A_2432] : memref<128x128xf32, #tpu.memory_space<vmem>>[vector<16xi32>, vector<16xi32>], vector<16xf32>,
        tpu.vector_store_idx %arg10[%parallel_loop3A_2432, %add3A_2316], %parallel_loop3A_2436 : memref<64x128xf32, #tpu.memory_space<vmem>>[vector<16xi32>, vector<16xi32>], vector<16xf32>,
        %parallel_loop3A_2437 = tpu.vector_load_idx %arg8[%add3A_2320, %parallel_loop3A_2432] : memref<128x128xf32, #tpu.memory_space<vmem>>[vector<16xi32>, vector<16xi32>], vector<16xf32>,
        tpu.vector_store_idx %arg10[%parallel_loop3A_2432, %add3A_2320], %parallel_loop3A_2437 : memref<64x128xf32, #tpu.memory_space<vmem>>[vector<16xi32>, vector<16xi32>], vector<16xf32>,
        %parallel_loop3A_2438 = tpu.vector_load_idx %arg8[%add3A_2324, %parallel_loop3A_2432] : memref<128x128xf32, #tpu.memory_space<vmem>>[vector<16xi32>, vector<16xi32>], vector<16xf32>,
        tpu.vector_store_idx %arg10[%parallel_loop3A_2432, %add3A_2324], %parallel_loop3A_2438 : memref<64x128xf32, #tpu.memory_space<vmem>>[vector<16xi32>, vector<16xi32>], vector<16xf32>,
        %parallel_loop3A_2439 = tpu.vector_load_idx %arg8[%add3A_2328, %parallel_loop3A_2432] : memref<128x128xf32, #tpu.memory_space<vmem>>[vector<16xi32>, vector<16xi32>], vector<16xf32>,
        tpu.vector_store_idx %arg10[%parallel_loop3A_2432, %add3A_2328], %parallel_loop3A_2439 : memref<64x128xf32, #tpu.memory_space<vmem>>[vector<16xi32>, vector<16xi32>], vector<16xf32>,
        %parallel_loop3A_2440 = tpu.vector_load_idx %arg8[%add3A_2332, %parallel_loop3A_2432] : memref<128x128xf32, #tpu.memory_space<vmem>>[vector<16xi32>, vector<16xi32>], vector<16xf32>,
        tpu.vector_store_idx %arg10[%parallel_loop3A_2432, %add3A_2332], %parallel_loop3A_2440 : memref<64x128xf32, #tpu.memory_space<vmem>>[vector<16xi32>, vector<16xi32>], vector<16xf32>,
        %parallel_loop3A_2441 = arith.constant 32 : i32
        %parallel_loop3A_2442 = vector.broadcast %parallel_loop3A_2441 : i32 to vector<16xi32>
        %parallel_loop3A_2443 = arith.addi %parallel_loop3A_2418, %parallel_loop3A_2442 : vector<16xi32>
        %parallel_loop3A_2444 = tpu.vector_load_idx %arg8[%add3A_2304, %parallel_loop3A_2443] : memref<128x128xf32, #tpu.memory_space<vmem>>[vector<16xi32>, vector<16xi32>], vector<16xf32>,
        tpu.vector_store_idx %arg10[%parallel_loop3A_2443, %add3A_2304], %parallel_loop3A_2444 : memref<64x128xf32, #tpu.memory_space<vmem>>[vector<16xi32>, vector<16xi32>], vector<16xf32>,
        %parallel_loop3A_2445 = tpu.vector_load_idx %arg8[%add3A_2308, %parallel_loop3A_2443] : memref<128x128xf32, #tpu.memory_space<vmem>>[vector<16xi32>, vector<16xi32>], vector<16xf32>,
        tpu.vector_store_idx %arg10[%parallel_loop3A_2443, %add3A_2308], %parallel_loop3A_2445 : memref<64x128xf32, #tpu.memory_space<vmem>>[vector<16xi32>, vector<16xi32>], vector<16xf32>,
        %parallel_loop3A_2446 = tpu.vector_load_idx %arg8[%add3A_2312, %parallel_loop3A_2443] : memref<128x128xf32, #tpu.memory_space<vmem>>[vector<16xi32>, vector<16xi32>], vector<16xf32>,
        tpu.vector_store_idx %arg10[%parallel_loop3A_2443, %add3A_2312], %parallel_loop3A_2446 : memref<64x128xf32, #tpu.memory_space<vmem>>[vector<16xi32>, vector<16xi32>], vector<16xf32>,
        %parallel_loop3A_2447 = tpu.vector_load_idx %arg8[%add3A_2316, %parallel_loop3A_2443] : memref<128x128xf32, #tpu.memory_space<vmem>>[vector<16xi32>, vector<16xi32>], vector<16xf32>,
        tpu.vector_store_idx %arg10[%parallel_loop3A_2443, %add3A_2316], %parallel_loop3A_2447 : memref<64x128xf32, #tpu.memory_space<vmem>>[vector<16xi32>, vector<16xi32>], vector<16xf32>,
        %parallel_loop3A_2448 = tpu.vector_load_idx %arg8[%add3A_2320, %parallel_loop3A_2443] : memref<128x128xf32, #tpu.memory_space<vmem>>[vector<16xi32>, vector<16xi32>], vector<16xf32>,
        tpu.vector_store_idx %arg10[%parallel_loop3A_2443, %add3A_2320], %parallel_loop3A_2448 : memref<64x128xf32, #tpu.memory_space<vmem>>[vector<16xi32>, vector<16xi32>], vector<16xf32>,
        %parallel_loop3A_2449 = tpu.vector_load_idx %arg8[%add3A_2324, %parallel_loop3A_2443] : memref<128x128xf32, #tpu.memory_space<vmem>>[vector<16xi32>, vector<16xi32>], vector<16xf32>,
        tpu.vector_store_idx %arg10[%parallel_loop3A_2443, %add3A_2324], %parallel_loop3A_2449 : memref<64x128xf32, #tpu.memory_space<vmem>>[vector<16xi32>, vector<16xi32>], vector<16xf32>,
        %parallel_loop3A_2450 = tpu.vector_load_idx %arg8[%add3A_2328, %parallel_loop3A_2443] : memref<128x128xf32, #tpu.memory_space<vmem>>[vector<16xi32>, vector<16xi32>], vector<16xf32>,
        tpu.vector_store_idx %arg10[%parallel_loop3A_2443, %add3A_2328], %parallel_loop3A_2450 : memref<64x128xf32, #tpu.memory_space<vmem>>[vector<16xi32>, vector<16xi32>], vector<16xf32>,
        %parallel_loop3A_2451 = tpu.vector_load_idx %arg8[%add3A_2332, %parallel_loop3A_2443] : memref<128x128xf32, #tpu.memory_space<vmem>>[vector<16xi32>, vector<16xi32>], vector<16xf32>,
        tpu.vector_store_idx %arg10[%parallel_loop3A_2443, %add3A_2332], %parallel_loop3A_2451 : memref<64x128xf32, #tpu.memory_space<vmem>>[vector<16xi32>, vector<16xi32>], vector<16xf32>,
        %parallel_loop3A_2452 = arith.constant 48 : i32
        %parallel_loop3A_2453 = vector.broadcast %parallel_loop3A_2452 : i32 to vector<16xi32>
        %parallel_loop3A_2454 = arith.addi %parallel_loop3A_2418, %parallel_loop3A_2453 : vector<16xi32>
        %parallel_loop3A_2455 = tpu.vector_load_idx %arg8[%add3A_2304, %parallel_loop3A_2454] : memref<128x128xf32, #tpu.memory_space<vmem>>[vector<16xi32>, vector<16xi32>], vector<16xf32>,
        tpu.vector_store_idx %arg10[%parallel_loop3A_2454, %add3A_2304], %parallel_loop3A_2455 : memref<64x128xf32, #tpu.memory_space<vmem>>[vector<16xi32>, vector<16xi32>], vector<16xf32>,
        %parallel_loop3A_2456 = tpu.vector_load_idx %arg8[%add3A_2308, %parallel_loop3A_2454] : memref<128x128xf32, #tpu.memory_space<vmem>>[vector<16xi32>, vector<16xi32>], vector<16xf32>,
        tpu.vector_store_idx %arg10[%parallel_loop3A_2454, %add3A_2308], %parallel_loop3A_2456 : memref<64x128xf32, #tpu.memory_space<vmem>>[vector<16xi32>, vector<16xi32>], vector<16xf32>,
        %parallel_loop3A_2457 = tpu.vector_load_idx %arg8[%add3A_2312, %parallel_loop3A_2454] : memref<128x128xf32, #tpu.memory_space<vmem>>[vector<16xi32>, vector<16xi32>], vector<16xf32>,
        tpu.vector_store_idx %arg10[%parallel_loop3A_2454, %add3A_2312], %parallel_loop3A_2457 : memref<64x128xf32, #tpu.memory_space<vmem>>[vector<16xi32>, vector<16xi32>], vector<16xf32>,
        %parallel_loop3A_2458 = tpu.vector_load_idx %arg8[%add3A_2316, %parallel_loop3A_2454] : memref<128x128xf32, #tpu.memory_space<vmem>>[vector<16xi32>, vector<16xi32>], vector<16xf32>,
        tpu.vector_store_idx %arg10[%parallel_loop3A_2454, %add3A_2316], %parallel_loop3A_2458 : memref<64x128xf32, #tpu.memory_space<vmem>>[vector<16xi32>, vector<16xi32>], vector<16xf32>,
        %parallel_loop3A_2459 = tpu.vector_load_idx %arg8[%add3A_2320, %parallel_loop3A_2454] : memref<128x128xf32, #tpu.memory_space<vmem>>[vector<16xi32>, vector<16xi32>], vector<16xf32>,
        tpu.vector_store_idx %arg10[%parallel_loop3A_2454, %add3A_2320], %parallel_loop3A_2459 : memref<64x128xf32, #tpu.memory_space<vmem>>[vector<16xi32>, vector<16xi32>], vector<16xf32>,
        %parallel_loop3A_2460 = tpu.vector_load_idx %arg8[%add3A_2324, %parallel_loop3A_2454] : memref<128x128xf32, #tpu.memory_space<vmem>>[vector<16xi32>, vector<16xi32>], vector<16xf32>,
        tpu.vector_store_idx %arg10[%parallel_loop3A_2454, %add3A_2324], %parallel_loop3A_2460 : memref<64x128xf32, #tpu.memory_space<vmem>>[vector<16xi32>, vector<16xi32>], vector<16xf32>,
        %parallel_loop3A_2461 = tpu.vector_load_idx %arg8[%add3A_2328, %parallel_loop3A_2454] : memref<128x128xf32, #tpu.memory_space<vmem>>[vector<16xi32>, vector<16xi32>], vector<16xf32>,
        tpu.vector_store_idx %arg10[%parallel_loop3A_2454, %add3A_2328], %parallel_loop3A_2461 : memref<64x128xf32, #tpu.memory_space<vmem>>[vector<16xi32>, vector<16xi32>], vector<16xf32>,
        %parallel_loop3A_2462 = tpu.vector_load_idx %arg8[%add3A_2332, %parallel_loop3A_2454] : memref<128x128xf32, #tpu.memory_space<vmem>>[vector<16xi32>, vector<16xi32>], vector<16xf32>,
        tpu.vector_store_idx %arg10[%parallel_loop3A_2454, %add3A_2332], %parallel_loop3A_2462 : memref<64x128xf32, #tpu.memory_space<vmem>>[vector<16xi32>, vector<16xi32>], vector<16xf32>,
      } {sc.loop_unroll_factor = 4 : i64, sc.parallel_access}
      %dma_start3A_2399 = arith.constant 0 : i32
      %dma_start3A_2400 = tpu.memref_slice %arg4[%add3A_2384, %dma_start3A_2399, %mul3A_2] : memref<26x64x4096xf32, #tpu.memory_space<hbm>> -> memref<1x64x128xf32, #tpu.memory_space<hbm>>
      %dma_start3A_2401 = tpu.memref_squeeze %dma_start3A_2400 : memref<1x64x128xf32, #tpu.memory_space<hbm>> -> memref<64x128xf32, #tpu.memory_space<hbm>>
      %dma_start3A_2402 = arith.constant 0 : i32
      %dma_start3A_2403 = tpu.memref_slice %arg4[%add3A_2384, %dma_start3A_2402, %mul3A_2] : memref<26x64x4096xf32, #tpu.memory_space<hbm>> -> memref<1x64x128xf32, #tpu.memory_space<hbm>>
      %dma_start3A_2404 = tpu.memref_squeeze %dma_start3A_2403 : memref<1x64x128xf32, #tpu.memory_space<hbm>> -> memref<64x128xf32, #tpu.memory_space<hbm>>
      tpu.enqueue_dma source(%arg10 : memref<64x128xf32, #tpu.memory_space<vmem>>) target(%dma_start3A_2404 : memref<64x128xf32, #tpu.memory_space<hbm>>) target_semaphore(%arg14 : memref<!tpu.dma_semaphore, #tpu.memory_space<semaphore_mem>>)
      %add3A_2405 = arith.constant 2 : i32
      %add3A_2406 = arith.addi %add3A_2384, %add3A_2405 : i32
      %lt3A_2407 = arith.constant 26 : i32
      %lt3A_2408 = arith.cmpi slt, %add3A_2406, %lt3A_2407 : i32
      %convert_element_type3A_2409 = arith.extui %lt3A_2408 : i1 to i32
      %cond3A_2410 = arith.constant 0 : i32
      %cond3A_2411 = arith.cmpi ne, %convert_element_type3A_2409, %cond3A_2410 : i32
      scf.if %cond3A_2411 {
        %add3A_2412 = arith.constant 2 : i32
        %add3A_2413 = arith.addi %add3A_2384, %add3A_2412 : i32
        %dma_start3A_2414 = arith.constant 0 : i32
        %dma_start3A_2415 = tpu.memref_slice %arg6[%add3A_2413, %dma_start3A_2414] : memref<26x128xi32, #tpu.memory_space<vmem>> -> memref<1x128xi32, #tpu.memory_space<vmem>>
        %dma_start3A_2416 = tpu.memref_squeeze %dma_start3A_2415 : memref<1x128xi32, #tpu.memory_space<vmem>> -> memref<128xi32, #tpu.memory_space<vmem>>
        %dma_start3A_2417 = arith.constant 0 : i32
        %dma_start3A_2418 = arith.constant 0 : i32
        %dma_start3A_2419 = tpu.memref_slice %arg3[%dma_start3A_2417, %dma_start3A_2418] : memref<1300x128xf32, #tpu.memory_space<hbm>> -> memref<1300x128xf32, #tpu.memory_space<hbm>>
        tpu.enqueue_indirect_dma source(%dma_start3A_2419 : memref<1300x128xf32, #tpu.memory_space<hbm>>) target(%arg8 : memref<128x128xf32, #tpu.memory_space<vmem>>) offsets(%dma_start3A_2416 : memref<128xi32, #tpu.memory_space<vmem>>) semaphore(%arg12 : memref<!tpu.dma_semaphore, #tpu.memory_space<semaphore_mem>>)
      } else {
      }
    }
    %scan3A_2336 = arith.constant 13 : i32
    %dma_wait3A = arith.constant 24 : i32
    %dma_wait3A_2337 = arith.constant 0 : i32
    %dma_wait3A_2338 = tpu.memref_slice %arg4[%dma_wait3A, %dma_wait3A_2337, %mul3A_2] : memref<26x64x4096xf32, #tpu.memory_space<hbm>> -> memref<1x64x128xf32, #tpu.memory_space<hbm>>
    %dma_wait3A_2339 = tpu.memref_squeeze %dma_wait3A_2338 : memref<1x64x128xf32, #tpu.memory_space<hbm>> -> memref<64x128xf32, #tpu.memory_space<hbm>>
    %dma_wait3A_2340 = arith.constant 0 : i32
    %dma_wait3A_2341 = tpu.memref_slice %arg4[%dma_wait3A, %dma_wait3A_2340, %mul3A_2] : memref<26x64x4096xf32, #tpu.memory_space<hbm>> -> memref<1x64x128xf32, #tpu.memory_space<hbm>>
    %dma_wait3A_2342 = tpu.memref_squeeze %dma_wait3A_2341 : memref<1x64x128xf32, #tpu.memory_space<hbm>> -> memref<64x128xf32, #tpu.memory_space<hbm>>
    tpu.wait_dma2 semaphore(%arg13 : memref<!tpu.dma_semaphore, #tpu.memory_space<semaphore_mem>>) src(%arg9 : memref<64x128xf32, #tpu.memory_space<vmem>>) dst(%dma_wait3A_2342 : memref<64x128xf32, #tpu.memory_space<hbm>>)
    %dma_wait3A_2343 = arith.constant 25 : i32
    %dma_wait3A_2344 = arith.constant 0 : i32
    %dma_wait3A_2345 = tpu.memref_slice %arg4[%dma_wait3A_2343, %dma_wait3A_2344, %mul3A_2] : memref<26x64x4096xf32, #tpu.memory_space<hbm>> -> memref<1x64x128xf32, #tpu.memory_space<hbm>>
    %dma_wait3A_2346 = tpu.memref_squeeze %dma_wait3A_2345 : memref<1x64x128xf32, #tpu.memory_space<hbm>> -> memref<64x128xf32, #tpu.memory_space<hbm>>
    %dma_wait3A_2347 = arith.constant 0 : i32
    %dma_wait3A_2348 = tpu.memref_slice %arg4[%dma_wait3A_2343, %dma_wait3A_2347, %mul3A_2] : memref<26x64x4096xf32, #tpu.memory_space<hbm>> -> memref<1x64x128xf32, #tpu.memory_space<hbm>>
    %dma_wait3A_2349 = tpu.memref_squeeze %dma_wait3A_2348 : memref<1x64x128xf32, #tpu.memory_space<hbm>> -> memref<64x128xf32, #tpu.memory_space<hbm>>
    tpu.wait_dma2 semaphore(%arg14 : memref<!tpu.dma_semaphore, #tpu.memory_space<semaphore_mem>>) src(%arg10 : memref<64x128xf32, #tpu.memory_space<vmem>>) dst(%dma_wait3A_2349 : memref<64x128xf32, #tpu.memory_space<hbm>>)
    return
  }
}

</mosaic_0001>

<sc_bundles>
// kernel: _lookup.3.cloned.1.call-start
scs
__scs_entry_jumppad:
0x0: {  	(pc) =	sbr.rel $0x88, $3  }
0x1: {  	(tag) =	ssettag $0x0;
	lr =	simm.s32 $0x1  }
0x2: {  	[smem:$0x3F9F] =	sst lr;
	_ =	strace $0xD0000000  }
0x3: {  	_ = 	snop  }
0x4: {  	_ = 	snop  }
0x5: {  	_ = 	snop  }
0x6: {  	_ = 	snop  }
0x7: {  	_ = 	snop  }
__scs_overlays_trampoline_lowered:
0x8: {  	[smem:$0x3FAE] =	sst s0  }
0x9: {  	[smem:$0x3FAF] =	sst s1  }
0xa: {  	[smem:$0x3FB0] =	sst s2  }
0xb: {  	[smem:$0x3FB1] =	sst s3  }
0xc: {  	[smem:$0x3FB2] =	sst s4  }
0xd: {  	[smem:$0x3FB3] =	sst s5  }
0xe: {  	[smem:$0x3FB4] =	sst s6  }
0xf: {  	[smem:$0x3FB5] =	sst s7  }
0x10: {  	[smem:$0x3FB6] =	sst s8  }
0x11: {  	[smem:$0x3FB7] =	sst s9;
	s0 =	simm.s32 @!p0 $0x0  }
0x12: {  	s1 =	sld [smem:$0x3F9D];
	s0 =	simm.s32 @p0 $0x1  }
0x13: {  	[smem:$0x3FB8] =	sst s0;
	s0 =	simm.s32 @!p1 $0x0  }
0x14: {  	s2 =	sld [smem:$0x3F9C];
	s0 =	simm.s32 @p1 $0x1  }
0x15: {  	[smem:$0x3FB9] =	sst s0;
	s0 =	simm.s32 @!p2 $0x0  }
0x16: {  	s3 =	sld [smem:$0x3FDB];
	s0 =	simm.s32 @p2 $0x1  }
0x17: {  	s4 =	simm.s32 $0x1BF5;
	[smem:$0x3FBB] =	sst s0  }
0x18: {  	s0 =	sld [smem:$0x3F9E];
	_ =	swait.ge [sflag:s4], $0x0  }
0x19: {  	s7 =	sld [smem:$0x3F9F]  }
0x1a: {  	s8 =	sadd.s32 $0xFFFFE003, lr  }
0x1b: {  	s9 =	sadd.s32 $0xFFFFFEF7, lr;
	s5 =	simm.s32 $0xFFFFFFFF;
	p2 =	slt.u32 s8, $0xFFFFF086  }
0x1c: {  	p1 =	slt.u32 s9, $0xF7A;
	s5 =	simm.s32 @!p2 $0x0  }
0x1d: {  	s5 =	simm.s32 @p1 $0x1;
	p0 =	seq.s32 s7, s2  }
0x1e: {  	s7 =	smul.u32 @!p0 $0xF7A, s2;
	p2 =	seq.s32 @!p0 s5, $0x0  }
0x1f: {  	s9 =	smul.u32 $0xF7A, s1;
	s8 =	simm.s32 @!p0 $0x1BF5;
	p2 =	por !p2, p0  }
0x20: {  	[sflag:s8] =	ssyncset.s32 @!p0 $0xFFFFF086;
	s6 =	sadd.s32 @!p0 s3, s7;
	s7 =	simm.s32 @!p0 $0x108  }
0x21: {  	s3 =	sadd.s32 s3, s9;
	s6 =	sadd.s32 @!p0 $0x88, s6;
	s7 =	simm.s32 @p2 $0x1082  }
0x22: {  	[simem:s7], [sflag:s8] =	dma.local @!p0 [hbm:s6], $0xF7A  }
0x23: {  	s9 =	sor.u32 $0xD0000000, s2;
	s6 =	simm.s32 $0x108;
	_ =	swait.ge @!p0 [sflag:s8], $0x0  }
0x24: {  	s3 =	sadd.s32 $0x88, s3;
	s6 =	simm.s32 @!p1 $0x1082;
	[sflag:s4] =	ssyncset.s32 $0xFFFFF086  }
0x25: {  	[simem:s6], [sflag:s4] =	dma.local [hbm:s3], $0xF7A  }
0x26: {  	[smem:$0x3F9F] =	sst s1;
	(tag) =	ssettag s2;
	_ =	strace s9  }
0x27: {  	s1 =	sld [smem:$0x3FAF]  }
0x28: {  	s2 =	sld [smem:$0x3FB0]  }
0x29: {  	s4 =	sld [smem:$0x3FB2]  }
0x2a: {  	p0 =	seq.s32 s5, $0x0;
	s5 =	sld [smem:$0x3FB3]  }
0x2b: {  	s6 =	sld [smem:$0x3FB4]  }
0x2c: {  	s7 =	sld [smem:$0x3FB5]  }
0x2d: {  	s3 =	simm.s32 $0x108;
	s8 =	sld [smem:$0x3FB6]  }
0x2e: {  	s3 =	simm.s32 @!p0 $0x1082;
	s9 =	sld [smem:$0x3FB7]  }
0x2f: {  	lr =	sadd.s32 s0, s3;
	s0 =	sld [smem:$0x3FAE]  }
0x30: {  	s3 =	sld [smem:$0x3FB1]  }
0x31: {  	[smem:$0x3FBA] =	sst s10  }
0x32: {  	s10 =	sld [smem:$0x3FB8];
	_ =	sdelay $0x3  }
0x33: {  	p0 =	seq.s32 s10, $0x1;
	s10 =	sld [smem:$0x3FBA];
	_ =	sdelay $0x3  }
0x34: {  	[smem:$0x3FBA] =	sst s10  }
0x35: {  	s10 =	sld [smem:$0x3FB9];
	_ =	sdelay $0x3  }
0x36: {  	p1 =	seq.s32 s10, $0x1;
	s10 =	sld [smem:$0x3FBA];
	_ =	sdelay $0x3  }
0x37: {  	[smem:$0x3FBA] =	sst s10  }
0x38: {  	s10 =	sld [smem:$0x3FBB]  }
0x39: {  	_ = 	snop;
	(pc) =	sbr.ind lr, $3  }
0x3a: {  	_ = 	snop  }
0x3b: {  	_ = 	snop  }
0x3c: {  	p2 =	seq.s32 s10, $0x1;
	s10 =	sld [smem:$0x3FBA]  }
0x3d: {  	_ =	shalt  }
0x3e: {  	_ =	shalt  }
0x3f: {  	_ =	shalt  }
0x40: {  	_ =	shalt  }
0x41: {  	_ =	shalt  }
0x42: {  	_ =	shalt  }
0x43: {  	_ =	shalt  }
0x44: {  	_ =	shalt  }
0x45: {  	_ =	shalt  }
0x46: {  	_ =	shalt  }
0x47: {  	_ =	shalt  }
0x48: {  	_ =	shalt  }
0x49: {  	_ =	shalt  }
0x4a: {  	_ =	shalt  }
0x4b: {  	_ =	shalt  }
0x4c: {  	_ =	shalt  }
0x4d: {  	_ =	shalt  }
0x4e: {  	_ =	shalt  }
0x4f: {  	_ =	shalt  }
0x50: {  	_ =	shalt  }
0x51: {  	_ =	shalt  }
0x52: {  	_ =	shalt  }
0x53: {  	_ =	shalt  }
0x54: {  	_ =	shalt  }
0x55: {  	_ =	shalt  }
0x56: {  	_ =	shalt  }
0x57: {  	_ =	shalt  }
0x58: {  	_ =	shalt  }
0x59: {  	_ =	shalt  }
0x5a: {  	_ =	shalt  }
0x5b: {  	_ =	shalt  }
0x5c: {  	_ =	shalt  }
0x5d: {  	_ =	shalt  }
0x5e: {  	_ =	shalt  }
0x5f: {  	_ =	shalt  }
0x60: {  	_ =	shalt  }
0x61: {  	_ =	shalt  }
0x62: {  	_ =	shalt  }
0x63: {  	_ =	shalt  }
0x64: {  	_ =	shalt  }
0x65: {  	_ =	shalt  }
0x66: {  	_ =	shalt  }
0x67: {  	_ =	shalt  }
0x68: {  	_ =	shalt  }
0x69: {  	_ =	shalt  }
0x6a: {  	_ =	shalt  }
0x6b: {  	_ =	shalt  }
0x6c: {  	_ =	shalt  }
0x6d: {  	_ =	shalt  }
0x6e: {  	_ =	shalt  }
0x6f: {  	_ =	shalt  }
0x70: {  	_ =	shalt  }
0x71: {  	_ =	shalt  }
0x72: {  	_ =	shalt  }
0x73: {  	_ =	shalt  }
0x74: {  	_ =	shalt  }
0x75: {  	_ =	shalt  }
0x76: {  	_ =	shalt  }
0x77: {  	_ =	shalt  }
0x78: {  	_ =	shalt  }
0x79: {  	_ =	shalt  }
0x7a: {  	_ =	shalt  }
0x7b: {  	_ =	shalt  }
0x7c: {  	_ =	shalt  }
0x7d: {  	_ =	shalt  }
0x7e: {  	_ =	shalt  }
0x7f: {  	_ =	shalt  }
0x80: {  	_ =	shalt  }
0x81: {  	_ =	shalt  }
0x82: {  	_ =	shalt  }
0x83: {  	_ =	shalt  }
0x84: {  	_ =	shalt  }
0x85: {  	_ =	shalt  }
0x86: {  	_ =	shalt  }
0x87: {  	_ =	shalt  }
.Lfunc_end0:
.L_simem_size_0:
called_computation_lowered:
.L_overlay_start_0:
0x88: {  	s2 =	sld [smem:$0x3FD9]  }
0x89: {  	s3 =	sld [smem:$0x3FFE];
	_ =	sdelay $0x1  }
0x8a: {  	s1 =	srdreg.scid  }
0x8b: {  	s0 =	sand.u32 $0x1, s1  }
0x8c: {  	s18 =	sshll.u32 s0, $0xA;
	s2 =	sadd.s32 s3, s2  }
0x8d: {  	s2 =	sadd.s32 s2, s18  }
0x8e: {  	[smem:$0x3FC6] =	sst s2  }
0x8f: {  	_ = 	snop  }
0x90: {  	s2 =	sld [smem:$0x3FC9]  }
0x91: {  	s19 =	sld [smem:$0x3FC8]  }
0x92: {  	s4 =	sld [smem:$0x3FD0];
	(tm) =	ssettm $0x1  }
0x93: {  	s5 =	sld [smem:$0x3FFB];
	_ =	sdelay $0x3  }
0x94: {  	_ =	strace s5  }
0x95: {  	s5 =	sld [smem:$0x3FFC];
	_ =	sdelay $0x3  }
0x96: {  	_ =	strace s5  }
0x97: {  	s5 =	sld [smem:$0x3FFD];
	_ =	sdelay $0x3  }
0x98: {  	_ =	strace s5  }
0x99: {  	_ =	strace $0x8FFFFFFF  }
0x9a: {  	s20 =	sld [smem:$0x3FDB];
	_ =	sdelay $0x1  }
0x9b: {  	s6 =	simm.s32 $_scs_section_size  }
0x9c: {  	s7 =	simm.s32 $_size__tile_overlayer_lowered;
	s8 =	simm.s32 $_tile_overlayer_lowered  }
0x9d: {  	s23 =	simm.s32 $0x1BFF;
	s22 =	sshll.u32 s8, $0x1;
	s5 =	sadd.s32 s6, s20  }
0x9e: {  	s9 =	simm.s32 $0x0;
	s21 =	sshll.u32 s7, $0x1;
	s7 =	sadd.s32 s22, s5  }
0x9f: {  	[timem:s9], [sflag:s23] =	dma.local [hbm:s7], s21  }
0xa0: {  	_ =	swait.ge [sflag:s23], s21  }
0xa1: {  	s6 =	ssub.s32 $0x0, s21;
	[sflag:s23] =	ssyncset.done $0x0  }
0xa2: {  	[sflag:s23] =	ssyncadd.s32 s6;
	_ =	sdelay $0x1  }
0xa3: {  	s24 =	simm.s32 $0x1B8B  }
0xa4: {  	_ =	swait.ge [sflag:s24], $0x1  }
0xa5: {  	[sflag:s24] =	ssyncset.done $0x0  }
0xa6: {  	s25 =	simm.s32 $0x1B8E;
	[sflag:s24] =	ssyncadd.s32 $0xFFFFFFFF  }
0xa7: {  	s26 =	simm.s32 $execute0_lowered;
	[smem:$0x3FD2] =	sst s25  }
0xa8: {  	s6 =	sshll.u32 s26, $0x1;
	_ =	strace $0x80000046;
	[dreg:$0x1] =	wrdreg $0xFFFFFFFF  }
0xa9: {  	s28 =	simm.s32 $_size_execute0_lowered;
	s5 =	sadd.s32 s5, s6;
	[dreg:$0x0] =	wrdreg $0x0  }
0xaa: {  	s6 =	sshll.u32 s28, $0x1;
	[dreg:$0x2] =	wrdreg s5  }
0xab: {  	[dreg:$0x3] =	wrdreg s6  }
0xac: {  	[dreg:$0x4] =	wrdreg $0xC0  }
0xad: {  	_ =	task [dreg:s9], $0x5FFFF  }
0xae: {  	[dreg:$0x1] =	wrdreg $0xFFFFFFFF  }
0xaf: {  	[dreg:$0x0] =	wrdreg $0x60  }
0xb0: {  	[dreg:$0x2] =	wrdreg s2  }
0xb1: {  	[dreg:$0x3] =	wrdreg s19  }
0xb2: {  	[dreg:$0x4] =	wrdreg s4  }
0xb3: {  	[dreg:$0x5] =	wrdreg $0x9  }
0xb4: {  	_ =	task.clear_ibuf [dreg:s9], $0x6FFFF;
	_ =	strace $0x90000046  }
0xb5: {  	s29 =	simm.s32 $0x9;
	_ =	strace $0x80000048  }
0xb6: {  	_ =	swait.ge [sflag:s29], $0x1  }
0xb7: {  	[sflag:s29] =	ssyncadd.s32 $0xFFFFFFFF  }
0xb8: {  	_ =	strace $0x90000048  }
0xb9: {  	_ =	sfence  }
0xba: {  	s30 =	sld [smem:$0x0];
	_ =	sdelay $0x2  }
0xbb: {  	s31 =	sshll.u32 s1, $0xD;
	s1 =	sshrl.u32 s1, $0x2  }
0xbc: {  	s3 =	sand.u32 $0x4000, s31;
	s1 =	sadd.s32 s1, s30  }
0xbd: {  	s0 =	sor.u32 s3, s0;
	s1 =	sshll.u32 s1, $0x11  }
0xbe: {  	s0 =	sor.u32 s1, s0  }
0xbf: {  	s0 =	sadd.s32 $0x8F2B, s0  }
0xc0: {  	[sflag:s0] =	ssyncadd.remote.s32 $0x1  }
0xc1: {  	_ =	sfence.sel $0xFFFF  }
0xc2: {  	[dreg:$0x0] =	wrdreg $0xFFFFFFFF;
	(pc) =	sbr.abs _section_cstart, $3  }
0xc3: {  	[dreg:$0x1] =	wrdreg $0xFFFFFFFF  }
0xc4: {  	_ =	task.clear_ibuf [dreg:s9], $0x2FFFF;
	_ =	strace $0x9FFFFFFF  }
0xc5: {  	(tm) =	ssettm $0x7FFFFFFF  }
tec
execute0_lowered:
.L_overlay_start_1:
0x0: {  	(tag) =	ssettag $0x1  }
0x1: {  	v47 =	vlaneseq.u32  }
0x2: {  	v43 =	vor.u32 $0x20, v47  }
0x3: {  	v46 =	vor.u32 $0x30, v47;
	[tilespmem:$0x1FC20] =	vst v43  }
0x4: {  	v44 =	vmul.u32 $0x80, v47;
	v48 =	vor.u32 $0x50, v47;
	[tilespmem:$0x1FC40] =	vst v46  }
0x5: {  	v50 =	vor.u32 $0x840, v47;
	[tilespmem:$0x1FC50] =	vst v48  }
0x6: {  	[tilespmem:$0x1FC70] =	vst v50;
	v0 =	vor.u32 $0x800, v44  }
0x7: {  	v45 =	vor.u32 $0x1800, v44;
	[tilespmem:$0x1FC10] =	vst v0  }
0x8: {  	s6 =	rddreg [dreg:$0x0];
	v49 =	vor.u32 $0x810, v44;
	[tilespmem:$0x1FC30] =	vst v45  }
0x9: {  	s0 =	rddreg [dreg:$0x1];
	v52 =	vor.u32 $0x3010, v44;
	[tilespmem:$0x1FC60] =	vst v49  }
0xa: {  	s2 =	rddreg [dreg:$0x2];
	s4 =	simm.s32 $0x0;
	v56 =	vor.u32 $0x1020, v44;
	[tilespmem:$0x1FC80] =	vst v52  }
0xb: {  	v51 =	vor.u32 $0x10, v47;
	[smem:$0x7FF] =	sst s4;
	[tilespmem:$0x1FC90] =	vst v56  }
0xc: {  	s1 =	rddreg [dreg:$0x3];
	v35 =	vor.u32 $0x1000, v44;
	_ =	strace $0x80000047;
	[tilespmem:$0x1FCA0] =	vst v51  }
0xd: {  	v61 =	vor.u32 $0x2000, v44;
	[tilespmem:$0x1FCB0] =	vst v35  }
0xe: {  	v36 =	vor.u32 $0x40, v47;
	[tilespmem:$0x1FCC0] =	vst v61  }
0xf: {  	v34 =	vor.u32 $0x2800, v44;
	[tilespmem:$0x1FCD0] =	vst v36  }
0x10: {  	v53 =	vor.u32 $0x3000, v44;
	[tilespmem:$0x1FCE0] =	vst v34  }
0x11: {  	[tilespmem:$0x1FCF0] =	vst v53  }
0x12: {  	v55 =	vor.u32 $0x60, v47;
	[tilespmem:$0x1FD00] =	vst v44  }
0x13: {  	v40 =	vor.u32 $0x3800, v44;
	[tilespmem:$0x1FD10] =	vst v55  }
0x14: {  	v37 =	vor.u32 $0x70, v47;
	[tilespmem:$0x1FD20] =	vst v40  }
0x15: {  	v59 =	vor.u32 $0x10, v44;
	[tilespmem:$0x1FD30] =	vst v37  }
0x16: {  	v43 =	vor.u32 $0x800, v47;
	[tilespmem:$0x1FD40] =	vst v59  }
0x17: {  	v62 =	vor.u32 $0x810, v47;
	[tilespmem:$0x1FD50] =	vst v43  }
0x18: {  	v63 =	vor.u32 $0x1010, v44;
	[tilespmem:$0x1FD60] =	vst v62  }
0x19: {  	v54 =	vor.u32 $0x820, v47;
	[tilespmem:$0x1FD70] =	vst v63  }
0x1a: {  	v58 =	vor.u32 $0x1810, v44;
	[tilespmem:$0x1FD80] =	vst v54  }
0x1b: {  	v60 =	vor.u32 $0x830, v47;
	[tilespmem:$0x1FD90] =	vst v58  }
0x1c: {  	v30 =	vor.u32 $0x2010, v44;
	[tilespmem:$0x1FDA0] =	vst v60  }
0x1d: {  	v33 =	vor.u32 $0x2810, v44;
	[tilespmem:$0x1FDB0] =	vst v30  }
0x1e: {  	v41 =	vor.u32 $0x850, v47;
	[tilespmem:$0x1FDC0] =	vst v33  }
0x1f: {  	v22 =	vor.u32 $0x860, v47;
	[tilespmem:$0x1FDD0] =	vst v41  }
0x20: {  	v23 =	vor.u32 $0x3810, v44;
	[tilespmem:$0x1FDE0] =	vst v22  }
0x21: {  	v24 =	vor.u32 $0x870, v47;
	[tilespmem:$0x1FDF0] =	vst v23  }
0x22: {  	v25 =	vor.u32 $0x20, v44;
	[tilespmem:$0x1FE00] =	vst v24  }
0x23: {  	v26 =	vor.u32 $0x1000, v47;
	[tilespmem:$0x1FE10] =	vst v25  }
0x24: {  	v27 =	vor.u32 $0x820, v44;
	[tilespmem:$0x1FE20] =	vst v26  }
0x25: {  	v32 =	vor.u32 $0x1010, v47;
	[tilespmem:$0x1FE30] =	vst v27  }
0x26: {  	v31 =	vor.u32 $0x1020, v47;
	[tilespmem:$0x1FE40] =	vst v32  }
0x27: {  	v57 =	vor.u32 $0x2020, v44;
	[tilespmem:$0x1FE50] =	vst v31  }
0x28: {  	v1 =	vor.u32 $0x1040, v47;
	[tilespmem:$0x1FE60] =	vst v57  }
0x29: {  	v2 =	vor.u32 $0x2820, v44;
	[tilespmem:$0x1FE70] =	vst v1  }
0x2a: {  	v3 =	vor.u32 $0x1050, v47;
	[tilespmem:$0x1FE80] =	vst v2  }
0x2b: {  	v4 =	vor.u32 $0x3020, v44;
	[tilespmem:$0x1FE90] =	vst v3  }
0x2c: {  	v5 =	vor.u32 $0x1060, v47;
	[tilespmem:$0x1FEA0] =	vst v4  }
0x2d: {  	v6 =	vor.u32 $0x3820, v44;
	[tilespmem:$0x1FEB0] =	vst v5  }
0x2e: {  	v7 =	vor.u32 $0x1070, v47;
	[tilespmem:$0x1FEC0] =	vst v6  }
0x2f: {  	v8 =	vor.u32 $0x30, v44;
	[tilespmem:$0x1FED0] =	vst v7  }
0x30: {  	v9 =	vor.u32 $0x1800, v47;
	[tilespmem:$0x1FEE0] =	vst v8  }
0x31: {  	v10 =	vor.u32 $0x830, v44;
	[tilespmem:$0x1FEF0] =	vst v9  }
0x32: {  	v11 =	vor.u32 $0x1810, v47;
	[tilespmem:$0x1FF00] =	vst v10  }
0x33: {  	v12 =	vor.u32 $0x1030, v44;
	[tilespmem:$0x1FF10] =	vst v11  }
0x34: {  	v13 =	vor.u32 $0x1820, v47;
	[tilespmem:$0x1FF20] =	vst v12  }
0x35: {  	v14 =	vor.u32 $0x1830, v44;
	[tilespmem:$0x1FF30] =	vst v13  }
0x36: {  	v15 =	vor.u32 $0x1830, v47;
	[tilespmem:$0x1FF40] =	vst v14  }
0x37: {  	v16 =	vor.u32 $0x2030, v44;
	[tilespmem:$0x1FF50] =	vst v15  }
0x38: {  	s5 =	srdreg.scid;
	s3 =	stileid.u32;
	v17 =	vor.u32 $0x1840, v47;
	[tilespmem:$0x1FF60] =	vst v16  }
0x39: {  	s10 =	simm.s32 $0x8000;
	s11 =	simm.s32 $0x5;
	s12 =	simm.s32 $0x80;
	v18 =	vor.u32 $0x2830, v44;
	[tilespmem:$0x1FF70] =	vst v17  }
0x3a: {  	s13 =	simm.s32 $0x1000;
	s14 =	simm.s32 $0x2000;
	s15 =	simm.s32 $0x1080;
	v19 =	vor.u32 $0x1850, v47;
	[tilespmem:$0x1FF80] =	vst v18  }
0x3b: {  	s16 =	simm.s32 $0x6000;
	s17 =	simm.s32 $0x1;
	s18 =	simm.s32 $0xA000;
	v20 =	vor.u32 $0x3030, v44;
	[tilespmem:$0x1FF90] =	vst v19  }
0x3c: {  	s19 =	simm.s32 $0x2;
	s20 =	simm.s32 $0x4;
	s21 =	simm.s32 $0xC000;
	v21 =	vor.u32 $0x1860, v47;
	[tilespmem:$0x1FFA0] =	vst v20  }
.Ltmp0:
0x3d: {  	s22 =	simm.s32 $0x3;
	s5 =	sand.u32 $0x1, s5;
	v28 =	vor.u32 $0x3830, v44;
	[tilespmem:$0x1FFB0] =	vst v21;
	(pc) =	sbr.rel .LBB2_1-.Ltmp0, $4  }
0x3e: {  	s8 =	sshll.u32 s3, $0xB;
	v29 =	vor.u32 $0x1870, v47;
	s7 =	ssub.s32 $0x2, s5;
	s5 =	sshll.u32 s5, $0xA;
	[tilespmem:$0x1FFC0] =	vst v28  }
0x3f: {  	s23 =	simm.s32 $0x0;
	v50 =	vor.u32 $0x1820, v44;
	s9 =	sshrl.u32 s7, $0x1;
	s5 =	sor.u32 s5, s8;
	[tilespmem:$0x1FFD0] =	vst v29  }
0x40: {  	v49 =	vor.u32 $0x1030, v47;
	s30 =	ssub.s32 s7, s9;
	s31 =	sshrl.u32 s5, $0x3;
	s7 =	sadd.s32 $0x8000, s2;
	[tilespmem:$0x1FFE0] =	vst v50  }
0x41: {  	s9 =	simm.s32 $0x400;
	s6 =	sadd.s32 s6, s31;
	s8 =	smax.u32 s30, $0x1;
	[tilespmem:$0x1FFF0] =	vst v49  }
.LBB2_12:
0x42: {  	_ =	swait.ge [sflag:s22], $0x2000  }
0x43: {  	[sflag:s22] =	ssyncset.done $0x0  }
0x44: {  	[sflag:s22] =	ssyncadd.s32 $0xFFFFE000  }
0x45: {  	_ =	swait.ge [sflag:s20], $0x2000  }
0x46: {  	v51 =	vld [tilespmem:$0x1FCA0]  }
0x47: {  	v35 =	vld [tilespmem:$0x1FCB0]  }
0x48: {  	v61 =	vld [tilespmem:$0x1FCC0]  }
0x49: {  	v36 =	vld [tilespmem:$0x1FCD0]  }
0x4a: {  	v34 =	vld [tilespmem:$0x1FCE0]  }
0x4b: {  	v53 =	vld [tilespmem:$0x1FCF0]  }
0x4c: {  	v55 =	vld [tilespmem:$0x1FD10]  }
0x4d: {  	v40 =	vld [tilespmem:$0x1FD20]  }
0x4e: {  	v37 =	vld [tilespmem:$0x1FD30]  }
0x4f: {  	v59 =	vld [tilespmem:$0x1FD40]  }
0x50: {  	v43 =	vld [tilespmem:$0x1FD50]  }
0x51: {  	v62 =	vld [tilespmem:$0x1FD60]  }
0x52: {  	v63 =	vld [tilespmem:$0x1FD70]  }
0x53: {  	v54 =	vld [tilespmem:$0x1FD80]  }
0x54: {  	v58 =	vld [tilespmem:$0x1FD90]  }
0x55: {  	v60 =	vld [tilespmem:$0x1FDA0]  }
0x56: {  	v30 =	vld [tilespmem:$0x1FDB0]  }
0x57: {  	v33 =	vld [tilespmem:$0x1FDC0]  }
0x58: {  	v41 =	vld [tilespmem:$0x1FDD0]  }
0x59: {  	s23 =	sadd.s32 $0x1, s23;
	v22 =	vld [tilespmem:$0x1FDE0]  }
0x5a: {  	p0 =	sne.s32 s23, s8;
	v23 =	vld [tilespmem:$0x1FDF0]  }
.Ltmp1:
0x5b: {  	v24 =	vld [tilespmem:$0x1FE00];
	(pc) =	sbr.rel @!p0 .LBB2_13-.Ltmp1, $4  }
0x5c: {  	v25 =	vld [tilespmem:$0x1FE10]  }
0x5d: {  	v26 =	vld [tilespmem:$0x1FE20]  }
0x5e: {  	[sflag:s20] =	ssyncset.done $0x0;
	v27 =	vld [tilespmem:$0x1FE30]  }
0x5f: {  	v32 =	vld [tilespmem:$0x1FE40];
	[sflag:s20] =	ssyncadd.s32 $0xFFFFE000  }
.LBB2_1:
0x60: {  	[tilespmem:s4], [sflag:$0x5] =	stream.strided.gather [hbm4b:s6+s9], $0x1000, s10, s9, $0x38;
	[tilespmem:$0xE000] =	vst v63  }
0x61: {  	_ =	swait.ge [sflag:s11], $0x1000  }
0x62: {  	[sflag:s11] =	ssyncset.done $0x0  }
0x63: {  	[sflag:s11] =	ssyncadd.s32 $0xFFFFF000  }
0x64: {  	v0 =	vld [tilespmem:$0x0]  }
0x65: {  	v1 =	vld [tilespmem:$0x10]  }
0x66: {  	v2 =	vld [tilespmem:$0x20]  }
0x67: {  	v3 =	vld [tilespmem:$0x30]  }
0x68: {  	v4 =	vld [tilespmem:$0x40]  }
0x69: {  	v5 =	vld [tilespmem:$0x50]  }
0x6a: {  	v49 =	vld [tilespmem:$0x60];
	[tilespmem:$0x1000] =	vst v0  }
0x6b: {  	v50 =	vld [tilespmem:$0x70];
	[tilespmem:$0x1010] =	vst v1  }
0x6c: {  	v52 =	vld [tilespmem:$0x80];
	[tilespmem:$0x1020] =	vst v2  }
0x6d: {  	v56 =	vld [tilespmem:$0x90];
	[tilespmem:$0x1030] =	vst v3  }
0x6e: {  	v57 =	vld [tilespmem:$0xA0];
	[tilespmem:$0x1040] =	vst v4  }
0x6f: {  	v8 =	vld [tilespmem:$0xB0];
	[tilespmem:$0x1050] =	vst v5  }
0x70: {  	v9 =	vld [tilespmem:$0xC0];
	[tilespmem:$0x1060] =	vst v49  }
0x71: {  	v11 =	vld [tilespmem:$0xD0];
	[tilespmem:$0x1070] =	vst v50;
	v10 =	vadd.s32 $0x32, v52  }
0x72: {  	v13 =	vld [tilespmem:$0xE0];
	v12 =	vadd.s32 $0x32, v56;
	[tilespmem:$0x1080] =	vst v10  }
0x73: {  	v15 =	vld [tilespmem:$0xF0];
	v14 =	vadd.s32 $0x32, v57;
	[tilespmem:$0x1090] =	vst v12  }
0x74: {  	v17 =	vld [tilespmem:$0x100];
	v16 =	vadd.s32 $0x32, v8;
	[tilespmem:$0x10A0] =	vst v14  }
0x75: {  	v18 =	vld [tilespmem:$0x110];
	v0 =	vadd.s32 $0x32, v9;
	[tilespmem:$0x10B0] =	vst v16  }
0x76: {  	v38 =	vld [tilespmem:$0x120];
	v19 =	vadd.s32 $0x32, v11;
	[tilespmem:$0x10C0] =	vst v0  }
0x77: {  	v42 =	vld [tilespmem:$0x130];
	v39 =	vadd.s32 $0x32, v13;
	[tilespmem:$0x10D0] =	vst v19  }
0x78: {  	v46 =	vld [tilespmem:$0x140];
	v45 =	vadd.s32 $0x32, v15;
	[tilespmem:$0x10E0] =	vst v39  }
0x79: {  	v48 =	vadd.s32 $0x64, v17;
	v49 =	vld [tilespmem:$0x150];
	[tilespmem:$0x10F0] =	vst v45  }
0x7a: {  	v50 =	vadd.s32 $0x64, v18;
	v52 =	vld [tilespmem:$0x160];
	[tilespmem:$0x1100] =	vst v48  }
0x7b: {  	v56 =	vadd.s32 $0x64, v38;
	v57 =	vld [tilespmem:$0x170];
	[tilespmem:$0x1110] =	vst v50  }
0x7c: {  	v8 =	vadd.s32 $0x64, v42;
	v9 =	vld [tilespmem:$0x180];
	[tilespmem:$0x1120] =	vst v56  }
0x7d: {  	v11 =	vld [tilespmem:$0x190];
	[tilespmem:$0x1130] =	vst v8;
	v10 =	vadd.s32 $0x64, v46  }
0x7e: {  	v13 =	vld [tilespmem:$0x1A0];
	[tilespmem:$0x1140] =	vst v10;
	v12 =	vadd.s32 $0x64, v49  }
0x7f: {  	v15 =	vld [tilespmem:$0x1B0];
	v14 =	vadd.s32 $0x64, v52;
	[tilespmem:$0x1150] =	vst v12  }
0x80: {  	v17 =	vld [tilespmem:$0x1C0];
	v16 =	vadd.s32 $0x64, v57;
	[tilespmem:$0x1160] =	vst v14  }
0x81: {  	v19 =	vld [tilespmem:$0x1D0];
	v18 =	vadd.s32 $0x96, v9;
	[tilespmem:$0x1170] =	vst v16  }
0x82: {  	v39 =	vld [tilespmem:$0x1E0];
	v38 =	vadd.s32 $0x96, v11;
	[tilespmem:$0x1180] =	vst v18  }
0x83: {  	v45 =	vld [tilespmem:$0x1F0];
	v42 =	vadd.s32 $0x96, v13;
	[tilespmem:$0x1190] =	vst v38  }
0x84: {  	v48 =	vld [tilespmem:$0x200];
	v46 =	vadd.s32 $0x96, v15;
	[tilespmem:$0x11A0] =	vst v42  }
0x85: {  	v50 =	vld [tilespmem:$0x210];
	v49 =	vadd.s32 $0x96, v17;
	[tilespmem:$0x11B0] =	vst v46  }
0x86: {  	v56 =	vld [tilespmem:$0x220];
	[tilespmem:$0x11C0] =	vst v49;
	v52 =	vadd.s32 $0x96, v19  }
0x87: {  	v8 =	vld [tilespmem:$0x230];
	v57 =	vadd.s32 $0x96, v39;
	[tilespmem:$0x11D0] =	vst v52  }
0x88: {  	v10 =	vld [tilespmem:$0x240];
	v9 =	vadd.s32 $0x96, v45;
	[tilespmem:$0x11E0] =	vst v57  }
0x89: {  	v11 =	vadd.s32 $0xC8, v48;
	v12 =	vld [tilespmem:$0x250];
	[tilespmem:$0x11F0] =	vst v9  }
0x8a: {  	v13 =	vadd.s32 $0xC8, v50;
	v14 =	vld [tilespmem:$0x260];
	[tilespmem:$0x1200] =	vst v11  }
0x8b: {  	v15 =	vadd.s32 $0xC8, v56;
	v16 =	vld [tilespmem:$0x270];
	[tilespmem:$0x1210] =	vst v13  }
0x8c: {  	v17 =	vadd.s32 $0xC8, v8;
	v18 =	vld [tilespmem:$0x280];
	[tilespmem:$0x1220] =	vst v15  }
0x8d: {  	v38 =	vld [tilespmem:$0x290];
	[tilespmem:$0x1230] =	vst v17;
	v19 =	vadd.s32 $0xC8, v10  }
0x8e: {  	v42 =	vld [tilespmem:$0x2A0];
	[tilespmem:$0x1240] =	vst v19;
	v39 =	vadd.s32 $0xC8, v12  }
0x8f: {  	v46 =	vld [tilespmem:$0x2B0];
	v45 =	vadd.s32 $0xC8, v14;
	[tilespmem:$0x1250] =	vst v39  }
0x90: {  	v49 =	vld [tilespmem:$0x2C0];
	v48 =	vadd.s32 $0xC8, v16;
	[tilespmem:$0x1260] =	vst v45  }
0x91: {  	v8 =	vld [tilespmem:$0x2F0];
	v50 =	vadd.s32 $0xFA, v18;
	[tilespmem:$0x1270] =	vst v48  }
0x92: {  	v52 =	vld [tilespmem:$0x2D0];
	v56 =	vadd.s32 $0xFA, v38;
	[tilespmem:$0x1280] =	vst v50  }
0x93: {  	v57 =	vld [tilespmem:$0x2E0];
	v7 =	vadd.s32 $0xFA, v42;
	[tilespmem:$0x1290] =	vst v56  }
0x94: {  	v10 =	vld [tilespmem:$0x300];
	v9 =	vadd.s32 $0xFA, v46;
	[tilespmem:$0x12A0] =	vst v7  }
0x95: {  	v11 =	vadd.s32 $0xFA, v49;
	v12 =	vld [tilespmem:$0x310];
	[tilespmem:$0x12B0] =	vst v9  }
0x96: {  	v14 =	vld [tilespmem:$0x320];
	v17 =	vadd.s32 $0xFA, v8;
	[tilespmem:$0x12C0] =	vst v11  }
0x97: {  	v16 =	vld [tilespmem:$0x330];
	v13 =	vadd.s32 $0xFA, v52;
	[tilespmem:$0x12F0] =	vst v17  }
0x98: {  	v18 =	vld [tilespmem:$0x340];
	v15 =	vadd.s32 $0xFA, v57;
	[tilespmem:$0x12D0] =	vst v13  }
0x99: {  	v38 =	vld [tilespmem:$0x350];
	v19 =	vadd.s32 $0x12C, v10;
	[tilespmem:$0x12E0] =	vst v15  }
0x9a: {  	v42 =	vld [tilespmem:$0x360];
	[tilespmem:$0x1300] =	vst v19;
	v39 =	vadd.s32 $0x12C, v12  }
0x9b: {  	v46 =	vld [tilespmem:$0x370];
	v45 =	vadd.s32 $0x12C, v14;
	[tilespmem:$0x1310] =	vst v39  }
0x9c: {  	v49 =	vld [tilespmem:$0x380];
	v48 =	vadd.s32 $0x12C, v16;
	[tilespmem:$0x1320] =	vst v45  }
0x9d: {  	v52 =	vld [tilespmem:$0x390];
	v50 =	vadd.s32 $0x12C, v18;
	[tilespmem:$0x1330] =	vst v48  }
0x9e: {  	v57 =	vld [tilespmem:$0x3A0];
	v56 =	vadd.s32 $0x12C, v38;
	[tilespmem:$0x1340] =	vst v50  }
0x9f: {  	v9 =	vld [tilespmem:$0x3B0];
	v8 =	vadd.s32 $0x12C, v42;
	[tilespmem:$0x1350] =	vst v56  }
0xa0: {  	v11 =	vld [tilespmem:$0x3C0];
	v10 =	vadd.s32 $0x12C, v46;
	[tilespmem:$0x1360] =	vst v8  }
0xa1: {  	v17 =	vld [tilespmem:$0x3F0];
	v12 =	vadd.s32 $0x15E, v49;
	[tilespmem:$0x1370] =	vst v10  }
0xa2: {  	v13 =	vld [tilespmem:$0x3D0];
	[tilespmem:$0x1380] =	vst v12;
	v14 =	vadd.s32 $0x15E, v52  }
0xa3: {  	v15 =	vld [tilespmem:$0x3E0];
	v16 =	vadd.s32 $0x15E, v57;
	[tilespmem:$0x1390] =	vst v14  }
0xa4: {  	v19 =	vld [tilespmem:$0x400];
	v18 =	vadd.s32 $0x15E, v9;
	[tilespmem:$0x13A0] =	vst v16  }
0xa5: {  	v38 =	vadd.s32 $0x15E, v11;
	v39 =	vld [tilespmem:$0x410];
	[tilespmem:$0x13B0] =	vst v18  }
0xa6: {  	v45 =	vld [tilespmem:$0x420];
	v49 =	vadd.s32 $0x15E, v17;
	[tilespmem:$0x13C0] =	vst v38  }
0xa7: {  	v48 =	vld [tilespmem:$0x430];
	v42 =	vadd.s32 $0x15E, v13;
	[tilespmem:$0x13F0] =	vst v49  }
0xa8: {  	v50 =	vld [tilespmem:$0x440];
	v46 =	vadd.s32 $0x15E, v15;
	[tilespmem:$0x13D0] =	vst v42  }
0xa9: {  	v56 =	vld [tilespmem:$0x450];
	v52 =	vadd.s32 $0x190, v19;
	[tilespmem:$0x13E0] =	vst v46  }
0xaa: {  	v8 =	vld [tilespmem:$0x460];
	[tilespmem:$0x1400] =	vst v52;
	v57 =	vadd.s32 $0x190, v39  }
0xab: {  	v10 =	vld [tilespmem:$0x470];
	v9 =	vadd.s32 $0x190, v45;
	[tilespmem:$0x1410] =	vst v57  }
0xac: {  	v12 =	vld [tilespmem:$0x480];
	v11 =	vadd.s32 $0x190, v48;
	[tilespmem:$0x1420] =	vst v9  }
0xad: {  	v14 =	vld [tilespmem:$0x490];
	v13 =	vadd.s32 $0x190, v50;
	[tilespmem:$0x1430] =	vst v11  }
0xae: {  	v16 =	vld [tilespmem:$0x4A0];
	v15 =	vadd.s32 $0x190, v56;
	[tilespmem:$0x1440] =	vst v13  }
0xaf: {  	v18 =	vld [tilespmem:$0x4B0];
	v17 =	vadd.s32 $0x190, v8;
	[tilespmem:$0x1450] =	vst v15  }
0xb0: {  	v38 =	vld [tilespmem:$0x4C0];
	v19 =	vadd.s32 $0x190, v10;
	[tilespmem:$0x1460] =	vst v17  }
0xb1: {  	v49 =	vld [tilespmem:$0x4F0];
	v39 =	vadd.s32 $0x1C2, v12;
	[tilespmem:$0x1470] =	vst v19  }
0xb2: {  	v42 =	vld [tilespmem:$0x4D0];
	[tilespmem:$0x1480] =	vst v39;
	v45 =	vadd.s32 $0x1C2, v14  }
0xb3: {  	v46 =	vld [tilespmem:$0x4E0];
	v48 =	vadd.s32 $0x1C2, v16;
	[tilespmem:$0x1490] =	vst v45  }
0xb4: {  	v52 =	vld [tilespmem:$0x500];
	v50 =	vadd.s32 $0x1C2, v18;
	[tilespmem:$0x14A0] =	vst v48  }
0xb5: {  	v8 =	vld [tilespmem:$0x520];
	v56 =	vadd.s32 $0x1C2, v38;
	[tilespmem:$0x14B0] =	vst v50  }
0xb6: {  	v10 =	vld [tilespmem:$0x530];
	v11 =	vadd.s32 $0x1C2, v49;
	[tilespmem:$0x14C0] =	vst v56  }
0xb7: {  	v12 =	vld [tilespmem:$0x540];
	v7 =	vadd.s32 $0x1C2, v42;
	[tilespmem:$0x14F0] =	vst v11  }
0xb8: {  	v57 =	vld [tilespmem:$0x510];
	v9 =	vadd.s32 $0x1C2, v46;
	[tilespmem:$0x14D0] =	vst v7  }
0xb9: {  	v14 =	vld [tilespmem:$0x550];
	v13 =	vadd.s32 $0x1F4, v52;
	[tilespmem:$0x14E0] =	vst v9  }
0xba: {  	v16 =	vld [tilespmem:$0x560];
	[tilespmem:$0x1500] =	vst v13;
	v17 =	vadd.s32 $0x1F4, v8  }
0xbb: {  	v18 =	vld [tilespmem:$0x570];
	v19 =	vadd.s32 $0x1F4, v10;
	[tilespmem:$0x1520] =	vst v17  }
0xbc: {  	v38 =	vld [tilespmem:$0x580];
	v39 =	vadd.s32 $0x1F4, v12;
	[tilespmem:$0x1530] =	vst v19  }
0xbd: {  	v49 =	vld [tilespmem:$0x5B0];
	v15 =	vadd.s32 $0x1F4, v57;
	[tilespmem:$0x1540] =	vst v39  }
0xbe: {  	v42 =	vld [tilespmem:$0x590];
	v45 =	vadd.s32 $0x1F4, v14;
	[tilespmem:$0x1510] =	vst v15  }
0xbf: {  	v46 =	vld [tilespmem:$0x5A0];
	v48 =	vadd.s32 $0x1F4, v16;
	[tilespmem:$0x1550] =	vst v45  }
0xc0: {  	v52 =	vld [tilespmem:$0x5C0];
	v50 =	vadd.s32 $0x1F4, v18;
	[tilespmem:$0x1560] =	vst v48  }
0xc1: {  	v11 =	vld [tilespmem:$0x5F0];
	v56 =	vadd.s32 $0x226, v38;
	[tilespmem:$0x1570] =	vst v50  }
0xc2: {  	v9 =	vld [tilespmem:$0x5E0];
	v12 =	vadd.s32 $0x226, v49;
	[tilespmem:$0x1580] =	vst v56  }
0xc3: {  	v13 =	vld [tilespmem:$0x600];
	v8 =	vadd.s32 $0x226, v42;
	[tilespmem:$0x15B0] =	vst v12  }
0xc4: {  	v57 =	vld [tilespmem:$0x5D0];
	v10 =	vadd.s32 $0x226, v46;
	[tilespmem:$0x1590] =	vst v8  }
0xc5: {  	v17 =	vld [tilespmem:$0x620];
	v14 =	vadd.s32 $0x226, v52;
	[tilespmem:$0x15A0] =	vst v10  }
0xc6: {  	v19 =	vld [tilespmem:$0x630];
	v38 =	vadd.s32 $0x226, v11;
	[tilespmem:$0x15C0] =	vst v14  }
0xc7: {  	v39 =	vld [tilespmem:$0x640];
	v18 =	vadd.s32 $0x226, v9;
	[tilespmem:$0x15F0] =	vst v38  }
0xc8: {  	v15 =	vld [tilespmem:$0x610];
	v42 =	vadd.s32 $0x258, v13;
	[tilespmem:$0x15E0] =	vst v18  }
0xc9: {  	v45 =	vld [tilespmem:$0x650];
	[tilespmem:$0x1600] =	vst v42;
	v16 =	vadd.s32 $0x226, v57  }
0xca: {  	v48 =	vld [tilespmem:$0x660];
	v49 =	vadd.s32 $0x258, v17;
	[tilespmem:$0x15D0] =	vst v16  }
0xcb: {  	v50 =	vld [tilespmem:$0x670];
	v52 =	vadd.s32 $0x258, v19;
	[tilespmem:$0x1620] =	vst v49  }
0xcc: {  	v56 =	vld [tilespmem:$0x680];
	v57 =	vadd.s32 $0x258, v39;
	[tilespmem:$0x1630] =	vst v52  }
0xcd: {  	v12 =	vld [tilespmem:$0x6B0];
	v46 =	vadd.s32 $0x258, v15;
	[tilespmem:$0x1640] =	vst v57  }
0xce: {  	v8 =	vld [tilespmem:$0x690];
	v9 =	vadd.s32 $0x258, v45;
	[tilespmem:$0x1610] =	vst v46  }
0xcf: {  	v10 =	vld [tilespmem:$0x6A0];
	v11 =	vadd.s32 $0x258, v48;
	[tilespmem:$0x1650] =	vst v9  }
0xd0: {  	v14 =	vld [tilespmem:$0x6C0];
	v13 =	vadd.s32 $0x258, v50;
	[tilespmem:$0x1660] =	vst v11  }
0xd1: {  	v38 =	vld [tilespmem:$0x6F0];
	v15 =	vadd.s32 $0x28A, v56;
	[tilespmem:$0x1670] =	vst v13  }
0xd2: {  	v18 =	vld [tilespmem:$0x6E0];
	v39 =	vadd.s32 $0x28A, v12;
	[tilespmem:$0x1680] =	vst v15  }
0xd3: {  	v42 =	vld [tilespmem:$0x700];
	v17 =	vadd.s32 $0x28A, v8;
	[tilespmem:$0x16B0] =	vst v39  }
0xd4: {  	v16 =	vld [tilespmem:$0x6D0];
	v19 =	vadd.s32 $0x28A, v10;
	[tilespmem:$0x1690] =	vst v17  }
0xd5: {  	v49 =	vld [tilespmem:$0x720];
	v45 =	vadd.s32 $0x28A, v14;
	[tilespmem:$0x16A0] =	vst v19  }
0xd6: {  	v52 =	vld [tilespmem:$0x730];
	v56 =	vadd.s32 $0x28A, v38;
	[tilespmem:$0x16C0] =	vst v45  }
0xd7: {  	v57 =	vld [tilespmem:$0x740];
	v50 =	vadd.s32 $0x28A, v18;
	[tilespmem:$0x16F0] =	vst v56  }
0xd8: {  	v12 =	vld [tilespmem:$0x770];
	v7 =	vadd.s32 $0x2BC, v42;
	[tilespmem:$0x16E0] =	vst v50  }
0xd9: {  	v46 =	vld [tilespmem:$0x710];
	[tilespmem:$0x1700] =	vst v7;
	v48 =	vadd.s32 $0x28A, v16  }
0xda: {  	v8 =	vld [tilespmem:$0x750];
	v11 =	vadd.s32 $0x2BC, v49;
	[tilespmem:$0x16D0] =	vst v48  }
0xdb: {  	v10 =	vld [tilespmem:$0x760];
	v13 =	vadd.s32 $0x2BC, v52;
	[tilespmem:$0x1720] =	vst v11  }
0xdc: {  	v14 =	vld [tilespmem:$0x780];
	v15 =	vadd.s32 $0x2BC, v57;
	[tilespmem:$0x1730] =	vst v13  }
0xdd: {  	v38 =	vld [tilespmem:$0x7B0];
	v39 =	vadd.s32 $0x2BC, v12;
	[tilespmem:$0x1740] =	vst v15  }
0xde: {  	v18 =	vld [tilespmem:$0x7A0];
	v9 =	vadd.s32 $0x2BC, v46;
	[tilespmem:$0x1770] =	vst v39  }
0xdf: {  	v42 =	vld [tilespmem:$0x7C0];
	v17 =	vadd.s32 $0x2BC, v8;
	[tilespmem:$0x1710] =	vst v9  }
0xe0: {  	v16 =	vld [tilespmem:$0x790];
	v19 =	vadd.s32 $0x2BC, v10;
	[tilespmem:$0x1750] =	vst v17  }
0xe1: {  	v49 =	vld [tilespmem:$0x7E0];
	v45 =	vadd.s32 $0x2EE, v14;
	[tilespmem:$0x1760] =	vst v19  }
0xe2: {  	v52 =	vld [tilespmem:$0x7F0];
	v56 =	vadd.s32 $0x2EE, v38;
	[tilespmem:$0x1780] =	vst v45  }
0xe3: {  	v57 =	vld [tilespmem:$0x800];
	v50 =	vadd.s32 $0x2EE, v18;
	[tilespmem:$0x17B0] =	vst v56  }
0xe4: {  	v46 =	vld [tilespmem:$0x7D0];
	v8 =	vadd.s32 $0x2EE, v42;
	[tilespmem:$0x17A0] =	vst v50  }
0xe5: {  	v11 =	vld [tilespmem:$0x820];
	[tilespmem:$0x17C0] =	vst v8;
	v48 =	vadd.s32 $0x2EE, v16  }
0xe6: {  	v13 =	vld [tilespmem:$0x830];
	v12 =	vadd.s32 $0x2EE, v49;
	[tilespmem:$0x1790] =	vst v48  }
0xe7: {  	v15 =	vld [tilespmem:$0x840];
	v14 =	vadd.s32 $0x2EE, v52;
	[tilespmem:$0x17E0] =	vst v12  }
0xe8: {  	v39 =	vld [tilespmem:$0x870];
	v16 =	vadd.s32 $0x320, v57;
	[tilespmem:$0x17F0] =	vst v14  }
0xe9: {  	v9 =	vld [tilespmem:$0x810];
	v10 =	vadd.s32 $0x2EE, v46;
	[tilespmem:$0x1800] =	vst v16  }
0xea: {  	v17 =	vld [tilespmem:$0x850];
	v38 =	vadd.s32 $0x320, v11;
	[tilespmem:$0x17D0] =	vst v10  }
0xeb: {  	v19 =	vld [tilespmem:$0x860];
	v42 =	vadd.s32 $0x320, v13;
	[tilespmem:$0x1820] =	vst v38  }
0xec: {  	v45 =	vld [tilespmem:$0x880];
	v46 =	vadd.s32 $0x320, v15;
	[tilespmem:$0x1830] =	vst v42  }
0xed: {  	v56 =	vld [tilespmem:$0x8B0];
	v57 =	vadd.s32 $0x320, v39;
	[tilespmem:$0x1840] =	vst v46  }
0xee: {  	v50 =	vld [tilespmem:$0x8A0];
	v18 =	vadd.s32 $0x320, v9;
	[tilespmem:$0x1870] =	vst v57  }
0xef: {  	v8 =	vld [tilespmem:$0x8C0];
	v49 =	vadd.s32 $0x320, v17;
	[tilespmem:$0x1810] =	vst v18  }
0xf0: {  	v48 =	vld [tilespmem:$0x890];
	v52 =	vadd.s32 $0x320, v19;
	[tilespmem:$0x1850] =	vst v49  }
0xf1: {  	v12 =	vld [tilespmem:$0x8E0];
	v9 =	vadd.s32 $0x352, v45;
	[tilespmem:$0x1860] =	vst v52  }
0xf2: {  	v14 =	vld [tilespmem:$0x8F0];
	v15 =	vadd.s32 $0x352, v56;
	[tilespmem:$0x1880] =	vst v9  }
0xf3: {  	v16 =	vld [tilespmem:$0x900];
	v13 =	vadd.s32 $0x352, v50;
	[tilespmem:$0x18B0] =	vst v15  }
0xf4: {  	v10 =	vld [tilespmem:$0x8D0];
	v17 =	vadd.s32 $0x352, v8;
	[tilespmem:$0x18A0] =	vst v13  }
0xf5: {  	v38 =	vld [tilespmem:$0x920];
	[tilespmem:$0x18C0] =	vst v17;
	v11 =	vadd.s32 $0x352, v48  }
0xf6: {  	v42 =	vld [tilespmem:$0x930];
	v39 =	vadd.s32 $0x352, v12;
	[tilespmem:$0x1890] =	vst v11  }
0xf7: {  	v46 =	vld [tilespmem:$0x940];
	v45 =	vadd.s32 $0x352, v14;
	[tilespmem:$0x18E0] =	vst v39  }
0xf8: {  	v57 =	vld [tilespmem:$0x970];
	v48 =	vadd.s32 $0x384, v16;
	[tilespmem:$0x18F0] =	vst v45  }
0xf9: {  	v18 =	vld [tilespmem:$0x910];
	v19 =	vadd.s32 $0x352, v10;
	[tilespmem:$0x1900] =	vst v48  }
0xfa: {  	v49 =	vld [tilespmem:$0x950];
	v56 =	vadd.s32 $0x384, v38;
	[tilespmem:$0x18D0] =	vst v19  }
0xfb: {  	v52 =	vld [tilespmem:$0x960];
	v7 =	vadd.s32 $0x384, v42;
	[tilespmem:$0x1920] =	vst v56  }
0xfc: {  	v8 =	vld [tilespmem:$0x980];
	v9 =	vadd.s32 $0x384, v46;
	[tilespmem:$0x1930] =	vst v7  }
0xfd: {  	v12 =	vld [tilespmem:$0x9A0];
	v15 =	vadd.s32 $0x384, v57;
	[tilespmem:$0x1940] =	vst v9  }
0xfe: {  	v14 =	vld [tilespmem:$0x9B0];
	v50 =	vadd.s32 $0x384, v18;
	[tilespmem:$0x1970] =	vst v15  }
0xff: {  	v16 =	vld [tilespmem:$0x9C0];
	v11 =	vadd.s32 $0x384, v49;
	[tilespmem:$0x1910] =	vst v50  }
0x100: {  	v10 =	vld [tilespmem:$0x990];
	v13 =	vadd.s32 $0x384, v52;
	[tilespmem:$0x1950] =	vst v11  }
0x101: {  	v38 =	vld [tilespmem:$0x9E0];
	v17 =	vadd.s32 $0x3B6, v8;
	[tilespmem:$0x1960] =	vst v13  }
0x102: {  	v42 =	vld [tilespmem:$0x9F0];
	[tilespmem:$0x1980] =	vst v17;
	v39 =	vadd.s32 $0x3B6, v12  }
0x103: {  	v46 =	vld [tilespmem:$0xA00];
	v45 =	vadd.s32 $0x3B6, v14;
	[tilespmem:$0x19A0] =	vst v39  }
0x104: {  	v57 =	vld [tilespmem:$0xA30];
	v48 =	vadd.s32 $0x3B6, v16;
	[tilespmem:$0x19B0] =	vst v45  }
0x105: {  	v18 =	vld [tilespmem:$0x9D0];
	v19 =	vadd.s32 $0x3B6, v10;
	[tilespmem:$0x19C0] =	vst v48  }
0x106: {  	v49 =	vld [tilespmem:$0xA10];
	v56 =	vadd.s32 $0x3B6, v38;
	[tilespmem:$0x1990] =	vst v19  }
0x107: {  	v52 =	vld [tilespmem:$0xA20];
	v8 =	vadd.s32 $0x3B6, v42;
	[tilespmem:$0x19E0] =	vst v56  }
0x108: {  	v9 =	vld [tilespmem:$0xA40];
	v10 =	vadd.s32 $0x3E8, v46;
	[tilespmem:$0x19F0] =	vst v8  }
0x109: {  	v15 =	vld [tilespmem:$0xA70];
	v16 =	vadd.s32 $0x3E8, v57;
	[tilespmem:$0x1A00] =	vst v10  }
0x10a: {  	v11 =	vld [tilespmem:$0xA50];
	v50 =	vadd.s32 $0x3B6, v18;
	[tilespmem:$0x1A30] =	vst v16  }
0x10b: {  	v13 =	vld [tilespmem:$0xA60];
	v12 =	vadd.s32 $0x3E8, v49;
	[tilespmem:$0x19D0] =	vst v50  }
0x10c: {  	v17 =	vld [tilespmem:$0xA80];
	v14 =	vadd.s32 $0x3E8, v52;
	[tilespmem:$0x1A10] =	vst v12  }
0x10d: {  	v39 =	vld [tilespmem:$0xAA0];
	v18 =	vadd.s32 $0x3E8, v9;
	[tilespmem:$0x1A20] =	vst v14  }
0x10e: {  	v45 =	vld [tilespmem:$0xAB0];
	v46 =	vadd.s32 $0x3E8, v15;
	[tilespmem:$0x1A40] =	vst v18  }
0x10f: {  	v48 =	vld [tilespmem:$0xAC0];
	v38 =	vadd.s32 $0x3E8, v11;
	[tilespmem:$0x1A70] =	vst v46  }
0x110: {  	v19 =	vld [tilespmem:$0xA90];
	v42 =	vadd.s32 $0x3E8, v13;
	[tilespmem:$0x1A50] =	vst v38  }
0x111: {  	v56 =	vld [tilespmem:$0xAE0];
	v49 =	vadd.s32 $0x41A, v17;
	[tilespmem:$0x1A60] =	vst v42  }
0x112: {  	v8 =	vld [tilespmem:$0xAF0];
	[tilespmem:$0x1A80] =	vst v49;
	v57 =	vadd.s32 $0x41A, v39  }
0x113: {  	v10 =	vld [tilespmem:$0xB00];
	v9 =	vadd.s32 $0x41A, v45;
	[tilespmem:$0x1AA0] =	vst v57  }
0x114: {  	v16 =	vld [tilespmem:$0xB30];
	v11 =	vadd.s32 $0x41A, v48;
	[tilespmem:$0x1AB0] =	vst v9  }
0x115: {  	v50 =	vld [tilespmem:$0xAD0];
	v52 =	vadd.s32 $0x41A, v19;
	[tilespmem:$0x1AC0] =	vst v11  }
0x116: {  	v12 =	vld [tilespmem:$0xB10];
	v15 =	vadd.s32 $0x41A, v56;
	[tilespmem:$0x1A90] =	vst v52  }
0x117: {  	v14 =	vld [tilespmem:$0xB20];
	v17 =	vadd.s32 $0x41A, v8;
	[tilespmem:$0x1AE0] =	vst v15  }
0x118: {  	v18 =	vld [tilespmem:$0xB40];
	v19 =	vadd.s32 $0x44C, v10;
	[tilespmem:$0x1AF0] =	vst v17  }
0x119: {  	v46 =	vld [tilespmem:$0xB70];
	v48 =	vadd.s32 $0x44C, v16;
	[tilespmem:$0x1B00] =	vst v19  }
0x11a: {  	v38 =	vld [tilespmem:$0xB50];
	v13 =	vadd.s32 $0x41A, v50;
	[tilespmem:$0x1B30] =	vst v48  }
0x11b: {  	v42 =	vld [tilespmem:$0xB60];
	v39 =	vadd.s32 $0x44C, v12;
	[tilespmem:$0x1AD0] =	vst v13  }
0x11c: {  	v49 =	vld [tilespmem:$0xB80];
	v45 =	vadd.s32 $0x44C, v14;
	[tilespmem:$0x1B10] =	vst v39  }
0x11d: {  	v57 =	vld [tilespmem:$0xBA0];
	v50 =	vadd.s32 $0x44C, v18;
	[tilespmem:$0x1B20] =	vst v45  }
0x11e: {  	v8 =	vld [tilespmem:$0xBB0];
	v9 =	vadd.s32 $0x44C, v46;
	[tilespmem:$0x1B40] =	vst v50  }
0x11f: {  	v10 =	vld [tilespmem:$0xBC0];
	v56 =	vadd.s32 $0x44C, v38;
	[tilespmem:$0x1B70] =	vst v9  }
0x120: {  	v16 =	vld [tilespmem:$0xBF0];
	v7 =	vadd.s32 $0x44C, v42;
	[tilespmem:$0x1B50] =	vst v56  }
0x121: {  	v52 =	vld [tilespmem:$0xB90];
	v11 =	vadd.s32 $0x47E, v49;
	[tilespmem:$0x1B60] =	vst v7  }
0x122: {  	v12 =	vld [tilespmem:$0xBD0];
	[tilespmem:$0x1B80] =	vst v11;
	v15 =	vadd.s32 $0x47E, v57  }
0x123: {  	v14 =	vld [tilespmem:$0xBE0];
	v17 =	vadd.s32 $0x47E, v8;
	[tilespmem:$0x1BA0] =	vst v15  }
0x124: {  	v18 =	vld [tilespmem:$0xC00];
	v19 =	vadd.s32 $0x47E, v10;
	[tilespmem:$0x1BB0] =	vst v17  }
0x125: {  	v46 =	vld [tilespmem:$0xC30];
	v48 =	vadd.s32 $0x47E, v16;
	[tilespmem:$0x1BC0] =	vst v19  }
0x126: {  	v38 =	vld [tilespmem:$0xC10];
	v13 =	vadd.s32 $0x47E, v52;
	[tilespmem:$0x1BF0] =	vst v48  }
0x127: {  	v42 =	vld [tilespmem:$0xC20];
	v39 =	vadd.s32 $0x47E, v12;
	[tilespmem:$0x1B90] =	vst v13  }
0x128: {  	v49 =	vld [tilespmem:$0xC40];
	v45 =	vadd.s32 $0x47E, v14;
	[tilespmem:$0x1BD0] =	vst v39  }
0x129: {  	v9 =	vld [tilespmem:$0xC70];
	v50 =	vadd.s32 $0x4B0, v18;
	[tilespmem:$0x1BE0] =	vst v45  }
0x12a: {  	v11 =	vld [tilespmem:$0xC80];
	v10 =	vadd.s32 $0x4B0, v46;
	[tilespmem:$0x1C00] =	vst v50  }
0x12b: {  	v57 =	vld [tilespmem:$0xC60];
	v56 =	vadd.s32 $0x4B0, v38;
	[tilespmem:$0x1C30] =	vst v10  }
0x12c: {  	v52 =	vld [tilespmem:$0xC50];
	v8 =	vadd.s32 $0x4B0, v42;
	[tilespmem:$0x1C10] =	vst v56  }
0x12d: {  	v15 =	vld [tilespmem:$0xCA0];
	v12 =	vadd.s32 $0x4B0, v49;
	[tilespmem:$0x1C20] =	vst v8  }
0x12e: {  	v17 =	vld [tilespmem:$0xCB0];
	v18 =	vadd.s32 $0x4B0, v9;
	[tilespmem:$0x1C40] =	vst v12  }
0x12f: {  	v19 =	vld [tilespmem:$0xCC0];
	[tilespmem:$0x1C70] =	vst v18;
	v38 =	vadd.s32 $0x4E2, v11  }
0x130: {  	v48 =	vld [tilespmem:$0xCF0];
	[tilespmem:$0x1C80] =	vst v38;
	v16 =	vadd.s32 $0x4B0, v57  }
0x131: {  	v13 =	vld [tilespmem:$0xC90];
	v14 =	vadd.s32 $0x4B0, v52;
	[tilespmem:$0x1C60] =	vst v16  }
0x132: {  	v39 =	vld [tilespmem:$0xCD0];
	v46 =	vadd.s32 $0x4E2, v15;
	[tilespmem:$0x1C50] =	vst v14  }
0x133: {  	v45 =	vld [tilespmem:$0xCE0];
	v49 =	vadd.s32 $0x4E2, v17;
	[tilespmem:$0x1CA0] =	vst v46  }
0x134: {  	v50 =	vadd.s32 $0x4E2, v19;
	[tilespmem:$0x1CB0] =	vst v49  }
0x135: {  	v57 =	vadd.s32 $0x4E2, v48;
	[tilespmem:$0x1CC0] =	vst v50  }
0x136: {  	v42 =	vadd.s32 $0x4E2, v13;
	[tilespmem:$0x1CF0] =	vst v57  }
0x137: {  	v52 =	vadd.s32 $0x4E2, v39;
	[tilespmem:$0x1C90] =	vst v42  }
0x138: {  	v56 =	vadd.s32 $0x4E2, v45;
	[tilespmem:$0x1CD0] =	vst v52  }
0x139: {  	[tilespmem:$0x1CE0] =	vst v56  }
0x13a: {  	[tilespmem:s14], [sflag:$0x1] =	stream.indirect.gather [hbm4b:s0+s12], $0x80, s13, s12, $0xb8;
	[tilespmem:$0xE000] =	vst v63  }
0x13b: {  	s24 =	simm.s32 $0x0  }
0x13c: {  	[tilespmem:s16], [sflag:$0x2] =	stream.indirect.gather [hbm4b:s0+s12], $0x80, s15, s12, $0xb8;
	[tilespmem:$0xE000] =	vst v63  }
.LBB2_2:
0x13d: {  	s25 =	simm.s32 $0x0;
	_ =	swait.ge [sflag:s17], $0x4000  }
0x13e: {  	p0 =	seq.s32 s24, $0x0;
	v28 =	vadd.s32 s25, v47;
	[sflag:s17] =	ssyncset.done $0x0  }
0x13f: {  	s26 =	simm.s32 @!p0 $0x3;
	v13 =	vand.u32 $0xF, v28;
	[sflag:s17] =	ssyncadd.s32 $0xFFFFC000  }
0x140: {  	s30 =	simm.s32 $0x2;
	v0 =	vor.u32 v44, v13;
	_ =	swait.ge @!p0 [sflag:s26], $0x2000  }
0x141: {  	s31 =	simm.s32 $0x3;
	v29 =	vadd.s32 s30, v47;
	v48 =	vld [tilespmem:$0x1FC10]  }
0x142: {  	s28 =	simm.s32 $0x1;
	v57 =	vadd.s32 s31, v47;
	v38 =	vand.u32 $0xF, v29  }
0x143: {  	v56 =	vadd.s32 s28, v47;
	v12 =	vand.u32 $0xF, v57;
	v1 =	vor.u32 v44, v38;
	[sflag:s26] =	ssyncset.done @!p0 $0x0  }
0x144: {  	v19 =	vand.u32 $0xF, v56;
	v2 =	vor.u32 v44, v12;
	v21 =	vshll.u32 v13, $0x7;
	[sflag:s26] =	ssyncadd.s32 @!p0 $0xFFFFE000  }
0x145: {  	v3 =	vor.u32 v44, v19;
	v4 =	vor.u32 v47, v21;
	v0 =	vld.idx.msk [tilespmem:v0+s14+$0x0], $0xffff  }
0x146: {  	v5 =	vor.u32 v48, v13  }
0x147: {  	v42 =	vshll.u32 v38, $0x7  }
0x148: {  	v18 =	vshll.u32 v12, $0x7;
	v6 =	vor.u32 v47, v42;
	v1 =	vld.idx.msk [tilespmem:v1+s14+$0x0], $0xffff  }
0x149: {  	v39 =	vshll.u32 v19, $0x7;
	v8 =	vor.u32 v47, v18;
	v2 =	vld.idx.msk [tilespmem:v2+s14+$0x0], $0xffff  }
0x14a: {  	v9 =	vor.u32 v47, v39;
	v3 =	vld.idx.msk [tilespmem:v3+s14+$0x0], $0xffff;
	[tilespmem:v4+s18+$0x0] =	vst.idx.msk $0xffff, v0  }
0x14b: {  	v4 =	vor.u32 v51, v21;
	v0 =	vld.idx.msk [tilespmem:v5+s14+$0x0], $0xffff;
	_ =	sdelay $0x1  }
0x14c: {  	[tilespmem:v6+s18+$0x0] =	vst.idx.msk $0xffff, v1  }
0x14d: {  	v7 =	vor.u32 v48, v38;
	[tilespmem:v8+s18+$0x0] =	vst.idx.msk $0xffff, v2  }
0x14e: {  	v10 =	vor.u32 v48, v12;
	[tilespmem:v9+s18+$0x0] =	vst.idx.msk $0xffff, v3  }
0x14f: {  	v14 =	vor.u32 v48, v19;
	v1 =	vor.u32 v51, v42;
	[tilespmem:v4+s18+$0x0] =	vst.idx.msk $0xffff, v0  }
0x150: {  	v15 =	vmovc v51;
	v3 =	vor.u32 v51, v18;
	v8 =	vor.u32 v51, v39;
	v5 =	vor.u32 v35, v13;
	v51 =	vld [tilespmem:$0x1FC20];
	_ =	sdelay $0x1  }
0x151: {  	v6 =	vld.idx.msk [tilespmem:v7+s14+$0x0], $0xffff  }
0x152: {  	v7 =	vld.idx.msk [tilespmem:v10+s14+$0x0], $0xffff  }
0x153: {  	v9 =	vld.idx.msk [tilespmem:v14+s14+$0x0], $0xffff  }
0x154: {  	v0 =	vld.idx.msk [tilespmem:v5+s14+$0x0], $0xffff;
	v4 =	vor.u32 v51, v21  }
0x155: {  	v52 =	vld [tilespmem:$0x1FC30]  }
0x156: {  	[tilespmem:v1+s18+$0x0] =	vst.idx.msk $0xffff, v6  }
0x157: {  	v2 =	vor.u32 v35, v38;
	[tilespmem:v3+s18+$0x0] =	vst.idx.msk $0xffff, v7  }
0x158: {  	v10 =	vor.u32 v35, v12;
	[tilespmem:v8+s18+$0x0] =	vst.idx.msk $0xffff, v9  }
0x159: {  	v14 =	vor.u32 v35, v19;
	[tilespmem:v4+s18+$0x0] =	vst.idx.msk $0xffff, v0  }
0x15a: {  	v5 =	vor.u32 v52, v13;
	v50 =	vld [tilespmem:$0x1FC40];
	_ =	sdelay $0x1  }
0x15b: {  	v2 =	vld.idx.msk [tilespmem:v2+s14+$0x0], $0xffff;
	v1 =	vor.u32 v51, v42  }
0x15c: {  	v6 =	vld.idx.msk [tilespmem:v10+s14+$0x0], $0xffff;
	v3 =	vor.u32 v51, v18;
	v7 =	vor.u32 v52, v38  }
0x15d: {  	v9 =	vld.idx.msk [tilespmem:v14+s14+$0x0], $0xffff;
	v8 =	vor.u32 v51, v39;
	v10 =	vor.u32 v52, v12  }
0x15e: {  	v14 =	vor.u32 v52, v19;
	v0 =	vld.idx.msk [tilespmem:v5+s14+$0x0], $0xffff;
	v4 =	vor.u32 v50, v21  }
0x15f: {  	v5 =	vor.u32 v61, v13  }
0x160: {  	[tilespmem:v1+s18+$0x0] =	vst.idx.msk $0xffff, v2  }
0x161: {  	[tilespmem:v3+s18+$0x0] =	vst.idx.msk $0xffff, v6;
	v1 =	vld.idx.msk [tilespmem:v7+s14+$0x0], $0xffff;
	v2 =	vor.u32 v50, v42  }
0x162: {  	[tilespmem:v8+s18+$0x0] =	vst.idx.msk $0xffff, v9;
	v3 =	vld.idx.msk [tilespmem:v10+s14+$0x0], $0xffff;
	v7 =	vor.u32 v50, v18  }
0x163: {  	v8 =	vld.idx.msk [tilespmem:v14+s14+$0x0], $0xffff;
	v9 =	vor.u32 v50, v39;
	[tilespmem:v4+s18+$0x0] =	vst.idx.msk $0xffff, v0  }
0x164: {  	v4 =	vld.idx.msk [tilespmem:v5+s14+$0x0], $0xffff;
	v5 =	vor.u32 v36, v21;
	_ =	sdelay $0x1  }
0x165: {  	[tilespmem:v2+s18+$0x0] =	vst.idx.msk $0xffff, v1  }
0x166: {  	v6 =	vor.u32 v61, v38;
	[tilespmem:v7+s18+$0x0] =	vst.idx.msk $0xffff, v3  }
0x167: {  	v10 =	vor.u32 v61, v12;
	[tilespmem:v9+s18+$0x0] =	vst.idx.msk $0xffff, v8  }
0x168: {  	v0 =	vor.u32 v61, v19;
	[tilespmem:v5+s18+$0x0] =	vst.idx.msk $0xffff, v4  }
0x169: {  	v14 =	vor.u32 v34, v13;
	v49 =	vld [tilespmem:$0x1FC50];
	_ =	sdelay $0x1  }
0x16a: {  	v2 =	vor.u32 v36, v42;
	v1 =	vld.idx.msk [tilespmem:v6+s14+$0x0], $0xffff  }
0x16b: {  	v7 =	vor.u32 v36, v18;
	v3 =	vld.idx.msk [tilespmem:v10+s14+$0x0], $0xffff;
	v6 =	vor.u32 v34, v38  }
0x16c: {  	v8 =	vor.u32 v36, v39;
	v9 =	vor.u32 v34, v12;
	v0 =	vld.idx.msk [tilespmem:v0+s14+$0x0], $0xffff  }
0x16d: {  	v4 =	vor.u32 v34, v19;
	v5 =	vld.idx.msk [tilespmem:v14+s14+$0x0], $0xffff;
	v10 =	vor.u32 v49, v21  }
0x16e: {  	v14 =	vor.u32 v53, v13  }
0x16f: {  	[tilespmem:v2+s18+$0x0] =	vst.idx.msk $0xffff, v1  }
0x170: {  	[tilespmem:v7+s18+$0x0] =	vst.idx.msk $0xffff, v3;
	v1 =	vld.idx.msk [tilespmem:v6+s14+$0x0], $0xffff;
	v2 =	vor.u32 v49, v42  }
0x171: {  	v3 =	vor.u32 v53, v38;
	[tilespmem:v8+s18+$0x0] =	vst.idx.msk $0xffff, v0;
	v0 =	vld.idx.msk [tilespmem:v9+s14+$0x0], $0xffff;
	v6 =	vor.u32 v49, v18  }
0x172: {  	v8 =	vor.u32 v53, v12;
	v4 =	vld.idx.msk [tilespmem:v4+s14+$0x0], $0xffff;
	v7 =	vor.u32 v49, v39;
	[tilespmem:v10+s18+$0x0] =	vst.idx.msk $0xffff, v5  }
0x173: {  	v5 =	vor.u32 v53, v19;
	v10 =	vor.u32 v55, v21;
	v9 =	vld.idx.msk [tilespmem:v14+s14+$0x0], $0xffff  }
0x174: {  	v14 =	vor.u32 v40, v13  }
0x175: {  	[tilespmem:v2+s18+$0x0] =	vst.idx.msk $0xffff, v1  }
0x176: {  	[tilespmem:v6+s18+$0x0] =	vst.idx.msk $0xffff, v0;
	v0 =	vor.u32 v55, v42;
	v1 =	vld.idx.msk [tilespmem:v3+s14+$0x0], $0xffff  }
0x177: {  	[tilespmem:v7+s18+$0x0] =	vst.idx.msk $0xffff, v4;
	v4 =	vor.u32 v55, v18;
	v2 =	vld.idx.msk [tilespmem:v8+s14+$0x0], $0xffff  }
0x178: {  	v6 =	vor.u32 v55, v39;
	v5 =	vld.idx.msk [tilespmem:v5+s14+$0x0], $0xffff;
	[tilespmem:v10+s18+$0x0] =	vst.idx.msk $0xffff, v9  }
0x179: {  	v10 =	vor.u32 v37, v21;
	v9 =	vld.idx.msk [tilespmem:v14+s14+$0x0], $0xffff;
	_ =	sdelay $0x1  }
0x17a: {  	v3 =	vor.u32 v40, v38;
	[tilespmem:v0+s18+$0x0] =	vst.idx.msk $0xffff, v1  }
0x17b: {  	v7 =	vor.u32 v40, v12;
	[tilespmem:v4+s18+$0x0] =	vst.idx.msk $0xffff, v2  }
0x17c: {  	v8 =	vor.u32 v40, v19;
	[tilespmem:v6+s18+$0x0] =	vst.idx.msk $0xffff, v5  }
0x17d: {  	v14 =	vor.u32 v59, v28;
	[tilespmem:v10+s18+$0x0] =	vst.idx.msk $0xffff, v9  }
0x17e: {  	v16 =	vmov v34;
	v34 =	vmov v40;
	v40 =	vld [tilespmem:$0x1FC60]  }
0x17f: {  	v1 =	vor.u32 v37, v42;
	v0 =	vld.idx.msk [tilespmem:v3+s14+$0x0], $0xffff  }
0x180: {  	v2 =	vld.idx.msk [tilespmem:v7+s14+$0x0], $0xffff;
	v3 =	vor.u32 v37, v18;
	v5 =	vor.u32 v59, v29  }
0x181: {  	v11 =	vshll.u32 v28, $0x7;
	v7 =	vor.u32 v59, v57;
	v6 =	vor.u32 v37, v39;
	v4 =	vld.idx.msk [tilespmem:v8+s14+$0x0], $0xffff  }
0x182: {  	v9 =	vor.u32 v43, v11;
	v10 =	vor.u32 v59, v56;
	v8 =	vld.idx.msk [tilespmem:v14+s14+$0x0], $0xffff  }
0x183: {  	v14 =	vor.u32 v40, v28  }
0x184: {  	v20 =	vmov v53;
	v53 =	vshll.u32 v29, $0x7;
	[tilespmem:v1+s18+$0x0] =	vst.idx.msk $0xffff, v0  }
0x185: {  	v45 =	vshll.u32 v57, $0x7;
	v46 =	vshll.u32 v56, $0x7;
	[tilespmem:v3+s18+$0x0] =	vst.idx.msk $0xffff, v2;
	v1 =	vor.u32 v43, v53;
	v0 =	vld.idx.msk [tilespmem:v5+s14+$0x0], $0xffff  }
0x186: {  	v2 =	vld.idx.msk [tilespmem:v7+s14+$0x0], $0xffff;
	[tilespmem:v6+s18+$0x0] =	vst.idx.msk $0xffff, v4;
	v4 =	vor.u32 v43, v45;
	v3 =	vor.u32 v40, v29  }
0x187: {  	v6 =	vor.u32 v43, v46;
	v5 =	vld.idx.msk [tilespmem:v10+s14+$0x0], $0xffff;
	[tilespmem:v9+s18+$0x0] =	vst.idx.msk $0xffff, v8;
	v7 =	vor.u32 v40, v57  }
0x188: {  	v9 =	vor.u32 v62, v11;
	v10 =	vor.u32 v40, v56;
	v8 =	vld.idx.msk [tilespmem:v14+s14+$0x0], $0xffff  }
0x189: {  	v14 =	vor.u32 v63, v28  }
0x18a: {  	[tilespmem:v1+s18+$0x0] =	vst.idx.msk $0xffff, v0  }
0x18b: {  	v1 =	vor.u32 v62, v53;
	[tilespmem:v4+s18+$0x0] =	vst.idx.msk $0xffff, v2;
	v0 =	vld.idx.msk [tilespmem:v3+s14+$0x0], $0xffff  }
0x18c: {  	v4 =	vor.u32 v62, v45;
	[tilespmem:v6+s18+$0x0] =	vst.idx.msk $0xffff, v5;
	v2 =	vld.idx.msk [tilespmem:v7+s14+$0x0], $0xffff;
	v3 =	vor.u32 v63, v29  }
0x18d: {  	v6 =	vor.u32 v62, v46;
	v5 =	vld.idx.msk [tilespmem:v10+s14+$0x0], $0xffff;
	v7 =	vor.u32 v63, v57;
	[tilespmem:v9+s18+$0x0] =	vst.idx.msk $0xffff, v8  }
0x18e: {  	v10 =	vor.u32 v63, v56;
	v9 =	vor.u32 v54, v11;
	v8 =	vld.idx.msk [tilespmem:v14+s14+$0x0], $0xffff  }
0x18f: {  	v14 =	vor.u32 v58, v28  }
0x190: {  	[tilespmem:v1+s18+$0x0] =	vst.idx.msk $0xffff, v0  }
0x191: {  	[tilespmem:v4+s18+$0x0] =	vst.idx.msk $0xffff, v2;
	v1 =	vor.u32 v54, v53;
	v0 =	vld.idx.msk [tilespmem:v3+s14+$0x0], $0xffff  }
0x192: {  	[tilespmem:v6+s18+$0x0] =	vst.idx.msk $0xffff, v5;
	v4 =	vor.u32 v54, v45;
	v2 =	vld.idx.msk [tilespmem:v7+s14+$0x0], $0xffff  }
0x193: {  	v6 =	vor.u32 v54, v46;
	v5 =	vld.idx.msk [tilespmem:v10+s14+$0x0], $0xffff;
	[tilespmem:v9+s18+$0x0] =	vst.idx.msk $0xffff, v8  }
0x194: {  	v9 =	vor.u32 v60, v11;
	v8 =	vld.idx.msk [tilespmem:v14+s14+$0x0], $0xffff;
	_ =	sdelay $0x1  }
0x195: {  	[tilespmem:v1+s18+$0x0] =	vst.idx.msk $0xffff, v0  }
0x196: {  	v3 =	vor.u32 v58, v29;
	[tilespmem:v4+s18+$0x0] =	vst.idx.msk $0xffff, v2  }
0x197: {  	v7 =	vor.u32 v58, v57;
	[tilespmem:v6+s18+$0x0] =	vst.idx.msk $0xffff, v5  }
0x198: {  	v10 =	vor.u32 v58, v56;
	[tilespmem:v9+s18+$0x0] =	vst.idx.msk $0xffff, v8  }
0x199: {  	v17 =	vmov v37;
	v14 =	vor.u32 v30, v28;
	v37 =	vld [tilespmem:$0x1FC70];
	_ =	sdelay $0x1  }
0x19a: {  	v1 =	vor.u32 v60, v53;
	v0 =	vld.idx.msk [tilespmem:v3+s14+$0x0], $0xffff  }
0x19b: {  	v4 =	vor.u32 v60, v45;
	v2 =	vld.idx.msk [tilespmem:v7+s14+$0x0], $0xffff  }
0x19c: {  	v6 =	vor.u32 v60, v46;
	v5 =	vld.idx.msk [tilespmem:v10+s14+$0x0], $0xffff  }
0x19d: {  	v8 =	vld.idx.msk [tilespmem:v14+s14+$0x0], $0xffff;
	v9 =	vor.u32 v37, v11;
	_ =	sdelay $0x1  }
0x19e: {  	v3 =	vor.u32 v30, v29;
	[tilespmem:v1+s18+$0x0] =	vst.idx.msk $0xffff, v0  }
0x19f: {  	v7 =	vor.u32 v30, v57;
	[tilespmem:v4+s18+$0x0] =	vst.idx.msk $0xffff, v2  }
0x1a0: {  	v10 =	vor.u32 v30, v56;
	[tilespmem:v6+s18+$0x0] =	vst.idx.msk $0xffff, v5  }
0x1a1: {  	v14 =	vor.u32 v33, v28;
	[tilespmem:v9+s18+$0x0] =	vst.idx.msk $0xffff, v8  }
0x1a2: {  	v61 =	vmov v29;
	v29 =	vmov v28;
	v28 =	vld [tilespmem:$0x1FC80]  }
0x1a3: {  	v0 =	vld.idx.msk [tilespmem:v3+s14+$0x0], $0xffff;
	v1 =	vor.u32 v37, v53  }
0x1a4: {  	v2 =	vld.idx.msk [tilespmem:v7+s14+$0x0], $0xffff;
	v3 =	vor.u32 v33, v61;
	v4 =	vor.u32 v37, v45  }
0x1a5: {  	v5 =	vld.idx.msk [tilespmem:v10+s14+$0x0], $0xffff;
	v7 =	vor.u32 v33, v57;
	v6 =	vor.u32 v37, v46  }
0x1a6: {  	v10 =	vor.u32 v33, v56;
	v9 =	vor.u32 v41, v11;
	v8 =	vld.idx.msk [tilespmem:v14+s14+$0x0], $0xffff  }
0x1a7: {  	[tilespmem:$0x1FBF0] =	vst v29;
	v14 =	vor.u32 v28, v29  }
0x1a8: {  	[tilespmem:v1+s18+$0x0] =	vst.idx.msk $0xffff, v0  }
0x1a9: {  	[tilespmem:v4+s18+$0x0] =	vst.idx.msk $0xffff, v2;
	v1 =	vor.u32 v41, v53;
	v0 =	vld.idx.msk [tilespmem:v3+s14+$0x0], $0xffff  }
0x1aa: {  	[tilespmem:v6+s18+$0x0] =	vst.idx.msk $0xffff, v5;
	v4 =	vor.u32 v41, v45;
	v2 =	vld.idx.msk [tilespmem:v7+s14+$0x0], $0xffff;
	v3 =	vor.u32 v28, v61  }
0x1ab: {  	v6 =	vor.u32 v41, v46;
	v5 =	vld.idx.msk [tilespmem:v10+s14+$0x0], $0xffff;
	[tilespmem:v9+s18+$0x0] =	vst.idx.msk $0xffff, v8;
	v7 =	vor.u32 v28, v57  }
0x1ac: {  	v9 =	vor.u32 v22, v11;
	v10 =	vor.u32 v28, v56;
	v8 =	vld.idx.msk [tilespmem:v14+s14+$0x0], $0xffff  }
0x1ad: {  	[tilespmem:$0x1FC00] =	vst v11;
	v14 =	vor.u32 v23, v29  }
0x1ae: {  	[tilespmem:v1+s18+$0x0] =	vst.idx.msk $0xffff, v0  }
0x1af: {  	[tilespmem:v4+s18+$0x0] =	vst.idx.msk $0xffff, v2;
	v1 =	vor.u32 v22, v53;
	v0 =	vld.idx.msk [tilespmem:v3+s14+$0x0], $0xffff  }
0x1b0: {  	[tilespmem:v6+s18+$0x0] =	vst.idx.msk $0xffff, v5;
	v4 =	vor.u32 v22, v45;
	v2 =	vld.idx.msk [tilespmem:v7+s14+$0x0], $0xffff;
	v3 =	vor.u32 v23, v61  }
0x1b1: {  	v6 =	vor.u32 v22, v46;
	v5 =	vld.idx.msk [tilespmem:v10+s14+$0x0], $0xffff;
	v7 =	vor.u32 v23, v57;
	[tilespmem:v9+s18+$0x0] =	vst.idx.msk $0xffff, v8  }
0x1b2: {  	v10 =	vor.u32 v23, v56;
	v9 =	vor.u32 v24, v11;
	v8 =	vld.idx.msk [tilespmem:v14+s14+$0x0], $0xffff  }
0x1b3: {  	v14 =	vor.u32 v25, v13  }
0x1b4: {  	[tilespmem:v1+s18+$0x0] =	vst.idx.msk $0xffff, v0  }
0x1b5: {  	[tilespmem:v4+s18+$0x0] =	vst.idx.msk $0xffff, v2;
	v1 =	vor.u32 v24, v53;
	v0 =	vld.idx.msk [tilespmem:v3+s14+$0x0], $0xffff  }
0x1b6: {  	[tilespmem:v6+s18+$0x0] =	vst.idx.msk $0xffff, v5;
	v4 =	vor.u32 v24, v45;
	v2 =	vld.idx.msk [tilespmem:v7+s14+$0x0], $0xffff  }
0x1b7: {  	v6 =	vor.u32 v24, v46;
	v5 =	vld.idx.msk [tilespmem:v10+s14+$0x0], $0xffff;
	[tilespmem:v9+s18+$0x0] =	vst.idx.msk $0xffff, v8  }
0x1b8: {  	v9 =	vor.u32 v26, v21;
	v8 =	vld.idx.msk [tilespmem:v14+s14+$0x0], $0xffff;
	_ =	sdelay $0x1  }
0x1b9: {  	[tilespmem:v1+s18+$0x0] =	vst.idx.msk $0xffff, v0  }
0x1ba: {  	v3 =	vor.u32 v25, v38;
	[tilespmem:v4+s18+$0x0] =	vst.idx.msk $0xffff, v2  }
0x1bb: {  	v7 =	vor.u32 v25, v12;
	[tilespmem:v6+s18+$0x0] =	vst.idx.msk $0xffff, v5  }
0x1bc: {  	v14 =	vor.u32 v27, v13;
	[tilespmem:v9+s18+$0x0] =	vst.idx.msk $0xffff, v8  }
0x1bd: {  	v10 =	vor.u32 v25, v19;
	v28 =	vld [tilespmem:$0x1FC90];
	_ =	sdelay $0x1  }
0x1be: {  	v1 =	vor.u32 v26, v42;
	v0 =	vld.idx.msk [tilespmem:v3+s14+$0x0], $0xffff  }
0x1bf: {  	v4 =	vor.u32 v26, v18;
	v2 =	vld.idx.msk [tilespmem:v7+s14+$0x0], $0xffff;
	v3 =	vor.u32 v27, v38  }
0x1c0: {  	v8 =	vor.u32 v27, v12;
	v9 =	vor.u32 v32, v21;
	v7 =	vld.idx.msk [tilespmem:v14+s14+$0x0], $0xffff  }
0x1c1: {  	v6 =	vor.u32 v26, v39;
	v5 =	vld.idx.msk [tilespmem:v10+s14+$0x0], $0xffff;
	v10 =	vor.u32 v28, v13;
	_ =	sdelay $0x1  }
0x1c2: {  	[tilespmem:v1+s18+$0x0] =	vst.idx.msk $0xffff, v0  }
0x1c3: {  	[tilespmem:v4+s18+$0x0] =	vst.idx.msk $0xffff, v2;
	v2 =	vor.u32 v32, v42;
	v3 =	vld.idx.msk [tilespmem:v3+s14+$0x0], $0xffff  }
0x1c4: {  	v14 =	vor.u32 v27, v19;
	v8 =	vld.idx.msk [tilespmem:v8+s14+$0x0], $0xffff;
	[tilespmem:v9+s18+$0x0] =	vst.idx.msk $0xffff, v7;
	v7 =	vor.u32 v32, v18  }
0x1c5: {  	v22 =	vor.u32 v31, v21;
	[tilespmem:v6+s18+$0x0] =	vst.idx.msk $0xffff, v5;
	v41 =	vor.u32 v28, v12;
	v9 =	vld.idx.msk [tilespmem:v10+s14+$0x0], $0xffff  }
0x1c6: {  	v37 =	vld [tilespmem:$0x1FFE0]  }
0x1c7: {  	s28 =	simm.s32 $0x4  }
0x1c8: {  	v0 =	vadd.s32 s28, v47;
	v6 =	vor.u32 v28, v38;
	[tilespmem:v2+s18+$0x0] =	vst.idx.msk $0xffff, v3  }
0x1c9: {  	v4 =	vand.u32 $0xF, v0;
	v14 =	vld.idx.msk [tilespmem:v14+s14+$0x0], $0xffff;
	[tilespmem:v7+s18+$0x0] =	vst.idx.msk $0xffff, v8  }
0x1ca: {  	v26 =	vor.u32 v28, v19;
	v28 =	vor.u32 v44, v4;
	v24 =	vld.idx.msk [tilespmem:v41+s14+$0x0], $0xffff;
	[tilespmem:v22+s18+$0x0] =	vst.idx.msk $0xffff, v9  }
0x1cb: {  	s29 =	simm.s32 $0x5;
	v10 =	vor.u32 v32, v39;
	v43 =	vor.u32 v37, v13;
	v41 =	vld [tilespmem:$0x1FFF0]  }
0x1cc: {  	v1 =	vadd.s32 s29, v47  }
0x1cd: {  	v29 =	vor.u32 v31, v18;
	v27 =	vor.u32 v31, v42;
	v5 =	vand.u32 $0xF, v1;
	v30 =	vld.idx.msk [tilespmem:v6+s14+$0x0], $0xffff  }
0x1ce: {  	v23 =	vor.u32 v31, v39;
	v31 =	vor.u32 v44, v5;
	v6 =	vshll.u32 v4, $0x7  }
0x1cf: {  	s30 =	simm.s32 $0x6;
	v58 =	vmov v54;
	v28 =	vld.idx.msk [tilespmem:v28+s14+$0x0], $0xffff;
	v54 =	vor.u32 v47, v6  }
0x1d0: {  	s31 =	simm.s32 $0x7;
	v3 =	vadd.s32 s30, v47;
	v25 =	vld.idx.msk [tilespmem:v43+s14+$0x0], $0xffff;
	[tilespmem:v10+s18+$0x0] =	vst.idx.msk $0xffff, v14;
	v33 =	vor.u32 v41, v21  }
0x1d1: {  	v2 =	vadd.s32 s31, v47;
	v7 =	vand.u32 $0xF, v3;
	v60 =	vld [tilespmem:$0x1FE60]  }
0x1d2: {  	v8 =	vand.u32 $0xF, v2;
	v32 =	vor.u32 v44, v7;
	[tilespmem:v27+s18+$0x0] =	vst.idx.msk $0xffff, v30  }
0x1d3: {  	v31 =	vld.idx.msk [tilespmem:v31+s14+$0x0], $0xffff;
	v22 =	vor.u32 v44, v8;
	[tilespmem:v29+s18+$0x0] =	vst.idx.msk $0xffff, v24  }
0x1d4: {  	v14 =	vshll.u32 v5, $0x7;
	v26 =	vld.idx.msk [tilespmem:v26+s14+$0x0], $0xffff;
	v27 =	vor.u32 v48, v4;
	[tilespmem:v54+s18+$0x0] =	vst.idx.msk $0xffff, v28  }
0x1d5: {  	v43 =	vmov v36;
	v30 =	vor.u32 v37, v12;
	v36 =	vor.u32 v47, v14;
	[tilespmem:v33+s18+$0x0] =	vst.idx.msk $0xffff, v25  }
0x1d6: {  	v55 =	vmov v34;
	v10 =	vshll.u32 v7, $0x7;
	v34 =	vor.u32 v60, v13;
	v54 =	vld [tilespmem:$0x1FE70]  }
0x1d7: {  	v9 =	vshll.u32 v8, $0x7;
	v24 =	vor.u32 v47, v10;
	v29 =	vld.idx.msk [tilespmem:v32+s14+$0x0], $0xffff  }
0x1d8: {  	v22 =	vld.idx.msk [tilespmem:v22+s14+$0x0], $0xffff;
	v33 =	vor.u32 v47, v9  }
0x1d9: {  	v32 =	vor.u32 v37, v38;
	[tilespmem:v23+s18+$0x0] =	vst.idx.msk $0xffff, v26;
	v26 =	vld.idx.msk [tilespmem:v27+s14+$0x0], $0xffff;
	v27 =	vor.u32 v15, v6  }
0x1da: {  	v30 =	vld.idx.msk [tilespmem:v30+s14+$0x0], $0xffff;
	v25 =	vor.u32 v48, v5;
	[tilespmem:v36+s18+$0x0] =	vst.idx.msk $0xffff, v31;
	v36 =	vor.u32 v41, v18  }
0x1db: {  	v11 =	vmov v35;
	v28 =	vor.u32 v48, v7;
	v34 =	vld.idx.msk [tilespmem:v34+s14+$0x0], $0xffff;
	v35 =	vor.u32 v54, v21  }
0x1dc: {  	v62 =	vmov v17;
	v17 =	vld [tilespmem:$0x1FE80];
	[tilespmem:v24+s18+$0x0] =	vst.idx.msk $0xffff, v29  }
0x1dd: {  	v23 =	vor.u32 v48, v8;
	[tilespmem:v33+s18+$0x0] =	vst.idx.msk $0xffff, v22  }
0x1de: {  	v32 =	vld.idx.msk [tilespmem:v32+s14+$0x0], $0xffff;
	v24 =	vor.u32 v41, v42;
	v29 =	vor.u32 v11, v4;
	[tilespmem:v27+s18+$0x0] =	vst.idx.msk $0xffff, v26  }
0x1df: {  	v22 =	vor.u32 v60, v12;
	v33 =	vor.u32 v15, v14;
	v25 =	vld.idx.msk [tilespmem:v25+s14+$0x0], $0xffff;
	[tilespmem:v36+s18+$0x0] =	vst.idx.msk $0xffff, v30  }
0x1e0: {  	v48 =	vor.u32 v15, v10;
	v28 =	vld.idx.msk [tilespmem:v28+s14+$0x0], $0xffff;
	[tilespmem:v35+s18+$0x0] =	vst.idx.msk $0xffff, v34;
	v34 =	vor.u32 v60, v38  }
0x1e1: {  	v40 =	vmov v16;
	v31 =	vor.u32 v17, v13;
	v16 =	vld [tilespmem:$0x1FE90]  }
0x1e2: {  	v27 =	vor.u32 v15, v9;
	v23 =	vld.idx.msk [tilespmem:v23+s14+$0x0], $0xffff  }
0x1e3: {  	v29 =	vld.idx.msk [tilespmem:v29+s14+$0x0], $0xffff;
	[tilespmem:v24+s18+$0x0] =	vst.idx.msk $0xffff, v32;
	v32 =	vor.u32 v51, v6  }
0x1e4: {  	v26 =	vor.u32 v11, v5;
	v22 =	vld.idx.msk [tilespmem:v22+s14+$0x0], $0xffff;
	[tilespmem:v33+s18+$0x0] =	vst.idx.msk $0xffff, v25;
	v25 =	vor.u32 v54, v18  }
0x1e5: {  	v30 =	vor.u32 v11, v7;
	[tilespmem:v48+s18+$0x0] =	vst.idx.msk $0xffff, v28;
	v48 =	vor.u32 v54, v42;
	v34 =	vld.idx.msk [tilespmem:v34+s14+$0x0], $0xffff  }
0x1e6: {  	v31 =	vld.idx.msk [tilespmem:v31+s14+$0x0], $0xffff;
	v24 =	vor.u32 v11, v8;
	v36 =	vor.u32 v16, v21  }
0x1e7: {  	v15 =	vld [tilespmem:$0x1FEA0];
	[tilespmem:v27+s18+$0x0] =	vst.idx.msk $0xffff, v23  }
0x1e8: {  	v33 =	vor.u32 v52, v4;
	[tilespmem:v32+s18+$0x0] =	vst.idx.msk $0xffff, v29  }
0x1e9: {  	v23 =	vor.u32 v51, v14;
	v26 =	vld.idx.msk [tilespmem:v26+s14+$0x0], $0xffff;
	v27 =	vor.u32 v17, v38;
	[tilespmem:v25+s18+$0x0] =	vst.idx.msk $0xffff, v22  }
0x1ea: {  	v30 =	vld.idx.msk [tilespmem:v30+s14+$0x0], $0xffff;
	[tilespmem:v48+s18+$0x0] =	vst.idx.msk $0xffff, v34  }
0x1eb: {  	v24 =	vld.idx.msk [tilespmem:v24+s14+$0x0], $0xffff;
	[tilespmem:v36+s18+$0x0] =	vst.idx.msk $0xffff, v31;
	v31 =	vor.u32 v17, v12;
	v36 =	vor.u32 v51, v10  }
0x1ec: {  	v29 =	vor.u32 v51, v9;
	v28 =	vor.u32 v15, v13;
	v51 =	vld [tilespmem:$0x1FEB0]  }
0x1ed: {  	v33 =	vld.idx.msk [tilespmem:v33+s14+$0x0], $0xffff  }
0x1ee: {  	v25 =	vor.u32 v50, v6;
	[tilespmem:v23+s18+$0x0] =	vst.idx.msk $0xffff, v26;
	v26 =	vld.idx.msk [tilespmem:v27+s14+$0x0], $0xffff  }
0x1ef: {  	v32 =	vor.u32 v52, v7;
	v27 =	vor.u32 v16, v42;
	v48 =	vld [tilespmem:$0x1FCC0]  }
0x1f0: {  	v22 =	vor.u32 v52, v8;
	[tilespmem:v36+s18+$0x0] =	vst.idx.msk $0xffff, v30;
	v30 =	vld.idx.msk [tilespmem:v31+s14+$0x0], $0xffff;
	v31 =	vor.u32 v16, v18  }
0x1f1: {  	v34 =	vor.u32 v52, v5;
	v28 =	vld.idx.msk [tilespmem:v28+s14+$0x0], $0xffff;
	v35 =	vor.u32 v51, v21  }
0x1f2: {  	v36 =	vld [tilespmem:$0x1FEC0];
	[tilespmem:v29+s18+$0x0] =	vst.idx.msk $0xffff, v24  }
0x1f3: {  	v24 =	vor.u32 v15, v38;
	[tilespmem:v25+s18+$0x0] =	vst.idx.msk $0xffff, v33  }
0x1f4: {  	v32 =	vld.idx.msk [tilespmem:v32+s14+$0x0], $0xffff;
	v29 =	vor.u32 v50, v10;
	v25 =	vor.u32 v15, v12;
	[tilespmem:v27+s18+$0x0] =	vst.idx.msk $0xffff, v26  }
0x1f5: {  	v52 =	vor.u32 v50, v9;
	v23 =	vor.u32 v48, v4;
	v22 =	vld.idx.msk [tilespmem:v22+s14+$0x0], $0xffff;
	[tilespmem:v31+s18+$0x0] =	vst.idx.msk $0xffff, v30  }
0x1f6: {  	v34 =	vld.idx.msk [tilespmem:v34+s14+$0x0], $0xffff;
	[tilespmem:v35+s18+$0x0] =	vst.idx.msk $0xffff, v28  }
0x1f7: {  	v13 =	vor.u32 v36, v13;
	v35 =	vor.u32 v50, v14;
	v50 =	vld [tilespmem:$0x1FED0]  }
0x1f8: {  	v24 =	vld.idx.msk [tilespmem:v24+s14+$0x0], $0xffff  }
0x1f9: {  	v31 =	vor.u32 v51, v42;
	v25 =	vld.idx.msk [tilespmem:v25+s14+$0x0], $0xffff;
	[tilespmem:v29+s18+$0x0] =	vst.idx.msk $0xffff, v32  }
0x1fa: {  	v27 =	vor.u32 v43, v6;
	v23 =	vld.idx.msk [tilespmem:v23+s14+$0x0], $0xffff;
	[tilespmem:v52+s18+$0x0] =	vst.idx.msk $0xffff, v22  }
0x1fb: {  	v30 =	vor.u32 v48, v5;
	v32 =	vor.u32 v51, v18;
	v52 =	vld [tilespmem:$0x1FEE0]  }
0x1fc: {  	v29 =	vor.u32 v40, v4;
	v13 =	vld.idx.msk [tilespmem:v13+s14+$0x0], $0xffff;
	v21 =	vor.u32 v50, v21  }
0x1fd: {  	v26 =	vor.u32 v48, v8;
	v28 =	vor.u32 v48, v7;
	v48 =	vld [tilespmem:$0x1FBF0];
	[tilespmem:v35+s18+$0x0] =	vst.idx.msk $0xffff, v34  }
0x1fe: {  	[tilespmem:v31+s18+$0x0] =	vst.idx.msk $0xffff, v24  }
0x1ff: {  	[tilespmem:v27+s18+$0x0] =	vst.idx.msk $0xffff, v23  }
0x200: {  	v27 =	vld.idx.msk [tilespmem:v30+s14+$0x0], $0xffff;
	[tilespmem:v32+s18+$0x0] =	vst.idx.msk $0xffff, v25  }
0x201: {  	[tilespmem:v21+s18+$0x0] =	vst.idx.msk $0xffff, v13;
	v21 =	vld.idx.msk [tilespmem:v29+s14+$0x0], $0xffff  }
0x202: {  	v33 =	vor.u32 v37, v19;
	v31 =	vor.u32 v40, v5;
	v37 =	vld [tilespmem:$0x1FEF0]  }
0x203: {  	v30 =	vor.u32 v40, v7;
	v22 =	vor.u32 v52, v48;
	v29 =	vor.u32 v40, v8;
	v40 =	vld [tilespmem:$0x1FC00]  }
0x204: {  	v28 =	vld.idx.msk [tilespmem:v28+s14+$0x0], $0xffff;
	v34 =	vor.u32 v43, v10  }
0x205: {  	v26 =	vld.idx.msk [tilespmem:v26+s14+$0x0], $0xffff;
	v23 =	vor.u32 v43, v9  }
0x206: {  	v12 =	vor.u32 v36, v12;
	v13 =	vor.u32 v43, v14  }
0x207: {  	v24 =	vor.u32 v49, v6  }
0x208: {  	v22 =	vld.idx.msk [tilespmem:v22+s14+$0x0], $0xffff;
	v25 =	vor.u32 v37, v40  }
0x209: {  	v32 =	vld.idx.msk [tilespmem:v33+s14+$0x0], $0xffff;
	[tilespmem:v34+s18+$0x0] =	vst.idx.msk $0xffff, v28;
	v28 =	vor.u32 v41, v39  }
0x20a: {  	v41 =	vld [tilespmem:$0x1FF00];
	[tilespmem:v23+s18+$0x0] =	vst.idx.msk $0xffff, v26  }
0x20b: {  	v12 =	vld.idx.msk [tilespmem:v12+s14+$0x0], $0xffff;
	[tilespmem:v13+s18+$0x0] =	vst.idx.msk $0xffff, v27  }
0x20c: {  	v33 =	vor.u32 v20, v4;
	v11 =	vor.u32 v50, v18;
	v23 =	vld.idx.msk [tilespmem:v30+s14+$0x0], $0xffff;
	[tilespmem:v24+s18+$0x0] =	vst.idx.msk $0xffff, v21  }
0x20d: {  	v26 =	vor.u32 v60, v19;
	v13 =	vor.u32 v49, v10;
	v24 =	vld.idx.msk [tilespmem:v31+s14+$0x0], $0xffff;
	[tilespmem:v25+s18+$0x0] =	vst.idx.msk $0xffff, v22  }
0x20e: {  	v35 =	vld [tilespmem:$0x1FD10];
	[tilespmem:v28+s18+$0x0] =	vst.idx.msk $0xffff, v32  }
0x20f: {  	v21 =	vor.u32 v49, v9;
	v31 =	vor.u32 v49, v14;
	v34 =	vor.u32 v41, v48;
	v49 =	vld [tilespmem:$0x1FF10]  }
0x210: {  	v27 =	vld.idx.msk [tilespmem:v29+s14+$0x0], $0xffff  }
0x211: {  	v22 =	vld.idx.msk [tilespmem:v33+s14+$0x0], $0xffff;
	[tilespmem:v11+s18+$0x0] =	vst.idx.msk $0xffff, v12  }
0x212: {  	v29 =	vor.u32 v52, v57;
	v12 =	vld.idx.msk [tilespmem:v26+s14+$0x0], $0xffff;
	[tilespmem:v13+s18+$0x0] =	vst.idx.msk $0xffff, v23;
	v13 =	vor.u32 v54, v39  }
0x213: {  	v30 =	vor.u32 v20, v7;
	v54 =	vld [tilespmem:$0x1FF20];
	v33 =	vor.u32 v35, v6  }
0x214: {  	v25 =	vor.u32 v20, v8;
	v32 =	vld.idx.msk [tilespmem:v34+s14+$0x0], $0xffff;
	v60 =	vor.u32 v49, v40  }
0x215: {  	[tilespmem:v21+s18+$0x0] =	vst.idx.msk $0xffff, v27  }
0x216: {  	v28 =	vor.u32 v20, v5;
	[tilespmem:v31+s18+$0x0] =	vst.idx.msk $0xffff, v24  }
0x217: {  	v43 =	vmov v48;
	v11 =	vor.u32 v55, v4;
	v26 =	vld.idx.msk [tilespmem:v29+s14+$0x0], $0xffff;
	[tilespmem:v13+s18+$0x0] =	vst.idx.msk $0xffff, v12  }
0x218: {  	v21 =	vor.u32 v37, v45;
	v27 =	vld.idx.msk [tilespmem:v30+s14+$0x0], $0xffff;
	v23 =	vor.u32 v54, v43;
	[tilespmem:v33+s18+$0x0] =	vst.idx.msk $0xffff, v22  }
0x219: {  	v29 =	vor.u32 v17, v19;
	v25 =	vld.idx.msk [tilespmem:v25+s14+$0x0], $0xffff;
	v24 =	vor.u32 v35, v10;
	[tilespmem:v60+s18+$0x0] =	vst.idx.msk $0xffff, v32  }
0x21a: {  	v31 =	vor.u32 v55, v7;
	v60 =	vld [tilespmem:$0x1FF30]  }
0x21b: {  	v30 =	vor.u32 v41, v57;
	v28 =	vld.idx.msk [tilespmem:v28+s14+$0x0], $0xffff;
	v22 =	vor.u32 v35, v9  }
0x21c: {  	v33 =	vor.u32 v35, v14;
	v32 =	vld.idx.msk [tilespmem:v11+s14+$0x0], $0xffff  }
0x21d: {  	v35 =	vor.u32 v62, v6;
	v13 =	vld.idx.msk [tilespmem:v23+s14+$0x0], $0xffff;
	[tilespmem:v21+s18+$0x0] =	vst.idx.msk $0xffff, v26  }
0x21e: {  	v21 =	vld.idx.msk [tilespmem:v29+s14+$0x0], $0xffff;
	[tilespmem:v24+s18+$0x0] =	vst.idx.msk $0xffff, v27;
	v24 =	vor.u32 v16, v39  }
0x21f: {  	v48 =	vmov v40;
	v29 =	vld.idx.msk [tilespmem:v31+s14+$0x0], $0xffff;
	v23 =	vor.u32 v60, v40  }
0x220: {  	v34 =	vor.u32 v55, v8;
	[tilespmem:v22+s18+$0x0] =	vst.idx.msk $0xffff, v25;
	v22 =	vor.u32 v49, v45;
	v40 =	vld.idx.msk [tilespmem:v30+s14+$0x0], $0xffff  }
0x221: {  	v16 =	vld [tilespmem:$0x1FF40];
	[tilespmem:v33+s18+$0x0] =	vst.idx.msk $0xffff, v28;
	v28 =	vor.u32 v62, v10  }
0x222: {  	[tilespmem:v35+s18+$0x0] =	vst.idx.msk $0xffff, v32  }
0x223: {  	v12 =	vor.u32 v55, v5;
	[tilespmem:v24+s18+$0x0] =	vst.idx.msk $0xffff, v21  }
0x224: {  	v26 =	vor.u32 v59, v0;
	[tilespmem:v23+s18+$0x0] =	vst.idx.msk $0xffff, v13  }
0x225: {  	v31 =	vld.idx.msk [tilespmem:v34+s14+$0x0], $0xffff;
	v30 =	vor.u32 v15, v19;
	[tilespmem:v22+s18+$0x0] =	vst.idx.msk $0xffff, v40  }
0x226: {  	v40 =	vld [tilespmem:$0x1FD50];
	[tilespmem:v28+s18+$0x0] =	vst.idx.msk $0xffff, v29  }
0x227: {  	v55 =	vor.u32 v16, v43;
	v20 =	vld [tilespmem:$0x1FF50]  }
0x228: {  	v32 =	vor.u32 v62, v9;
	v34 =	vld.idx.msk [tilespmem:v12+s14+$0x0], $0xffff  }
0x229: {  	v35 =	vor.u32 v62, v14;
	v23 =	vld.idx.msk [tilespmem:v26+s14+$0x0], $0xffff  }
0x22a: {  	v11 =	vshll.u32 v0, $0x7;
	v29 =	vld.idx.msk [tilespmem:v30+s14+$0x0], $0xffff;
	v30 =	vor.u32 v51, v39  }
0x22b: {  	v17 =	vld [tilespmem:$0x1FC60];
	v22 =	vor.u32 v40, v11  }
0x22c: {  	v33 =	vor.u32 v54, v57;
	v25 =	vld.idx.msk [tilespmem:v55+s14+$0x0], $0xffff;
	v55 =	vor.u32 v20, v48  }
0x22d: {  	[tilespmem:v32+s18+$0x0] =	vst.idx.msk $0xffff, v31  }
0x22e: {  	v21 =	vor.u32 v59, v3;
	[tilespmem:v35+s18+$0x0] =	vst.idx.msk $0xffff, v34  }
0x22f: {  	v24 =	vor.u32 v59, v2;
	[tilespmem:v30+s18+$0x0] =	vst.idx.msk $0xffff, v29  }
0x230: {  	v62 =	vor.u32 v59, v1;
	[tilespmem:v22+s18+$0x0] =	vst.idx.msk $0xffff, v23  }
0x231: {  	v32 =	vld.idx.msk [tilespmem:v33+s14+$0x0], $0xffff;
	v28 =	vor.u32 v17, v0;
	[tilespmem:v55+s18+$0x0] =	vst.idx.msk $0xffff, v25  }
0x232: {  	v13 =	vshll.u32 v3, $0x7;
	v31 =	vor.u32 v36, v38;
	v33 =	vor.u32 v60, v45;
	v55 =	vld [tilespmem:$0x1FD60]  }
0x233: {  	v12 =	vshll.u32 v2, $0x7;
	v19 =	vor.u32 v36, v19;
	v21 =	vld.idx.msk [tilespmem:v21+s14+$0x0], $0xffff;
	v59 =	vor.u32 v40, v13  }
0x234: {  	v34 =	vor.u32 v16, v57;
	v22 =	vld.idx.msk [tilespmem:v24+s14+$0x0], $0xffff;
	v23 =	vor.u32 v40, v12  }
0x235: {  	v15 =	vshll.u32 v1, $0x7;
	v24 =	vld.idx.msk [tilespmem:v62+s14+$0x0], $0xffff;
	v62 =	vor.u32 v17, v3  }
0x236: {  	v40 =	vor.u32 v40, v15;
	v51 =	vld.idx.msk [tilespmem:v28+s14+$0x0], $0xffff;
	v28 =	vor.u32 v17, v2  }
0x237: {  	v30 =	vor.u32 v17, v1;
	v31 =	vld.idx.msk [tilespmem:v31+s14+$0x0], $0xffff;
	[tilespmem:v33+s18+$0x0] =	vst.idx.msk $0xffff, v32;
	v29 =	vor.u32 v55, v11  }
0x238: {  	v18 =	vor.u32 v50, v42;
	v19 =	vld.idx.msk [tilespmem:v19+s14+$0x0], $0xffff;
	[tilespmem:v59+s18+$0x0] =	vst.idx.msk $0xffff, v21  }
0x239: {  	v17 =	vor.u32 v50, v39;
	v21 =	vor.u32 v63, v0;
	[tilespmem:v23+s18+$0x0] =	vst.idx.msk $0xffff, v22;
	v23 =	vld.idx.msk [tilespmem:v34+s14+$0x0], $0xffff  }
0x23a: {  	v59 =	vor.u32 v20, v45;
	v22 =	vor.u32 v52, v61;
	v25 =	vld.idx.msk [tilespmem:v62+s14+$0x0], $0xffff  }
0x23b: {  	[tilespmem:v40+s18+$0x0] =	vst.idx.msk $0xffff, v24;
	v62 =	vor.u32 v52, v56;
	v28 =	vld.idx.msk [tilespmem:v28+s14+$0x0], $0xffff;
	v40 =	vor.u32 v55, v13  }
0x23c: {  	v30 =	vld.idx.msk [tilespmem:v30+s14+$0x0], $0xffff;
	[tilespmem:v29+s18+$0x0] =	vst.idx.msk $0xffff, v51;
	v29 =	vor.u32 v55, v12  }
0x23d: {  	v33 =	vld [tilespmem:$0x1FF60];
	[tilespmem:v18+s18+$0x0] =	vst.idx.msk $0xffff, v31;
	v31 =	vor.u32 v55, v15  }
0x23e: {  	v21 =	vld.idx.msk [tilespmem:v21+s14+$0x0], $0xffff;
	[tilespmem:v17+s18+$0x0] =	vst.idx.msk $0xffff, v19;
	v19 =	vor.u32 v58, v11  }
0x23f: {  	v50 =	vor.u32 v37, v53;
	[tilespmem:v59+s18+$0x0] =	vst.idx.msk $0xffff, v23;
	v22 =	vld.idx.msk [tilespmem:v22+s14+$0x0], $0xffff  }
0x240: {  	[tilespmem:v40+s18+$0x0] =	vst.idx.msk $0xffff, v25;
	v55 =	vor.u32 v37, v46;
	v24 =	vld.idx.msk [tilespmem:v62+s14+$0x0], $0xffff  }
0x241: {  	v51 =	vld [tilespmem:$0x1FD90];
	[tilespmem:v29+s18+$0x0] =	vst.idx.msk $0xffff, v28  }
0x242: {  	v18 =	vor.u32 v63, v3;
	v34 =	vld [tilespmem:$0x1FF70];
	[tilespmem:v31+s18+$0x0] =	vst.idx.msk $0xffff, v30  }
0x243: {  	v42 =	vor.u32 v33, v57;
	[tilespmem:v19+s18+$0x0] =	vst.idx.msk $0xffff, v21  }
0x244: {  	v17 =	vor.u32 v63, v2;
	v35 =	vld [tilespmem:$0x1FF80];
	[tilespmem:v50+s18+$0x0] =	vst.idx.msk $0xffff, v22  }
0x245: {  	v23 =	vor.u32 v63, v1;
	[tilespmem:v55+s18+$0x0] =	vst.idx.msk $0xffff, v24  }
0x246: {  	v52 =	vor.u32 v51, v0;
	v63 =	vld [tilespmem:$0x1FDA0]  }
0x247: {  	v18 =	vld.idx.msk [tilespmem:v18+s14+$0x0], $0xffff;
	v30 =	vor.u32 v41, v56;
	v31 =	vor.u32 v58, v13  }
0x248: {  	v28 =	vor.u32 v41, v61;
	v27 =	vld.idx.msk [tilespmem:v42+s14+$0x0], $0xffff;
	v29 =	vor.u32 v34, v45  }
0x249: {  	v17 =	vld.idx.msk [tilespmem:v17+s14+$0x0], $0xffff;
	v21 =	vor.u32 v58, v12  }
0x24a: {  	v59 =	vor.u32 v58, v15;
	v23 =	vld.idx.msk [tilespmem:v23+s14+$0x0], $0xffff  }
0x24b: {  	v25 =	vld.idx.msk [tilespmem:v52+s14+$0x0], $0xffff;
	v50 =	vor.u32 v63, v11  }
0x24c: {  	[tilespmem:v31+s18+$0x0] =	vst.idx.msk $0xffff, v18;
	v30 =	vld.idx.msk [tilespmem:v30+s14+$0x0], $0xffff;
	v31 =	vor.u32 v49, v46  }
0x24d: {  	v22 =	vor.u32 v51, v3;
	v28 =	vld.idx.msk [tilespmem:v28+s14+$0x0], $0xffff;
	[tilespmem:v29+s18+$0x0] =	vst.idx.msk $0xffff, v27;
	v29 =	vor.u32 v49, v53  }
0x24e: {  	v52 =	vld [tilespmem:$0x1FDB0];
	[tilespmem:v21+s18+$0x0] =	vst.idx.msk $0xffff, v17  }
0x24f: {  	v19 =	vor.u32 v35, v57;
	v36 =	vld [tilespmem:$0x1FF90];
	[tilespmem:v59+s18+$0x0] =	vst.idx.msk $0xffff, v23  }
0x250: {  	v62 =	vor.u32 v51, v2;
	[tilespmem:v50+s18+$0x0] =	vst.idx.msk $0xffff, v25  }
0x251: {  	v51 =	vor.u32 v51, v1;
	v37 =	vld [tilespmem:$0x1FFA0];
	[tilespmem:v31+s18+$0x0] =	vst.idx.msk $0xffff, v30  }
0x252: {  	v22 =	vld.idx.msk [tilespmem:v22+s14+$0x0], $0xffff;
	v17 =	vor.u32 v54, v61;
	[tilespmem:v29+s18+$0x0] =	vst.idx.msk $0xffff, v28  }
0x253: {  	v23 =	vor.u32 v54, v56;
	v54 =	vor.u32 v63, v13;
	v18 =	vor.u32 v52, v0;
	v59 =	vld [tilespmem:$0x1FC70]  }
0x254: {  	v19 =	vld.idx.msk [tilespmem:v19+s14+$0x0], $0xffff;
	v21 =	vor.u32 v36, v45  }
0x255: {  	v58 =	vor.u32 v63, v12;
	v24 =	vld.idx.msk [tilespmem:v62+s14+$0x0], $0xffff  }
0x256: {  	v27 =	vld.idx.msk [tilespmem:v51+s14+$0x0], $0xffff  }
0x257: {  	v29 =	vor.u32 v63, v15;
	v17 =	vld.idx.msk [tilespmem:v17+s14+$0x0], $0xffff  }
0x258: {  	v28 =	vor.u32 v52, v3;
	[tilespmem:v54+s18+$0x0] =	vst.idx.msk $0xffff, v22;
	v18 =	vld.idx.msk [tilespmem:v18+s14+$0x0], $0xffff;
	v31 =	vor.u32 v59, v11  }
0x259: {  	v23 =	vld.idx.msk [tilespmem:v23+s14+$0x0], $0xffff;
	[tilespmem:v21+s18+$0x0] =	vst.idx.msk $0xffff, v19;
	v21 =	vor.u32 v60, v53  }
0x25a: {  	v63 =	vor.u32 v60, v46;
	v55 =	vor.u32 v37, v57;
	v62 =	vld [tilespmem:$0x1FDC0];
	[tilespmem:v58+s18+$0x0] =	vst.idx.msk $0xffff, v24  }
0x25b: {  	v39 =	vld [tilespmem:$0x1FFB0]  }
0x25c: {  	v30 =	vor.u32 v52, v2;
	[tilespmem:v29+s18+$0x0] =	vst.idx.msk $0xffff, v27  }
0x25d: {  	v28 =	vld.idx.msk [tilespmem:v28+s14+$0x0], $0xffff;
	v19 =	vor.u32 v52, v1;
	[tilespmem:v31+s18+$0x0] =	vst.idx.msk $0xffff, v18  }
0x25e: {  	v49 =	vor.u32 v16, v61;
	v41 =	vld [tilespmem:$0x1FFC0];
	[tilespmem:v21+s18+$0x0] =	vst.idx.msk $0xffff, v17  }
0x25f: {  	v51 =	vor.u32 v16, v56;
	v25 =	vld.idx.msk [tilespmem:v55+s14+$0x0], $0xffff;
	v29 =	vor.u32 v59, v13;
	[tilespmem:v63+s18+$0x0] =	vst.idx.msk $0xffff, v23  }
0x260: {  	v22 =	vor.u32 v62, v0;
	v52 =	vld [tilespmem:$0x1FDD0];
	v50 =	vor.u32 v39, v45  }
0x261: {  	v18 =	vld.idx.msk [tilespmem:v30+s14+$0x0], $0xffff;
	v30 =	vor.u32 v59, v12  }
0x262: {  	v19 =	vld.idx.msk [tilespmem:v19+s14+$0x0], $0xffff;
	v21 =	vor.u32 v59, v15  }
0x263: {  	v55 =	vor.u32 v20, v53;
	v24 =	vld.idx.msk [tilespmem:v49+s14+$0x0], $0xffff  }
0x264: {  	v27 =	vld.idx.msk [tilespmem:v51+s14+$0x0], $0xffff;
	[tilespmem:v29+s18+$0x0] =	vst.idx.msk $0xffff, v28;
	v29 =	vor.u32 v20, v46  }
0x265: {  	v17 =	vor.u32 v62, v3;
	v22 =	vld.idx.msk [tilespmem:v22+s14+$0x0], $0xffff;
	v31 =	vor.u32 v52, v11;
	[tilespmem:v50+s18+$0x0] =	vst.idx.msk $0xffff, v25  }
0x266: {  	v16 =	vor.u32 v41, v57;
	v57 =	vld [tilespmem:$0x1FC80];
	[tilespmem:v30+s18+$0x0] =	vst.idx.msk $0xffff, v18  }
0x267: {  	v32 =	vld [tilespmem:$0x1FFD0];
	[tilespmem:v21+s18+$0x0] =	vst.idx.msk $0xffff, v19  }
0x268: {  	v23 =	vor.u32 v62, v2;
	[tilespmem:v55+s18+$0x0] =	vst.idx.msk $0xffff, v24  }
0x269: {  	v54 =	vor.u32 v62, v1;
	[tilespmem:v29+s18+$0x0] =	vst.idx.msk $0xffff, v27  }
0x26a: {  	v17 =	vld.idx.msk [tilespmem:v17+s14+$0x0], $0xffff;
	v19 =	vor.u32 v33, v56;
	v21 =	vor.u32 v52, v13;
	[tilespmem:v31+s18+$0x0] =	vst.idx.msk $0xffff, v22  }
0x26b: {  	v31 =	vld [tilespmem:$0x1FDE0];
	v28 =	vor.u32 v57, v0  }
0x26c: {  	v18 =	vor.u32 v33, v61;
	v16 =	vld.idx.msk [tilespmem:v16+s14+$0x0], $0xffff;
	v20 =	vor.u32 v32, v45  }
0x26d: {  	v30 =	vor.u32 v52, v12;
	v23 =	vld.idx.msk [tilespmem:v23+s14+$0x0], $0xffff  }
0x26e: {  	v59 =	vor.u32 v52, v15;
	v25 =	vld.idx.msk [tilespmem:v54+s14+$0x0], $0xffff  }
0x26f: {  	v22 =	vor.u32 v33, v43;
	[tilespmem:v21+s18+$0x0] =	vst.idx.msk $0xffff, v17;
	v19 =	vld.idx.msk [tilespmem:v19+s14+$0x0], $0xffff;
	v21 =	vor.u32 v34, v46  }
0x270: {  	v58 =	vor.u32 v57, v3;
	v29 =	vor.u32 v31, v11;
	v28 =	vld.idx.msk [tilespmem:v28+s14+$0x0], $0xffff  }
0x271: {  	v60 =	vor.u32 v57, v2;
	v18 =	vld.idx.msk [tilespmem:v18+s14+$0x0], $0xffff;
	[tilespmem:v20+s18+$0x0] =	vst.idx.msk $0xffff, v16;
	v20 =	vor.u32 v34, v53  }
0x272: {  	v62 =	vld [tilespmem:$0x1FDF0];
	[tilespmem:v30+s18+$0x0] =	vst.idx.msk $0xffff, v23  }
0x273: {  	v63 =	vor.u32 v35, v56;
	[tilespmem:v59+s18+$0x0] =	vst.idx.msk $0xffff, v25  }
0x274: {  	v22 =	vld.idx.msk [tilespmem:v22+s14+$0x0], $0xffff;
	v16 =	vor.u32 v57, v1;
	v30 =	vor.u32 v34, v48;
	[tilespmem:v21+s18+$0x0] =	vst.idx.msk $0xffff, v19  }
0x275: {  	v38 =	vor.u32 v31, v13;
	v24 =	vld.idx.msk [tilespmem:v58+s14+$0x0], $0xffff;
	v23 =	vor.u32 v35, v61;
	[tilespmem:v29+s18+$0x0] =	vst.idx.msk $0xffff, v28  }
0x276: {  	v27 =	vld.idx.msk [tilespmem:v60+s14+$0x0], $0xffff;
	[tilespmem:v20+s18+$0x0] =	vst.idx.msk $0xffff, v18  }
0x277: {  	v29 =	vor.u32 v31, v12;
	v20 =	vor.u32 v31, v15;
	v17 =	vor.u32 v62, v0;
	v31 =	vld [tilespmem:$0x1FE00]  }
0x278: {  	v45 =	vor.u32 v36, v46;
	v25 =	vld.idx.msk [tilespmem:v63+s14+$0x0], $0xffff  }
0x279: {  	v28 =	vor.u32 v35, v43;
	v16 =	vld.idx.msk [tilespmem:v16+s14+$0x0], $0xffff;
	[tilespmem:v30+s18+$0x0] =	vst.idx.msk $0xffff, v22  }
0x27a: {  	v18 =	vor.u32 v62, v3;
	v23 =	vld.idx.msk [tilespmem:v23+s14+$0x0], $0xffff;
	[tilespmem:v38+s18+$0x0] =	vst.idx.msk $0xffff, v24  }
0x27b: {  	v19 =	vor.u32 v62, v2;
	v30 =	vor.u32 v36, v53;
	v40 =	vld [tilespmem:$0x1FE10]  }
0x27c: {  	v22 =	vor.u32 v62, v1;
	v17 =	vld.idx.msk [tilespmem:v17+s14+$0x0], $0xffff;
	v21 =	vor.u32 v31, v11  }
0x27d: {  	[tilespmem:v45+s18+$0x0] =	vst.idx.msk $0xffff, v25  }
0x27e: {  	v49 =	vor.u32 v37, v61;
	v28 =	vld.idx.msk [tilespmem:v28+s14+$0x0], $0xffff;
	[tilespmem:v29+s18+$0x0] =	vst.idx.msk $0xffff, v27  }
0x27f: {  	v29 =	vor.u32 v36, v48;
	[tilespmem:v20+s18+$0x0] =	vst.idx.msk $0xffff, v16;
	v16 =	vor.u32 v37, v56;
	v18 =	vld.idx.msk [tilespmem:v18+s14+$0x0], $0xffff  }
0x280: {  	v20 =	vor.u32 v31, v13;
	v19 =	vld.idx.msk [tilespmem:v19+s14+$0x0], $0xffff;
	[tilespmem:v30+s18+$0x0] =	vst.idx.msk $0xffff, v23;
	v42 =	vor.u32 v40, v4  }
0x281: {  	v22 =	vld.idx.msk [tilespmem:v22+s14+$0x0], $0xffff;
	[tilespmem:v21+s18+$0x0] =	vst.idx.msk $0xffff, v17  }
0x282: {  	v30 =	vor.u32 v31, v15;
	v23 =	vor.u32 v40, v7;
	v21 =	vor.u32 v31, v12;
	v31 =	vld [tilespmem:$0x1FE20]  }
0x283: {  	v27 =	vld.idx.msk [tilespmem:v49+s14+$0x0], $0xffff;
	v17 =	vor.u32 v37, v43  }
0x284: {  	v16 =	vld.idx.msk [tilespmem:v16+s14+$0x0], $0xffff;
	[tilespmem:v29+s18+$0x0] =	vst.idx.msk $0xffff, v28  }
0x285: {  	v50 =	vor.u32 v40, v8;
	v24 =	vld.idx.msk [tilespmem:v42+s14+$0x0], $0xffff;
	v29 =	vor.u32 v39, v53;
	[tilespmem:v20+s18+$0x0] =	vst.idx.msk $0xffff, v18  }
0x286: {  	v28 =	vor.u32 v40, v5;
	v20 =	vor.u32 v39, v46;
	v52 =	vld [tilespmem:$0x1FE30]  }
0x287: {  	[tilespmem:v30+s18+$0x0] =	vst.idx.msk $0xffff, v22;
	v22 =	vld.idx.msk [tilespmem:v23+s14+$0x0], $0xffff;
	v23 =	vor.u32 v41, v56;
	v51 =	vor.u32 v31, v6  }
0x288: {  	[tilespmem:v21+s18+$0x0] =	vst.idx.msk $0xffff, v19;
	v17 =	vld.idx.msk [tilespmem:v17+s14+$0x0], $0xffff;
	v21 =	vor.u32 v39, v48  }
0x289: {  	v19 =	vor.u32 v41, v61;
	v30 =	vor.u32 v31, v10  }
0x28a: {  	v54 =	vld.idx.msk [tilespmem:v50+s14+$0x0], $0xffff;
	v56 =	vor.u32 v31, v9;
	[tilespmem:v29+s18+$0x0] =	vst.idx.msk $0xffff, v27  }
0x28b: {  	v28 =	vld.idx.msk [tilespmem:v28+s14+$0x0], $0xffff;
	[tilespmem:v20+s18+$0x0] =	vst.idx.msk $0xffff, v16  }
0x28c: {  	v18 =	vor.u32 v52, v4;
	v63 =	vld.idx.msk [tilespmem:v23+s14+$0x0], $0xffff;
	[tilespmem:v51+s18+$0x0] =	vst.idx.msk $0xffff, v24  }
0x28d: {  	v59 =	vld [tilespmem:$0x1FE40];
	[tilespmem:v21+s18+$0x0] =	vst.idx.msk $0xffff, v17  }
0x28e: {  	v29 =	vor.u32 v31, v14;
	v31 =	vor.u32 v52, v8;
	v19 =	vld.idx.msk [tilespmem:v19+s14+$0x0], $0xffff;
	[tilespmem:v30+s18+$0x0] =	vst.idx.msk $0xffff, v22  }
0x28f: {  	v62 =	vld [tilespmem:$0x1FC90];
	[tilespmem:v56+s18+$0x0] =	vst.idx.msk $0xffff, v54  }
0x290: {  	v61 =	vor.u32 v32, v53;
	v16 =	vld [tilespmem:$0x1FE50]  }
0x291: {  	v58 =	vld.idx.msk [tilespmem:v18+s14+$0x0], $0xffff;
	v18 =	vor.u32 v32, v46  }
0x292: {  	v17 =	vor.u32 v52, v5;
	v60 =	vor.u32 v59, v6  }
0x293: {  	[tilespmem:v29+s18+$0x0] =	vst.idx.msk $0xffff, v28;
	v36 =	vld.idx.msk [tilespmem:v31+s14+$0x0], $0xffff  }
0x294: {  	v31 =	vld [tilespmem:$0x1FE50]  }
0x295: {  	v55 =	vor.u32 v41, v43;
	v45 =	vor.u32 v16, v6;
	v16 =	vld [tilespmem:$0x1FE50];
	[tilespmem:v61+s18+$0x0] =	vst.idx.msk $0xffff, v19  }
0x296: {  	v57 =	vor.u32 v52, v7;
	[tilespmem:v18+s18+$0x0] =	vst.idx.msk $0xffff, v63  }
0x297: {  	v35 =	vld.idx.msk [tilespmem:v17+s14+$0x0], $0xffff;
	[tilespmem:v60+s18+$0x0] =	vst.idx.msk $0xffff, v58  }
0x298: {  	v30 =	vor.u32 v62, v4;
	v17 =	vld [tilespmem:$0x1FFE0];
	_ =	sdelay $0x1  }
0x299: {  	v20 =	vld.idx.msk [tilespmem:v55+s14+$0x0], $0xffff  }
0x29a: {  	v21 =	vor.u32 v32, v48;
	v23 =	vld.idx.msk [tilespmem:v57+s14+$0x0], $0xffff;
	v22 =	vor.u32 v59, v10;
	v41 =	vor.u32 v59, v9  }
0x29b: {  	v38 =	vor.u32 v59, v14;
	v37 =	vor.u32 v62, v7;
	v32 =	vor.u32 v16, v14;
	v16 =	vmovc v62  }
0x29c: {  	s25 =	sshll.u32 s24, $0xA;
	s26 =	simm.s32 $0x8;
	v34 =	vld.idx.msk [tilespmem:v30+s14+$0x0], $0xffff;
	v40 =	vor.u32 v16, v8;
	v39 =	vor.u32 v16, v5;
	v33 =	vor.u32 v17, v4  }
.LBB2_3:
0x29d: {  	v16 =	vld [tilespmem:$0x1FC10]  }
0x29e: {  	v24 =	vmov v12;
	v12 =	vld [tilespmem:$0x1FE50]  }
0x29f: {  	v55 =	vld [tilespmem:$0x1FFF0]  }
0x2a0: {  	v53 =	vld [tilespmem:$0x1FE60]  }
0x2a1: {  	v17 =	vadd.s32 s26, v47;
	s28 =	sadd.s32 $0x1, s26;
	v42 =	vor.u32 v31, v10;
	v61 =	vld [tilespmem:$0x1FFE0];
	[tilespmem:v21+s18+$0x0] =	vst.idx.msk $0xffff, v20  }
0x2a2: {  	v43 =	vor.u32 v31, v9;
	s29 =	smov.u32 s26;
	v54 =	vld [tilespmem:$0x1FCB0];
	v31 =	vand.u32 $0xF, v17;
	v21 =	vadd.s32 s28, v47;
	[tilespmem:v22+s18+$0x0] =	vst.idx.msk $0xffff, v23  }
0x2a3: {  	v26 =	vmov v10;
	s31 =	sadd.s32 $0x3, s29;
	v10 =	vor.u32 v44, v31;
	v28 =	vand.u32 $0xF, v21;
	[tilespmem:v41+s18+$0x0] =	vst.idx.msk $0xffff, v36;
	v37 =	vld.idx.msk [tilespmem:v37+s14+$0x0], $0xffff  }
0x2a4: {  	v25 =	vmov v2;
	s30 =	sadd.s32 $0x2, s29;
	v2 =	vadd.s32 s31, v47;
	[tilespmem:v38+s18+$0x0] =	vst.idx.msk $0xffff, v35;
	v35 =	vld.idx.msk [tilespmem:v40+s14+$0x0], $0xffff;
	v48 =	vor.u32 v44, v28  }
0x2a5: {  	v30 =	vmovc v6;
	v22 =	vadd.s32 s30, v47;
	v23 =	vmov v15;
	v15 =	vand.u32 $0xF, v2;
	[tilespmem:v45+s18+$0x0] =	vst.idx.msk $0xffff, v34;
	v39 =	vld.idx.msk [tilespmem:v39+s14+$0x0], $0xffff  }
0x2a6: {  	v27 =	vmovc v7;
	v7 =	vand.u32 $0xF, v22;
	v33 =	vld.idx.msk [tilespmem:v33+s14+$0x0], $0xffff;
	v56 =	vor.u32 v55, v30;
	v59 =	vor.u32 v16, v31  }
0x2a7: {  	v36 =	vor.u32 v16, v28;
	v49 =	vor.u32 v44, v7;
	v38 =	vor.u32 v16, v7;
	v16 =	vld [tilespmem:$0x1FCA0]  }
0x2a8: {  	v50 =	vor.u32 v44, v15;
	v34 =	vld.idx.msk [tilespmem:v10+s14+$0x0], $0xffff  }
0x2a9: {  	v6 =	vshll.u32 v31, $0x7;
	v52 =	vor.u32 v61, v8;
	[tilespmem:v43+s18+$0x0] =	vst.idx.msk $0xffff, v35;
	v35 =	vld.idx.msk [tilespmem:v48+s14+$0x0], $0xffff  }
0x2aa: {  	v58 =	vor.u32 v47, v6;
	[tilespmem:v42+s18+$0x0] =	vst.idx.msk $0xffff, v37;
	v48 =	vld [tilespmem:$0x1FC10]  }
0x2ab: {  	v57 =	vor.u32 v53, v4;
	[tilespmem:v56+s18+$0x0] =	vst.idx.msk $0xffff, v33;
	v56 =	vld [tilespmem:$0x1FE70]  }
0x2ac: {  	v18 =	vshll.u32 v28, $0x7;
	[tilespmem:v32+s18+$0x0] =	vst.idx.msk $0xffff, v39;
	v32 =	vld.idx.msk [tilespmem:v49+s14+$0x0], $0xffff  }
0x2ad: {  	v60 =	vor.u32 v61, v27;
	v46 =	vor.u32 v47, v18;
	v40 =	vld.idx.msk [tilespmem:v50+s14+$0x0], $0xffff  }
0x2ae: {  	v37 =	vld.idx.msk [tilespmem:v52+s14+$0x0], $0xffff  }
0x2af: {  	v10 =	vshll.u32 v7, $0x7;
	[tilespmem:v58+s18+$0x0] =	vst.idx.msk $0xffff, v34;
	v58 =	vld [tilespmem:$0x1FE80]  }
0x2b0: {  	v29 =	vmov v9;
	v9 =	vshll.u32 v15, $0x7;
	v43 =	vor.u32 v47, v10;
	v33 =	vld.idx.msk [tilespmem:v57+s14+$0x0], $0xffff  }
0x2b1: {  	v39 =	vor.u32 v47, v9;
	v41 =	vld.idx.msk [tilespmem:v59+s14+$0x0], $0xffff  }
0x2b2: {  	[tilespmem:v46+s18+$0x0] =	vst.idx.msk $0xffff, v35;
	v46 =	vld.idx.msk [tilespmem:v60+s14+$0x0], $0xffff  }
0x2b3: {  	v45 =	vor.u32 v53, v8;
	v48 =	vor.u32 v48, v15;
	v60 =	vld [tilespmem:$0x1FEA0]  }
0x2b4: {  	v51 =	vor.u32 v55, v29;
	v49 =	vor.u32 v16, v6;
	v50 =	vor.u32 v55, v26;
	v57 =	vld [tilespmem:$0x1FC20]  }
0x2b5: {  	v62 =	vor.u32 v56, v30;
	v35 =	vor.u32 v16, v18;
	v36 =	vld.idx.msk [tilespmem:v36+s14+$0x0], $0xffff;
	[tilespmem:v43+s18+$0x0] =	vst.idx.msk $0xffff, v32  }
0x2b6: {  	v32 =	vor.u32 v16, v10;
	[tilespmem:v39+s18+$0x0] =	vst.idx.msk $0xffff, v40;
	v39 =	vor.u32 v16, v9;
	v16 =	vld [tilespmem:$0x1FE90]  }
0x2b7: {  	v34 =	vor.u32 v53, v27;
	v38 =	vld.idx.msk [tilespmem:v38+s14+$0x0], $0xffff  }
0x2b8: {  	v52 =	vor.u32 v54, v31;
	v40 =	vld.idx.msk [tilespmem:v48+s14+$0x0], $0xffff  }
0x2b9: {  	[tilespmem:v50+s18+$0x0] =	vst.idx.msk $0xffff, v46;
	v50 =	vld [tilespmem:$0x1FEB0]  }
0x2ba: {  	v63 =	vor.u32 v58, v4;
	[tilespmem:v51+s18+$0x0] =	vst.idx.msk $0xffff, v37;
	v51 =	vld [tilespmem:$0x1FEC0]  }
0x2bb: {  	[tilespmem:v62+s18+$0x0] =	vst.idx.msk $0xffff, v33;
	v45 =	vld.idx.msk [tilespmem:v45+s14+$0x0], $0xffff  }
0x2bc: {  	v47 =	vor.u32 v54, v28;
	[tilespmem:v49+s18+$0x0] =	vst.idx.msk $0xffff, v41;
	v34 =	vld.idx.msk [tilespmem:v34+s14+$0x0], $0xffff  }
0x2bd: {  	v48 =	vor.u32 v54, v15;
	v46 =	vor.u32 v56, v29;
	v42 =	vld.idx.msk [tilespmem:v52+s14+$0x0], $0xffff  }
0x2be: {  	v43 =	vor.u32 v54, v7;
	v54 =	vor.u32 v56, v26;
	v52 =	vld [tilespmem:$0x1FC30]  }
0x2bf: {  	v37 =	vor.u32 v58, v8;
	v44 =	vor.u32 v16, v30;
	[tilespmem:v35+s18+$0x0] =	vst.idx.msk $0xffff, v36;
	v33 =	vld.idx.msk [tilespmem:v63+s14+$0x0], $0xffff  }
0x2c0: {  	v59 =	vor.u32 v57, v6;
	v49 =	vld [tilespmem:$0x1FC40];
	[tilespmem:v32+s18+$0x0] =	vst.idx.msk $0xffff, v38  }
0x2c1: {  	v36 =	vld.idx.msk [tilespmem:v47+s14+$0x0], $0xffff;
	v63 =	vor.u32 v57, v18;
	[tilespmem:v39+s18+$0x0] =	vst.idx.msk $0xffff, v40;
	v40 =	vor.u32 v58, v27  }
0x2c2: {  	v41 =	vor.u32 v60, v4;
	v48 =	vld.idx.msk [tilespmem:v48+s14+$0x0], $0xffff;
	[tilespmem:v46+s18+$0x0] =	vst.idx.msk $0xffff, v45  }
0x2c3: {  	v43 =	vld.idx.msk [tilespmem:v43+s14+$0x0], $0xffff;
	v39 =	vor.u32 v57, v9;
	[tilespmem:v54+s18+$0x0] =	vst.idx.msk $0xffff, v34;
	v62 =	vor.u32 v52, v31  }
0x2c4: {  	v32 =	vor.u32 v57, v10;
	v57 =	vor.u32 v52, v28;
	v34 =	vld.idx.msk [tilespmem:v37+s14+$0x0], $0xffff;
	[tilespmem:v44+s18+$0x0] =	vst.idx.msk $0xffff, v33  }
0x2c5: {  	v44 =	vor.u32 v52, v15;
	[tilespmem:v59+s18+$0x0] =	vst.idx.msk $0xffff, v42;
	v59 =	vor.u32 v52, v7;
	v52 =	vld [tilespmem:$0x1FCC0]  }
0x2c6: {  	[tilespmem:v63+s18+$0x0] =	vst.idx.msk $0xffff, v36;
	v36 =	vld.idx.msk [tilespmem:v40+s14+$0x0], $0xffff  }
0x2c7: {  	v54 =	vor.u32 v16, v26;
	v41 =	vld.idx.msk [tilespmem:v41+s14+$0x0], $0xffff  }
0x2c8: {  	[tilespmem:v39+s18+$0x0] =	vst.idx.msk $0xffff, v48;
	v39 =	vor.u32 v60, v27;
	v42 =	vld.idx.msk [tilespmem:v62+s14+$0x0], $0xffff  }
0x2c9: {  	v45 =	vor.u32 v49, v6;
	v46 =	vor.u32 v61, v5;
	v38 =	vld.idx.msk [tilespmem:v57+s14+$0x0], $0xffff  }
0x2ca: {  	[tilespmem:v32+s18+$0x0] =	vst.idx.msk $0xffff, v43;
	v44 =	vld.idx.msk [tilespmem:v44+s14+$0x0], $0xffff;
	v62 =	vor.u32 v52, v31  }
0x2cb: {  	v63 =	vor.u32 v50, v30;
	v33 =	vld.idx.msk [tilespmem:v59+s14+$0x0], $0xffff  }
0x2cc: {  	v57 =	vor.u32 v16, v29;
	[tilespmem:v54+s18+$0x0] =	vst.idx.msk $0xffff, v36;
	v54 =	vld [tilespmem:$0x1FCE0]  }
0x2cd: {  	v48 =	vor.u32 v60, v8;
	v39 =	vld.idx.msk [tilespmem:v39+s14+$0x0], $0xffff  }
0x2ce: {  	[tilespmem:v45+s18+$0x0] =	vst.idx.msk $0xffff, v42;
	v45 =	vld.idx.msk [tilespmem:v46+s14+$0x0], $0xffff  }
0x2cf: {  	v59 =	vor.u32 v49, v10;
	v37 =	vld.idx.msk [tilespmem:v62+s14+$0x0], $0xffff  }
0x2d0: {  	v32 =	vor.u32 v51, v4;
	[tilespmem:v63+s18+$0x0] =	vst.idx.msk $0xffff, v41;
	v63 =	vld [tilespmem:$0x1FCD0]  }
0x2d1: {  	v4 =	vmov v31;
	v31 =	vor.u32 v52, v7;
	v42 =	vor.u32 v49, v9;
	[tilespmem:v57+s18+$0x0] =	vst.idx.msk $0xffff, v34;
	v57 =	vld [tilespmem:$0x1FEE0]  }
0x2d2: {  	v46 =	vor.u32 v49, v18;
	v49 =	vor.u32 v52, v15;
	v43 =	vld.idx.msk [tilespmem:v48+s14+$0x0], $0xffff  }
0x2d3: {  	v41 =	vor.u32 v52, v28;
	v52 =	vld [tilespmem:$0x1FED0]  }
0x2d4: {  	[tilespmem:v59+s18+$0x0] =	vst.idx.msk $0xffff, v33;
	v62 =	vor.u32 v50, v26;
	v59 =	vld [tilespmem:$0x1FF40]  }
0x2d5: {  	v32 =	vld.idx.msk [tilespmem:v32+s14+$0x0], $0xffff;
	v35 =	vor.u32 v63, v6  }
0x2d6: {  	v31 =	vld.idx.msk [tilespmem:v31+s14+$0x0], $0xffff;
	[tilespmem:v42+s18+$0x0] =	vst.idx.msk $0xffff, v44;
	v42 =	vor.u32 v50, v29  }
0x2d7: {  	[tilespmem:v46+s18+$0x0] =	vst.idx.msk $0xffff, v38;
	v46 =	vor.u32 v51, v8;
	v44 =	vld.idx.msk [tilespmem:v49+s14+$0x0], $0xffff;
	v38 =	vor.u32 v63, v10  }
0x2d8: {  	v49 =	vld [tilespmem:$0x1FC50]  }
0x2d9: {  	v36 =	vor.u32 v54, v4;
	[tilespmem:v62+s18+$0x0] =	vst.idx.msk $0xffff, v39;
	v62 =	vld [tilespmem:$0x1FCF0]  }
0x2da: {  	v33 =	vor.u32 v57, v0;
	v40 =	vor.u32 v52, v30;
	[tilespmem:v35+s18+$0x0] =	vst.idx.msk $0xffff, v37;
	v35 =	vld.idx.msk [tilespmem:v41+s14+$0x0], $0xffff  }
0x2db: {  	v47 =	vor.u32 v63, v18;
	[tilespmem:v42+s18+$0x0] =	vst.idx.msk $0xffff, v43;
	v41 =	vor.u32 v63, v9;
	v63 =	vld [tilespmem:$0x1FEF0]  }
0x2dc: {  	v37 =	vor.u32 v54, v7;
	[tilespmem:v38+s18+$0x0] =	vst.idx.msk $0xffff, v31;
	v38 =	vld.idx.msk [tilespmem:v46+s14+$0x0], $0xffff  }
0x2dd: {  	v31 =	vor.u32 v55, v14;
	v55 =	vld [tilespmem:$0x1FD20]  }
0x2de: {  	v48 =	vor.u32 v54, v15;
	v36 =	vld.idx.msk [tilespmem:v36+s14+$0x0], $0xffff  }
0x2df: {  	[tilespmem:v40+s18+$0x0] =	vst.idx.msk $0xffff, v32;
	v32 =	vor.u32 v49, v6;
	v40 =	vor.u32 v54, v28;
	v54 =	vld [tilespmem:$0x1FF00]  }
0x2e0: {  	v33 =	vld.idx.msk [tilespmem:v33+s14+$0x0], $0xffff  }
0x2e1: {  	v37 =	vld.idx.msk [tilespmem:v37+s14+$0x0], $0xffff  }
0x2e2: {  	v29 =	vor.u32 v52, v29;
	[tilespmem:v41+s18+$0x0] =	vst.idx.msk $0xffff, v44;
	v41 =	vor.u32 v53, v5;
	v53 =	vld [tilespmem:$0x1FF20]  }
0x2e3: {  	v34 =	vor.u32 v62, v4;
	[tilespmem:v47+s18+$0x0] =	vst.idx.msk $0xffff, v35;
	v42 =	vld.idx.msk [tilespmem:v48+s14+$0x0], $0xffff  }
0x2e4: {  	v39 =	vor.u32 v63, v11;
	[tilespmem:v32+s18+$0x0] =	vst.idx.msk $0xffff, v36;
	v32 =	vld.idx.msk [tilespmem:v40+s14+$0x0], $0xffff  }
0x2e5: {  	v43 =	vor.u32 v57, v25;
	v35 =	vor.u32 v49, v10;
	v48 =	vld [tilespmem:$0x1FD10]  }
0x2e6: {  	v44 =	vor.u32 v49, v18;
	v40 =	vor.u32 v49, v9;
	v49 =	vld [tilespmem:$0x1FF10]  }
0x2e7: {  	v8 =	vmov v15;
	v15 =	vor.u32 v54, v0;
	[tilespmem:v29+s18+$0x0] =	vst.idx.msk $0xffff, v38;
	v38 =	vor.u32 v58, v5;
	v58 =	vld [tilespmem:$0x1FD30]  }
0x2e8: {  	v36 =	vor.u32 v62, v7;
	[tilespmem:v31+s18+$0x0] =	vst.idx.msk $0xffff, v45;
	v34 =	vld.idx.msk [tilespmem:v34+s14+$0x0], $0xffff  }
0x2e9: {  	v46 =	vor.u32 v62, v8;
	[tilespmem:v39+s18+$0x0] =	vst.idx.msk $0xffff, v33;
	v41 =	vld.idx.msk [tilespmem:v41+s14+$0x0], $0xffff  }
0x2ea: {  	v39 =	vor.u32 v62, v28;
	[tilespmem:v35+s18+$0x0] =	vst.idx.msk $0xffff, v37;
	v37 =	vld.idx.msk [tilespmem:v43+s14+$0x0], $0xffff;
	v33 =	vor.u32 v48, v6  }
0x2eb: {  	v62 =	vor.u32 v56, v14;
	v56 =	vld [tilespmem:$0x1FF30]  }
0x2ec: {  	v31 =	vor.u32 v55, v4;
	v15 =	vld.idx.msk [tilespmem:v15+s14+$0x0], $0xffff  }
0x2ed: {  	v36 =	vld.idx.msk [tilespmem:v36+s14+$0x0], $0xffff;
	[tilespmem:v40+s18+$0x0] =	vst.idx.msk $0xffff, v42;
	v40 =	vor.u32 v63, v24  }
0x2ee: {  	v43 =	vor.u32 v54, v25;
	v45 =	vor.u32 v49, v11;
	[tilespmem:v44+s18+$0x0] =	vst.idx.msk $0xffff, v32;
	v42 =	vld.idx.msk [tilespmem:v46+s14+$0x0], $0xffff  }
0x2ef: {  	v29 =	vor.u32 v53, v0;
	[tilespmem:v33+s18+$0x0] =	vst.idx.msk $0xffff, v34;
	v33 =	vld.idx.msk [tilespmem:v39+s14+$0x0], $0xffff  }
0x2f0: {  	v32 =	vor.u32 v48, v10;
	v44 =	vor.u32 v48, v18;
	v39 =	vor.u32 v48, v9;
	v48 =	vld [tilespmem:$0x1FD40]  }
0x2f1: {  	v34 =	vor.u32 v55, v7;
	[tilespmem:v62+s18+$0x0] =	vst.idx.msk $0xffff, v41;
	v31 =	vld.idx.msk [tilespmem:v31+s14+$0x0], $0xffff  }
0x2f2: {  	v46 =	vor.u32 v55, v8;
	[tilespmem:v40+s18+$0x0] =	vst.idx.msk $0xffff, v37;
	v38 =	vld.idx.msk [tilespmem:v38+s14+$0x0], $0xffff  }
0x2f3: {  	[tilespmem:v45+s18+$0x0] =	vst.idx.msk $0xffff, v15;
	v15 =	vor.u32 v58, v6;
	v45 =	vor.u32 v55, v28;
	v37 =	vld.idx.msk [tilespmem:v43+s14+$0x0], $0xffff  }
0x2f4: {  	v55 =	vor.u32 v16, v14;
	v16 =	vld [tilespmem:$0x1FF50]  }
0x2f5: {  	[tilespmem:v32+s18+$0x0] =	vst.idx.msk $0xffff, v36;
	v29 =	vld.idx.msk [tilespmem:v29+s14+$0x0], $0xffff  }
0x2f6: {  	v34 =	vld.idx.msk [tilespmem:v34+s14+$0x0], $0xffff;
	[tilespmem:v39+s18+$0x0] =	vst.idx.msk $0xffff, v42  }
0x2f7: {  	v40 =	vor.u32 v49, v24;
	v35 =	vor.u32 v48, v17;
	[tilespmem:v44+s18+$0x0] =	vst.idx.msk $0xffff, v33;
	v42 =	vld.idx.msk [tilespmem:v46+s14+$0x0], $0xffff  }
0x2f8: {  	v43 =	vor.u32 v53, v25;
	v39 =	vor.u32 v60, v5;
	[tilespmem:v15+s18+$0x0] =	vst.idx.msk $0xffff, v31;
	v15 =	vld.idx.msk [tilespmem:v45+s14+$0x0], $0xffff  }
0x2f9: {  	v33 =	vor.u32 v58, v10;
	v44 =	vor.u32 v58, v9;
	v45 =	vor.u32 v58, v18;
	v58 =	vld [tilespmem:$0x1FD50]  }
0x2fa: {  	v62 =	vor.u32 v56, v11;
	[tilespmem:v55+s18+$0x0] =	vst.idx.msk $0xffff, v38;
	v55 =	vld [tilespmem:$0x1FC60]  }
0x2fb: {  	v32 =	vor.u32 v59, v0;
	v46 =	vld [tilespmem:$0x1FD70]  }
0x2fc: {  	v31 =	vor.u32 v48, v22;
	v35 =	vld.idx.msk [tilespmem:v35+s14+$0x0], $0xffff  }
0x2fd: {  	v27 =	vor.u32 v51, v27;
	[tilespmem:v40+s18+$0x0] =	vst.idx.msk $0xffff, v37;
	v39 =	vld.idx.msk [tilespmem:v39+s14+$0x0], $0xffff  }
0x2fe: {  	[tilespmem:v33+s18+$0x0] =	vst.idx.msk $0xffff, v34;
	v34 =	vld.idx.msk [tilespmem:v43+s14+$0x0], $0xffff  }
0x2ff: {  	[tilespmem:v62+s18+$0x0] =	vst.idx.msk $0xffff, v29;
	v33 =	vor.u32 v50, v14;
	v50 =	vld [tilespmem:$0x1FD60]  }
0x300: {  	v60 =	vor.u32 v48, v2;
	v32 =	vld.idx.msk [tilespmem:v32+s14+$0x0], $0xffff  }
0x301: {  	v19 =	vshll.u32 v17, $0x7;
	v12 =	vor.u32 v12, v6;
	v62 =	vor.u32 v48, v21;
	v31 =	vld.idx.msk [tilespmem:v31+s14+$0x0], $0xffff  }
0x302: {  	v20 =	vmov v13;
	[tilespmem:$0x1FBE0] =	vst v12;
	v37 =	vor.u32 v51, v5;
	v29 =	vor.u32 v58, v19;
	v27 =	vld.idx.msk [tilespmem:v27+s14+$0x0], $0xffff  }
0x303: {  	v13 =	vshll.u32 v22, $0x7;
	v40 =	vor.u32 v56, v24;
	v48 =	vor.u32 v55, v17;
	[tilespmem:v44+s18+$0x0] =	vst.idx.msk $0xffff, v42;
	v44 =	vld [tilespmem:$0x1FD00]  }
0x304: {  	v12 =	vshll.u32 v2, $0x7;
	v30 =	vor.u32 v59, v25;
	[tilespmem:v45+s18+$0x0] =	vst.idx.msk $0xffff, v15;
	v42 =	vor.u32 v58, v13;
	v45 =	vld [tilespmem:$0x1FF70]  }
0x305: {  	v26 =	vor.u32 v52, v26;
	v15 =	vshll.u32 v21, $0x7;
	v43 =	vld.idx.msk [tilespmem:v60+s14+$0x0], $0xffff;
	v60 =	vor.u32 v58, v12  }
0x306: {  	v5 =	vmov v28;
	v28 =	vld.idx.msk [tilespmem:v62+s14+$0x0], $0xffff;
	v62 =	vor.u32 v58, v15;
	[tilespmem:v33+s18+$0x0] =	vst.idx.msk $0xffff, v39  }
0x307: {  	v38 =	vor.u32 v16, v11;
	[tilespmem:v29+s18+$0x0] =	vst.idx.msk $0xffff, v35;
	v29 =	vor.u32 v55, v22;
	v37 =	vld.idx.msk [tilespmem:v37+s14+$0x0], $0xffff  }
0x308: {  	v14 =	vor.u32 v52, v14;
	[tilespmem:v40+s18+$0x0] =	vst.idx.msk $0xffff, v34;
	v36 =	vld.idx.msk [tilespmem:v48+s14+$0x0], $0xffff;
	v48 =	vor.u32 v55, v2  }
0x309: {  	v51 =	vor.u32 v50, v19;
	[tilespmem:v42+s18+$0x0] =	vst.idx.msk $0xffff, v31;
	v30 =	vld.idx.msk [tilespmem:v30+s14+$0x0], $0xffff;
	v55 =	vor.u32 v55, v21  }
0x30a: {  	v41 =	vor.u32 v50, v15;
	v31 =	vor.u32 v57, v3;
	[tilespmem:v60+s18+$0x0] =	vst.idx.msk $0xffff, v43;
	v43 =	vld [tilespmem:$0x1FF60]  }
0x30b: {  	[tilespmem:v62+s18+$0x0] =	vst.idx.msk $0xffff, v28;
	v28 =	vor.u32 v50, v13;
	v62 =	vor.u32 v50, v12;
	v50 =	vld [tilespmem:$0x1FD90]  }
0x30c: {  	v29 =	vld.idx.msk [tilespmem:v29+s14+$0x0], $0xffff  }
0x30d: {  	v39 =	vld.idx.msk [tilespmem:v48+s14+$0x0], $0xffff  }
0x30e: {  	v58 =	vor.u32 v46, v17;
	[tilespmem:v38+s18+$0x0] =	vst.idx.msk $0xffff, v32;
	v32 =	vld.idx.msk [tilespmem:v55+s14+$0x0], $0xffff  }
0x30f: {  	v60 =	vor.u32 v57, v1;
	[tilespmem:v26+s18+$0x0] =	vst.idx.msk $0xffff, v27;
	v55 =	vld [tilespmem:$0x1FD80]  }
0x310: {  	v35 =	vor.u32 v16, v24;
	[tilespmem:v14+s18+$0x0] =	vst.idx.msk $0xffff, v37;
	v14 =	vld.idx.msk [tilespmem:v31+s14+$0x0], $0xffff  }
0x311: {  	v40 =	vor.u32 v43, v25;
	v48 =	vld [tilespmem:$0x1FDB0]  }
0x312: {  	[tilespmem:v51+s18+$0x0] =	vst.idx.msk $0xffff, v36;
	v36 =	vor.u32 v46, v22;
	v51 =	vld [tilespmem:$0x1FFB0]  }
0x313: {  	v52 =	vor.u32 v46, v2;
	v33 =	vld.idx.msk [tilespmem:v58+s14+$0x0], $0xffff  }
0x314: {  	v58 =	vor.u32 v46, v21;
	v34 =	vld.idx.msk [tilespmem:v60+s14+$0x0], $0xffff  }
0x315: {  	[tilespmem:v35+s18+$0x0] =	vst.idx.msk $0xffff, v30;
	v60 =	vor.u32 v63, v20;
	v46 =	vld [tilespmem:$0x1FF80]  }
0x316: {  	[tilespmem:v28+s18+$0x0] =	vst.idx.msk $0xffff, v29;
	v30 =	vld.idx.msk [tilespmem:v40+s14+$0x0], $0xffff  }
0x317: {  	v38 =	vor.u32 v45, v24;
	v57 =	vor.u32 v55, v19;
	v35 =	vld.idx.msk [tilespmem:v36+s14+$0x0], $0xffff;
	[tilespmem:v62+s18+$0x0] =	vst.idx.msk $0xffff, v39  }
0x318: {  	v28 =	vor.u32 v63, v23;
	v29 =	vor.u32 v54, v3;
	[tilespmem:v41+s18+$0x0] =	vst.idx.msk $0xffff, v32;
	v39 =	vld.idx.msk [tilespmem:v52+s14+$0x0], $0xffff  }
0x319: {  	v31 =	vor.u32 v50, v17;
	v27 =	vor.u32 v50, v22;
	v62 =	vor.u32 v54, v1;
	v26 =	vld.idx.msk [tilespmem:v58+s14+$0x0], $0xffff  }
0x31a: {  	v54 =	vor.u32 v50, v2;
	[tilespmem:v60+s18+$0x0] =	vst.idx.msk $0xffff, v14;
	v60 =	vor.u32 v50, v21;
	v50 =	vld [tilespmem:$0x1FFA0]  }
0x31b: {  	v63 =	vor.u32 v55, v13;
	v52 =	vld [tilespmem:$0x1FFC0]  }
0x31c: {  	v58 =	vor.u32 v55, v15;
	[tilespmem:v57+s18+$0x0] =	vst.idx.msk $0xffff, v33;
	v57 =	vor.u32 v55, v12;
	v55 =	vld [tilespmem:$0x1FDA0]  }
0x31d: {  	v40 =	vor.u32 v46, v25;
	[tilespmem:v28+s18+$0x0] =	vst.idx.msk $0xffff, v34;
	v28 =	vld.idx.msk [tilespmem:v29+s14+$0x0], $0xffff  }
0x31e: {  	v34 =	vld.idx.msk [tilespmem:v62+s14+$0x0], $0xffff  }
0x31f: {  	v62 =	vor.u32 v49, v20;
	[tilespmem:v38+s18+$0x0] =	vst.idx.msk $0xffff, v30;
	v30 =	vor.u32 v49, v23;
	v49 =	vld [tilespmem:$0x1FF90]  }
0x320: {  	[tilespmem:v63+s18+$0x0] =	vst.idx.msk $0xffff, v35;
	v63 =	vor.u32 v53, v3;
	v33 =	vor.u32 v53, v1;
	v53 =	vld [tilespmem:$0x1FC70]  }
0x321: {  	v31 =	vld.idx.msk [tilespmem:v31+s14+$0x0], $0xffff;
	v14 =	vor.u32 v55, v19  }
0x322: {  	v35 =	vld.idx.msk [tilespmem:v40+s14+$0x0], $0xffff  }
0x323: {  	v27 =	vld.idx.msk [tilespmem:v27+s14+$0x0], $0xffff;
	[tilespmem:v57+s18+$0x0] =	vst.idx.msk $0xffff, v39  }
0x324: {  	v29 =	vor.u32 v48, v17;
	[tilespmem:v58+s18+$0x0] =	vst.idx.msk $0xffff, v26;
	v39 =	vld.idx.msk [tilespmem:v54+s14+$0x0], $0xffff  }
0x325: {  	v57 =	vor.u32 v49, v24;
	[tilespmem:v62+s18+$0x0] =	vst.idx.msk $0xffff, v28;
	v54 =	vld [tilespmem:$0x1FDC0]  }
0x326: {  	v40 =	vor.u32 v50, v25;
	v58 =	vor.u32 v55, v13;
	[tilespmem:v14+s18+$0x0] =	vst.idx.msk $0xffff, v31;
	v14 =	vld.idx.msk [tilespmem:v60+s14+$0x0], $0xffff  }
0x327: {  	v31 =	vor.u32 v48, v22;
	v60 =	vor.u32 v55, v12;
	[tilespmem:v30+s18+$0x0] =	vst.idx.msk $0xffff, v34;
	v30 =	vld.idx.msk [tilespmem:v63+s14+$0x0], $0xffff  }
0x328: {  	v42 =	vor.u32 v48, v2;
	v41 =	vor.u32 v55, v15;
	v55 =	vld [tilespmem:$0x1FDD0]  }
0x329: {  	v28 =	vor.u32 v53, v19;
	v62 =	vor.u32 v48, v21;
	v29 =	vld.idx.msk [tilespmem:v29+s14+$0x0], $0xffff  }
0x32a: {  	v34 =	vor.u32 v56, v20;
	[tilespmem:v57+s18+$0x0] =	vst.idx.msk $0xffff, v35;
	v33 =	vld.idx.msk [tilespmem:v33+s14+$0x0], $0xffff  }
0x32b: {  	[tilespmem:v58+s18+$0x0] =	vst.idx.msk $0xffff, v27;
	v57 =	vor.u32 v56, v23;
	v58 =	vor.u32 v59, v3;
	v35 =	vld.idx.msk [tilespmem:v40+s14+$0x0], $0xffff  }
0x32c: {  	v63 =	vor.u32 v54, v17;
	v31 =	vld.idx.msk [tilespmem:v31+s14+$0x0], $0xffff;
	[tilespmem:v60+s18+$0x0] =	vst.idx.msk $0xffff, v39  }
0x32d: {  	v59 =	vor.u32 v59, v1;
	v60 =	vor.u32 v51, v24;
	[tilespmem:v41+s18+$0x0] =	vst.idx.msk $0xffff, v14;
	v39 =	vld.idx.msk [tilespmem:v42+s14+$0x0], $0xffff  }
0x32e: {  	v14 =	vor.u32 v53, v13;
	[tilespmem:v28+s18+$0x0] =	vst.idx.msk $0xffff, v29;
	v28 =	vld.idx.msk [tilespmem:v62+s14+$0x0], $0xffff  }
0x32f: {  	v25 =	vor.u32 v52, v25;
	[tilespmem:v34+s18+$0x0] =	vst.idx.msk $0xffff, v30;
	v42 =	vld [tilespmem:$0x1FC80]  }
0x330: {  	v29 =	vor.u32 v54, v22;
	v62 =	vor.u32 v53, v12;
	[tilespmem:v57+s18+$0x0] =	vst.idx.msk $0xffff, v33;
	v57 =	vld.idx.msk [tilespmem:v58+s14+$0x0], $0xffff  }
0x331: {  	v32 =	vld.idx.msk [tilespmem:v63+s14+$0x0], $0xffff;
	v63 =	vor.u32 v53, v15;
	v53 =	vor.u32 v54, v2  }
0x332: {  	v56 =	vor.u32 v54, v21;
	v30 =	vor.u32 v55, v19;
	v33 =	vld.idx.msk [tilespmem:v59+s14+$0x0], $0xffff;
	[tilespmem:v60+s18+$0x0] =	vst.idx.msk $0xffff, v35  }
0x333: {  	v59 =	vor.u32 v16, v20;
	[tilespmem:v14+s18+$0x0] =	vst.idx.msk $0xffff, v31;
	v14 =	vor.u32 v16, v23;
	v16 =	vld [tilespmem:$0x1FFD0]  }
0x334: {  	v58 =	vor.u32 v42, v17;
	v25 =	vld.idx.msk [tilespmem:v25+s14+$0x0], $0xffff  }
0x335: {  	v29 =	vld.idx.msk [tilespmem:v29+s14+$0x0], $0xffff;
	[tilespmem:v62+s18+$0x0] =	vst.idx.msk $0xffff, v39  }
0x336: {  	v31 =	vor.u32 v43, v3;
	[tilespmem:v63+s18+$0x0] =	vst.idx.msk $0xffff, v28;
	v36 =	vld.idx.msk [tilespmem:v53+s14+$0x0], $0xffff  }
0x337: {  	v60 =	vor.u32 v43, v1;
	v28 =	vor.u32 v55, v13;
	[tilespmem:v30+s18+$0x0] =	vst.idx.msk $0xffff, v32;
	v30 =	vld.idx.msk [tilespmem:v56+s14+$0x0], $0xffff  }
0x338: {  	v54 =	vor.u32 v55, v15;
	v63 =	vor.u32 v42, v22;
	v56 =	vld [tilespmem:$0x1FDE0]  }
0x339: {  	v27 =	vld.idx.msk [tilespmem:v58+s14+$0x0], $0xffff;
	v58 =	vor.u32 v42, v21  }
0x33a: {  	[tilespmem:v59+s18+$0x0] =	vst.idx.msk $0xffff, v57;
	v59 =	vld [tilespmem:$0x1FDF0]  }
0x33b: {  	v62 =	vor.u32 v43, v0;
	v24 =	vor.u32 v16, v24;
	[tilespmem:v14+s18+$0x0] =	vst.idx.msk $0xffff, v33;
	v14 =	vld.idx.msk [tilespmem:v31+s14+$0x0], $0xffff  }
0x33c: {  	v53 =	vor.u32 v55, v12;
	v33 =	vld.idx.msk [tilespmem:v60+s14+$0x0], $0xffff;
	[tilespmem:v28+s18+$0x0] =	vst.idx.msk $0xffff, v29  }
0x33d: {  	v55 =	vor.u32 v42, v2;
	v60 =	vor.u32 v45, v20;
	v29 =	vld.idx.msk [tilespmem:v63+s14+$0x0], $0xffff;
	[tilespmem:v54+s18+$0x0] =	vst.idx.msk $0xffff, v30  }
0x33e: {  	v28 =	vor.u32 v46, v3;
	v57 =	vor.u32 v56, v19;
	v26 =	vld.idx.msk [tilespmem:v58+s14+$0x0], $0xffff  }
0x33f: {  	v31 =	vor.u32 v59, v17;
	v30 =	vor.u32 v56, v13;
	v58 =	vld [tilespmem:$0x1FE00]  }
0x340: {  	v48 =	vor.u32 v46, v1;
	[tilespmem:v24+s18+$0x0] =	vst.idx.msk $0xffff, v25;
	v24 =	vld.idx.msk [tilespmem:v62+s14+$0x0], $0xffff;
	v62 =	vor.u32 v45, v23  }
0x341: {  	v63 =	vor.u32 v45, v11;
	v54 =	vor.u32 v59, v22;
	v45 =	vld [tilespmem:$0x1FBE0];
	[tilespmem:v53+s18+$0x0] =	vst.idx.msk $0xffff, v36  }
0x342: {  	v53 =	vor.u32 v46, v0;
	[tilespmem:v60+s18+$0x0] =	vst.idx.msk $0xffff, v14;
	v36 =	vld.idx.msk [tilespmem:v55+s14+$0x0], $0xffff;
	v55 =	vor.u32 v56, v12  }
0x343: {  	v56 =	vor.u32 v56, v15;
	v60 =	vld.idx.msk [tilespmem:v28+s14+$0x0], $0xffff;
	[tilespmem:v57+s18+$0x0] =	vst.idx.msk $0xffff, v27;
	v57 =	vor.u32 v59, v2  }
0x344: {  	v59 =	vor.u32 v59, v21;
	[tilespmem:v30+s18+$0x0] =	vst.idx.msk $0xffff, v29;
	v31 =	vld.idx.msk [tilespmem:v31+s14+$0x0], $0xffff;
	v14 =	vor.u32 v58, v19  }
0x345: {  	[tilespmem:v62+s18+$0x0] =	vst.idx.msk $0xffff, v33;
	v62 =	vld [tilespmem:$0x1FE10]  }
0x346: {  	[tilespmem:v63+s18+$0x0] =	vst.idx.msk $0xffff, v24;
	v63 =	vld.idx.msk [tilespmem:v48+s14+$0x0], $0xffff  }
0x347: {  	v46 =	vor.u32 v49, v20;
	v29 =	vld.idx.msk [tilespmem:v53+s14+$0x0], $0xffff;
	[tilespmem:v55+s18+$0x0] =	vst.idx.msk $0xffff, v36  }
0x348: {  	v30 =	vor.u32 v49, v23;
	v48 =	vor.u32 v50, v3;
	[tilespmem:v56+s18+$0x0] =	vst.idx.msk $0xffff, v26;
	v37 =	vld.idx.msk [tilespmem:v57+s14+$0x0], $0xffff  }
0x349: {  	v56 =	vor.u32 v58, v12;
	[tilespmem:v14+s18+$0x0] =	vst.idx.msk $0xffff, v31;
	v14 =	vld.idx.msk [tilespmem:v59+s14+$0x0], $0xffff  }
0x34a: {  	v28 =	vor.u32 v62, v4;
	v59 =	vld [tilespmem:$0x1FE20]  }
0x34b: {  	v49 =	vor.u32 v49, v11;
	v27 =	vld.idx.msk [tilespmem:v54+s14+$0x0], $0xffff;
	v53 =	vor.u32 v50, v1;
	v54 =	vor.u32 v58, v13  }
0x34c: {  	[tilespmem:v46+s18+$0x0] =	vst.idx.msk $0xffff, v60;
	v46 =	vld [tilespmem:$0x1FE30];
	v57 =	vor.u32 v58, v15;
	v58 =	vor.u32 v62, v8  }
0x34d: {  	v31 =	vor.u32 v62, v7;
	[tilespmem:v30+s18+$0x0] =	vst.idx.msk $0xffff, v63;
	v63 =	vld.idx.msk [tilespmem:v48+s14+$0x0], $0xffff  }
0x34e: {  	v55 =	vor.u32 v50, v0;
	[tilespmem:v56+s18+$0x0] =	vst.idx.msk $0xffff, v37;
	v56 =	vld [tilespmem:$0x1FE40]  }
0x34f: {  	v28 =	vld.idx.msk [tilespmem:v28+s14+$0x0], $0xffff;
	v60 =	vor.u32 v59, v6  }
0x350: {  	v62 =	vor.u32 v62, v5;
	v48 =	vor.u32 v51, v20;
	[tilespmem:v49+s18+$0x0] =	vst.idx.msk $0xffff, v29;
	v29 =	vld.idx.msk [tilespmem:v53+s14+$0x0], $0xffff  }
0x351: {  	v3 =	vor.u32 v52, v3;
	[tilespmem:v54+s18+$0x0] =	vst.idx.msk $0xffff, v27;
	v35 =	vld.idx.msk [tilespmem:v58+s14+$0x0], $0xffff  }
0x352: {  	v31 =	vld.idx.msk [tilespmem:v31+s14+$0x0], $0xffff;
	[tilespmem:v57+s18+$0x0] =	vst.idx.msk $0xffff, v14;
	v14 =	vor.u32 v59, v10  }
0x353: {  	v1 =	vor.u32 v52, v1;
	v50 =	vor.u32 v51, v23;
	v30 =	vor.u32 v46, v4;
	v49 =	vld.idx.msk [tilespmem:v55+s14+$0x0], $0xffff  }
0x354: {  	v0 =	vor.u32 v52, v0;
	v53 =	vor.u32 v59, v9;
	[tilespmem:v60+s18+$0x0] =	vst.idx.msk $0xffff, v28;
	v60 =	vld [tilespmem:$0x1FC90]  }
0x355: {  	v51 =	vor.u32 v51, v11;
	v55 =	vor.u32 v46, v8;
	[tilespmem:v48+s18+$0x0] =	vst.idx.msk $0xffff, v63;
	v52 =	vld.idx.msk [tilespmem:v62+s14+$0x0], $0xffff  }
0x356: {  	v33 =	vor.u32 v61, v4;
	v58 =	vor.u32 v46, v5;
	v54 =	vor.u32 v59, v18;
	v59 =	vld.idx.msk [tilespmem:v3+s14+$0x0], $0xffff  }
0x357: {  	v63 =	vor.u32 v16, v20;
	v3 =	vmov v22;
	v28 =	vor.u32 v46, v7;
	[tilespmem:v14+s18+$0x0] =	vst.idx.msk $0xffff, v31;
	v31 =	vld [tilespmem:$0x1FE50]  }
0x358: {  	v57 =	vor.u32 v56, v6;
	v22 =	vor.u32 v56, v10;
	[tilespmem:v50+s18+$0x0] =	vst.idx.msk $0xffff, v29;
	v30 =	vld.idx.msk [tilespmem:v30+s14+$0x0], $0xffff  }
0x359: {  	p1 =	slt.u32 s26, $0xC;
	v62 =	vld.idx.msk [tilespmem:v1+s14+$0x0], $0xffff;
	v14 =	vor.u32 v16, v23;
	[tilespmem:v53+s18+$0x0] =	vst.idx.msk $0xffff, v35;
	v29 =	vor.u32 v60, v4  }
.Ltmp2:
0x35a: {  	v41 =	vor.u32 v56, v9;
	v38 =	vor.u32 v56, v18;
	[tilespmem:v51+s18+$0x0] =	vst.idx.msk $0xffff, v49;
	v36 =	vld.idx.msk [tilespmem:v55+s14+$0x0], $0xffff;
	(pc) =	sbr.rel @p1 .LBB2_3-.Ltmp2, $4  }
0x35b: {  	v1 =	vmov v21;
	v21 =	vor.u32 v16, v11;
	[tilespmem:v54+s18+$0x0] =	vst.idx.msk $0xffff, v52;
	v20 =	vld.idx.msk [tilespmem:v0+s14+$0x0], $0xffff  }
0x35c: {  	v11 =	vmov v19;
	v23 =	vld.idx.msk [tilespmem:v28+s14+$0x0], $0xffff;
	v32 =	vor.u32 v31, v18;
	[tilespmem:v63+s18+$0x0] =	vst.idx.msk $0xffff, v59  }
0x35d: {  	v35 =	vld.idx.msk [tilespmem:v58+s14+$0x0], $0xffff;
	v37 =	vor.u32 v60, v7;
	v40 =	vor.u32 v60, v8;
	[tilespmem:v57+s18+$0x0] =	vst.idx.msk $0xffff, v30  }
0x35e: {  	s26 =	sadd.s32 $0x4, s26;
	v47 =	vlaneseq.u32;
	v0 =	vmovc v17;
	v39 =	vor.u32 v60, v5;
	[tilespmem:v14+s18+$0x0] =	vst.idx.msk $0xffff, v62;
	v14 =	vmov v18;
	v34 =	vld.idx.msk [tilespmem:v29+s14+$0x0], $0xffff  }
0x35f: {  	_ =	sdelay $0x3  }
0x360: {  	[tilespmem:v41+s18+$0x0] =	vst.idx.msk $0xffff, v36  }
0x361: {  	v17 =	vor.u32 v31, v9;
	v18 =	vld.idx.msk [tilespmem:v40+s14+$0x0], $0xffff;
	[tilespmem:v22+s18+$0x0] =	vst.idx.msk $0xffff, v23  }
0x362: {  	v19 =	vor.u32 v31, v10;
	v22 =	vld.idx.msk [tilespmem:v37+s14+$0x0], $0xffff;
	[tilespmem:v38+s18+$0x0] =	vst.idx.msk $0xffff, v35  }
0x363: {  	v61 =	vld [tilespmem:$0x1FFE0];
	_ =	sdelay $0x2  }
0x364: {  	[tilespmem:v17+s18+$0x0] =	vst.idx.msk $0xffff, v18  }
0x365: {  	[tilespmem:v19+s18+$0x0] =	vst.idx.msk $0xffff, v22  }
0x366: {  	v16 =	vor.u32 v61, v8;
	v27 =	vld [tilespmem:$0x1FFF0]  }
0x367: {  	v24 =	vld.idx.msk [tilespmem:v39+s14+$0x0], $0xffff;
	v25 =	vor.u32 v61, v7;
	_ =	sdelay $0x3  }
0x368: {  	v17 =	vld.idx.msk [tilespmem:v16+s14+$0x0], $0xffff;
	v35 =	vor.u32 v27, v9  }
0x369: {  	[tilespmem:v32+s18+$0x0] =	vst.idx.msk $0xffff, v24;
	v37 =	vor.u32 v27, v10;
	v38 =	vld.idx.msk [tilespmem:v25+s14+$0x0], $0xffff  }
0x36a: {  	v29 =	vld [tilespmem:$0x1FE60];
	_ =	sdelay $0x1  }
0x36b: {  	[tilespmem:v45+s18+$0x0] =	vst.idx.msk $0xffff, v34  }
0x36c: {  	v26 =	vor.u32 v61, v5;
	[tilespmem:v35+s18+$0x0] =	vst.idx.msk $0xffff, v17  }
0x36d: {  	[tilespmem:v37+s18+$0x0] =	vst.idx.msk $0xffff, v38  }
0x36e: {  	v36 =	vor.u32 v29, v8;
	v30 =	vld [tilespmem:$0x1FE70]  }
0x36f: {  	v16 =	vor.u32 v29, v7;
	_ =	sdelay $0x1  }
0x370: {  	v24 =	vld.idx.msk [tilespmem:v26+s14+$0x0], $0xffff;
	v39 =	vor.u32 v27, v14  }
0x371: {  	v40 =	vld.idx.msk [tilespmem:v33+s14+$0x0], $0xffff;
	v27 =	vor.u32 v27, v6  }
0x372: {  	v17 =	vld.idx.msk [tilespmem:v36+s14+$0x0], $0xffff;
	v41 =	vor.u32 v30, v9  }
0x373: {  	v16 =	vld.idx.msk [tilespmem:v16+s14+$0x0], $0xffff;
	v43 =	vor.u32 v30, v10  }
0x374: {  	v32 =	vld [tilespmem:$0x1FE80]  }
0x375: {  	[tilespmem:v39+s18+$0x0] =	vst.idx.msk $0xffff, v24  }
0x376: {  	[tilespmem:v27+s18+$0x0] =	vst.idx.msk $0xffff, v40  }
0x377: {  	v28 =	vor.u32 v29, v5;
	[tilespmem:v41+s18+$0x0] =	vst.idx.msk $0xffff, v17  }
0x378: {  	v29 =	vor.u32 v29, v4;
	[tilespmem:v43+s18+$0x0] =	vst.idx.msk $0xffff, v16  }
0x379: {  	v42 =	vor.u32 v32, v8;
	v46 =	vor.u32 v30, v14;
	v48 =	vor.u32 v30, v6;
	v30 =	vld [tilespmem:$0x1FE90]  }
0x37a: {  	v45 =	vor.u32 v32, v7;
	_ =	sdelay $0x1  }
0x37b: {  	v24 =	vld.idx.msk [tilespmem:v28+s14+$0x0], $0xffff  }
0x37c: {  	v26 =	vld.idx.msk [tilespmem:v29+s14+$0x0], $0xffff  }
0x37d: {  	v49 =	vld.idx.msk [tilespmem:v42+s14+$0x0], $0xffff;
	v50 =	vor.u32 v30, v9  }
0x37e: {  	v51 =	vld.idx.msk [tilespmem:v45+s14+$0x0], $0xffff;
	v52 =	vor.u32 v30, v10  }
0x37f: {  	v53 =	vld [tilespmem:$0x1FEA0]  }
0x380: {  	[tilespmem:v46+s18+$0x0] =	vst.idx.msk $0xffff, v24  }
0x381: {  	[tilespmem:v48+s18+$0x0] =	vst.idx.msk $0xffff, v26  }
0x382: {  	v28 =	vor.u32 v32, v5;
	[tilespmem:v50+s18+$0x0] =	vst.idx.msk $0xffff, v49  }
0x383: {  	v29 =	vor.u32 v32, v4;
	[tilespmem:v52+s18+$0x0] =	vst.idx.msk $0xffff, v51  }
0x384: {  	v54 =	vor.u32 v53, v8;
	v56 =	vor.u32 v30, v14;
	v57 =	vor.u32 v30, v6;
	v30 =	vld [tilespmem:$0x1FEB0]  }
0x385: {  	v55 =	vor.u32 v53, v7;
	_ =	sdelay $0x1  }
0x386: {  	v24 =	vld.idx.msk [tilespmem:v28+s14+$0x0], $0xffff  }
0x387: {  	v26 =	vld.idx.msk [tilespmem:v29+s14+$0x0], $0xffff  }
0x388: {  	v16 =	vld.idx.msk [tilespmem:v54+s14+$0x0], $0xffff;
	v58 =	vor.u32 v30, v9  }
0x389: {  	v18 =	vld.idx.msk [tilespmem:v55+s14+$0x0], $0xffff;
	v59 =	vor.u32 v30, v10  }
0x38a: {  	v60 =	vld [tilespmem:$0x1FEC0]  }
0x38b: {  	[tilespmem:v56+s18+$0x0] =	vst.idx.msk $0xffff, v24  }
0x38c: {  	[tilespmem:v57+s18+$0x0] =	vst.idx.msk $0xffff, v26  }
0x38d: {  	v28 =	vor.u32 v53, v5;
	[tilespmem:v58+s18+$0x0] =	vst.idx.msk $0xffff, v16  }
0x38e: {  	v29 =	vor.u32 v53, v4;
	[tilespmem:v59+s18+$0x0] =	vst.idx.msk $0xffff, v18  }
0x38f: {  	v62 =	vor.u32 v60, v8;
	v18 =	vld [tilespmem:$0x1FED0];
	_ =	sdelay $0x2  }
0x390: {  	v63 =	vld.idx.msk [tilespmem:v28+s14+$0x0], $0xffff;
	v33 =	vor.u32 v30, v14  }
0x391: {  	v35 =	vld.idx.msk [tilespmem:v29+s14+$0x0], $0xffff;
	v36 =	vor.u32 v30, v6  }
0x392: {  	v34 =	vor.u32 v60, v7;
	v8 =	vld.idx.msk [tilespmem:v62+s14+$0x0], $0xffff;
	v39 =	vor.u32 v18, v9  }
0x393: {  	v19 =	vld [tilespmem:$0x1FEE0];
	_ =	sdelay $0x1  }
0x394: {  	[tilespmem:v33+s18+$0x0] =	vst.idx.msk $0xffff, v63  }
0x395: {  	v37 =	vor.u32 v60, v5;
	[tilespmem:v36+s18+$0x0] =	vst.idx.msk $0xffff, v35  }
0x396: {  	v38 =	vor.u32 v60, v4;
	v7 =	vld.idx.msk [tilespmem:v34+s14+$0x0], $0xffff;
	[tilespmem:v39+s18+$0x0] =	vst.idx.msk $0xffff, v8  }
0x397: {  	v40 =	vor.u32 v19, v2;
	v41 =	vor.u32 v18, v10;
	v22 =	vld [tilespmem:$0x1FEF0];
	_ =	sdelay $0x2  }
0x398: {  	v5 =	vld.idx.msk [tilespmem:v37+s14+$0x0], $0xffff;
	v42 =	vor.u32 v18, v14  }
0x399: {  	v4 =	vld.idx.msk [tilespmem:v38+s14+$0x0], $0xffff;
	v45 =	vor.u32 v18, v6  }
0x39a: {  	v43 =	vor.u32 v19, v3;
	v8 =	vld.idx.msk [tilespmem:v40+s14+$0x0], $0xffff;
	[tilespmem:v41+s18+$0x0] =	vst.idx.msk $0xffff, v7;
	v48 =	vor.u32 v22, v12  }
0x39b: {  	v23 =	vld [tilespmem:$0x1FF00];
	_ =	sdelay $0x1  }
0x39c: {  	[tilespmem:v42+s18+$0x0] =	vst.idx.msk $0xffff, v5  }
0x39d: {  	v46 =	vor.u32 v19, v1;
	[tilespmem:v45+s18+$0x0] =	vst.idx.msk $0xffff, v4  }
0x39e: {  	v19 =	vor.u32 v19, v0;
	v50 =	vld.idx.msk [tilespmem:v43+s14+$0x0], $0xffff;
	[tilespmem:v48+s18+$0x0] =	vst.idx.msk $0xffff, v8  }
0x39f: {  	v51 =	vor.u32 v22, v13;
	v49 =	vor.u32 v23, v2;
	v59 =	vld [tilespmem:$0x1FF10];
	_ =	sdelay $0x2  }
0x3a0: {  	v52 =	vld.idx.msk [tilespmem:v46+s14+$0x0], $0xffff;
	v53 =	vor.u32 v22, v15  }
0x3a1: {  	v55 =	vld.idx.msk [tilespmem:v19+s14+$0x0], $0xffff;
	v56 =	vor.u32 v22, v11  }
0x3a2: {  	v54 =	vor.u32 v23, v3;
	v7 =	vld.idx.msk [tilespmem:v49+s14+$0x0], $0xffff;
	[tilespmem:v51+s18+$0x0] =	vst.idx.msk $0xffff, v50;
	v60 =	vor.u32 v59, v12  }
0x3a3: {  	v62 =	vld [tilespmem:$0x1FF20];
	_ =	sdelay $0x1  }
0x3a4: {  	[tilespmem:v53+s18+$0x0] =	vst.idx.msk $0xffff, v52  }
0x3a5: {  	v57 =	vor.u32 v23, v1;
	[tilespmem:v56+s18+$0x0] =	vst.idx.msk $0xffff, v55  }
0x3a6: {  	v58 =	vor.u32 v23, v0;
	v24 =	vld.idx.msk [tilespmem:v54+s14+$0x0], $0xffff;
	[tilespmem:v60+s18+$0x0] =	vst.idx.msk $0xffff, v7  }
0x3a7: {  	v25 =	vor.u32 v59, v13;
	v63 =	vor.u32 v62, v2;
	v36 =	vld [tilespmem:$0x1FF30];
	_ =	sdelay $0x2  }
0x3a8: {  	v26 =	vld.idx.msk [tilespmem:v57+s14+$0x0], $0xffff;
	v27 =	vor.u32 v59, v15  }
0x3a9: {  	v16 =	vld.idx.msk [tilespmem:v58+s14+$0x0], $0xffff;
	v33 =	vor.u32 v59, v11  }
0x3aa: {  	v32 =	vor.u32 v62, v3;
	v5 =	vld.idx.msk [tilespmem:v63+s14+$0x0], $0xffff;
	[tilespmem:v25+s18+$0x0] =	vst.idx.msk $0xffff, v24;
	v37 =	vor.u32 v36, v12  }
0x3ab: {  	v38 =	vld [tilespmem:$0x1FF40];
	_ =	sdelay $0x1  }
0x3ac: {  	[tilespmem:v27+s18+$0x0] =	vst.idx.msk $0xffff, v26  }
0x3ad: {  	v34 =	vor.u32 v62, v1;
	[tilespmem:v33+s18+$0x0] =	vst.idx.msk $0xffff, v16  }
0x3ae: {  	v35 =	vor.u32 v62, v0;
	v6 =	vld.idx.msk [tilespmem:v32+s14+$0x0], $0xffff;
	[tilespmem:v37+s18+$0x0] =	vst.idx.msk $0xffff, v5  }
0x3af: {  	v40 =	vor.u32 v36, v13;
	v39 =	vor.u32 v38, v2;
	v48 =	vld [tilespmem:$0x1FF50];
	_ =	sdelay $0x2  }
0x3b0: {  	v9 =	vld.idx.msk [tilespmem:v34+s14+$0x0], $0xffff;
	v41 =	vor.u32 v36, v15  }
0x3b1: {  	v16 =	vld.idx.msk [tilespmem:v35+s14+$0x0], $0xffff;
	v43 =	vor.u32 v36, v11  }
0x3b2: {  	v42 =	vor.u32 v38, v3;
	v4 =	vld.idx.msk [tilespmem:v39+s14+$0x0], $0xffff;
	[tilespmem:v40+s18+$0x0] =	vst.idx.msk $0xffff, v6;
	v49 =	vor.u32 v48, v12  }
0x3b3: {  	v50 =	vld [tilespmem:$0x1FF60];
	_ =	sdelay $0x1  }
0x3b4: {  	[tilespmem:v41+s18+$0x0] =	vst.idx.msk $0xffff, v9  }
0x3b5: {  	v45 =	vor.u32 v38, v1;
	[tilespmem:v43+s18+$0x0] =	vst.idx.msk $0xffff, v16  }
0x3b6: {  	v46 =	vor.u32 v38, v0;
	v52 =	vld.idx.msk [tilespmem:v42+s14+$0x0], $0xffff;
	[tilespmem:v49+s18+$0x0] =	vst.idx.msk $0xffff, v4  }
0x3b7: {  	v53 =	vor.u32 v48, v13;
	v51 =	vor.u32 v50, v2;
	v59 =	vld [tilespmem:$0x1FF70];
	_ =	sdelay $0x2  }
0x3b8: {  	v9 =	vld.idx.msk [tilespmem:v45+s14+$0x0], $0xffff;
	v54 =	vor.u32 v48, v15  }
0x3b9: {  	v16 =	vld.idx.msk [tilespmem:v46+s14+$0x0], $0xffff;
	v56 =	vor.u32 v48, v11  }
0x3ba: {  	v55 =	vor.u32 v50, v3;
	v4 =	vld.idx.msk [tilespmem:v51+s14+$0x0], $0xffff;
	[tilespmem:v53+s18+$0x0] =	vst.idx.msk $0xffff, v52;
	v60 =	vor.u32 v59, v12  }
0x3bb: {  	v62 =	vld [tilespmem:$0x1FF80];
	_ =	sdelay $0x1  }
0x3bc: {  	[tilespmem:v54+s18+$0x0] =	vst.idx.msk $0xffff, v9  }
0x3bd: {  	v57 =	vor.u32 v50, v1;
	[tilespmem:v56+s18+$0x0] =	vst.idx.msk $0xffff, v16  }
0x3be: {  	v58 =	vor.u32 v50, v0;
	v7 =	vld.idx.msk [tilespmem:v55+s14+$0x0], $0xffff;
	[tilespmem:v60+s18+$0x0] =	vst.idx.msk $0xffff, v4  }
0x3bf: {  	v24 =	vor.u32 v59, v13;
	v63 =	vor.u32 v62, v2;
	v34 =	vld [tilespmem:$0x1FF90];
	_ =	sdelay $0x2  }
0x3c0: {  	v9 =	vld.idx.msk [tilespmem:v57+s14+$0x0], $0xffff;
	v25 =	vor.u32 v59, v15  }
0x3c1: {  	v16 =	vld.idx.msk [tilespmem:v58+s14+$0x0], $0xffff;
	v27 =	vor.u32 v59, v11  }
0x3c2: {  	v26 =	vor.u32 v62, v3;
	v4 =	vld.idx.msk [tilespmem:v63+s14+$0x0], $0xffff;
	[tilespmem:v24+s18+$0x0] =	vst.idx.msk $0xffff, v7;
	v35 =	vor.u32 v34, v12  }
0x3c3: {  	v36 =	vld [tilespmem:$0x1FFA0];
	_ =	sdelay $0x1  }
0x3c4: {  	[tilespmem:v25+s18+$0x0] =	vst.idx.msk $0xffff, v9  }
0x3c5: {  	v32 =	vor.u32 v62, v1;
	[tilespmem:v27+s18+$0x0] =	vst.idx.msk $0xffff, v16  }
0x3c6: {  	v33 =	vor.u32 v62, v0;
	v7 =	vld.idx.msk [tilespmem:v26+s14+$0x0], $0xffff;
	[tilespmem:v35+s18+$0x0] =	vst.idx.msk $0xffff, v4  }
0x3c7: {  	v38 =	vor.u32 v34, v13;
	v37 =	vor.u32 v36, v2;
	v45 =	vld [tilespmem:$0x1FFB0];
	_ =	sdelay $0x2  }
0x3c8: {  	v9 =	vld.idx.msk [tilespmem:v32+s14+$0x0], $0xffff;
	v39 =	vor.u32 v34, v15  }
0x3c9: {  	v16 =	vld.idx.msk [tilespmem:v33+s14+$0x0], $0xffff;
	v41 =	vor.u32 v34, v11  }
0x3ca: {  	v40 =	vor.u32 v36, v3;
	v4 =	vld.idx.msk [tilespmem:v37+s14+$0x0], $0xffff;
	[tilespmem:v38+s18+$0x0] =	vst.idx.msk $0xffff, v7;
	v46 =	vor.u32 v45, v12  }
0x3cb: {  	v48 =	vld [tilespmem:$0x1FFC0]  }
0x3cc: {  	v42 =	vor.u32 v36, v1  }
0x3cd: {  	v43 =	vor.u32 v36, v0;
	[tilespmem:v39+s18+$0x0] =	vst.idx.msk $0xffff, v9  }
0x3ce: {  	[tilespmem:v41+s18+$0x0] =	vst.idx.msk $0xffff, v16  }
0x3cf: {  	v50 =	vld.idx.msk [tilespmem:v40+s14+$0x0], $0xffff;
	[tilespmem:v46+s18+$0x0] =	vst.idx.msk $0xffff, v4  }
0x3d0: {  	v51 =	vor.u32 v45, v13;
	v49 =	vor.u32 v48, v2;
	v16 =	vld [tilespmem:$0x1FFD0]  }
0x3d1: {  	v52 =	vld.idx.msk [tilespmem:v42+s14+$0x0], $0xffff;
	v53 =	vor.u32 v45, v15;
	v54 =	vor.u32 v48, v3  }
0x3d2: {  	v55 =	vld.idx.msk [tilespmem:v43+s14+$0x0], $0xffff;
	v56 =	vor.u32 v45, v11;
	v57 =	vor.u32 v48, v1  }
0x3d3: {  	v58 =	vor.u32 v48, v0;
	_ =	sdelay $0x1  }
0x3d4: {  	v2 =	vld.idx.msk [tilespmem:v49+s14+$0x0], $0xffff;
	[tilespmem:v51+s18+$0x0] =	vst.idx.msk $0xffff, v50;
	v59 =	vor.u32 v16, v12  }
0x3d5: {  	[tilespmem:v53+s18+$0x0] =	vst.idx.msk $0xffff, v52;
	v3 =	vld.idx.msk [tilespmem:v54+s14+$0x0], $0xffff;
	v60 =	vor.u32 v16, v13  }
0x3d6: {  	[tilespmem:v56+s18+$0x0] =	vst.idx.msk $0xffff, v55;
	v1 =	vld.idx.msk [tilespmem:v57+s14+$0x0], $0xffff;
	v62 =	vor.u32 v16, v15  }
0x3d7: {  	v0 =	vld.idx.msk [tilespmem:v58+s14+$0x0], $0xffff;
	v63 =	vor.u32 v16, v11  }
0x3d8: {  	p1 =	sne.s32 s24, $0xC;
	[tilespmem:v21+s18+$0x0] =	vst.idx.msk $0xffff, v20  }
.Ltmp3:
0x3d9: {  	s26 =	sshll.u32 s24, $0x13;
	[tilespmem:v59+s18+$0x0] =	vst.idx.msk $0xffff, v2;
	(pc) =	sbr.rel @p1 .LBB2_6-.Ltmp3, $4  }
0x3da: {  	s26 =	sor.u32 s5, s26;
	[tilespmem:v60+s18+$0x0] =	vst.idx.msk $0xffff, v3  }
0x3db: {  	s26 =	sshrl.u32 s26, $0x3;
	[tilespmem:v62+s18+$0x0] =	vst.idx.msk $0xffff, v1  }
0x3dc: {  	s28 =	sadd.s32 s2, s26;
	[tilespmem:v63+s18+$0x0] =	vst.idx.msk $0xffff, v0  }
0x3dd: {  	[hbm4b:s28+s9] =	stream.strided.scatter [tilespmem:s18], [sflag:$0x3], $0x2000, s10, s9, $0x38;
	[tilespmem:$0xE000] =	vst v63  }
0x3de: {  	_ =	swait.ge [sflag:s19], $0x4000  }
0x3df: {  	v59 =	vld [tilespmem:$0x1FCA0]  }
0x3e0: {  	v33 =	vld [tilespmem:$0x1FCB0]  }
0x3e1: {  	v40 =	vld [tilespmem:$0x1FCC0]  }
0x3e2: {  	v34 =	vld [tilespmem:$0x1FCD0]  }
0x3e3: {  	v38 =	vld [tilespmem:$0x1FCE0]  }
0x3e4: {  	v45 =	vld [tilespmem:$0x1FCF0]  }
0x3e5: {  	v28 =	vld [tilespmem:$0x1FD10]  }
0x3e6: {  	v29 =	vld [tilespmem:$0x1FD20]  }
0x3e7: {  	v30 =	vld [tilespmem:$0x1FD30]  }
0x3e8: {  	v35 =	vld [tilespmem:$0x1FD40]  }
0x3e9: {  	v20 =	vld [tilespmem:$0x1FC60]  }
0x3ea: {  	v32 =	vld [tilespmem:$0x1FD60]  }
0x3eb: {  	v41 =	vld [tilespmem:$0x1FD70]  }
0x3ec: {  	v60 =	vld [tilespmem:$0x1FD80]  }
0x3ed: {  	v55 =	vld [tilespmem:$0x1FD90]  }
0x3ee: {  	v57 =	vld [tilespmem:$0x1FDA0]  }
0x3ef: {  	v62 =	vld [tilespmem:$0x1FDB0]  }
0x3f0: {  	v58 =	vld [tilespmem:$0x1FC70]  }
0x3f1: {  	v46 =	vld [tilespmem:$0x1FDC0]  }
0x3f2: {  	v16 =	vld [tilespmem:$0x1FDD0]  }
0x3f3: {  	v36 =	vld [tilespmem:$0x1FC80]  }
0x3f4: {  	v22 =	vld [tilespmem:$0x1FDE0]  }
0x3f5: {  	v23 =	vld [tilespmem:$0x1FDF0]  }
.Ltmp4:
0x3f6: {  	v24 =	vld [tilespmem:$0x1FE00];
	(pc) =	sbr.rel .LBB2_7-.Ltmp4, $4  }
0x3f7: {  	v25 =	vld [tilespmem:$0x1FE10]  }
0x3f8: {  	v26 =	vld [tilespmem:$0x1FE20]  }
0x3f9: {  	[sflag:s19] =	ssyncset.done $0x0;
	v27 =	vld [tilespmem:$0x1FE30]  }
0x3fa: {  	v49 =	vld [tilespmem:$0x1FE40];
	[sflag:s19] =	ssyncadd.s32 $0xFFFFC000  }
.LBB2_6:
0x3fb: {  	s28 =	sshrl.u32 s25, $0x2  }
0x3fc: {  	s28 =	sadd.s32 $0x1100, s28  }
0x3fd: {  	[tilespmem:s14], [sflag:$0x1] =	stream.indirect.gather [hbm4b:s0+s12], $0x80, s28, s12, $0xb8;
	[tilespmem:$0xE000] =	vst v63  }
0x3fe: {  	_ =	swait.ge [sflag:s19], $0x4000  }
0x3ff: {  	v59 =	vld [tilespmem:$0x1FCA0]  }
0x400: {  	v33 =	vld [tilespmem:$0x1FCB0]  }
0x401: {  	v40 =	vld [tilespmem:$0x1FCC0]  }
0x402: {  	v34 =	vld [tilespmem:$0x1FCD0]  }
0x403: {  	v38 =	vld [tilespmem:$0x1FCE0]  }
0x404: {  	v45 =	vld [tilespmem:$0x1FCF0]  }
0x405: {  	v28 =	vld [tilespmem:$0x1FD10]  }
0x406: {  	v29 =	vld [tilespmem:$0x1FD20]  }
0x407: {  	v30 =	vld [tilespmem:$0x1FD30]  }
0x408: {  	v35 =	vld [tilespmem:$0x1FD40]  }
0x409: {  	v20 =	vld [tilespmem:$0x1FC60]  }
0x40a: {  	v32 =	vld [tilespmem:$0x1FD60]  }
0x40b: {  	v41 =	vld [tilespmem:$0x1FD70]  }
0x40c: {  	v60 =	vld [tilespmem:$0x1FD80]  }
0x40d: {  	v55 =	vld [tilespmem:$0x1FD90]  }
0x40e: {  	v57 =	vld [tilespmem:$0x1FDA0]  }
0x40f: {  	v62 =	vld [tilespmem:$0x1FDB0]  }
0x410: {  	v58 =	vld [tilespmem:$0x1FC70]  }
0x411: {  	v46 =	vld [tilespmem:$0x1FDC0]  }
0x412: {  	v16 =	vld [tilespmem:$0x1FDD0]  }
0x413: {  	v36 =	vld [tilespmem:$0x1FC80]  }
0x414: {  	v22 =	vld [tilespmem:$0x1FDE0]  }
0x415: {  	v23 =	vld [tilespmem:$0x1FDF0]  }
.Ltmp5:
0x416: {  	v24 =	vld [tilespmem:$0x1FE00];
	(pc) =	sbr.rel @p0 .LBB2_8-.Ltmp5, $4  }
0x417: {  	v25 =	vld [tilespmem:$0x1FE10]  }
0x418: {  	v26 =	vld [tilespmem:$0x1FE20]  }
0x419: {  	[sflag:s19] =	ssyncset.done $0x0;
	v27 =	vld [tilespmem:$0x1FE30]  }
0x41a: {  	v49 =	vld [tilespmem:$0x1FE40];
	[sflag:s19] =	ssyncadd.s32 $0xFFFFC000  }
.LBB2_7:
0x41b: {  	_ =	swait.ge [sflag:s20], $0x2000  }
0x41c: {  	[sflag:s20] =	ssyncset.done $0x0  }
0x41d: {  	[sflag:s20] =	ssyncadd.s32 $0xFFFFE000  }
.LBB2_8:
0x41e: {  	s28 =	simm.s32 $0x0  }
0x41f: {  	v63 =	vadd.s32 s28, v47  }
0x420: {  	v21 =	vand.u32 $0xF, v63  }
0x421: {  	s29 =	simm.s32 $0x1;
	v0 =	vor.u32 v44, v21  }
0x422: {  	v48 =	vld [tilespmem:$0x1FC10];
	s28 =	simm.s32 $0x2;
	v42 =	vadd.s32 s29, v47  }
0x423: {  	v56 =	vadd.s32 s28, v47;
	s28 =	simm.s32 $0x3;
	v17 =	vand.u32 $0xF, v42  }
0x424: {  	v19 =	vand.u32 $0xF, v56;
	v53 =	vadd.s32 s28, v47;
	v3 =	vor.u32 v44, v17  }
0x425: {  	v13 =	vshll.u32 v21, $0x7;
	v1 =	vor.u32 v44, v19;
	v12 =	vand.u32 $0xF, v53  }
0x426: {  	v4 =	vor.u32 v47, v13;
	v2 =	vor.u32 v44, v12;
	v0 =	vld.idx.msk [tilespmem:v0+s16+$0x0], $0xffff  }
0x427: {  	v5 =	vor.u32 v48, v21  }
0x428: {  	v39 =	vshll.u32 v17, $0x7  }
0x429: {  	v18 =	vshll.u32 v19, $0x7;
	v9 =	vor.u32 v47, v39;
	v3 =	vld.idx.msk [tilespmem:v3+s16+$0x0], $0xffff  }
0x42a: {  	v11 =	vshll.u32 v12, $0x7;
	v6 =	vor.u32 v47, v18;
	v1 =	vld.idx.msk [tilespmem:v1+s16+$0x0], $0xffff  }
0x42b: {  	v8 =	vor.u32 v47, v11;
	v2 =	vld.idx.msk [tilespmem:v2+s16+$0x0], $0xffff;
	[tilespmem:v4+s21+$0x0] =	vst.idx.msk $0xffff, v0  }
0x42c: {  	v4 =	vor.u32 v59, v13;
	v0 =	vld.idx.msk [tilespmem:v5+s16+$0x0], $0xffff;
	_ =	sdelay $0x1  }
0x42d: {  	[tilespmem:v9+s21+$0x0] =	vst.idx.msk $0xffff, v3  }
0x42e: {  	v7 =	vor.u32 v48, v19;
	[tilespmem:v6+s21+$0x0] =	vst.idx.msk $0xffff, v1  }
0x42f: {  	v14 =	vor.u32 v48, v17;
	[tilespmem:v8+s21+$0x0] =	vst.idx.msk $0xffff, v2  }
0x430: {  	v10 =	vor.u32 v48, v12;
	[tilespmem:v4+s21+$0x0] =	vst.idx.msk $0xffff, v0  }
0x431: {  	v5 =	vor.u32 v33, v21;
	v51 =	vld [tilespmem:$0x1FC20];
	_ =	sdelay $0x1  }
0x432: {  	v1 =	vor.u32 v59, v18;
	v6 =	vld.idx.msk [tilespmem:v7+s16+$0x0], $0xffff  }
0x433: {  	v9 =	vld.idx.msk [tilespmem:v14+s16+$0x0], $0xffff;
	v8 =	vor.u32 v59, v39  }
0x434: {  	v3 =	vor.u32 v59, v11;
	v7 =	vld.idx.msk [tilespmem:v10+s16+$0x0], $0xffff  }
0x435: {  	v0 =	vld.idx.msk [tilespmem:v5+s16+$0x0], $0xffff;
	v4 =	vor.u32 v51, v13  }
0x436: {  	v52 =	vld [tilespmem:$0x1FC30]  }
0x437: {  	[tilespmem:v1+s21+$0x0] =	vst.idx.msk $0xffff, v6  }
0x438: {  	v2 =	vor.u32 v33, v19;
	[tilespmem:v8+s21+$0x0] =	vst.idx.msk $0xffff, v9  }
0x439: {  	v10 =	vor.u32 v33, v12;
	[tilespmem:v3+s21+$0x0] =	vst.idx.msk $0xffff, v7  }
0x43a: {  	v14 =	vor.u32 v33, v17;
	[tilespmem:v4+s21+$0x0] =	vst.idx.msk $0xffff, v0  }
0x43b: {  	v5 =	vor.u32 v52, v21;
	v50 =	vld [tilespmem:$0x1FC40];
	_ =	sdelay $0x1  }
0x43c: {  	v2 =	vld.idx.msk [tilespmem:v2+s16+$0x0], $0xffff;
	v1 =	vor.u32 v51, v18  }
0x43d: {  	v6 =	vld.idx.msk [tilespmem:v10+s16+$0x0], $0xffff;
	v3 =	vor.u32 v51, v11;
	v7 =	vor.u32 v52, v19  }
0x43e: {  	v9 =	vld.idx.msk [tilespmem:v14+s16+$0x0], $0xffff;
	v8 =	vor.u32 v51, v39;
	v10 =	vor.u32 v52, v12  }
0x43f: {  	v14 =	vor.u32 v52, v17;
	v0 =	vld.idx.msk [tilespmem:v5+s16+$0x0], $0xffff;
	v4 =	vor.u32 v50, v13  }
0x440: {  	v5 =	vor.u32 v40, v21  }
0x441: {  	[tilespmem:v1+s21+$0x0] =	vst.idx.msk $0xffff, v2  }
0x442: {  	[tilespmem:v3+s21+$0x0] =	vst.idx.msk $0xffff, v6;
	v1 =	vld.idx.msk [tilespmem:v7+s16+$0x0], $0xffff;
	v2 =	vor.u32 v50, v18  }
0x443: {  	[tilespmem:v8+s21+$0x0] =	vst.idx.msk $0xffff, v9;
	v3 =	vld.idx.msk [tilespmem:v10+s16+$0x0], $0xffff;
	v7 =	vor.u32 v50, v11  }
0x444: {  	v8 =	vld.idx.msk [tilespmem:v14+s16+$0x0], $0xffff;
	v9 =	vor.u32 v50, v39;
	[tilespmem:v4+s21+$0x0] =	vst.idx.msk $0xffff, v0  }
0x445: {  	v4 =	vld.idx.msk [tilespmem:v5+s16+$0x0], $0xffff;
	v5 =	vor.u32 v34, v13;
	_ =	sdelay $0x1  }
0x446: {  	[tilespmem:v2+s21+$0x0] =	vst.idx.msk $0xffff, v1  }
0x447: {  	v6 =	vor.u32 v40, v19;
	[tilespmem:v7+s21+$0x0] =	vst.idx.msk $0xffff, v3  }
0x448: {  	v10 =	vor.u32 v40, v12;
	[tilespmem:v9+s21+$0x0] =	vst.idx.msk $0xffff, v8  }
0x449: {  	v0 =	vor.u32 v40, v17;
	[tilespmem:v5+s21+$0x0] =	vst.idx.msk $0xffff, v4  }
0x44a: {  	v14 =	vor.u32 v38, v21;
	v37 =	vld [tilespmem:$0x1FC50];
	_ =	sdelay $0x1  }
0x44b: {  	v2 =	vor.u32 v34, v18;
	v1 =	vld.idx.msk [tilespmem:v6+s16+$0x0], $0xffff  }
0x44c: {  	v7 =	vor.u32 v34, v11;
	v3 =	vld.idx.msk [tilespmem:v10+s16+$0x0], $0xffff;
	v6 =	vor.u32 v38, v19  }
0x44d: {  	v8 =	vor.u32 v34, v39;
	v9 =	vor.u32 v38, v12;
	v0 =	vld.idx.msk [tilespmem:v0+s16+$0x0], $0xffff  }
0x44e: {  	v4 =	vor.u32 v38, v17;
	v5 =	vld.idx.msk [tilespmem:v14+s16+$0x0], $0xffff;
	v10 =	vor.u32 v37, v13  }
0x44f: {  	v14 =	vor.u32 v45, v21  }
0x450: {  	[tilespmem:v2+s21+$0x0] =	vst.idx.msk $0xffff, v1  }
0x451: {  	[tilespmem:v7+s21+$0x0] =	vst.idx.msk $0xffff, v3;
	v1 =	vld.idx.msk [tilespmem:v6+s16+$0x0], $0xffff;
	v2 =	vor.u32 v37, v18  }
0x452: {  	v3 =	vor.u32 v45, v19;
	[tilespmem:v8+s21+$0x0] =	vst.idx.msk $0xffff, v0;
	v0 =	vld.idx.msk [tilespmem:v9+s16+$0x0], $0xffff;
	v6 =	vor.u32 v37, v11  }
0x453: {  	v8 =	vor.u32 v45, v12;
	v4 =	vld.idx.msk [tilespmem:v4+s16+$0x0], $0xffff;
	v7 =	vor.u32 v37, v39;
	[tilespmem:v10+s21+$0x0] =	vst.idx.msk $0xffff, v5  }
0x454: {  	v5 =	vor.u32 v45, v17;
	v10 =	vor.u32 v28, v13;
	v9 =	vld.idx.msk [tilespmem:v14+s16+$0x0], $0xffff  }
0x455: {  	v14 =	vor.u32 v29, v21  }
0x456: {  	[tilespmem:v2+s21+$0x0] =	vst.idx.msk $0xffff, v1  }
0x457: {  	[tilespmem:v6+s21+$0x0] =	vst.idx.msk $0xffff, v0;
	v0 =	vor.u32 v28, v18;
	v1 =	vld.idx.msk [tilespmem:v3+s16+$0x0], $0xffff  }
0x458: {  	[tilespmem:v7+s21+$0x0] =	vst.idx.msk $0xffff, v4;
	v4 =	vor.u32 v28, v11;
	v2 =	vld.idx.msk [tilespmem:v8+s16+$0x0], $0xffff  }
0x459: {  	v6 =	vor.u32 v28, v39;
	v5 =	vld.idx.msk [tilespmem:v5+s16+$0x0], $0xffff;
	[tilespmem:v10+s21+$0x0] =	vst.idx.msk $0xffff, v9  }
0x45a: {  	v10 =	vor.u32 v30, v13;
	v9 =	vld.idx.msk [tilespmem:v14+s16+$0x0], $0xffff;
	_ =	sdelay $0x1  }
0x45b: {  	[tilespmem:v0+s21+$0x0] =	vst.idx.msk $0xffff, v1  }
0x45c: {  	v3 =	vor.u32 v29, v19;
	[tilespmem:v4+s21+$0x0] =	vst.idx.msk $0xffff, v2  }
0x45d: {  	v7 =	vor.u32 v29, v12;
	[tilespmem:v6+s21+$0x0] =	vst.idx.msk $0xffff, v5  }
0x45e: {  	v8 =	vor.u32 v29, v17;
	[tilespmem:v10+s21+$0x0] =	vst.idx.msk $0xffff, v9  }
0x45f: {  	v14 =	vor.u32 v35, v63;
	v40 =	vld [tilespmem:$0x1FD50];
	_ =	sdelay $0x1  }
0x460: {  	v1 =	vor.u32 v30, v18;
	v0 =	vld.idx.msk [tilespmem:v3+s16+$0x0], $0xffff  }
0x461: {  	v2 =	vld.idx.msk [tilespmem:v7+s16+$0x0], $0xffff;
	v3 =	vor.u32 v30, v11;
	v5 =	vor.u32 v35, v56  }
0x462: {  	v15 =	vshll.u32 v63, $0x7;
	v7 =	vor.u32 v35, v53;
	v6 =	vor.u32 v30, v39;
	v4 =	vld.idx.msk [tilespmem:v8+s16+$0x0], $0xffff  }
0x463: {  	v10 =	vor.u32 v35, v42;
	v8 =	vld.idx.msk [tilespmem:v14+s16+$0x0], $0xffff;
	v9 =	vor.u32 v40, v15  }
0x464: {  	v14 =	vor.u32 v20, v63  }
0x465: {  	v43 =	vshll.u32 v42, $0x7;
	v54 =	vshll.u32 v56, $0x7;
	[tilespmem:v1+s21+$0x0] =	vst.idx.msk $0xffff, v0  }
0x466: {  	v35 =	vmov v20;
	[tilespmem:v3+s21+$0x0] =	vst.idx.msk $0xffff, v2;
	v20 =	vshll.u32 v53, $0x7;
	v0 =	vld.idx.msk [tilespmem:v5+s16+$0x0], $0xffff;
	v1 =	vor.u32 v40, v54  }
0x467: {  	v3 =	vor.u32 v35, v56;
	v2 =	vld.idx.msk [tilespmem:v7+s16+$0x0], $0xffff;
	[tilespmem:v6+s21+$0x0] =	vst.idx.msk $0xffff, v4;
	v4 =	vor.u32 v40, v20  }
0x468: {  	v7 =	vor.u32 v35, v53;
	v5 =	vld.idx.msk [tilespmem:v10+s16+$0x0], $0xffff;
	v6 =	vor.u32 v40, v43;
	[tilespmem:v9+s21+$0x0] =	vst.idx.msk $0xffff, v8  }
0x469: {  	v10 =	vor.u32 v35, v42;
	v9 =	vor.u32 v32, v15;
	v8 =	vld.idx.msk [tilespmem:v14+s16+$0x0], $0xffff  }
0x46a: {  	v14 =	vor.u32 v41, v63  }
0x46b: {  	[tilespmem:v1+s21+$0x0] =	vst.idx.msk $0xffff, v0  }
0x46c: {  	[tilespmem:v4+s21+$0x0] =	vst.idx.msk $0xffff, v2;
	v1 =	vor.u32 v32, v54;
	v0 =	vld.idx.msk [tilespmem:v3+s16+$0x0], $0xffff  }
0x46d: {  	[tilespmem:v6+s21+$0x0] =	vst.idx.msk $0xffff, v5;
	v4 =	vor.u32 v32, v20;
	v2 =	vld.idx.msk [tilespmem:v7+s16+$0x0], $0xffff;
	v3 =	vor.u32 v41, v56  }
0x46e: {  	v6 =	vor.u32 v32, v43;
	v5 =	vld.idx.msk [tilespmem:v10+s16+$0x0], $0xffff;
	v7 =	vor.u32 v41, v53;
	[tilespmem:v9+s21+$0x0] =	vst.idx.msk $0xffff, v8  }
0x46f: {  	v10 =	vor.u32 v41, v42;
	v9 =	vor.u32 v60, v15;
	v8 =	vld.idx.msk [tilespmem:v14+s16+$0x0], $0xffff  }
0x470: {  	v14 =	vor.u32 v55, v63  }
0x471: {  	[tilespmem:v1+s21+$0x0] =	vst.idx.msk $0xffff, v0  }
0x472: {  	[tilespmem:v4+s21+$0x0] =	vst.idx.msk $0xffff, v2;
	v1 =	vor.u32 v60, v54;
	v0 =	vld.idx.msk [tilespmem:v3+s16+$0x0], $0xffff  }
0x473: {  	[tilespmem:v6+s21+$0x0] =	vst.idx.msk $0xffff, v5;
	v4 =	vor.u32 v60, v20;
	v2 =	vld.idx.msk [tilespmem:v7+s16+$0x0], $0xffff;
	v3 =	vor.u32 v55, v56  }
0x474: {  	v6 =	vor.u32 v60, v43;
	v5 =	vld.idx.msk [tilespmem:v10+s16+$0x0], $0xffff;
	v7 =	vor.u32 v55, v53;
	[tilespmem:v9+s21+$0x0] =	vst.idx.msk $0xffff, v8  }
0x475: {  	v10 =	vor.u32 v55, v42;
	v9 =	vor.u32 v57, v15;
	v8 =	vld.idx.msk [tilespmem:v14+s16+$0x0], $0xffff  }
0x476: {  	v14 =	vor.u32 v62, v63  }
0x477: {  	[tilespmem:v1+s21+$0x0] =	vst.idx.msk $0xffff, v0  }
0x478: {  	[tilespmem:v4+s21+$0x0] =	vst.idx.msk $0xffff, v2;
	v1 =	vor.u32 v57, v54;
	v0 =	vld.idx.msk [tilespmem:v3+s16+$0x0], $0xffff  }
0x479: {  	[tilespmem:v6+s21+$0x0] =	vst.idx.msk $0xffff, v5;
	v4 =	vor.u32 v57, v20;
	v2 =	vld.idx.msk [tilespmem:v7+s16+$0x0], $0xffff;
	v3 =	vor.u32 v62, v56  }
0x47a: {  	v6 =	vor.u32 v57, v43;
	v5 =	vld.idx.msk [tilespmem:v10+s16+$0x0], $0xffff;
	v7 =	vor.u32 v62, v53;
	[tilespmem:v9+s21+$0x0] =	vst.idx.msk $0xffff, v8  }
0x47b: {  	v10 =	vor.u32 v62, v42;
	v9 =	vor.u32 v58, v15;
	v8 =	vld.idx.msk [tilespmem:v14+s16+$0x0], $0xffff  }
0x47c: {  	v14 =	vor.u32 v46, v63  }
0x47d: {  	[tilespmem:v1+s21+$0x0] =	vst.idx.msk $0xffff, v0  }
0x47e: {  	[tilespmem:v4+s21+$0x0] =	vst.idx.msk $0xffff, v2;
	v1 =	vor.u32 v58, v54;
	v0 =	vld.idx.msk [tilespmem:v3+s16+$0x0], $0xffff  }
0x47f: {  	[tilespmem:v6+s21+$0x0] =	vst.idx.msk $0xffff, v5;
	v4 =	vor.u32 v58, v20;
	v2 =	vld.idx.msk [tilespmem:v7+s16+$0x0], $0xffff;
	v3 =	vor.u32 v46, v56  }
0x480: {  	v6 =	vor.u32 v58, v43;
	v5 =	vld.idx.msk [tilespmem:v10+s16+$0x0], $0xffff;
	v7 =	vor.u32 v46, v53;
	[tilespmem:v9+s21+$0x0] =	vst.idx.msk $0xffff, v8  }
0x481: {  	v10 =	vor.u32 v46, v42;
	v9 =	vor.u32 v16, v15;
	v8 =	vld.idx.msk [tilespmem:v14+s16+$0x0], $0xffff  }
0x482: {  	v14 =	vor.u32 v36, v63  }
0x483: {  	[tilespmem:v1+s21+$0x0] =	vst.idx.msk $0xffff, v0  }
0x484: {  	[tilespmem:v4+s21+$0x0] =	vst.idx.msk $0xffff, v2;
	v1 =	vor.u32 v16, v54;
	v0 =	vld.idx.msk [tilespmem:v3+s16+$0x0], $0xffff  }
0x485: {  	[tilespmem:v6+s21+$0x0] =	vst.idx.msk $0xffff, v5;
	v4 =	vor.u32 v16, v20;
	v2 =	vld.idx.msk [tilespmem:v7+s16+$0x0], $0xffff;
	v3 =	vor.u32 v36, v56  }
0x486: {  	v6 =	vor.u32 v16, v43;
	v5 =	vld.idx.msk [tilespmem:v10+s16+$0x0], $0xffff;
	v7 =	vor.u32 v36, v53;
	[tilespmem:v9+s21+$0x0] =	vst.idx.msk $0xffff, v8  }
0x487: {  	v10 =	vor.u32 v36, v42;
	v9 =	vor.u32 v22, v15;
	v8 =	vld.idx.msk [tilespmem:v14+s16+$0x0], $0xffff  }
0x488: {  	[tilespmem:$0x1FBD0] =	vst v15;
	v14 =	vor.u32 v23, v63  }
0x489: {  	[tilespmem:v1+s21+$0x0] =	vst.idx.msk $0xffff, v0  }
0x48a: {  	[tilespmem:v4+s21+$0x0] =	vst.idx.msk $0xffff, v2;
	v1 =	vor.u32 v22, v54;
	v0 =	vld.idx.msk [tilespmem:v3+s16+$0x0], $0xffff  }
0x48b: {  	[tilespmem:v6+s21+$0x0] =	vst.idx.msk $0xffff, v5;
	v4 =	vor.u32 v22, v20;
	v2 =	vld.idx.msk [tilespmem:v7+s16+$0x0], $0xffff;
	v3 =	vor.u32 v23, v56  }
0x48c: {  	v6 =	vor.u32 v22, v43;
	v5 =	vld.idx.msk [tilespmem:v10+s16+$0x0], $0xffff;
	v7 =	vor.u32 v23, v53;
	[tilespmem:v9+s21+$0x0] =	vst.idx.msk $0xffff, v8  }
0x48d: {  	v10 =	vor.u32 v23, v42;
	v9 =	vor.u32 v24, v15;
	v8 =	vld.idx.msk [tilespmem:v14+s16+$0x0], $0xffff  }
0x48e: {  	v14 =	vor.u32 v25, v21  }
0x48f: {  	[tilespmem:v1+s21+$0x0] =	vst.idx.msk $0xffff, v0  }
0x490: {  	[tilespmem:v4+s21+$0x0] =	vst.idx.msk $0xffff, v2;
	v1 =	vor.u32 v24, v54;
	v0 =	vld.idx.msk [tilespmem:v3+s16+$0x0], $0xffff  }
0x491: {  	[tilespmem:v6+s21+$0x0] =	vst.idx.msk $0xffff, v5;
	v4 =	vor.u32 v24, v20;
	v2 =	vld.idx.msk [tilespmem:v7+s16+$0x0], $0xffff  }
0x492: {  	v6 =	vor.u32 v24, v43;
	v5 =	vld.idx.msk [tilespmem:v10+s16+$0x0], $0xffff;
	[tilespmem:v9+s21+$0x0] =	vst.idx.msk $0xffff, v8  }
0x493: {  	v9 =	vor.u32 v26, v13;
	v8 =	vld.idx.msk [tilespmem:v14+s16+$0x0], $0xffff;
	_ =	sdelay $0x1  }
0x494: {  	[tilespmem:v1+s21+$0x0] =	vst.idx.msk $0xffff, v0  }
0x495: {  	v3 =	vor.u32 v25, v19;
	[tilespmem:v4+s21+$0x0] =	vst.idx.msk $0xffff, v2  }
0x496: {  	v7 =	vor.u32 v25, v12;
	[tilespmem:v6+s21+$0x0] =	vst.idx.msk $0xffff, v5  }
0x497: {  	v14 =	vor.u32 v27, v21;
	[tilespmem:v9+s21+$0x0] =	vst.idx.msk $0xffff, v8  }
0x498: {  	v10 =	vor.u32 v25, v17;
	v35 =	vld [tilespmem:$0x1FC90];
	_ =	sdelay $0x1  }
0x499: {  	v1 =	vor.u32 v26, v18;
	v0 =	vld.idx.msk [tilespmem:v3+s16+$0x0], $0xffff  }
0x49a: {  	v4 =	vor.u32 v26, v11;
	v2 =	vld.idx.msk [tilespmem:v7+s16+$0x0], $0xffff;
	v3 =	vor.u32 v27, v19  }
0x49b: {  	v8 =	vor.u32 v27, v12;
	v9 =	vor.u32 v49, v13;
	v7 =	vld.idx.msk [tilespmem:v14+s16+$0x0], $0xffff  }
0x49c: {  	v5 =	vld.idx.msk [tilespmem:v10+s16+$0x0], $0xffff;
	v10 =	vor.u32 v35, v21;
	_ =	sdelay $0x1  }
0x49d: {  	v6 =	vor.u32 v26, v39;
	[tilespmem:v1+s21+$0x0] =	vst.idx.msk $0xffff, v0  }
0x49e: {  	[tilespmem:v4+s21+$0x0] =	vst.idx.msk $0xffff, v2;
	v2 =	vor.u32 v49, v18;
	v3 =	vld.idx.msk [tilespmem:v3+s16+$0x0], $0xffff  }
0x49f: {  	v14 =	vor.u32 v27, v17;
	v8 =	vld.idx.msk [tilespmem:v8+s16+$0x0], $0xffff;
	[tilespmem:v9+s21+$0x0] =	vst.idx.msk $0xffff, v7;
	v7 =	vor.u32 v49, v11  }
0x4a0: {  	v22 =	vor.u32 v31, v13;
	v36 =	vor.u32 v35, v12;
	v9 =	vld.idx.msk [tilespmem:v10+s16+$0x0], $0xffff;
	_ =	sdelay $0x1  }
0x4a1: {  	s28 =	simm.s32 $0x4;
	[tilespmem:v6+s21+$0x0] =	vst.idx.msk $0xffff, v5  }
0x4a2: {  	v0 =	vadd.s32 s28, v47;
	v6 =	vor.u32 v35, v19;
	[tilespmem:v2+s21+$0x0] =	vst.idx.msk $0xffff, v3  }
0x4a3: {  	v4 =	vand.u32 $0xF, v0;
	v14 =	vld.idx.msk [tilespmem:v14+s16+$0x0], $0xffff;
	[tilespmem:v7+s21+$0x0] =	vst.idx.msk $0xffff, v8  }
0x4a4: {  	v40 =	vmov v28;
	v28 =	vor.u32 v44, v4;
	v24 =	vld.idx.msk [tilespmem:v36+s16+$0x0], $0xffff;
	[tilespmem:v22+s21+$0x0] =	vst.idx.msk $0xffff, v9  }
0x4a5: {  	v37 =	vor.u32 v61, v21;
	v10 =	vor.u32 v49, v39;
	v36 =	vld [tilespmem:$0x1FFF0]  }
0x4a6: {  	s28 =	simm.s32 $0x5  }
0x4a7: {  	v58 =	vmovc v29;
	v29 =	vor.u32 v31, v11;
	v27 =	vor.u32 v31, v18;
	v1 =	vadd.s32 s28, v47;
	v30 =	vld.idx.msk [tilespmem:v6+s16+$0x0], $0xffff  }
0x4a8: {  	v23 =	vor.u32 v31, v39;
	v5 =	vand.u32 $0xF, v1;
	v6 =	vshll.u32 v4, $0x7  }
0x4a9: {  	s28 =	simm.s32 $0x6;
	v31 =	vor.u32 v44, v5;
	v26 =	vor.u32 v35, v17;
	v28 =	vld.idx.msk [tilespmem:v28+s16+$0x0], $0xffff;
	v35 =	vor.u32 v47, v6  }
0x4aa: {  	v3 =	vadd.s32 s28, v47;
	s28 =	simm.s32 $0x7;
	v25 =	vld.idx.msk [tilespmem:v37+s16+$0x0], $0xffff;
	[tilespmem:v10+s21+$0x0] =	vst.idx.msk $0xffff, v14;
	v41 =	vor.u32 v36, v13  }
0x4ab: {  	v2 =	vadd.s32 s28, v47;
	v7 =	vand.u32 $0xF, v3;
	v46 =	vld [tilespmem:$0x1FE60]  }
0x4ac: {  	v8 =	vand.u32 $0xF, v2;
	v32 =	vor.u32 v44, v7;
	[tilespmem:v27+s21+$0x0] =	vst.idx.msk $0xffff, v30  }
0x4ad: {  	v22 =	vor.u32 v44, v8;
	[tilespmem:v29+s21+$0x0] =	vst.idx.msk $0xffff, v24  }
0x4ae: {  	v57 =	vor.u32 v48, v4;
	v49 =	vmov v61;
	v14 =	vshll.u32 v5, $0x7;
	v26 =	vld.idx.msk [tilespmem:v26+s16+$0x0], $0xffff;
	[tilespmem:v35+s21+$0x0] =	vst.idx.msk $0xffff, v28  }
0x4af: {  	v31 =	vld.idx.msk [tilespmem:v31+s16+$0x0], $0xffff;
	v30 =	vor.u32 v49, v12;
	v60 =	vor.u32 v47, v14;
	[tilespmem:v41+s21+$0x0] =	vst.idx.msk $0xffff, v25  }
0x4b0: {  	v61 =	vmov v34;
	v10 =	vshll.u32 v7, $0x7;
	v34 =	vor.u32 v46, v21;
	v15 =	vld [tilespmem:$0x1FE70]  }
0x4b1: {  	v9 =	vshll.u32 v8, $0x7;
	v24 =	vor.u32 v47, v10;
	v29 =	vld.idx.msk [tilespmem:v32+s16+$0x0], $0xffff  }
0x4b2: {  	v32 =	vor.u32 v49, v19;
	v22 =	vld.idx.msk [tilespmem:v22+s16+$0x0], $0xffff;
	v41 =	vor.u32 v47, v9  }
0x4b3: {  	v16 =	vmov v45;
	v27 =	vor.u32 v59, v6;
	v45 =	vmov v36;
	[tilespmem:v23+s21+$0x0] =	vst.idx.msk $0xffff, v26;
	v26 =	vld.idx.msk [tilespmem:v57+s16+$0x0], $0xffff  }
0x4b4: {  	v28 =	vor.u32 v48, v7;
	v30 =	vld.idx.msk [tilespmem:v30+s16+$0x0], $0xffff;
	[tilespmem:v60+s21+$0x0] =	vst.idx.msk $0xffff, v31;
	v60 =	vor.u32 v45, v11  }
0x4b5: {  	v25 =	vor.u32 v48, v5;
	v34 =	vld.idx.msk [tilespmem:v34+s16+$0x0], $0xffff;
	v35 =	vor.u32 v15, v13  }
0x4b6: {  	v57 =	vld [tilespmem:$0x1FE80];
	[tilespmem:v24+s21+$0x0] =	vst.idx.msk $0xffff, v29  }
0x4b7: {  	v23 =	vor.u32 v48, v8;
	[tilespmem:v41+s21+$0x0] =	vst.idx.msk $0xffff, v22  }
0x4b8: {  	v32 =	vld.idx.msk [tilespmem:v32+s16+$0x0], $0xffff;
	v22 =	vor.u32 v46, v12;
	[tilespmem:v27+s21+$0x0] =	vst.idx.msk $0xffff, v26  }
0x4b9: {  	v24 =	vor.u32 v45, v18;
	v29 =	vor.u32 v33, v4;
	v28 =	vld.idx.msk [tilespmem:v28+s16+$0x0], $0xffff;
	[tilespmem:v60+s21+$0x0] =	vst.idx.msk $0xffff, v30  }
0x4ba: {  	v48 =	vor.u32 v59, v10;
	v25 =	vld.idx.msk [tilespmem:v25+s16+$0x0], $0xffff;
	[tilespmem:v35+s21+$0x0] =	vst.idx.msk $0xffff, v34;
	v34 =	vor.u32 v46, v19  }
0x4bb: {  	v41 =	vor.u32 v59, v14;
	v31 =	vor.u32 v57, v21;
	v60 =	vld [tilespmem:$0x1FE90]  }
0x4bc: {  	v27 =	vor.u32 v59, v9;
	v23 =	vld.idx.msk [tilespmem:v23+s16+$0x0], $0xffff  }
0x4bd: {  	v59 =	vor.u32 v15, v11;
	v22 =	vld.idx.msk [tilespmem:v22+s16+$0x0], $0xffff  }
0x4be: {  	v26 =	vor.u32 v33, v5;
	v29 =	vld.idx.msk [tilespmem:v29+s16+$0x0], $0xffff;
	[tilespmem:v24+s21+$0x0] =	vst.idx.msk $0xffff, v32;
	v32 =	vor.u32 v51, v6  }
0x4bf: {  	v30 =	vor.u32 v33, v7;
	[tilespmem:v48+s21+$0x0] =	vst.idx.msk $0xffff, v28;
	v48 =	vor.u32 v15, v18;
	v34 =	vld.idx.msk [tilespmem:v34+s16+$0x0], $0xffff  }
0x4c0: {  	v31 =	vld.idx.msk [tilespmem:v31+s16+$0x0], $0xffff;
	v24 =	vor.u32 v33, v8;
	[tilespmem:v41+s21+$0x0] =	vst.idx.msk $0xffff, v25;
	v36 =	vor.u32 v60, v13  }
0x4c1: {  	v37 =	vld [tilespmem:$0x1FEA0];
	[tilespmem:v27+s21+$0x0] =	vst.idx.msk $0xffff, v23  }
0x4c2: {  	v41 =	vor.u32 v52, v4;
	[tilespmem:v59+s21+$0x0] =	vst.idx.msk $0xffff, v22  }
0x4c3: {  	v23 =	vor.u32 v51, v14;
	v26 =	vld.idx.msk [tilespmem:v26+s16+$0x0], $0xffff;
	v27 =	vor.u32 v57, v19;
	[tilespmem:v32+s21+$0x0] =	vst.idx.msk $0xffff, v29  }
0x4c4: {  	v30 =	vld.idx.msk [tilespmem:v30+s16+$0x0], $0xffff;
	[tilespmem:v48+s21+$0x0] =	vst.idx.msk $0xffff, v34  }
0x4c5: {  	v24 =	vld.idx.msk [tilespmem:v24+s16+$0x0], $0xffff;
	[tilespmem:v36+s21+$0x0] =	vst.idx.msk $0xffff, v31;
	v31 =	vor.u32 v57, v12;
	v36 =	vor.u32 v51, v10  }
0x4c6: {  	v29 =	vor.u32 v51, v9;
	v28 =	vor.u32 v37, v21;
	v51 =	vld [tilespmem:$0x1FEB0]  }
0x4c7: {  	v33 =	vld.idx.msk [tilespmem:v41+s16+$0x0], $0xffff  }
0x4c8: {  	v25 =	vor.u32 v50, v6;
	[tilespmem:v23+s21+$0x0] =	vst.idx.msk $0xffff, v26;
	v26 =	vld.idx.msk [tilespmem:v27+s16+$0x0], $0xffff  }
0x4c9: {  	v48 =	vor.u32 v60, v18;
	v41 =	vld [tilespmem:$0x1FCC0]  }
0x4ca: {  	[tilespmem:v36+s21+$0x0] =	vst.idx.msk $0xffff, v30;
	v30 =	vld.idx.msk [tilespmem:v31+s16+$0x0], $0xffff;
	v31 =	vor.u32 v60, v11  }
0x4cb: {  	v32 =	vor.u32 v52, v7;
	v28 =	vld.idx.msk [tilespmem:v28+s16+$0x0], $0xffff;
	v59 =	vor.u32 v51, v13  }
0x4cc: {  	v36 =	vld [tilespmem:$0x1FEC0];
	[tilespmem:v29+s21+$0x0] =	vst.idx.msk $0xffff, v24  }
0x4cd: {  	v22 =	vor.u32 v52, v8;
	[tilespmem:v25+s21+$0x0] =	vst.idx.msk $0xffff, v33  }
0x4ce: {  	v34 =	vor.u32 v52, v5;
	[tilespmem:v48+s21+$0x0] =	vst.idx.msk $0xffff, v26  }
0x4cf: {  	v24 =	vor.u32 v37, v19;
	[tilespmem:v31+s21+$0x0] =	vst.idx.msk $0xffff, v30  }
0x4d0: {  	v52 =	vor.u32 v50, v9;
	v32 =	vld.idx.msk [tilespmem:v32+s16+$0x0], $0xffff;
	v23 =	vor.u32 v41, v4;
	[tilespmem:v59+s21+$0x0] =	vst.idx.msk $0xffff, v28  }
0x4d1: {  	v29 =	vor.u32 v50, v10;
	v21 =	vor.u32 v36, v21;
	v59 =	vor.u32 v50, v14;
	v50 =	vld [tilespmem:$0x1FED0]  }
0x4d2: {  	v25 =	vor.u32 v37, v12;
	v22 =	vld.idx.msk [tilespmem:v22+s16+$0x0], $0xffff  }
0x4d3: {  	v34 =	vld.idx.msk [tilespmem:v34+s16+$0x0], $0xffff  }
0x4d4: {  	v33 =	vor.u32 v49, v17;
	v31 =	vor.u32 v51, v18;
	v24 =	vld.idx.msk [tilespmem:v24+s16+$0x0], $0xffff  }
0x4d5: {  	v27 =	vor.u32 v61, v6;
	v26 =	vor.u32 v41, v8;
	v23 =	vld.idx.msk [tilespmem:v23+s16+$0x0], $0xffff  }
0x4d6: {  	v28 =	vor.u32 v41, v7;
	[tilespmem:v29+s21+$0x0] =	vst.idx.msk $0xffff, v32;
	v21 =	vld.idx.msk [tilespmem:v21+s16+$0x0], $0xffff;
	v13 =	vor.u32 v50, v13  }
0x4d7: {  	v48 =	vor.u32 v51, v11;
	v25 =	vld.idx.msk [tilespmem:v25+s16+$0x0], $0xffff;
	[tilespmem:v52+s21+$0x0] =	vst.idx.msk $0xffff, v22  }
0x4d8: {  	v52 =	vld [tilespmem:$0x1FEE0];
	[tilespmem:v59+s21+$0x0] =	vst.idx.msk $0xffff, v34  }
0x4d9: {  	v32 =	vld.idx.msk [tilespmem:v33+s16+$0x0], $0xffff;
	[tilespmem:v31+s21+$0x0] =	vst.idx.msk $0xffff, v24  }
0x4da: {  	v30 =	vor.u32 v41, v5;
	v26 =	vld.idx.msk [tilespmem:v26+s16+$0x0], $0xffff;
	[tilespmem:v27+s21+$0x0] =	vst.idx.msk $0xffff, v23  }
0x4db: {  	v29 =	vor.u32 v38, v4;
	v28 =	vld.idx.msk [tilespmem:v28+s16+$0x0], $0xffff;
	[tilespmem:v13+s21+$0x0] =	vst.idx.msk $0xffff, v21  }
0x4dc: {  	v34 =	vor.u32 v61, v10;
	v35 =	vld [tilespmem:$0x1FC50];
	[tilespmem:v48+s21+$0x0] =	vst.idx.msk $0xffff, v25  }
0x4dd: {  	v41 =	vld [tilespmem:$0x1FEF0]  }
0x4de: {  	v23 =	vor.u32 v61, v9;
	v22 =	vor.u32 v52, v63;
	v13 =	vor.u32 v61, v14;
	v61 =	vld [tilespmem:$0x1FBD0]  }
0x4df: {  	v27 =	vld.idx.msk [tilespmem:v30+s16+$0x0], $0xffff  }
0x4e0: {  	v21 =	vld.idx.msk [tilespmem:v29+s16+$0x0], $0xffff  }
0x4e1: {  	v12 =	vor.u32 v36, v12;
	v48 =	vld [tilespmem:$0x1FDD0];
	[tilespmem:v34+s21+$0x0] =	vst.idx.msk $0xffff, v28;
	v28 =	vor.u32 v45, v39  }
0x4e2: {  	v30 =	vor.u32 v38, v7;
	v45 =	vld [tilespmem:$0x1FF00];
	v24 =	vor.u32 v35, v6  }
0x4e3: {  	v29 =	vor.u32 v38, v8;
	v22 =	vld.idx.msk [tilespmem:v22+s16+$0x0], $0xffff;
	v25 =	vor.u32 v41, v61  }
0x4e4: {  	[tilespmem:v23+s21+$0x0] =	vst.idx.msk $0xffff, v26  }
0x4e5: {  	v31 =	vor.u32 v38, v5;
	[tilespmem:v13+s21+$0x0] =	vst.idx.msk $0xffff, v27  }
0x4e6: {  	v33 =	vor.u32 v16, v4;
	v59 =	vmov v49;
	v12 =	vld.idx.msk [tilespmem:v12+s16+$0x0], $0xffff;
	[tilespmem:v28+s21+$0x0] =	vst.idx.msk $0xffff, v32  }
0x4e7: {  	v11 =	vor.u32 v50, v11;
	v23 =	vld.idx.msk [tilespmem:v30+s16+$0x0], $0xffff;
	v49 =	vor.u32 v45, v63;
	[tilespmem:v24+s21+$0x0] =	vst.idx.msk $0xffff, v21  }
0x4e8: {  	v38 =	vor.u32 v46, v17;
	v27 =	vld.idx.msk [tilespmem:v29+s16+$0x0], $0xffff;
	v13 =	vor.u32 v35, v10;
	[tilespmem:v25+s21+$0x0] =	vst.idx.msk $0xffff, v22  }
0x4e9: {  	v46 =	vld [tilespmem:$0x1FF10]  }
0x4ea: {  	v29 =	vor.u32 v52, v53;
	v24 =	vld.idx.msk [tilespmem:v31+s16+$0x0], $0xffff  }
0x4eb: {  	v30 =	vor.u32 v16, v7;
	v21 =	vor.u32 v35, v9;
	v22 =	vld.idx.msk [tilespmem:v33+s16+$0x0], $0xffff  }
0x4ec: {  	v31 =	vor.u32 v35, v14;
	v25 =	vor.u32 v16, v8;
	v32 =	vld.idx.msk [tilespmem:v49+s16+$0x0], $0xffff;
	[tilespmem:v11+s21+$0x0] =	vst.idx.msk $0xffff, v12  }
0x4ed: {  	v28 =	vor.u32 v16, v5;
	v33 =	vor.u32 v40, v6;
	v12 =	vld.idx.msk [tilespmem:v38+s16+$0x0], $0xffff;
	[tilespmem:v13+s21+$0x0] =	vst.idx.msk $0xffff, v23  }
0x4ee: {  	v11 =	vor.u32 v58, v4;
	v38 =	vld [tilespmem:$0x1FF20];
	v49 =	vor.u32 v46, v61  }
0x4ef: {  	v13 =	vor.u32 v15, v39;
	v26 =	vld.idx.msk [tilespmem:v29+s16+$0x0], $0xffff  }
0x4f0: {  	[tilespmem:v21+s21+$0x0] =	vst.idx.msk $0xffff, v27;
	v21 =	vor.u32 v41, v20;
	v27 =	vld.idx.msk [tilespmem:v30+s16+$0x0], $0xffff  }
0x4f1: {  	v29 =	vor.u32 v57, v17;
	v57 =	vor.u32 v40, v10;
	[tilespmem:v31+s21+$0x0] =	vst.idx.msk $0xffff, v24;
	v25 =	vld.idx.msk [tilespmem:v25+s16+$0x0], $0xffff  }
0x4f2: {  	[tilespmem:v33+s21+$0x0] =	vst.idx.msk $0xffff, v22;
	v28 =	vld.idx.msk [tilespmem:v28+s16+$0x0], $0xffff  }
0x4f3: {  	v30 =	vor.u32 v45, v53;
	v22 =	vor.u32 v40, v9;
	[tilespmem:v49+s21+$0x0] =	vst.idx.msk $0xffff, v32;
	v32 =	vld.idx.msk [tilespmem:v11+s16+$0x0], $0xffff  }
0x4f4: {  	v33 =	vor.u32 v40, v14;
	v23 =	vor.u32 v38, v63;
	v40 =	vld [tilespmem:$0x1FD30];
	[tilespmem:v13+s21+$0x0] =	vst.idx.msk $0xffff, v12  }
0x4f5: {  	v31 =	vor.u32 v58, v7;
	v49 =	vld [tilespmem:$0x1FF30];
	[tilespmem:v21+s21+$0x0] =	vst.idx.msk $0xffff, v26  }
0x4f6: {  	v21 =	vld.idx.msk [tilespmem:v29+s16+$0x0], $0xffff;
	[tilespmem:v57+s21+$0x0] =	vst.idx.msk $0xffff, v27  }
0x4f7: {  	v24 =	vor.u32 v60, v39;
	v16 =	vld [tilespmem:$0x1FD40]  }
0x4f8: {  	v27 =	vld.idx.msk [tilespmem:v30+s16+$0x0], $0xffff;
	[tilespmem:v22+s21+$0x0] =	vst.idx.msk $0xffff, v25;
	v22 =	vor.u32 v46, v20  }
0x4f9: {  	v13 =	vld.idx.msk [tilespmem:v23+s16+$0x0], $0xffff;
	v35 =	vor.u32 v40, v6  }
0x4fa: {  	v29 =	vld.idx.msk [tilespmem:v31+s16+$0x0], $0xffff;
	v23 =	vor.u32 v49, v61  }
0x4fb: {  	v57 =	vld [tilespmem:$0x1FF40];
	[tilespmem:v33+s21+$0x0] =	vst.idx.msk $0xffff, v28;
	v28 =	vor.u32 v40, v10  }
0x4fc: {  	[tilespmem:v24+s21+$0x0] =	vst.idx.msk $0xffff, v21  }
0x4fd: {  	v34 =	vor.u32 v58, v8;
	[tilespmem:v22+s21+$0x0] =	vst.idx.msk $0xffff, v27  }
0x4fe: {  	v12 =	vor.u32 v58, v5;
	[tilespmem:v35+s21+$0x0] =	vst.idx.msk $0xffff, v32  }
0x4ff: {  	v30 =	vor.u32 v37, v17;
	v26 =	vor.u32 v16, v0;
	[tilespmem:v23+s21+$0x0] =	vst.idx.msk $0xffff, v13  }
0x500: {  	v32 =	vor.u32 v40, v9;
	v35 =	vor.u32 v40, v14;
	v40 =	vld [tilespmem:$0x1FD50];
	[tilespmem:v28+s21+$0x0] =	vst.idx.msk $0xffff, v29  }
0x501: {  	v60 =	vor.u32 v57, v63;
	v37 =	vld [tilespmem:$0x1FF50]  }
0x502: {  	v31 =	vld.idx.msk [tilespmem:v34+s16+$0x0], $0xffff  }
0x503: {  	v34 =	vld.idx.msk [tilespmem:v12+s16+$0x0], $0xffff  }
0x504: {  	v11 =	vshll.u32 v0, $0x7;
	v33 =	vor.u32 v38, v53;
	v29 =	vld.idx.msk [tilespmem:v30+s16+$0x0], $0xffff;
	v30 =	vor.u32 v51, v39  }
0x505: {  	v24 =	vor.u32 v16, v2;
	v23 =	vld.idx.msk [tilespmem:v26+s16+$0x0], $0xffff;
	v22 =	vor.u32 v40, v11  }
0x506: {  	v58 =	vor.u32 v16, v1;
	v25 =	vld.idx.msk [tilespmem:v60+s16+$0x0], $0xffff;
	v60 =	vor.u32 v37, v61  }
0x507: {  	v21 =	vor.u32 v16, v3;
	v16 =	vld [tilespmem:$0x1FC60];
	[tilespmem:v32+s21+$0x0] =	vst.idx.msk $0xffff, v31  }
0x508: {  	[tilespmem:v35+s21+$0x0] =	vst.idx.msk $0xffff, v34  }
0x509: {  	v19 =	vor.u32 v36, v19;
	v31 =	vld.idx.msk [tilespmem:v33+s16+$0x0], $0xffff;
	[tilespmem:v30+s21+$0x0] =	vst.idx.msk $0xffff, v29  }
0x50a: {  	v15 =	vshll.u32 v1, $0x7;
	v12 =	vshll.u32 v2, $0x7;
	v13 =	vshll.u32 v3, $0x7;
	[tilespmem:v22+s21+$0x0] =	vst.idx.msk $0xffff, v23;
	v22 =	vld.idx.msk [tilespmem:v24+s16+$0x0], $0xffff  }
0x50b: {  	v32 =	vor.u32 v49, v20;
	v51 =	vor.u32 v40, v13;
	v24 =	vld.idx.msk [tilespmem:v58+s16+$0x0], $0xffff;
	[tilespmem:v60+s21+$0x0] =	vst.idx.msk $0xffff, v25  }
0x50c: {  	v28 =	vor.u32 v16, v0;
	v23 =	vor.u32 v40, v12;
	v58 =	vor.u32 v40, v15;
	v40 =	vld [tilespmem:$0x1FD60]  }
0x50d: {  	v21 =	vld.idx.msk [tilespmem:v21+s16+$0x0], $0xffff;
	v34 =	vor.u32 v36, v17;
	_ =	sdelay $0x2  }
0x50e: {  	v19 =	vld.idx.msk [tilespmem:v19+s16+$0x0], $0xffff;
	v33 =	vor.u32 v57, v53  }
0x50f: {  	v25 =	vor.u32 v16, v3;
	v60 =	vld.idx.msk [tilespmem:v28+s16+$0x0], $0xffff;
	[tilespmem:v32+s21+$0x0] =	vst.idx.msk $0xffff, v31;
	v29 =	vor.u32 v40, v11  }
0x510: {  	v18 =	vor.u32 v50, v18;
	[tilespmem:v51+s21+$0x0] =	vst.idx.msk $0xffff, v21;
	v31 =	vld.idx.msk [tilespmem:v34+s16+$0x0], $0xffff  }
0x511: {  	v17 =	vor.u32 v50, v39;
	v28 =	vor.u32 v16, v2;
	v35 =	vld [tilespmem:$0x1FD70]  }
0x512: {  	[tilespmem:v23+s21+$0x0] =	vst.idx.msk $0xffff, v22  }
0x513: {  	v23 =	vld.idx.msk [tilespmem:v33+s16+$0x0], $0xffff;
	[tilespmem:v58+s21+$0x0] =	vst.idx.msk $0xffff, v24  }
0x514: {  	v25 =	vld.idx.msk [tilespmem:v25+s16+$0x0], $0xffff;
	[tilespmem:v29+s21+$0x0] =	vst.idx.msk $0xffff, v60  }
0x515: {  	v30 =	vor.u32 v16, v1;
	v51 =	vor.u32 v37, v20;
	v33 =	vld [tilespmem:$0x1FF60];
	[tilespmem:v18+s21+$0x0] =	vst.idx.msk $0xffff, v19  }
0x516: {  	v28 =	vld.idx.msk [tilespmem:v28+s16+$0x0], $0xffff;
	v58 =	vor.u32 v40, v13;
	v21 =	vor.u32 v35, v0;
	[tilespmem:v17+s21+$0x0] =	vst.idx.msk $0xffff, v31  }
0x517: {  	v22 =	vor.u32 v52, v56;
	v29 =	vor.u32 v40, v12;
	v16 =	vld [tilespmem:$0x1FD80];
	_ =	sdelay $0x1  }
0x518: {  	v52 =	vor.u32 v52, v42  }
0x519: {  	v30 =	vld.idx.msk [tilespmem:v30+s16+$0x0], $0xffff;
	[tilespmem:v51+s21+$0x0] =	vst.idx.msk $0xffff, v23  }
0x51a: {  	v18 =	vor.u32 v35, v3;
	v19 =	vor.u32 v40, v15;
	v21 =	vld.idx.msk [tilespmem:v21+s16+$0x0], $0xffff;
	[tilespmem:v58+s21+$0x0] =	vst.idx.msk $0xffff, v25  }
0x51b: {  	v22 =	vld.idx.msk [tilespmem:v22+s16+$0x0], $0xffff;
	[tilespmem:v29+s21+$0x0] =	vst.idx.msk $0xffff, v28;
	v60 =	vor.u32 v33, v53;
	v31 =	vor.u32 v16, v11  }
0x51c: {  	v39 =	vor.u32 v41, v54;
	v34 =	vld [tilespmem:$0x1FF70]  }
0x51d: {  	v50 =	vor.u32 v41, v43;
	v17 =	vor.u32 v35, v2;
	v24 =	vld.idx.msk [tilespmem:v52+s16+$0x0], $0xffff;
	_ =	sdelay $0x1  }
0x51e: {  	v18 =	vld.idx.msk [tilespmem:v18+s16+$0x0], $0xffff;
	[tilespmem:v19+s21+$0x0] =	vst.idx.msk $0xffff, v30  }
0x51f: {  	v30 =	vor.u32 v16, v13;
	v27 =	vld.idx.msk [tilespmem:v60+s16+$0x0], $0xffff;
	[tilespmem:v31+s21+$0x0] =	vst.idx.msk $0xffff, v21  }
0x520: {  	v23 =	vor.u32 v35, v1;
	v29 =	vor.u32 v34, v20;
	v35 =	vld [tilespmem:$0x1FF80];
	[tilespmem:v39+s21+$0x0] =	vst.idx.msk $0xffff, v22  }
0x521: {  	v40 =	vor.u32 v55, v0;
	v17 =	vld.idx.msk [tilespmem:v17+s16+$0x0], $0xffff;
	v31 =	vor.u32 v16, v12;
	[tilespmem:v50+s21+$0x0] =	vst.idx.msk $0xffff, v24  }
0x522: {  	v51 =	vor.u32 v16, v15;
	v16 =	vld [tilespmem:$0x1FDA0]  }
0x523: {  	v28 =	vor.u32 v45, v56  }
0x524: {  	v19 =	vor.u32 v45, v42;
	[tilespmem:v30+s21+$0x0] =	vst.idx.msk $0xffff, v18  }
0x525: {  	v23 =	vld.idx.msk [tilespmem:v23+s16+$0x0], $0xffff;
	v22 =	vor.u32 v55, v3;
	[tilespmem:v29+s21+$0x0] =	vst.idx.msk $0xffff, v27  }
0x526: {  	v52 =	vor.u32 v55, v2;
	v25 =	vld.idx.msk [tilespmem:v40+s16+$0x0], $0xffff;
	[tilespmem:v31+s21+$0x0] =	vst.idx.msk $0xffff, v17  }
0x527: {  	v21 =	vor.u32 v35, v53;
	v36 =	vld [tilespmem:$0x1FF90];
	v58 =	vor.u32 v16, v11  }
0x528: {  	v28 =	vld.idx.msk [tilespmem:v28+s16+$0x0], $0xffff;
	v29 =	vor.u32 v46, v54  }
0x529: {  	v19 =	vld.idx.msk [tilespmem:v19+s16+$0x0], $0xffff;
	v30 =	vor.u32 v46, v43  }
0x52a: {  	v60 =	vor.u32 v55, v1;
	v22 =	vld.idx.msk [tilespmem:v22+s16+$0x0], $0xffff  }
0x52b: {  	v18 =	vor.u32 v62, v0;
	[tilespmem:v51+s21+$0x0] =	vst.idx.msk $0xffff, v23;
	v24 =	vld.idx.msk [tilespmem:v52+s16+$0x0], $0xffff;
	v40 =	vor.u32 v16, v13  }
0x52c: {  	v17 =	vor.u32 v38, v56;
	v21 =	vld.idx.msk [tilespmem:v21+s16+$0x0], $0xffff;
	v31 =	vor.u32 v36, v20;
	[tilespmem:v58+s21+$0x0] =	vst.idx.msk $0xffff, v25  }
0x52d: {  	v23 =	vor.u32 v38, v42;
	v50 =	vor.u32 v16, v12;
	v38 =	vld [tilespmem:$0x1FFA0];
	[tilespmem:v29+s21+$0x0] =	vst.idx.msk $0xffff, v28  }
0x52e: {  	[tilespmem:v30+s21+$0x0] =	vst.idx.msk $0xffff, v19  }
0x52f: {  	v51 =	vld [tilespmem:$0x1FC70]  }
0x530: {  	v27 =	vld.idx.msk [tilespmem:v60+s16+$0x0], $0xffff;
	[tilespmem:v40+s21+$0x0] =	vst.idx.msk $0xffff, v22  }
0x531: {  	v28 =	vor.u32 v62, v3;
	v29 =	vor.u32 v16, v15;
	v18 =	vld.idx.msk [tilespmem:v18+s16+$0x0], $0xffff;
	[tilespmem:v31+s21+$0x0] =	vst.idx.msk $0xffff, v21  }
0x532: {  	v21 =	vor.u32 v62, v1;
	v52 =	vld [tilespmem:$0x1FDC0];
	[tilespmem:v50+s21+$0x0] =	vst.idx.msk $0xffff, v24  }
0x533: {  	v41 =	vor.u32 v38, v53;
	v40 =	vld [tilespmem:$0x1FFB0]  }
0x534: {  	v19 =	vor.u32 v62, v2;
	v17 =	vld.idx.msk [tilespmem:v17+s16+$0x0], $0xffff;
	v30 =	vor.u32 v51, v11  }
0x535: {  	v23 =	vld.idx.msk [tilespmem:v23+s16+$0x0], $0xffff;
	v31 =	vor.u32 v49, v54  }
0x536: {  	v55 =	vor.u32 v49, v43;
	v58 =	vor.u32 v57, v56;
	v28 =	vld.idx.msk [tilespmem:v28+s16+$0x0], $0xffff;
	[tilespmem:v29+s21+$0x0] =	vst.idx.msk $0xffff, v27  }
0x537: {  	v62 =	vor.u32 v57, v42;
	v29 =	vor.u32 v51, v13;
	v21 =	vld.idx.msk [tilespmem:v21+s16+$0x0], $0xffff  }
0x538: {  	v22 =	vor.u32 v52, v0;
	v25 =	vld.idx.msk [tilespmem:v41+s16+$0x0], $0xffff;
	v60 =	vor.u32 v40, v20  }
0x539: {  	[tilespmem:v30+s21+$0x0] =	vst.idx.msk $0xffff, v18;
	v18 =	vld.idx.msk [tilespmem:v19+s16+$0x0], $0xffff;
	v19 =	vor.u32 v51, v12  }
0x53a: {  	v30 =	vor.u32 v51, v15;
	v41 =	vld [tilespmem:$0x1FFC0];
	[tilespmem:v31+s21+$0x0] =	vst.idx.msk $0xffff, v17  }
0x53b: {  	v50 =	vor.u32 v37, v54;
	[tilespmem:v55+s21+$0x0] =	vst.idx.msk $0xffff, v23;
	v24 =	vld.idx.msk [tilespmem:v58+s16+$0x0], $0xffff  }
0x53c: {  	[tilespmem:v29+s21+$0x0] =	vst.idx.msk $0xffff, v28;
	v29 =	vor.u32 v37, v43;
	v27 =	vld.idx.msk [tilespmem:v62+s16+$0x0], $0xffff  }
0x53d: {  	v31 =	vor.u32 v48, v11;
	v22 =	vld.idx.msk [tilespmem:v22+s16+$0x0], $0xffff;
	[tilespmem:v60+s21+$0x0] =	vst.idx.msk $0xffff, v25  }
0x53e: {  	v51 =	vld [tilespmem:$0x1FC80];
	[tilespmem:v19+s21+$0x0] =	vst.idx.msk $0xffff, v18  }
0x53f: {  	v16 =	vor.u32 v41, v53;
	v32 =	vld [tilespmem:$0x1FFD0];
	[tilespmem:v30+s21+$0x0] =	vst.idx.msk $0xffff, v21  }
0x540: {  	v17 =	vor.u32 v52, v3;
	[tilespmem:v50+s21+$0x0] =	vst.idx.msk $0xffff, v24  }
0x541: {  	v23 =	vor.u32 v52, v2;
	[tilespmem:v29+s21+$0x0] =	vst.idx.msk $0xffff, v27  }
0x542: {  	v49 =	vor.u32 v52, v1;
	[tilespmem:v31+s21+$0x0] =	vst.idx.msk $0xffff, v22  }
0x543: {  	v31 =	vld [tilespmem:$0x1FDE0];
	v28 =	vor.u32 v51, v0  }
0x544: {  	v18 =	vor.u32 v33, v56;
	v16 =	vld.idx.msk [tilespmem:v16+s16+$0x0], $0xffff;
	v19 =	vor.u32 v32, v20  }
0x545: {  	v17 =	vld.idx.msk [tilespmem:v17+s16+$0x0], $0xffff;
	v21 =	vor.u32 v48, v13;
	v20 =	vor.u32 v33, v42  }
0x546: {  	v23 =	vld.idx.msk [tilespmem:v23+s16+$0x0], $0xffff;
	v30 =	vor.u32 v48, v12  }
0x547: {  	v53 =	vor.u32 v48, v15;
	v25 =	vld.idx.msk [tilespmem:v49+s16+$0x0], $0xffff  }
0x548: {  	v22 =	vor.u32 v33, v63;
	v29 =	vor.u32 v31, v11;
	v28 =	vld.idx.msk [tilespmem:v28+s16+$0x0], $0xffff  }
0x549: {  	v52 =	vor.u32 v51, v3;
	v18 =	vld.idx.msk [tilespmem:v18+s16+$0x0], $0xffff;
	[tilespmem:v19+s21+$0x0] =	vst.idx.msk $0xffff, v16;
	v19 =	vor.u32 v34, v54  }
0x54a: {  	v55 =	vor.u32 v51, v2;
	[tilespmem:v21+s21+$0x0] =	vst.idx.msk $0xffff, v17;
	v21 =	vor.u32 v34, v43;
	v20 =	vld.idx.msk [tilespmem:v20+s16+$0x0], $0xffff  }
0x54b: {  	v57 =	vld [tilespmem:$0x1FDF0];
	[tilespmem:v30+s21+$0x0] =	vst.idx.msk $0xffff, v23  }
0x54c: {  	v16 =	vor.u32 v51, v1;
	[tilespmem:v53+s21+$0x0] =	vst.idx.msk $0xffff, v25  }
0x54d: {  	v22 =	vld.idx.msk [tilespmem:v22+s16+$0x0], $0xffff;
	v23 =	vor.u32 v35, v56;
	v30 =	vor.u32 v34, v61;
	[tilespmem:v29+s21+$0x0] =	vst.idx.msk $0xffff, v28  }
0x54e: {  	v58 =	vor.u32 v35, v42;
	v60 =	vor.u32 v31, v13;
	v24 =	vld.idx.msk [tilespmem:v52+s16+$0x0], $0xffff;
	[tilespmem:v19+s21+$0x0] =	vst.idx.msk $0xffff, v18  }
0x54f: {  	v27 =	vld.idx.msk [tilespmem:v55+s16+$0x0], $0xffff;
	[tilespmem:v21+s21+$0x0] =	vst.idx.msk $0xffff, v20  }
0x550: {  	v29 =	vor.u32 v31, v12;
	v19 =	vor.u32 v31, v15;
	v17 =	vor.u32 v57, v0;
	v31 =	vld [tilespmem:$0x1FE00]  }
0x551: {  	v16 =	vld.idx.msk [tilespmem:v16+s16+$0x0], $0xffff  }
0x552: {  	[tilespmem:v30+s21+$0x0] =	vst.idx.msk $0xffff, v22;
	v23 =	vld.idx.msk [tilespmem:v23+s16+$0x0], $0xffff  }
0x553: {  	v28 =	vor.u32 v35, v63;
	v30 =	vor.u32 v36, v54;
	[tilespmem:v60+s21+$0x0] =	vst.idx.msk $0xffff, v24;
	v25 =	vld.idx.msk [tilespmem:v58+s16+$0x0], $0xffff  }
0x554: {  	v39 =	vor.u32 v36, v43;
	v18 =	vor.u32 v57, v3;
	v62 =	vld [tilespmem:$0x1FE10]  }
0x555: {  	v20 =	vor.u32 v57, v2;
	v17 =	vld.idx.msk [tilespmem:v17+s16+$0x0], $0xffff;
	v21 =	vor.u32 v31, v11  }
0x556: {  	[tilespmem:v29+s21+$0x0] =	vst.idx.msk $0xffff, v27  }
0x557: {  	v22 =	vor.u32 v57, v1;
	[tilespmem:v19+s21+$0x0] =	vst.idx.msk $0xffff, v16  }
0x558: {  	v45 =	vor.u32 v38, v56;
	v28 =	vld.idx.msk [tilespmem:v28+s16+$0x0], $0xffff;
	[tilespmem:v30+s21+$0x0] =	vst.idx.msk $0xffff, v23  }
0x559: {  	v29 =	vor.u32 v36, v61;
	v16 =	vor.u32 v38, v42;
	v18 =	vld.idx.msk [tilespmem:v18+s16+$0x0], $0xffff;
	[tilespmem:v39+s21+$0x0] =	vst.idx.msk $0xffff, v25  }
0x55a: {  	v19 =	vor.u32 v31, v13;
	v20 =	vld.idx.msk [tilespmem:v20+s16+$0x0], $0xffff;
	v37 =	vor.u32 v62, v4;
	[tilespmem:v21+s21+$0x0] =	vst.idx.msk $0xffff, v17  }
0x55b: {  	v30 =	vor.u32 v31, v15;
	v21 =	vor.u32 v31, v12;
	v31 =	vld [tilespmem:$0x1FE20]  }
0x55c: {  	v22 =	vld.idx.msk [tilespmem:v22+s16+$0x0], $0xffff;
	v17 =	vor.u32 v38, v63  }
0x55d: {  	v23 =	vor.u32 v62, v7;
	v27 =	vld.idx.msk [tilespmem:v45+s16+$0x0], $0xffff  }
0x55e: {  	v46 =	vor.u32 v62, v8;
	v16 =	vld.idx.msk [tilespmem:v16+s16+$0x0], $0xffff;
	[tilespmem:v29+s21+$0x0] =	vst.idx.msk $0xffff, v28;
	v29 =	vor.u32 v40, v54  }
0x55f: {  	v24 =	vld.idx.msk [tilespmem:v37+s16+$0x0], $0xffff;
	[tilespmem:v19+s21+$0x0] =	vst.idx.msk $0xffff, v18;
	v19 =	vor.u32 v40, v43  }
0x560: {  	v49 =	vld [tilespmem:$0x1FE30];
	v48 =	vor.u32 v31, v6  }
0x561: {  	[tilespmem:v21+s21+$0x0] =	vst.idx.msk $0xffff, v20;
	v17 =	vld.idx.msk [tilespmem:v17+s16+$0x0], $0xffff;
	v21 =	vor.u32 v40, v61  }
0x562: {  	v28 =	vor.u32 v62, v5;
	[tilespmem:v30+s21+$0x0] =	vst.idx.msk $0xffff, v22;
	v22 =	vld.idx.msk [tilespmem:v23+s16+$0x0], $0xffff;
	v30 =	vor.u32 v31, v10  }
0x563: {  	v50 =	vld.idx.msk [tilespmem:v46+s16+$0x0], $0xffff;
	v52 =	vor.u32 v31, v9;
	[tilespmem:v29+s21+$0x0] =	vst.idx.msk $0xffff, v27  }
0x564: {  	[tilespmem:v19+s21+$0x0] =	vst.idx.msk $0xffff, v16  }
0x565: {  	v23 =	vor.u32 v41, v42;
	[tilespmem:v48+s21+$0x0] =	vst.idx.msk $0xffff, v24  }
0x566: {  	v20 =	vor.u32 v41, v56;
	v55 =	vld [tilespmem:$0x1FE40];
	[tilespmem:v21+s21+$0x0] =	vst.idx.msk $0xffff, v17  }
0x567: {  	v28 =	vld.idx.msk [tilespmem:v28+s16+$0x0], $0xffff;
	v18 =	vor.u32 v49, v4;
	[tilespmem:v30+s21+$0x0] =	vst.idx.msk $0xffff, v22  }
0x568: {  	v51 =	vor.u32 v41, v63;
	v29 =	vor.u32 v31, v14;
	v58 =	vld [tilespmem:$0x1FC90];
	[tilespmem:v52+s21+$0x0] =	vst.idx.msk $0xffff, v50  }
0x569: {  	v16 =	vld [tilespmem:$0x1FE50]  }
0x56a: {  	v53 =	vor.u32 v49, v7;
	v60 =	vld.idx.msk [tilespmem:v23+s16+$0x0], $0xffff  }
0x56b: {  	v19 =	vor.u32 v49, v8;
	v56 =	vld.idx.msk [tilespmem:v20+s16+$0x0], $0xffff  }
0x56c: {  	v18 =	vld.idx.msk [tilespmem:v18+s16+$0x0], $0xffff;
	v17 =	vor.u32 v49, v5;
	v31 =	vor.u32 v55, v6  }
0x56d: {  	v20 =	vld.idx.msk [tilespmem:v51+s16+$0x0], $0xffff;
	[tilespmem:v29+s21+$0x0] =	vst.idx.msk $0xffff, v28  }
0x56e: {  	v57 =	vor.u32 v32, v54;
	v45 =	vor.u32 v16, v6;
	v16 =	vld [tilespmem:$0x1FE50]  }
0x56f: {  	v62 =	vor.u32 v32, v43;
	v23 =	vld.idx.msk [tilespmem:v53+s16+$0x0], $0xffff;
	v30 =	vor.u32 v58, v4  }
0x570: {  	v33 =	vor.u32 v59, v4;
	v36 =	vld.idx.msk [tilespmem:v19+s16+$0x0], $0xffff  }
0x571: {  	v21 =	vor.u32 v32, v61;
	v35 =	vld.idx.msk [tilespmem:v17+s16+$0x0], $0xffff;
	v63 =	vmov v58;
	[tilespmem:v31+s21+$0x0] =	vst.idx.msk $0xffff, v18  }
0x572: {  	v22 =	vor.u32 v55, v10;
	v37 =	vor.u32 v58, v7;
	v40 =	vor.u32 v63, v8;
	v31 =	vld [tilespmem:$0x1FE50]  }
0x573: {  	v39 =	vor.u32 v63, v5;
	[tilespmem:v57+s21+$0x0] =	vst.idx.msk $0xffff, v56;
	v32 =	vor.u32 v16, v14;
	v16 =	vmov v55  }
0x574: {  	s28 =	simm.s32 $0x8;
	v34 =	vld.idx.msk [tilespmem:v30+s16+$0x0], $0xffff;
	[tilespmem:v62+s21+$0x0] =	vst.idx.msk $0xffff, v60;
	v41 =	vor.u32 v16, v9;
	v38 =	vor.u32 v16, v14  }
.LBB2_9:
0x575: {  	v24 =	vmov v12;
	v12 =	vld [tilespmem:$0x1FE50]  }
0x576: {  	v17 =	vadd.s32 s28, v47;
	v56 =	vld [tilespmem:$0x1FFF0]  }
0x577: {  	v42 =	vor.u32 v31, v10;
	v43 =	vor.u32 v31, v9;
	v16 =	vld [tilespmem:$0x1FE60];
	v31 =	vand.u32 $0xF, v17;
	[tilespmem:v21+s21+$0x0] =	vst.idx.msk $0xffff, v20  }
0x578: {  	s29 =	sadd.s32 $0x1, s28;
	s30 =	smov.u32 s28;
	v26 =	vmov v10;
	v48 =	vld [tilespmem:$0x1FC10];
	[tilespmem:v22+s21+$0x0] =	vst.idx.msk $0xffff, v23;
	v10 =	vor.u32 v44, v31  }
0x579: {  	s31 =	sadd.s32 $0x2, s30;
	v21 =	vadd.s32 s29, v47;
	[tilespmem:v41+s21+$0x0] =	vst.idx.msk $0xffff, v36;
	v37 =	vld.idx.msk [tilespmem:v37+s16+$0x0], $0xffff  }
0x57a: {  	v27 =	vmov v7;
	v28 =	vand.u32 $0xF, v21;
	v22 =	vadd.s32 s31, v47;
	[tilespmem:v38+s21+$0x0] =	vst.idx.msk $0xffff, v35;
	v35 =	vld.idx.msk [tilespmem:v40+s16+$0x0], $0xffff  }
0x57b: {  	v30 =	vmov v6;
	[tilespmem:v45+s21+$0x0] =	vst.idx.msk $0xffff, v34;
	v7 =	vand.u32 $0xF, v22;
	v36 =	vor.u32 v44, v28;
	v39 =	vld.idx.msk [tilespmem:v39+s16+$0x0], $0xffff  }
0x57c: {  	v6 =	vshll.u32 v31, $0x7;
	v33 =	vld.idx.msk [tilespmem:v33+s16+$0x0], $0xffff;
	v52 =	vor.u32 v56, v30;
	v38 =	vor.u32 v44, v7  }
0x57d: {  	v54 =	vor.u32 v47, v6;
	v34 =	vld.idx.msk [tilespmem:v10+s16+$0x0], $0xffff  }
0x57e: {  	v62 =	vld [tilespmem:$0x1FFE0];
	v53 =	vor.u32 v16, v4;
	[tilespmem:v42+s21+$0x0] =	vst.idx.msk $0xffff, v37  }
0x57f: {  	v58 =	vld [tilespmem:$0x1FC10];
	s31 =	sadd.s32 $0x3, s30;
	v55 =	vor.u32 v48, v31;
	[tilespmem:v43+s21+$0x0] =	vst.idx.msk $0xffff, v35  }
0x580: {  	v25 =	vmov v2;
	v2 =	vadd.s32 s31, v47;
	v35 =	vld.idx.msk [tilespmem:v36+s16+$0x0], $0xffff;
	[tilespmem:v32+s21+$0x0] =	vst.idx.msk $0xffff, v39  }
0x581: {  	v23 =	vmov v15;
	v15 =	vand.u32 $0xF, v2;
	[tilespmem:v52+s21+$0x0] =	vst.idx.msk $0xffff, v33;
	v32 =	vld.idx.msk [tilespmem:v38+s16+$0x0], $0xffff  }
0x582: {  	v18 =	vshll.u32 v28, $0x7;
	v40 =	vor.u32 v44, v15;
	[tilespmem:v54+s21+$0x0] =	vst.idx.msk $0xffff, v34;
	v54 =	vld [tilespmem:$0x1FE70]  }
0x583: {  	v57 =	vor.u32 v62, v27;
	v46 =	vor.u32 v47, v18;
	v33 =	vld.idx.msk [tilespmem:v53+s16+$0x0], $0xffff  }
0x584: {  	v41 =	vld.idx.msk [tilespmem:v55+s16+$0x0], $0xffff  }
0x585: {  	v10 =	vshll.u32 v7, $0x7;
	v37 =	vor.u32 v62, v8;
	v53 =	vld [tilespmem:$0x1FCA0]  }
0x586: {  	v29 =	vmovc v9;
	v9 =	vshll.u32 v15, $0x7;
	v36 =	vor.u32 v48, v28;
	v43 =	vor.u32 v47, v10;
	v55 =	vld [tilespmem:$0x1FCB0]  }
0x587: {  	v39 =	vor.u32 v47, v9;
	v38 =	vor.u32 v48, v7;
	v40 =	vld.idx.msk [tilespmem:v40+s16+$0x0], $0xffff  }
0x588: {  	v50 =	vor.u32 v56, v26;
	v48 =	vor.u32 v58, v15;
	[tilespmem:v46+s21+$0x0] =	vst.idx.msk $0xffff, v35;
	v46 =	vld.idx.msk [tilespmem:v57+s16+$0x0], $0xffff  }
0x589: {  	v61 =	vld [tilespmem:$0x1FE80];
	v59 =	vor.u32 v54, v30  }
0x58a: {  	v37 =	vld.idx.msk [tilespmem:v37+s16+$0x0], $0xffff;
	v49 =	vor.u32 v53, v6  }
0x58b: {  	v36 =	vld.idx.msk [tilespmem:v36+s16+$0x0], $0xffff;
	[tilespmem:v43+s21+$0x0] =	vst.idx.msk $0xffff, v32;
	v52 =	vor.u32 v55, v31  }
0x58c: {  	v45 =	vor.u32 v16, v8;
	v38 =	vld.idx.msk [tilespmem:v38+s16+$0x0], $0xffff;
	[tilespmem:v39+s21+$0x0] =	vst.idx.msk $0xffff, v40  }
0x58d: {  	v51 =	vor.u32 v56, v29;
	v40 =	vld.idx.msk [tilespmem:v48+s16+$0x0], $0xffff;
	v47 =	vor.u32 v55, v28;
	[tilespmem:v50+s21+$0x0] =	vst.idx.msk $0xffff, v46  }
0x58e: {  	v43 =	vor.u32 v55, v7;
	v48 =	vor.u32 v55, v15;
	v55 =	vld [tilespmem:$0x1FC30];
	[tilespmem:v59+s21+$0x0] =	vst.idx.msk $0xffff, v33  }
0x58f: {  	v34 =	vor.u32 v16, v27;
	v50 =	vld [tilespmem:$0x1FCC0];
	[tilespmem:v49+s21+$0x0] =	vst.idx.msk $0xffff, v41  }
0x590: {  	v63 =	vor.u32 v61, v4;
	v57 =	vor.u32 v53, v10;
	v42 =	vld.idx.msk [tilespmem:v52+s16+$0x0], $0xffff  }
0x591: {  	v52 =	vld [tilespmem:$0x1FE90]  }
0x592: {  	v35 =	vor.u32 v53, v18;
	[tilespmem:v51+s21+$0x0] =	vst.idx.msk $0xffff, v37;
	v59 =	vld [tilespmem:$0x1FC20]  }
0x593: {  	v58 =	vor.u32 v53, v9;
	v45 =	vld.idx.msk [tilespmem:v45+s16+$0x0], $0xffff  }
0x594: {  	v46 =	vor.u32 v54, v29;
	v34 =	vld.idx.msk [tilespmem:v34+s16+$0x0], $0xffff  }
0x595: {  	[tilespmem:v57+s21+$0x0] =	vst.idx.msk $0xffff, v38;
	v57 =	vor.u32 v54, v26;
	v33 =	vld.idx.msk [tilespmem:v63+s16+$0x0], $0xffff  }
0x596: {  	v37 =	vor.u32 v61, v8;
	v63 =	vld [tilespmem:$0x1FEA0];
	v44 =	vor.u32 v52, v30  }
0x597: {  	v51 =	vld [tilespmem:$0x1FEC0];
	[tilespmem:v35+s21+$0x0] =	vst.idx.msk $0xffff, v36;
	v49 =	vor.u32 v59, v6  }
0x598: {  	[tilespmem:v58+s21+$0x0] =	vst.idx.msk $0xffff, v40;
	v58 =	vor.u32 v61, v27;
	v36 =	vld.idx.msk [tilespmem:v47+s16+$0x0], $0xffff  }
0x599: {  	v48 =	vld.idx.msk [tilespmem:v48+s16+$0x0], $0xffff;
	[tilespmem:v46+s21+$0x0] =	vst.idx.msk $0xffff, v45;
	v53 =	vor.u32 v59, v18;
	v32 =	vor.u32 v59, v10  }
0x59a: {  	v43 =	vld.idx.msk [tilespmem:v43+s16+$0x0], $0xffff;
	v39 =	vor.u32 v59, v9;
	v59 =	vor.u32 v55, v28;
	[tilespmem:v57+s21+$0x0] =	vst.idx.msk $0xffff, v34  }
0x59b: {  	v34 =	vld.idx.msk [tilespmem:v37+s16+$0x0], $0xffff;
	v41 =	vor.u32 v63, v4;
	[tilespmem:v44+s21+$0x0] =	vst.idx.msk $0xffff, v33  }
0x59c: {  	v60 =	vor.u32 v55, v31;
	[tilespmem:v49+s21+$0x0] =	vst.idx.msk $0xffff, v42;
	v49 =	vld [tilespmem:$0x1FC40]  }
0x59d: {  	v57 =	vld.idx.msk [tilespmem:v58+s16+$0x0], $0xffff;
	v33 =	vor.u32 v55, v7  }
0x59e: {  	[tilespmem:v53+s21+$0x0] =	vst.idx.msk $0xffff, v36;
	v44 =	vor.u32 v55, v15;
	v55 =	vld [tilespmem:$0x1FEB0]  }
0x59f: {  	v38 =	vld.idx.msk [tilespmem:v59+s16+$0x0], $0xffff;
	v59 =	vor.u32 v52, v26  }
0x5a0: {  	[tilespmem:v32+s21+$0x0] =	vst.idx.msk $0xffff, v43;
	v41 =	vld.idx.msk [tilespmem:v41+s16+$0x0], $0xffff  }
0x5a1: {  	[tilespmem:v39+s21+$0x0] =	vst.idx.msk $0xffff, v48;
	v39 =	vor.u32 v63, v27;
	v42 =	vld.idx.msk [tilespmem:v60+s16+$0x0], $0xffff;
	v45 =	vor.u32 v49, v6  }
0x5a2: {  	v37 =	vor.u32 v50, v31;
	v43 =	vor.u32 v52, v29;
	v33 =	vld.idx.msk [tilespmem:v33+s16+$0x0], $0xffff  }
0x5a3: {  	v60 =	vor.u32 v55, v30;
	v44 =	vld.idx.msk [tilespmem:v44+s16+$0x0], $0xffff  }
0x5a4: {  	v48 =	vor.u32 v63, v8;
	[tilespmem:v59+s21+$0x0] =	vst.idx.msk $0xffff, v57;
	v59 =	vld [tilespmem:$0x1FCE0]  }
0x5a5: {  	v46 =	vor.u32 v62, v5;
	v57 =	vld [tilespmem:$0x1FF40]  }
0x5a6: {  	v53 =	vor.u32 v49, v10;
	v39 =	vld.idx.msk [tilespmem:v39+s16+$0x0], $0xffff;
	[tilespmem:v45+s21+$0x0] =	vst.idx.msk $0xffff, v42  }
0x5a7: {  	[tilespmem:v43+s21+$0x0] =	vst.idx.msk $0xffff, v34;
	v37 =	vld.idx.msk [tilespmem:v37+s16+$0x0], $0xffff  }
0x5a8: {  	v58 =	vor.u32 v51, v4;
	v4 =	vmov v31;
	v31 =	vor.u32 v50, v7;
	[tilespmem:v60+s21+$0x0] =	vst.idx.msk $0xffff, v41;
	v60 =	vld [tilespmem:$0x1FCD0]  }
0x5a9: {  	v43 =	vld.idx.msk [tilespmem:v48+s16+$0x0], $0xffff;
	v42 =	vor.u32 v49, v9  }
0x5aa: {  	v45 =	vld.idx.msk [tilespmem:v46+s16+$0x0], $0xffff;
	v46 =	vor.u32 v49, v18  }
0x5ab: {  	v49 =	vor.u32 v50, v15;
	[tilespmem:v53+s21+$0x0] =	vst.idx.msk $0xffff, v33;
	v53 =	vld [tilespmem:$0x1FEE0]  }
0x5ac: {  	v34 =	vor.u32 v55, v26;
	v41 =	vor.u32 v50, v28;
	v50 =	vld [tilespmem:$0x1FED0]  }
0x5ad: {  	v31 =	vld.idx.msk [tilespmem:v31+s16+$0x0], $0xffff;
	v35 =	vor.u32 v60, v6  }
0x5ae: {  	v32 =	vld.idx.msk [tilespmem:v58+s16+$0x0], $0xffff;
	[tilespmem:v42+s21+$0x0] =	vst.idx.msk $0xffff, v44;
	v42 =	vor.u32 v55, v29  }
0x5af: {  	v58 =	vld [tilespmem:$0x1FC50];
	[tilespmem:v46+s21+$0x0] =	vst.idx.msk $0xffff, v38;
	v46 =	vor.u32 v51, v8;
	v38 =	vor.u32 v60, v10  }
0x5b0: {  	v44 =	vld.idx.msk [tilespmem:v49+s16+$0x0], $0xffff  }
0x5b1: {  	v36 =	vor.u32 v59, v4;
	[tilespmem:v34+s21+$0x0] =	vst.idx.msk $0xffff, v39;
	v49 =	vld [tilespmem:$0x1FEF0]  }
0x5b2: {  	v33 =	vor.u32 v53, v0;
	v40 =	vor.u32 v50, v30;
	[tilespmem:v35+s21+$0x0] =	vst.idx.msk $0xffff, v37;
	v35 =	vld.idx.msk [tilespmem:v41+s16+$0x0], $0xffff  }
0x5b3: {  	v47 =	vor.u32 v60, v18;
	[tilespmem:v42+s21+$0x0] =	vst.idx.msk $0xffff, v43;
	v41 =	vor.u32 v60, v9;
	v60 =	vld [tilespmem:$0x1FCF0]  }
0x5b4: {  	v37 =	vor.u32 v59, v7;
	[tilespmem:v38+s21+$0x0] =	vst.idx.msk $0xffff, v31;
	v38 =	vld.idx.msk [tilespmem:v46+s16+$0x0], $0xffff  }
0x5b5: {  	v31 =	vor.u32 v56, v14;
	v56 =	vld [tilespmem:$0x1FF10]  }
0x5b6: {  	v48 =	vor.u32 v59, v15;
	v36 =	vld.idx.msk [tilespmem:v36+s16+$0x0], $0xffff  }
0x5b7: {  	[tilespmem:v40+s21+$0x0] =	vst.idx.msk $0xffff, v32;
	v32 =	vor.u32 v58, v6;
	v40 =	vor.u32 v59, v28;
	v59 =	vld [tilespmem:$0x1FF00]  }
0x5b8: {  	v33 =	vld.idx.msk [tilespmem:v33+s16+$0x0], $0xffff  }
0x5b9: {  	v37 =	vld.idx.msk [tilespmem:v37+s16+$0x0], $0xffff  }
0x5ba: {  	v29 =	vor.u32 v50, v29;
	[tilespmem:v41+s21+$0x0] =	vst.idx.msk $0xffff, v44;
	v41 =	vor.u32 v16, v5;
	v16 =	vld [tilespmem:$0x1FD10]  }
0x5bb: {  	v39 =	vor.u32 v49, v11;
	v34 =	vor.u32 v60, v4;
	[tilespmem:v47+s21+$0x0] =	vst.idx.msk $0xffff, v35;
	v42 =	vld.idx.msk [tilespmem:v48+s16+$0x0], $0xffff  }
0x5bc: {  	[tilespmem:v32+s21+$0x0] =	vst.idx.msk $0xffff, v36;
	v32 =	vld.idx.msk [tilespmem:v40+s16+$0x0], $0xffff  }
0x5bd: {  	v43 =	vor.u32 v53, v25;
	v35 =	vor.u32 v58, v10;
	v48 =	vld [tilespmem:$0x1FD20]  }
0x5be: {  	v44 =	vor.u32 v58, v18;
	v40 =	vor.u32 v58, v9;
	[tilespmem:v31+s21+$0x0] =	vst.idx.msk $0xffff, v45;
	v58 =	vld [tilespmem:$0x1FF20]  }
0x5bf: {  	v8 =	vmov v15;
	v15 =	vor.u32 v59, v0;
	[tilespmem:v29+s21+$0x0] =	vst.idx.msk $0xffff, v38;
	v38 =	vor.u32 v61, v5;
	v61 =	vld [tilespmem:$0x1FF30]  }
0x5c0: {  	v34 =	vld.idx.msk [tilespmem:v34+s16+$0x0], $0xffff;
	[tilespmem:v39+s21+$0x0] =	vst.idx.msk $0xffff, v33;
	v33 =	vor.u32 v16, v6;
	v39 =	vor.u32 v60, v28  }
0x5c1: {  	v41 =	vld.idx.msk [tilespmem:v41+s16+$0x0], $0xffff  }
0x5c2: {  	v36 =	vor.u32 v60, v7;
	[tilespmem:v35+s21+$0x0] =	vst.idx.msk $0xffff, v37;
	v37 =	vld.idx.msk [tilespmem:v43+s16+$0x0], $0xffff  }
0x5c3: {  	v46 =	vor.u32 v60, v8;
	v60 =	vor.u32 v54, v14;
	v54 =	vld [tilespmem:$0x1FD40];
	[tilespmem:v40+s21+$0x0] =	vst.idx.msk $0xffff, v42  }
0x5c4: {  	v45 =	vor.u32 v56, v11;
	v15 =	vld.idx.msk [tilespmem:v15+s16+$0x0], $0xffff;
	[tilespmem:v44+s21+$0x0] =	vst.idx.msk $0xffff, v32  }
0x5c5: {  	v31 =	vor.u32 v48, v4;
	v40 =	vor.u32 v49, v24;
	[tilespmem:v33+s21+$0x0] =	vst.idx.msk $0xffff, v34;
	v33 =	vld.idx.msk [tilespmem:v39+s16+$0x0], $0xffff  }
0x5c6: {  	v32 =	vor.u32 v16, v10;
	v44 =	vor.u32 v16, v18;
	v39 =	vor.u32 v16, v9;
	v16 =	vld [tilespmem:$0x1FD30]  }
0x5c7: {  	v43 =	vor.u32 v59, v25;
	v36 =	vld.idx.msk [tilespmem:v36+s16+$0x0], $0xffff  }
0x5c8: {  	v42 =	vld.idx.msk [tilespmem:v46+s16+$0x0], $0xffff;
	v34 =	vor.u32 v48, v7  }
0x5c9: {  	v29 =	vor.u32 v58, v0;
	[tilespmem:v60+s21+$0x0] =	vst.idx.msk $0xffff, v41;
	v60 =	vor.u32 v52, v14;
	v52 =	vld [tilespmem:$0x1FF50]  }
0x5ca: {  	v46 =	vor.u32 v48, v8;
	v31 =	vld.idx.msk [tilespmem:v31+s16+$0x0], $0xffff;
	[tilespmem:v45+s21+$0x0] =	vst.idx.msk $0xffff, v15  }
0x5cb: {  	v45 =	vor.u32 v48, v28;
	v38 =	vld.idx.msk [tilespmem:v38+s16+$0x0], $0xffff;
	[tilespmem:v40+s21+$0x0] =	vst.idx.msk $0xffff, v37;
	v15 =	vor.u32 v16, v6  }
0x5cc: {  	[tilespmem:v32+s21+$0x0] =	vst.idx.msk $0xffff, v36;
	v40 =	vor.u32 v56, v24;
	v37 =	vld.idx.msk [tilespmem:v43+s16+$0x0], $0xffff;
	v43 =	vor.u32 v58, v25  }
0x5cd: {  	v34 =	vld.idx.msk [tilespmem:v34+s16+$0x0], $0xffff;
	[tilespmem:v39+s21+$0x0] =	vst.idx.msk $0xffff, v42;
	v39 =	vor.u32 v63, v5;
	v63 =	vor.u32 v16, v10  }
0x5ce: {  	v29 =	vld.idx.msk [tilespmem:v29+s16+$0x0], $0xffff  }
0x5cf: {  	v35 =	vor.u32 v54, v17;
	[tilespmem:v44+s21+$0x0] =	vst.idx.msk $0xffff, v33;
	v42 =	vld.idx.msk [tilespmem:v46+s16+$0x0], $0xffff  }
0x5d0: {  	v41 =	vor.u32 v61, v11;
	[tilespmem:v15+s21+$0x0] =	vst.idx.msk $0xffff, v31;
	v15 =	vld.idx.msk [tilespmem:v45+s16+$0x0], $0xffff  }
0x5d1: {  	v44 =	vor.u32 v16, v9;
	[tilespmem:v40+s21+$0x0] =	vst.idx.msk $0xffff, v37;
	v45 =	vor.u32 v16, v18;
	v16 =	vld [tilespmem:$0x1FD50]  }
0x5d2: {  	v27 =	vor.u32 v51, v27;
	v26 =	vor.u32 v50, v26;
	[tilespmem:v63+s21+$0x0] =	vst.idx.msk $0xffff, v34;
	v34 =	vld.idx.msk [tilespmem:v43+s16+$0x0], $0xffff  }
0x5d3: {  	v48 =	vor.u32 v57, v0;
	v63 =	vor.u32 v55, v14;
	v14 =	vor.u32 v50, v14;
	v50 =	vld [tilespmem:$0x1FFB0]  }
0x5d4: {  	v46 =	vor.u32 v54, v2;
	[tilespmem:v60+s21+$0x0] =	vst.idx.msk $0xffff, v38;
	v35 =	vld.idx.msk [tilespmem:v35+s16+$0x0], $0xffff  }
0x5d5: {  	v31 =	vor.u32 v54, v22;
	[tilespmem:v41+s21+$0x0] =	vst.idx.msk $0xffff, v29;
	v41 =	vor.u32 v54, v21;
	v54 =	vld [tilespmem:$0x1FC60]  }
0x5d6: {  	v39 =	vld.idx.msk [tilespmem:v39+s16+$0x0], $0xffff  }
0x5d7: {  	v27 =	vld.idx.msk [tilespmem:v27+s16+$0x0], $0xffff  }
0x5d8: {  	v40 =	vor.u32 v61, v24;
	[tilespmem:v44+s21+$0x0] =	vst.idx.msk $0xffff, v42;
	v32 =	vld.idx.msk [tilespmem:v48+s16+$0x0], $0xffff  }
0x5d9: {  	v19 =	vshll.u32 v17, $0x7;
	v43 =	vld.idx.msk [tilespmem:v46+s16+$0x0], $0xffff  }
0x5da: {  	v12 =	vor.u32 v12, v6;
	v30 =	vor.u32 v57, v25;
	v46 =	vld [tilespmem:$0x1FF90];
	v29 =	vor.u32 v16, v19  }
0x5db: {  	[tilespmem:$0x1FBC0] =	vst v12;
	v31 =	vld.idx.msk [tilespmem:v31+s16+$0x0], $0xffff;
	v48 =	vor.u32 v54, v17  }
0x5dc: {  	v20 =	vmov v13;
	v13 =	vshll.u32 v22, $0x7;
	v37 =	vor.u32 v51, v5;
	[tilespmem:v45+s21+$0x0] =	vst.idx.msk $0xffff, v15;
	v45 =	vld [tilespmem:$0x1FF80]  }
0x5dd: {  	v5 =	vmov v28;
	v42 =	vor.u32 v16, v13;
	[tilespmem:v40+s21+$0x0] =	vst.idx.msk $0xffff, v34;
	v28 =	vld.idx.msk [tilespmem:v41+s16+$0x0], $0xffff  }
0x5de: {  	v60 =	vor.u32 v52, v11;
	[tilespmem:v63+s21+$0x0] =	vst.idx.msk $0xffff, v39;
	v63 =	vld [tilespmem:$0x1FD70]  }
0x5df: {  	v12 =	vshll.u32 v2, $0x7;
	v30 =	vld.idx.msk [tilespmem:v30+s16+$0x0], $0xffff;
	[tilespmem:v29+s21+$0x0] =	vst.idx.msk $0xffff, v35;
	v29 =	vor.u32 v54, v22  }
0x5e0: {  	v35 =	vor.u32 v16, v12;
	v36 =	vld.idx.msk [tilespmem:v48+s16+$0x0], $0xffff  }
0x5e1: {  	v15 =	vshll.u32 v21, $0x7;
	v44 =	vor.u32 v54, v2;
	v48 =	vld [tilespmem:$0x1FD60]  }
0x5e2: {  	v41 =	vor.u32 v16, v15;
	v37 =	vld.idx.msk [tilespmem:v37+s16+$0x0], $0xffff;
	[tilespmem:v42+s21+$0x0] =	vst.idx.msk $0xffff, v31  }
0x5e3: {  	v16 =	vld [tilespmem:$0x1FF60];
	[tilespmem:v60+s21+$0x0] =	vst.idx.msk $0xffff, v32;
	v60 =	vor.u32 v54, v21  }
0x5e4: {  	v31 =	vor.u32 v53, v3;
	v29 =	vld.idx.msk [tilespmem:v29+s16+$0x0], $0xffff  }
0x5e5: {  	v53 =	vor.u32 v53, v1;
	[tilespmem:v35+s21+$0x0] =	vst.idx.msk $0xffff, v43;
	v43 =	vld [tilespmem:$0x1FF70]  }
0x5e6: {  	v55 =	vor.u32 v48, v19;
	v39 =	vld.idx.msk [tilespmem:v44+s16+$0x0], $0xffff  }
0x5e7: {  	[tilespmem:v41+s21+$0x0] =	vst.idx.msk $0xffff, v28;
	v35 =	vor.u32 v52, v24;
	v44 =	vld [tilespmem:$0x1FD00]  }
0x5e8: {  	v40 =	vor.u32 v16, v25;
	[tilespmem:v26+s21+$0x0] =	vst.idx.msk $0xffff, v27;
	v32 =	vld.idx.msk [tilespmem:v60+s16+$0x0], $0xffff  }
0x5e9: {  	v28 =	vor.u32 v48, v13;
	[tilespmem:v14+s21+$0x0] =	vst.idx.msk $0xffff, v37;
	v14 =	vld.idx.msk [tilespmem:v31+s16+$0x0], $0xffff  }
0x5ea: {  	v51 =	vor.u32 v63, v17;
	v54 =	vor.u32 v48, v12;
	v34 =	vld.idx.msk [tilespmem:v53+s16+$0x0], $0xffff  }
0x5eb: {  	v42 =	vor.u32 v63, v2;
	[tilespmem:v55+s21+$0x0] =	vst.idx.msk $0xffff, v36;
	v55 =	vor.u32 v48, v15;
	v48 =	vld [tilespmem:$0x1FD80]  }
0x5ec: {  	v60 =	vor.u32 v63, v21;
	[tilespmem:v35+s21+$0x0] =	vst.idx.msk $0xffff, v30;
	v36 =	vor.u32 v63, v22;
	v63 =	vld [tilespmem:$0x1FD90]  }
0x5ed: {  	v30 =	vld.idx.msk [tilespmem:v40+s16+$0x0], $0xffff  }
0x5ee: {  	v53 =	vor.u32 v49, v20;
	[tilespmem:v28+s21+$0x0] =	vst.idx.msk $0xffff, v29;
	v28 =	vor.u32 v49, v23;
	v49 =	vld [tilespmem:$0x1FFA0]  }
0x5ef: {  	[tilespmem:v54+s21+$0x0] =	vst.idx.msk $0xffff, v39;
	v33 =	vld.idx.msk [tilespmem:v51+s16+$0x0], $0xffff  }
0x5f0: {  	v38 =	vor.u32 v43, v24;
	v39 =	vld.idx.msk [tilespmem:v42+s16+$0x0], $0xffff  }
0x5f1: {  	v29 =	vor.u32 v59, v3;
	v42 =	vld [tilespmem:$0x1FC90]  }
0x5f2: {  	v54 =	vor.u32 v59, v1;
	v51 =	vor.u32 v48, v19;
	v35 =	vld.idx.msk [tilespmem:v36+s16+$0x0], $0xffff;
	[tilespmem:v55+s21+$0x0] =	vst.idx.msk $0xffff, v32  }
0x5f3: {  	v40 =	vor.u32 v45, v25;
	v55 =	vor.u32 v48, v13;
	[tilespmem:v53+s21+$0x0] =	vst.idx.msk $0xffff, v14;
	v53 =	vld [tilespmem:$0x1FDB0]  }
0x5f4: {  	v26 =	vld.idx.msk [tilespmem:v60+s16+$0x0], $0xffff  }
0x5f5: {  	v31 =	vor.u32 v63, v17;
	[tilespmem:v38+s21+$0x0] =	vst.idx.msk $0xffff, v30;
	v60 =	vld [tilespmem:$0x1FDA0]  }
0x5f6: {  	[tilespmem:v28+s21+$0x0] =	vst.idx.msk $0xffff, v34;
	v28 =	vld.idx.msk [tilespmem:v29+s16+$0x0], $0xffff  }
0x5f7: {  	v27 =	vor.u32 v63, v22;
	v34 =	vld.idx.msk [tilespmem:v54+s16+$0x0], $0xffff;
	v54 =	vor.u32 v56, v20;
	[tilespmem:v51+s21+$0x0] =	vst.idx.msk $0xffff, v33  }
0x5f8: {  	v33 =	vor.u32 v48, v12;
	[tilespmem:v55+s21+$0x0] =	vst.idx.msk $0xffff, v35;
	v35 =	vld.idx.msk [tilespmem:v40+s16+$0x0], $0xffff  }
0x5f9: {  	v41 =	vor.u32 v48, v15;
	v59 =	vor.u32 v63, v2;
	v48 =	vld [tilespmem:$0x1FC70]  }
0x5fa: {  	v63 =	vor.u32 v63, v21;
	v31 =	vld.idx.msk [tilespmem:v31+s16+$0x0], $0xffff;
	v14 =	vor.u32 v60, v19  }
0x5fb: {  	v30 =	vor.u32 v56, v23;
	v51 =	vld [tilespmem:$0x1FFC0]  }
0x5fc: {  	v38 =	vor.u32 v46, v24;
	v55 =	vor.u32 v58, v3;
	v27 =	vld.idx.msk [tilespmem:v27+s16+$0x0], $0xffff;
	[tilespmem:v54+s21+$0x0] =	vst.idx.msk $0xffff, v28  }
0x5fd: {  	v56 =	vor.u32 v58, v1;
	v29 =	vor.u32 v53, v17;
	v54 =	vld [tilespmem:$0x1FDD0];
	[tilespmem:v33+s21+$0x0] =	vst.idx.msk $0xffff, v39  }
0x5fe: {  	v40 =	vor.u32 v49, v25;
	[tilespmem:v41+s21+$0x0] =	vst.idx.msk $0xffff, v26;
	v58 =	vor.u32 v60, v13;
	v39 =	vld.idx.msk [tilespmem:v59+s16+$0x0], $0xffff  }
0x5ff: {  	v41 =	vor.u32 v60, v15;
	[tilespmem:v14+s21+$0x0] =	vst.idx.msk $0xffff, v31;
	v14 =	vld.idx.msk [tilespmem:v63+s16+$0x0], $0xffff;
	v31 =	vor.u32 v53, v22  }
0x600: {  	v59 =	vor.u32 v60, v12;
	v60 =	vor.u32 v53, v2;
	v63 =	vor.u32 v53, v21;
	v53 =	vld [tilespmem:$0x1FDC0]  }
0x601: {  	[tilespmem:v30+s21+$0x0] =	vst.idx.msk $0xffff, v34;
	v30 =	vld.idx.msk [tilespmem:v55+s16+$0x0], $0xffff  }
0x602: {  	v28 =	vor.u32 v48, v19;
	v29 =	vld.idx.msk [tilespmem:v29+s16+$0x0], $0xffff  }
0x603: {  	[tilespmem:v38+s21+$0x0] =	vst.idx.msk $0xffff, v35;
	v33 =	vld.idx.msk [tilespmem:v56+s16+$0x0], $0xffff;
	v56 =	vor.u32 v61, v20  }
0x604: {  	[tilespmem:v58+s21+$0x0] =	vst.idx.msk $0xffff, v27;
	v58 =	vor.u32 v57, v3;
	v35 =	vld.idx.msk [tilespmem:v40+s16+$0x0], $0xffff  }
0x605: {  	v26 =	vor.u32 v61, v23;
	v55 =	vor.u32 v53, v17;
	v31 =	vld.idx.msk [tilespmem:v31+s16+$0x0], $0xffff;
	[tilespmem:v59+s21+$0x0] =	vst.idx.msk $0xffff, v39  }
0x606: {  	v38 =	vor.u32 v50, v24;
	v59 =	vor.u32 v57, v1;
	[tilespmem:v41+s21+$0x0] =	vst.idx.msk $0xffff, v14;
	v39 =	vld.idx.msk [tilespmem:v60+s16+$0x0], $0xffff  }
0x607: {  	v25 =	vor.u32 v51, v25;
	v14 =	vor.u32 v48, v13;
	[tilespmem:v28+s21+$0x0] =	vst.idx.msk $0xffff, v29;
	v28 =	vld.idx.msk [tilespmem:v63+s16+$0x0], $0xffff  }
0x608: {  	v61 =	vor.u32 v48, v15;
	v60 =	vor.u32 v48, v12;
	[tilespmem:v56+s21+$0x0] =	vst.idx.msk $0xffff, v30;
	v48 =	vld [tilespmem:$0x1FC80]  }
0x609: {  	v29 =	vor.u32 v53, v22;
	v57 =	vld.idx.msk [tilespmem:v58+s16+$0x0], $0xffff  }
0x60a: {  	v63 =	vor.u32 v53, v2;
	[tilespmem:v26+s21+$0x0] =	vst.idx.msk $0xffff, v33;
	v32 =	vld.idx.msk [tilespmem:v55+s16+$0x0], $0xffff  }
0x60b: {  	v30 =	vor.u32 v54, v19;
	v56 =	vor.u32 v53, v21;
	[tilespmem:v38+s21+$0x0] =	vst.idx.msk $0xffff, v35;
	v33 =	vld.idx.msk [tilespmem:v59+s16+$0x0], $0xffff  }
0x60c: {  	v59 =	vor.u32 v52, v20;
	[tilespmem:v14+s21+$0x0] =	vst.idx.msk $0xffff, v31;
	v14 =	vor.u32 v52, v23;
	v52 =	vld [tilespmem:$0x1FFD0]  }
0x60d: {  	v25 =	vld.idx.msk [tilespmem:v25+s16+$0x0], $0xffff  }
0x60e: {  	v31 =	vor.u32 v16, v3;
	v58 =	vor.u32 v48, v17;
	v29 =	vld.idx.msk [tilespmem:v29+s16+$0x0], $0xffff;
	[tilespmem:v60+s21+$0x0] =	vst.idx.msk $0xffff, v39  }
0x60f: {  	v60 =	vor.u32 v16, v1;
	[tilespmem:v61+s21+$0x0] =	vst.idx.msk $0xffff, v28;
	v61 =	vor.u32 v16, v0;
	v16 =	vld [tilespmem:$0x1FDE0]  }
0x610: {  	v28 =	vor.u32 v54, v13;
	v36 =	vld.idx.msk [tilespmem:v63+s16+$0x0], $0xffff  }
0x611: {  	v63 =	vor.u32 v48, v22;
	v24 =	vor.u32 v52, v24;
	[tilespmem:v30+s21+$0x0] =	vst.idx.msk $0xffff, v32;
	v30 =	vld.idx.msk [tilespmem:v56+s16+$0x0], $0xffff  }
0x612: {  	v55 =	vor.u32 v54, v15;
	[tilespmem:v59+s21+$0x0] =	vst.idx.msk $0xffff, v57;
	v59 =	vld [tilespmem:$0x1FDF0]  }
0x613: {  	v53 =	vor.u32 v54, v12;
	v27 =	vld.idx.msk [tilespmem:v58+s16+$0x0], $0xffff  }
0x614: {  	[tilespmem:v14+s21+$0x0] =	vst.idx.msk $0xffff, v33;
	v58 =	vor.u32 v48, v21;
	v14 =	vld.idx.msk [tilespmem:v31+s16+$0x0], $0xffff  }
0x615: {  	v56 =	vor.u32 v48, v2;
	v33 =	vld.idx.msk [tilespmem:v60+s16+$0x0], $0xffff;
	[tilespmem:v28+s21+$0x0] =	vst.idx.msk $0xffff, v29  }
0x616: {  	v57 =	vor.u32 v16, v19;
	v29 =	vld.idx.msk [tilespmem:v63+s16+$0x0], $0xffff;
	[tilespmem:v24+s21+$0x0] =	vst.idx.msk $0xffff, v25  }
0x617: {  	v60 =	vor.u32 v43, v20;
	v28 =	vor.u32 v45, v3;
	v24 =	vld.idx.msk [tilespmem:v61+s16+$0x0], $0xffff;
	[tilespmem:v55+s21+$0x0] =	vst.idx.msk $0xffff, v30  }
0x618: {  	v48 =	vor.u32 v45, v1;
	[tilespmem:v53+s21+$0x0] =	vst.idx.msk $0xffff, v36;
	v53 =	vor.u32 v45, v0;
	v45 =	vld [tilespmem:$0x1FBC0]  }
0x619: {  	v31 =	vor.u32 v59, v17;
	v61 =	vor.u32 v43, v23;
	v26 =	vld.idx.msk [tilespmem:v58+s16+$0x0], $0xffff  }
0x61a: {  	v63 =	vor.u32 v43, v11;
	v36 =	vld.idx.msk [tilespmem:v56+s16+$0x0], $0xffff  }
0x61b: {  	v30 =	vor.u32 v16, v13;
	v55 =	vor.u32 v16, v12;
	v56 =	vor.u32 v16, v15;
	v16 =	vld [tilespmem:$0x1FE00]  }
0x61c: {  	v54 =	vor.u32 v59, v22;
	[tilespmem:v60+s21+$0x0] =	vst.idx.msk $0xffff, v14;
	v60 =	vld [tilespmem:$0x1FE10]  }
0x61d: {  	[tilespmem:v57+s21+$0x0] =	vst.idx.msk $0xffff, v27;
	v57 =	vor.u32 v59, v2;
	v58 =	vor.u32 v59, v21;
	v59 =	vld.idx.msk [tilespmem:v28+s16+$0x0], $0xffff  }
0x61e: {  	v31 =	vld.idx.msk [tilespmem:v31+s16+$0x0], $0xffff;
	[tilespmem:v61+s21+$0x0] =	vst.idx.msk $0xffff, v33;
	v61 =	vor.u32 v46, v20  }
0x61f: {  	[tilespmem:v63+s21+$0x0] =	vst.idx.msk $0xffff, v24;
	v63 =	vor.u32 v49, v3;
	v24 =	vld.idx.msk [tilespmem:v48+s16+$0x0], $0xffff  }
0x620: {  	[tilespmem:v30+s21+$0x0] =	vst.idx.msk $0xffff, v29;
	v30 =	vor.u32 v46, v23;
	v29 =	vld.idx.msk [tilespmem:v53+s16+$0x0], $0xffff;
	v14 =	vor.u32 v16, v19  }
0x621: {  	v28 =	vor.u32 v60, v4;
	v27 =	vld.idx.msk [tilespmem:v54+s16+$0x0], $0xffff;
	v48 =	vor.u32 v46, v11;
	[tilespmem:v55+s21+$0x0] =	vst.idx.msk $0xffff, v36  }
0x622: {  	v53 =	vor.u32 v49, v1;
	[tilespmem:v56+s21+$0x0] =	vst.idx.msk $0xffff, v26;
	v54 =	vor.u32 v16, v13;
	v37 =	vld.idx.msk [tilespmem:v57+s16+$0x0], $0xffff  }
0x623: {  	v56 =	vor.u32 v16, v12;
	v57 =	vor.u32 v16, v15;
	v16 =	vld [tilespmem:$0x1FE20];
	[tilespmem:v61+s21+$0x0] =	vst.idx.msk $0xffff, v59  }
0x624: {  	v55 =	vor.u32 v49, v0;
	v61 =	vld.idx.msk [tilespmem:v63+s16+$0x0], $0xffff  }
0x625: {  	v63 =	vld [tilespmem:$0x1FE30];
	[tilespmem:v14+s21+$0x0] =	vst.idx.msk $0xffff, v31;
	v31 =	vor.u32 v60, v7  }
0x626: {  	v3 =	vor.u32 v51, v3;
	v14 =	vld.idx.msk [tilespmem:v58+s16+$0x0], $0xffff;
	[tilespmem:v30+s21+$0x0] =	vst.idx.msk $0xffff, v24  }
0x627: {  	v46 =	vor.u32 v50, v20;
	v58 =	vor.u32 v60, v8;
	[tilespmem:v54+s21+$0x0] =	vst.idx.msk $0xffff, v27;
	v28 =	vld.idx.msk [tilespmem:v28+s16+$0x0], $0xffff  }
0x628: {  	v60 =	vor.u32 v60, v5;
	v59 =	vor.u32 v16, v6;
	[tilespmem:v48+s21+$0x0] =	vst.idx.msk $0xffff, v29;
	v29 =	vld.idx.msk [tilespmem:v53+s16+$0x0], $0xffff  }
0x629: {  	v1 =	vor.u32 v51, v1;
	v49 =	vor.u32 v50, v23;
	[tilespmem:v56+s21+$0x0] =	vst.idx.msk $0xffff, v37;
	v48 =	vld.idx.msk [tilespmem:v55+s16+$0x0], $0xffff  }
0x62a: {  	v53 =	vor.u32 v50, v11;
	v56 =	vor.u32 v16, v18;
	v55 =	vor.u32 v16, v9;
	v31 =	vld.idx.msk [tilespmem:v31+s16+$0x0], $0xffff  }
0x62b: {  	v30 =	vor.u32 v63, v4;
	[tilespmem:v57+s21+$0x0] =	vst.idx.msk $0xffff, v14;
	v14 =	vor.u32 v16, v10;
	v16 =	vld [tilespmem:$0x1FE40]  }
0x62c: {  	v35 =	vld.idx.msk [tilespmem:v58+s16+$0x0], $0xffff;
	[tilespmem:v46+s21+$0x0] =	vst.idx.msk $0xffff, v61  }
0x62d: {  	v0 =	vor.u32 v51, v0;
	[tilespmem:v59+s21+$0x0] =	vst.idx.msk $0xffff, v28;
	v54 =	vld.idx.msk [tilespmem:v60+s16+$0x0], $0xffff  }
0x62e: {  	v40 =	vor.u32 v42, v8;
	v28 =	vor.u32 v63, v7;
	[tilespmem:v49+s21+$0x0] =	vst.idx.msk $0xffff, v29;
	v60 =	vld.idx.msk [tilespmem:v3+s16+$0x0], $0xffff  }
0x62f: {  	v57 =	vor.u32 v63, v8;
	v59 =	vor.u32 v63, v5;
	v63 =	vor.u32 v52, v20;
	v61 =	vld.idx.msk [tilespmem:v1+s16+$0x0], $0xffff  }
0x630: {  	v39 =	vor.u32 v42, v5;
	v30 =	vld.idx.msk [tilespmem:v30+s16+$0x0], $0xffff;
	[tilespmem:v53+s21+$0x0] =	vst.idx.msk $0xffff, v48;
	v58 =	vor.u32 v16, v6  }
0x631: {  	p0 =	slt.u32 s28, $0xC;
	v29 =	vor.u32 v42, v4;
	[tilespmem:v14+s21+$0x0] =	vst.idx.msk $0xffff, v31;
	v31 =	vld [tilespmem:$0x1FE50];
	v14 =	vor.u32 v52, v23  }
.Ltmp6:
0x632: {  	v33 =	vor.u32 v62, v4;
	v37 =	vor.u32 v42, v7;
	v20 =	vld.idx.msk [tilespmem:v0+s16+$0x0], $0xffff;
	[tilespmem:v55+s21+$0x0] =	vst.idx.msk $0xffff, v35;
	(pc) =	sbr.rel @p0 .LBB2_9-.Ltmp6, $4  }
0x633: {  	v1 =	vmov v21;
	v21 =	vor.u32 v52, v11;
	v23 =	vld.idx.msk [tilespmem:v28+s16+$0x0], $0xffff;
	[tilespmem:v56+s21+$0x0] =	vst.idx.msk $0xffff, v54  }
0x634: {  	v3 =	vmov v22;
	v11 =	vmov v19;
	v22 =	vor.u32 v16, v10;
	v36 =	vld.idx.msk [tilespmem:v57+s16+$0x0], $0xffff;
	[tilespmem:v63+s21+$0x0] =	vst.idx.msk $0xffff, v60  }
0x635: {  	v41 =	vor.u32 v16, v9;
	v38 =	vor.u32 v16, v18;
	v35 =	vld.idx.msk [tilespmem:v59+s16+$0x0], $0xffff;
	[tilespmem:v58+s21+$0x0] =	vst.idx.msk $0xffff, v30  }
0x636: {  	s28 =	sadd.s32 $0x4, s28;
	v47 =	vlaneseq.u32;
	v0 =	vmovc v17;
	v32 =	vor.u32 v31, v18;
	[tilespmem:v14+s21+$0x0] =	vst.idx.msk $0xffff, v61;
	v14 =	vmov v18;
	v34 =	vld.idx.msk [tilespmem:v29+s16+$0x0], $0xffff  }
0x637: {  	_ =	sdelay $0x3  }
0x638: {  	[tilespmem:v22+s21+$0x0] =	vst.idx.msk $0xffff, v23  }
0x639: {  	v19 =	vor.u32 v31, v10;
	[tilespmem:v41+s21+$0x0] =	vst.idx.msk $0xffff, v36;
	v22 =	vld.idx.msk [tilespmem:v37+s16+$0x0], $0xffff  }
0x63a: {  	v17 =	vor.u32 v31, v9;
	v18 =	vld.idx.msk [tilespmem:v40+s16+$0x0], $0xffff;
	[tilespmem:v38+s21+$0x0] =	vst.idx.msk $0xffff, v35  }
0x63b: {  	v35 =	vld [tilespmem:$0x1FFE0];
	_ =	sdelay $0x2  }
0x63c: {  	[tilespmem:v19+s21+$0x0] =	vst.idx.msk $0xffff, v22  }
0x63d: {  	[tilespmem:v17+s21+$0x0] =	vst.idx.msk $0xffff, v18  }
0x63e: {  	v38 =	vor.u32 v35, v8;
	v36 =	vld [tilespmem:$0x1FFF0]  }
0x63f: {  	v24 =	vld.idx.msk [tilespmem:v39+s16+$0x0], $0xffff;
	v25 =	vor.u32 v35, v7;
	_ =	sdelay $0x3  }
0x640: {  	v17 =	vld.idx.msk [tilespmem:v38+s16+$0x0], $0xffff;
	v40 =	vor.u32 v36, v9  }
0x641: {  	[tilespmem:v32+s21+$0x0] =	vst.idx.msk $0xffff, v24;
	v42 =	vor.u32 v36, v10;
	v43 =	vld.idx.msk [tilespmem:v25+s16+$0x0], $0xffff  }
0x642: {  	v30 =	vld [tilespmem:$0x1FE60];
	_ =	sdelay $0x1  }
0x643: {  	[tilespmem:v45+s21+$0x0] =	vst.idx.msk $0xffff, v34  }
0x644: {  	v26 =	vor.u32 v35, v5;
	[tilespmem:v40+s21+$0x0] =	vst.idx.msk $0xffff, v17  }
0x645: {  	[tilespmem:v42+s21+$0x0] =	vst.idx.msk $0xffff, v43  }
0x646: {  	v41 =	vor.u32 v30, v8;
	v32 =	vld [tilespmem:$0x1FE70]  }
0x647: {  	v16 =	vor.u32 v30, v7;
	_ =	sdelay $0x1  }
0x648: {  	v24 =	vld.idx.msk [tilespmem:v26+s16+$0x0], $0xffff;
	v46 =	vor.u32 v36, v14  }
0x649: {  	v48 =	vld.idx.msk [tilespmem:v33+s16+$0x0], $0xffff;
	v27 =	vor.u32 v36, v6  }
0x64a: {  	v17 =	vld.idx.msk [tilespmem:v41+s16+$0x0], $0xffff;
	v49 =	vor.u32 v32, v9  }
0x64b: {  	v16 =	vld.idx.msk [tilespmem:v16+s16+$0x0], $0xffff;
	v52 =	vor.u32 v32, v10  }
0x64c: {  	v50 =	vld [tilespmem:$0x1FE80]  }
0x64d: {  	[tilespmem:v46+s21+$0x0] =	vst.idx.msk $0xffff, v24  }
0x64e: {  	[tilespmem:v27+s21+$0x0] =	vst.idx.msk $0xffff, v48  }
0x64f: {  	v28 =	vor.u32 v30, v5;
	[tilespmem:v49+s21+$0x0] =	vst.idx.msk $0xffff, v17  }
0x650: {  	v29 =	vor.u32 v30, v4;
	[tilespmem:v52+s21+$0x0] =	vst.idx.msk $0xffff, v16  }
0x651: {  	v51 =	vor.u32 v50, v8;
	v34 =	vld [tilespmem:$0x1FE90]  }
0x652: {  	v53 =	vor.u32 v50, v7;
	_ =	sdelay $0x1  }
0x653: {  	v24 =	vld.idx.msk [tilespmem:v28+s16+$0x0], $0xffff;
	v54 =	vor.u32 v32, v14  }
0x654: {  	v26 =	vld.idx.msk [tilespmem:v29+s16+$0x0], $0xffff;
	v55 =	vor.u32 v32, v6  }
0x655: {  	v56 =	vld.idx.msk [tilespmem:v51+s16+$0x0], $0xffff;
	v57 =	vor.u32 v34, v9  }
0x656: {  	v58 =	vld.idx.msk [tilespmem:v53+s16+$0x0], $0xffff;
	v59 =	vor.u32 v34, v10  }
0x657: {  	v60 =	vld [tilespmem:$0x1FEA0]  }
0x658: {  	[tilespmem:v54+s21+$0x0] =	vst.idx.msk $0xffff, v24  }
0x659: {  	[tilespmem:v55+s21+$0x0] =	vst.idx.msk $0xffff, v26  }
0x65a: {  	v28 =	vor.u32 v50, v5;
	[tilespmem:v57+s21+$0x0] =	vst.idx.msk $0xffff, v56  }
0x65b: {  	v29 =	vor.u32 v50, v4;
	[tilespmem:v59+s21+$0x0] =	vst.idx.msk $0xffff, v58  }
0x65c: {  	v61 =	vor.u32 v60, v8;
	v38 =	vld [tilespmem:$0x1FEB0]  }
0x65d: {  	v62 =	vor.u32 v60, v7;
	_ =	sdelay $0x1  }
0x65e: {  	v24 =	vld.idx.msk [tilespmem:v28+s16+$0x0], $0xffff;
	v63 =	vor.u32 v34, v14  }
0x65f: {  	v26 =	vld.idx.msk [tilespmem:v29+s16+$0x0], $0xffff;
	v32 =	vor.u32 v34, v6  }
0x660: {  	v16 =	vld.idx.msk [tilespmem:v61+s16+$0x0], $0xffff;
	v33 =	vor.u32 v38, v9  }
0x661: {  	v18 =	vld.idx.msk [tilespmem:v62+s16+$0x0], $0xffff;
	v34 =	vor.u32 v38, v10  }
0x662: {  	v35 =	vld [tilespmem:$0x1FEC0]  }
0x663: {  	[tilespmem:v63+s21+$0x0] =	vst.idx.msk $0xffff, v24  }
0x664: {  	[tilespmem:v32+s21+$0x0] =	vst.idx.msk $0xffff, v26  }
0x665: {  	v28 =	vor.u32 v60, v5;
	[tilespmem:v33+s21+$0x0] =	vst.idx.msk $0xffff, v16  }
0x666: {  	v29 =	vor.u32 v60, v4;
	[tilespmem:v34+s21+$0x0] =	vst.idx.msk $0xffff, v18  }
0x667: {  	v36 =	vor.u32 v35, v8;
	v26 =	vld [tilespmem:$0x1FED0];
	_ =	sdelay $0x2  }
0x668: {  	v37 =	vld.idx.msk [tilespmem:v28+s16+$0x0], $0xffff;
	v40 =	vor.u32 v38, v14  }
0x669: {  	v42 =	vld.idx.msk [tilespmem:v29+s16+$0x0], $0xffff;
	v43 =	vor.u32 v38, v6  }
0x66a: {  	v41 =	vor.u32 v35, v7;
	v8 =	vld.idx.msk [tilespmem:v36+s16+$0x0], $0xffff;
	v48 =	vor.u32 v26, v9  }
0x66b: {  	v27 =	vld [tilespmem:$0x1FEE0];
	_ =	sdelay $0x1  }
0x66c: {  	[tilespmem:v40+s21+$0x0] =	vst.idx.msk $0xffff, v37  }
0x66d: {  	v45 =	vor.u32 v35, v5;
	[tilespmem:v43+s21+$0x0] =	vst.idx.msk $0xffff, v42  }
0x66e: {  	v46 =	vor.u32 v35, v4;
	v7 =	vld.idx.msk [tilespmem:v41+s16+$0x0], $0xffff;
	[tilespmem:v48+s21+$0x0] =	vst.idx.msk $0xffff, v8  }
0x66f: {  	v49 =	vor.u32 v27, v2;
	v50 =	vor.u32 v26, v10;
	v22 =	vld [tilespmem:$0x1FEF0];
	_ =	sdelay $0x2  }
0x670: {  	v5 =	vld.idx.msk [tilespmem:v45+s16+$0x0], $0xffff;
	v51 =	vor.u32 v26, v14  }
0x671: {  	v4 =	vld.idx.msk [tilespmem:v46+s16+$0x0], $0xffff;
	v53 =	vor.u32 v26, v6  }
0x672: {  	v52 =	vor.u32 v27, v3;
	v8 =	vld.idx.msk [tilespmem:v49+s16+$0x0], $0xffff;
	[tilespmem:v50+s21+$0x0] =	vst.idx.msk $0xffff, v7;
	v56 =	vor.u32 v22, v12  }
0x673: {  	v23 =	vld [tilespmem:$0x1FF00];
	_ =	sdelay $0x1  }
0x674: {  	[tilespmem:v51+s21+$0x0] =	vst.idx.msk $0xffff, v5  }
0x675: {  	v54 =	vor.u32 v27, v1;
	[tilespmem:v53+s21+$0x0] =	vst.idx.msk $0xffff, v4  }
0x676: {  	v55 =	vor.u32 v27, v0;
	v58 =	vld.idx.msk [tilespmem:v52+s16+$0x0], $0xffff;
	[tilespmem:v56+s21+$0x0] =	vst.idx.msk $0xffff, v8  }
0x677: {  	v59 =	vor.u32 v22, v13;
	v57 =	vor.u32 v23, v2;
	v24 =	vld [tilespmem:$0x1FF10];
	_ =	sdelay $0x2  }
0x678: {  	v60 =	vld.idx.msk [tilespmem:v54+s16+$0x0], $0xffff;
	v61 =	vor.u32 v22, v15  }
0x679: {  	v63 =	vld.idx.msk [tilespmem:v55+s16+$0x0], $0xffff;
	v22 =	vor.u32 v22, v11  }
0x67a: {  	v62 =	vor.u32 v23, v3;
	v7 =	vld.idx.msk [tilespmem:v57+s16+$0x0], $0xffff;
	[tilespmem:v59+s21+$0x0] =	vst.idx.msk $0xffff, v58;
	v34 =	vor.u32 v24, v12  }
0x67b: {  	v25 =	vld [tilespmem:$0x1FF20];
	_ =	sdelay $0x1  }
0x67c: {  	[tilespmem:v61+s21+$0x0] =	vst.idx.msk $0xffff, v60  }
0x67d: {  	v32 =	vor.u32 v23, v1;
	[tilespmem:v22+s21+$0x0] =	vst.idx.msk $0xffff, v63  }
0x67e: {  	v33 =	vor.u32 v23, v0;
	v36 =	vld.idx.msk [tilespmem:v62+s16+$0x0], $0xffff;
	[tilespmem:v34+s21+$0x0] =	vst.idx.msk $0xffff, v7  }
0x67f: {  	v37 =	vor.u32 v24, v13;
	v35 =	vor.u32 v25, v2;
	v28 =	vld [tilespmem:$0x1FF30];
	_ =	sdelay $0x2  }
0x680: {  	v38 =	vld.idx.msk [tilespmem:v32+s16+$0x0], $0xffff;
	v39 =	vor.u32 v24, v15  }
0x681: {  	v16 =	vld.idx.msk [tilespmem:v33+s16+$0x0], $0xffff;
	v41 =	vor.u32 v24, v11  }
0x682: {  	v40 =	vor.u32 v25, v3;
	v5 =	vld.idx.msk [tilespmem:v35+s16+$0x0], $0xffff;
	[tilespmem:v37+s21+$0x0] =	vst.idx.msk $0xffff, v36;
	v45 =	vor.u32 v28, v12  }
0x683: {  	v29 =	vld [tilespmem:$0x1FF40];
	_ =	sdelay $0x1  }
0x684: {  	[tilespmem:v39+s21+$0x0] =	vst.idx.msk $0xffff, v38  }
0x685: {  	v42 =	vor.u32 v25, v1;
	[tilespmem:v41+s21+$0x0] =	vst.idx.msk $0xffff, v16  }
0x686: {  	v43 =	vor.u32 v25, v0;
	v6 =	vld.idx.msk [tilespmem:v40+s16+$0x0], $0xffff;
	[tilespmem:v45+s21+$0x0] =	vst.idx.msk $0xffff, v5  }
0x687: {  	v48 =	vor.u32 v28, v13;
	v46 =	vor.u32 v29, v2;
	v54 =	vld [tilespmem:$0x1FF50];
	_ =	sdelay $0x2  }
0x688: {  	v9 =	vld.idx.msk [tilespmem:v42+s16+$0x0], $0xffff;
	v49 =	vor.u32 v28, v15  }
0x689: {  	v16 =	vld.idx.msk [tilespmem:v43+s16+$0x0], $0xffff;
	v51 =	vor.u32 v28, v11  }
0x68a: {  	v50 =	vor.u32 v29, v3;
	v4 =	vld.idx.msk [tilespmem:v46+s16+$0x0], $0xffff;
	[tilespmem:v48+s21+$0x0] =	vst.idx.msk $0xffff, v6;
	v55 =	vor.u32 v54, v12  }
0x68b: {  	v41 =	vld [tilespmem:$0x1FF60];
	_ =	sdelay $0x1  }
0x68c: {  	[tilespmem:v49+s21+$0x0] =	vst.idx.msk $0xffff, v9  }
0x68d: {  	v52 =	vor.u32 v29, v1;
	[tilespmem:v51+s21+$0x0] =	vst.idx.msk $0xffff, v16  }
0x68e: {  	v53 =	vor.u32 v29, v0;
	v57 =	vld.idx.msk [tilespmem:v50+s16+$0x0], $0xffff;
	[tilespmem:v55+s21+$0x0] =	vst.idx.msk $0xffff, v4  }
0x68f: {  	v58 =	vor.u32 v54, v13;
	v56 =	vor.u32 v41, v2;
	v42 =	vld [tilespmem:$0x1FF70];
	_ =	sdelay $0x2  }
0x690: {  	v9 =	vld.idx.msk [tilespmem:v52+s16+$0x0], $0xffff;
	v59 =	vor.u32 v54, v15  }
0x691: {  	v16 =	vld.idx.msk [tilespmem:v53+s16+$0x0], $0xffff;
	v61 =	vor.u32 v54, v11  }
0x692: {  	v60 =	vor.u32 v41, v3;
	v4 =	vld.idx.msk [tilespmem:v56+s16+$0x0], $0xffff;
	[tilespmem:v58+s21+$0x0] =	vst.idx.msk $0xffff, v57;
	v22 =	vor.u32 v42, v12  }
0x693: {  	v43 =	vld [tilespmem:$0x1FF80];
	_ =	sdelay $0x1  }
0x694: {  	[tilespmem:v59+s21+$0x0] =	vst.idx.msk $0xffff, v9  }
0x695: {  	v62 =	vor.u32 v41, v1;
	[tilespmem:v61+s21+$0x0] =	vst.idx.msk $0xffff, v16  }
0x696: {  	v63 =	vor.u32 v41, v0;
	v7 =	vld.idx.msk [tilespmem:v60+s16+$0x0], $0xffff;
	[tilespmem:v22+s21+$0x0] =	vst.idx.msk $0xffff, v4  }
0x697: {  	v24 =	vor.u32 v42, v13;
	v23 =	vor.u32 v43, v2;
	v45 =	vld [tilespmem:$0x1FF90];
	_ =	sdelay $0x2  }
0x698: {  	v9 =	vld.idx.msk [tilespmem:v62+s16+$0x0], $0xffff;
	v25 =	vor.u32 v42, v15  }
0x699: {  	v16 =	vld.idx.msk [tilespmem:v63+s16+$0x0], $0xffff;
	v27 =	vor.u32 v42, v11  }
0x69a: {  	v26 =	vor.u32 v43, v3;
	v4 =	vld.idx.msk [tilespmem:v23+s16+$0x0], $0xffff;
	[tilespmem:v24+s21+$0x0] =	vst.idx.msk $0xffff, v7;
	v34 =	vor.u32 v45, v12  }
0x69b: {  	v46 =	vld [tilespmem:$0x1FFA0];
	_ =	sdelay $0x1  }
0x69c: {  	[tilespmem:v25+s21+$0x0] =	vst.idx.msk $0xffff, v9  }
0x69d: {  	v32 =	vor.u32 v43, v1;
	[tilespmem:v27+s21+$0x0] =	vst.idx.msk $0xffff, v16  }
0x69e: {  	v33 =	vor.u32 v43, v0;
	v7 =	vld.idx.msk [tilespmem:v26+s16+$0x0], $0xffff;
	[tilespmem:v34+s21+$0x0] =	vst.idx.msk $0xffff, v4  }
0x69f: {  	v36 =	vor.u32 v45, v13;
	v35 =	vor.u32 v46, v2;
	v51 =	vld [tilespmem:$0x1FFB0];
	_ =	sdelay $0x2  }
0x6a0: {  	v9 =	vld.idx.msk [tilespmem:v32+s16+$0x0], $0xffff;
	v37 =	vor.u32 v45, v15  }
0x6a1: {  	v16 =	vld.idx.msk [tilespmem:v33+s16+$0x0], $0xffff;
	v39 =	vor.u32 v45, v11  }
0x6a2: {  	v38 =	vor.u32 v46, v3;
	v4 =	vld.idx.msk [tilespmem:v35+s16+$0x0], $0xffff;
	[tilespmem:v36+s21+$0x0] =	vst.idx.msk $0xffff, v7;
	v42 =	vor.u32 v51, v12  }
0x6a3: {  	v52 =	vld [tilespmem:$0x1FFC0]  }
0x6a4: {  	v40 =	vor.u32 v46, v1  }
0x6a5: {  	v41 =	vor.u32 v46, v0;
	[tilespmem:v37+s21+$0x0] =	vst.idx.msk $0xffff, v9  }
0x6a6: {  	[tilespmem:v39+s21+$0x0] =	vst.idx.msk $0xffff, v16  }
0x6a7: {  	v45 =	vld.idx.msk [tilespmem:v38+s16+$0x0], $0xffff;
	[tilespmem:v42+s21+$0x0] =	vst.idx.msk $0xffff, v4  }
0x6a8: {  	v46 =	vor.u32 v51, v13;
	v43 =	vor.u32 v52, v2;
	v53 =	vld [tilespmem:$0x1FFD0]  }
0x6a9: {  	v48 =	vld.idx.msk [tilespmem:v40+s16+$0x0], $0xffff;
	v49 =	vor.u32 v51, v15;
	v50 =	vor.u32 v52, v3  }
0x6aa: {  	v56 =	vld.idx.msk [tilespmem:v41+s16+$0x0], $0xffff;
	v57 =	vor.u32 v51, v11;
	v58 =	vor.u32 v52, v1  }
0x6ab: {  	v59 =	vor.u32 v52, v0;
	_ =	sdelay $0x1  }
0x6ac: {  	v2 =	vld.idx.msk [tilespmem:v43+s16+$0x0], $0xffff;
	[tilespmem:v46+s21+$0x0] =	vst.idx.msk $0xffff, v45;
	v60 =	vor.u32 v53, v12  }
0x6ad: {  	[tilespmem:v49+s21+$0x0] =	vst.idx.msk $0xffff, v48;
	v3 =	vld.idx.msk [tilespmem:v50+s16+$0x0], $0xffff;
	v61 =	vor.u32 v53, v13  }
0x6ae: {  	[tilespmem:v57+s21+$0x0] =	vst.idx.msk $0xffff, v56;
	v1 =	vld.idx.msk [tilespmem:v58+s16+$0x0], $0xffff;
	v62 =	vor.u32 v53, v15  }
0x6af: {  	v0 =	vld.idx.msk [tilespmem:v59+s16+$0x0], $0xffff;
	v63 =	vor.u32 v53, v11  }
0x6b0: {  	p0 =	seq.s32 s24, $0xC;
	[tilespmem:v21+s21+$0x0] =	vst.idx.msk $0xffff, v20  }
.Ltmp7:
0x6b1: {  	[tilespmem:v60+s21+$0x0] =	vst.idx.msk $0xffff, v2;
	(pc) =	sbr.rel @p0 .LBB2_12-.Ltmp7, $4  }
0x6b2: {  	[tilespmem:v61+s21+$0x0] =	vst.idx.msk $0xffff, v3  }
0x6b3: {  	[tilespmem:v62+s21+$0x0] =	vst.idx.msk $0xffff, v1  }
0x6b4: {  	s26 =	sadd.s32 s26, s7;
	[tilespmem:v63+s21+$0x0] =	vst.idx.msk $0xffff, v0  }
0x6b5: {  	[hbm4b:s26+s9] =	stream.strided.scatter [tilespmem:s21], [sflag:$0x4], $0x2000, s10, s9, $0x38;
	[tilespmem:$0xE000] =	vst v63  }
0x6b6: {  	v51 =	vld [tilespmem:$0x1FCA0]  }
0x6b7: {  	v35 =	vld [tilespmem:$0x1FCB0]  }
0x6b8: {  	v61 =	vld [tilespmem:$0x1FCC0]  }
0x6b9: {  	v36 =	vld [tilespmem:$0x1FCD0]  }
0x6ba: {  	v34 =	vld [tilespmem:$0x1FCE0]  }
0x6bb: {  	v53 =	vld [tilespmem:$0x1FCF0]  }
0x6bc: {  	v55 =	vld [tilespmem:$0x1FD10]  }
0x6bd: {  	v40 =	vld [tilespmem:$0x1FD20]  }
0x6be: {  	v37 =	vld [tilespmem:$0x1FD30]  }
0x6bf: {  	v59 =	vld [tilespmem:$0x1FD40]  }
0x6c0: {  	v43 =	vld [tilespmem:$0x1FD50]  }
0x6c1: {  	v62 =	vld [tilespmem:$0x1FD60]  }
0x6c2: {  	v63 =	vld [tilespmem:$0x1FD70]  }
0x6c3: {  	v54 =	vld [tilespmem:$0x1FD80]  }
0x6c4: {  	v58 =	vld [tilespmem:$0x1FD90]  }
0x6c5: {  	v60 =	vld [tilespmem:$0x1FDA0]  }
0x6c6: {  	v30 =	vld [tilespmem:$0x1FDB0]  }
0x6c7: {  	v33 =	vld [tilespmem:$0x1FDC0]  }
0x6c8: {  	v41 =	vld [tilespmem:$0x1FDD0]  }
0x6c9: {  	v22 =	vld [tilespmem:$0x1FDE0]  }
0x6ca: {  	v23 =	vld [tilespmem:$0x1FDF0]  }
.Ltmp8:
0x6cb: {  	v24 =	vld [tilespmem:$0x1FE00];
	(pc) =	sbr.rel .LBB2_2-.Ltmp8, $4  }
0x6cc: {  	v25 =	vld [tilespmem:$0x1FE10]  }
0x6cd: {  	s25 =	sshrl.u32 s25, $0x2;
	v26 =	vld [tilespmem:$0x1FE20]  }
0x6ce: {  	s24 =	sadd.s32 $0x1, s24;
	v27 =	vld [tilespmem:$0x1FE30];
	s25 =	sadd.s32 $0x1180, s25  }
0x6cf: {  	v32 =	vld [tilespmem:$0x1FE40];
	[tilespmem:s16], [sflag:$0x2] =	stream.indirect.gather [hbm4b:s0+s12], $0x80, s25, s12, $0xb8  }
.LBB2_13:
0x6d0: {  	_ =	sfence.sel $0x180000  }
0x6d1: {  	[bflag:$0x0] =	sbarrier.arrive $0xFFFF  }
0x6d2: {  	p0 =	sne.s32 s3, $0x0;
	_ =	strace $0x90000047  }
0x6d3: {  	s0 =	sadd.s32 @!p0 $0x100000, s1;
	[bflag:$0x2] =	sbarrier.arrive $0xFFFF  }
0x6d4: {  	[sflag:s0] =	ssyncadd.tile.s32 @!p0 $0x1;
	_ =	shalt  }
.Lfunc_end2:
_tile_overlayer_lowered:
.L_overlay_start_2:
0x6d5: {  	(tag) =	ssettag $0x2  }
0x6d6: {  	s0 =	rddreg [dreg:$0x0];
	s2 =	stileid.u32  }
0x6d7: {  	s1 =	rddreg [dreg:$0x1];
	p0 =	sne.s32 s2, $0x0  }
0x6d8: {  	s3 =	rddreg [dreg:$0x2];
	[bflag:$0x3] =	sbarrier.arrive $0xFFFF;
	s2 =	simm.s32 @!p0 $0x1C05  }
0x6d9: {  	[timem:s3], [sflag:s2] =	dma.local @!p0 [hbm:s0], s1  }
0x6da: {  	s0 =	simm.s32 @!p0 $0x5  }
0x6db: {  	_ =	swait.ge @!p0 [sflag:s0], s1  }
0x6dc: {  	s1 =	ssub.s32 @!p0 $0x0, s1;
	[sflag:s0] =	ssyncset.done @!p0 $0x0  }
0x6dd: {  	[sflag:s0] =	ssyncadd.s32 @!p0 s1  }
0x6de: {  	[bflag:$0x3] =	sbarrier.arrive $0xFFFF  }
0x6df: {  	_ =	shalt  }

</sc_bundles>
